<compile_context>
chip_gen: v7x
topology: tpu7x:2x2x1
jax: 0.10.2.dev20260603
libtpu: 0.0.44.dev20260713+nightly
codegen_flags: <defaults>
</compile_context>

<pallas_src>
import functools

import jax
import jax.numpy as jnp
from jax import lax
from jax.experimental import pallas as pl
from jax.experimental.pallas import tpu as pltpu
from jax.experimental.pallas import tpu_sc as plsc

B, ORDERS, H, F = 4096, 3, 16, 20
EMBED = 128
BAGS = B * ORDERS
RPB = H * F
NC, NS = 2, 16
NW = NC * NS
PER_W = BAGS // NW
CHUNKS = ((0, 128), (128, 128), (256, 64))
GROUP = 16
SCALE = 1.0 / F


def _pool_body(idx_hbm, w_hbm, table_hbm, out_hbm,
               idx0, idx1, w0, w1, rows0, rows1, res_v,
               isem0, isem1, rsem0, rsem1):
  wid = lax.axis_index("s") * NC + lax.axis_index("c")
  base = wid * PER_W
  last = base + PER_W - 1

  def issue_gathers(idx_buf, rows_buf, sem):
    for off, n in CHUNKS:
      pltpu.async_copy(table_hbm.at[idx_buf.at[0, pl.ds(off, n)]],
                       rows_buf.at[pl.ds(off, n)], sem)

  def drain_gathers(rows_buf, sem):
    for off, n in CHUNKS:
      pltpu.make_async_copy(table_hbm.at[pl.ds(0, n)],
                            rows_buf.at[pl.ds(off, n)], sem).wait()

  def issue_prefetch(row, idx_buf, w_buf, sem):
    pltpu.async_copy(idx_hbm.at[pl.ds(row, 1)], idx_buf, sem)
    pltpu.async_copy(w_hbm.at[pl.ds(row, 1)], w_buf, sem)

  def drain_prefetch(idx_buf, w_buf, sem):
    pltpu.make_async_copy(idx_hbm.at[pl.ds(0, 1)], idx_buf, sem).wait()
    pltpu.make_async_copy(w_hbm.at[pl.ds(0, 1)], w_buf, sem).wait()

  def compute(rows_buf, w_buf, jj):
    def rbody(ti, a):
      r0 = ti * 16
      wv = w_buf[0, pl.ds(r0, 16)]
      a = list(a)
      for jl in range(16):
        w = wv[jl]
        for d in range(8):
          a[d] = a[d] + w * rows_buf[r0 + jl, pl.ds(d * 16, 16)]
      return tuple(a)

    acc = lax.fori_loop(
        0, RPB // 16, rbody,
        tuple(jnp.zeros((16,), jnp.float32) for _ in range(8)))
    for d in range(8):
      res_v[jj, pl.ds(d * 16, 16)] = acc[d] * SCALE

  pltpu.sync_copy(idx_hbm.at[pl.ds(base, 1)], idx0)
  pltpu.sync_copy(w_hbm.at[pl.ds(base, 1)], w0)
  issue_gathers(idx0, rows0, rsem0)
  issue_prefetch(base + 1, idx1, w1, isem1)

  def body(t, carry):
    j0 = 2 * t
    j1 = 2 * t + 1
    drain_prefetch(idx1, w1, isem1)
    issue_gathers(idx1, rows1, rsem1)
    drain_gathers(rows0, rsem0)
    compute(rows0, w0, j0 % GROUP)
    issue_prefetch(jnp.minimum(base + j0 + 2, last), idx0, w0, isem0)
    drain_prefetch(idx0, w0, isem0)
    issue_gathers(idx0, rows0, rsem0)
    drain_gathers(rows1, rsem1)
    compute(rows1, w1, j1 % GROUP)

    @pl.when(t % (GROUP // 2) == (GROUP // 2 - 1))
    def _flush():
      pltpu.sync_copy(res_v,
                      out_hbm.at[pl.ds(base + (t // (GROUP // 2)) * GROUP,
                                       GROUP)])

    issue_prefetch(jnp.minimum(base + j1 + 2, last), idx1, w1, isem1)
    return carry

  lax.fori_loop(0, PER_W // 2, body, 0)
  drain_prefetch(idx1, w1, isem1)
  drain_gathers(rows0, rsem0)


_pool = functools.partial(
    pl.kernel,
    out_type=jax.ShapeDtypeStruct((BAGS, EMBED), jnp.float32),
    mesh=plsc.VectorSubcoreMesh(
        core_axis_name="c", subcore_axis_name="s", num_cores=NC,
        num_subcores=NS),
    scratch_types=[
        pltpu.VMEM((1, RPB), jnp.int32),
        pltpu.VMEM((1, RPB), jnp.int32),
        pltpu.VMEM((1, RPB), jnp.float32),
        pltpu.VMEM((1, RPB), jnp.float32),
        pltpu.VMEM((RPB, EMBED), jnp.float32),
        pltpu.VMEM((RPB, EMBED), jnp.float32),
        pltpu.VMEM((GROUP, EMBED), jnp.float32),
        pltpu.SemaphoreType.DMA,
        pltpu.SemaphoreType.DMA,
        pltpu.SemaphoreType.DMA,
        pltpu.SemaphoreType.DMA,
    ],
)(_pool_body)


def _mlp_body(x_ref, w1_ref, b1_ref, w2_ref, b2_ref, out_ref):
  m = lax.dot_general(w1_ref[...], w2_ref[...], (((0,), (1,)), ((), ())),
                      preferred_element_type=jnp.float32)
  bias = lax.dot_general(b1_ref[...], w2_ref[...], (((1,), (1,)), ((), ())),
                         preferred_element_type=jnp.float32)
  bias = bias + b2_ref[...]
  logits = lax.dot_general(x_ref[...], m, (((1,), (0,)), ((), ())),
                           preferred_element_type=jnp.float32)
  logits = logits + bias
  mx = jnp.max(logits, axis=-1, keepdims=True)
  lse = jnp.log(jnp.sum(jnp.exp(logits - mx), axis=-1, keepdims=True)) + mx
  out_ref[...] = logits - lse


_mlp = pl.pallas_call(
    _mlp_body,
    out_shape=jax.ShapeDtypeStruct((B, 128), jnp.float32),
)


def kernel(ngrams, ngrams_weights, emb_table, W1, b1, W2, b2):
  idx = ngrams.reshape(BAGS, RPB)
  w = ngrams_weights.reshape(BAGS, RPB)
  pooled = _pool(idx, w, emb_table)
  embed = pooled.reshape(B, ORDERS * EMBED)
  return _mlp(embed, W1, b1.reshape(1, -1), W2, b2.reshape(1, -1))

# --- scband reference (transcript-rebuilt; emitter-appended) ---
"""Pipeline reference for scband-cld3-model-84267258347735 (READ-ONLY COPY).

The authoritative reference and input builder live on the scoring server;
editing this copy changes nothing except your own understanding.
"""

import jax, jax.numpy as jnp
import numpy as np

VOCAB = 100000
EMBED = 128
HIDDEN = 2048
LABELS = 128
ORDERS = 3
B, H, F = 4096, 16, 20


def setup_inputs(seed: int = 0) -> dict:
    key = jax.random.key(seed)
    k1, k2, k3, k4, k5, k6, k7 = jax.random.split(key, 7)
    ngrams = jax.random.randint(k1, (B, ORDERS, H, F), 0, VOCAB, dtype=jnp.int64 if jax.config.jax_enable_x64 else jnp.int32)
    ngrams_weights = jax.random.uniform(k2, (B, ORDERS, H, F), dtype=jnp.float32)
    emb_table = jax.random.normal(k3, (VOCAB, EMBED), dtype=jnp.float32) * 0.02
    in_dim = EMBED * ORDERS
    W1 = jax.random.normal(k4, (HIDDEN, in_dim), dtype=jnp.float32) * (1.0 / np.sqrt(in_dim))
    b1 = jax.random.normal(k5, (HIDDEN,), dtype=jnp.float32) * 0.01
    W2 = jax.random.normal(k6, (LABELS, HIDDEN), dtype=jnp.float32) * (1.0 / np.sqrt(HIDDEN))
    b2 = jax.random.normal(k7, (LABELS,), dtype=jnp.float32) * 0.01
    return {"ngrams": ngrams, "ngrams_weights": ngrams_weights, "emb_table": emb_table,
            "W1": W1, "b1": b1, "W2": W2, "b2": b2}


def reference(ngrams, ngrams_weights, emb_table, W1, b1, W2, b2):
    # embedding lookup: [B, O, H, F] -> [B, O, H, F, D]
    emb = jnp.take(emb_table, ngrams, axis=0)
    weighted = emb * ngrams_weights[..., None]
    inputs = jnp.sum(weighted, axis=2)          # [B, O, F, D]
    inputs = jnp.mean(inputs, axis=2)           # [B, O, D]
    embed = inputs.reshape(inputs.shape[0], -1)  # [B, O*D]
    hidden = embed @ W1.T + b1                  # [B, HIDDEN]
    logits = hidden @ W2.T + b2                 # [B, LABELS]
    return jax.nn.log_softmax(logits, axis=-1)

if __name__ == "__main__":
    import jax
    _d = setup_inputs()
    print(jax.jit(kernel)(*tuple(_d.values())))

</pallas_src>

<mosaic_0001>
#map = affine_map<(d0, d1) -> (0, 0)>
module attributes {stable_mosaic.version = 14 : i64} {
  func.func @_pool_body(%arg0: i32, %arg1: i32, %arg2: memref<12288x320xi32, #tpu.memory_space<hbm>>, %arg3: memref<12288x320xf32, #tpu.memory_space<hbm>>, %arg4: memref<100000x128xf32, #tpu.memory_space<hbm>>, %arg5: memref<12288x128xf32, #tpu.memory_space<hbm>>, %arg6: memref<1x320xi32, #tpu.memory_space<vmem>>, %arg7: memref<1x320xi32, #tpu.memory_space<vmem>>, %arg8: memref<1x320xf32, #tpu.memory_space<vmem>>, %arg9: memref<1x320xf32, #tpu.memory_space<vmem>>, %arg10: memref<320x128xf32, #tpu.memory_space<vmem>>, %arg11: memref<320x128xf32, #tpu.memory_space<vmem>>, %arg12: memref<16x128xf32, #tpu.memory_space<vmem>>, %arg13: memref<!tpu.dma_semaphore, #tpu.memory_space<semaphore_mem>>, %arg14: memref<!tpu.dma_semaphore, #tpu.memory_space<semaphore_mem>>, %arg15: memref<!tpu.dma_semaphore, #tpu.memory_space<semaphore_mem>>, %arg16: memref<!tpu.dma_semaphore, #tpu.memory_space<semaphore_mem>>) attributes {dimension_semantics = [#tpu.dimension_semantics<core_parallel>, #tpu.dimension_semantics<subcore_parallel>], iteration_bounds = array<i64: 2, 16>, scalar_prefetch = 0 : i64, scratch_operands = 11 : i64, tpu.core_type = #tpu.core_type<sc_vector_subcore>, window_params = [{transform_indices = #map}, {transform_indices = #map}, {transform_indices = #map}, {transform_indices = #map}]} {
    %mul3A = arith.constant 2 : i32
    %mul3A_0 = arith.muli %arg1, %mul3A : i32
    %add3A = arith.addi %mul3A_0, %arg0 : i32
    %mul3A_1 = arith.constant 384 : i32
    %mul3A_2 = arith.muli %add3A, %mul3A_1 : i32
    %add3A_3 = arith.constant 384 : i32
    %add3A_4 = arith.addi %mul3A_2, %add3A_3 : i32
    %sub3A = arith.constant 1 : i32
    %sub3A_5 = arith.subi %add3A_4, %sub3A : i32
    "tpu.region"() ({
      %run_scoped3A = tpu.sem_alloc : memref<!tpu.dma_semaphore, #tpu.memory_space<semaphore_mem>>
      %dma_start3A_97 = arith.constant 0 : i32
      %dma_start3A_98 = tpu.memref_slice %arg2[%mul3A_2, %dma_start3A_97] : memref<12288x320xi32, #tpu.memory_space<hbm>> -> memref<1x320xi32, #tpu.memory_space<hbm>>
      %dma_start3A_99 = arith.constant 0 : i32
      %dma_start3A_100 = tpu.memref_slice %arg2[%mul3A_2, %dma_start3A_99] : memref<12288x320xi32, #tpu.memory_space<hbm>> -> memref<1x320xi32, #tpu.memory_space<hbm>>
      tpu.enqueue_dma source(%dma_start3A_100 : memref<1x320xi32, #tpu.memory_space<hbm>>) target(%arg6 : memref<1x320xi32, #tpu.memory_space<vmem>>) target_semaphore(%run_scoped3A : memref<!tpu.dma_semaphore, #tpu.memory_space<semaphore_mem>>)
      %dma_wait3A_101 = arith.constant 0 : i32
      %dma_wait3A_102 = tpu.memref_slice %arg2[%mul3A_2, %dma_wait3A_101] : memref<12288x320xi32, #tpu.memory_space<hbm>> -> memref<1x320xi32, #tpu.memory_space<hbm>>
      %dma_wait3A_103 = arith.constant 0 : i32
      %dma_wait3A_104 = tpu.memref_slice %arg2[%mul3A_2, %dma_wait3A_103] : memref<12288x320xi32, #tpu.memory_space<hbm>> -> memref<1x320xi32, #tpu.memory_space<hbm>>
      tpu.wait_dma2 semaphore(%run_scoped3A : memref<!tpu.dma_semaphore, #tpu.memory_space<semaphore_mem>>) src(%dma_wait3A_104 : memref<1x320xi32, #tpu.memory_space<hbm>>) dst(%arg6 : memref<1x320xi32, #tpu.memory_space<vmem>>)
      tpu.yield
    }) : () -> ()
    "tpu.region"() ({
      %run_scoped3A = tpu.sem_alloc : memref<!tpu.dma_semaphore, #tpu.memory_space<semaphore_mem>>
      %dma_start3A_97 = arith.constant 0 : i32
      %dma_start3A_98 = tpu.memref_slice %arg3[%mul3A_2, %dma_start3A_97] : memref<12288x320xf32, #tpu.memory_space<hbm>> -> memref<1x320xf32, #tpu.memory_space<hbm>>
      %dma_start3A_99 = arith.constant 0 : i32
      %dma_start3A_100 = tpu.memref_slice %arg3[%mul3A_2, %dma_start3A_99] : memref<12288x320xf32, #tpu.memory_space<hbm>> -> memref<1x320xf32, #tpu.memory_space<hbm>>
      tpu.enqueue_dma source(%dma_start3A_100 : memref<1x320xf32, #tpu.memory_space<hbm>>) target(%arg8 : memref<1x320xf32, #tpu.memory_space<vmem>>) target_semaphore(%run_scoped3A : memref<!tpu.dma_semaphore, #tpu.memory_space<semaphore_mem>>)
      %dma_wait3A_101 = arith.constant 0 : i32
      %dma_wait3A_102 = tpu.memref_slice %arg3[%mul3A_2, %dma_wait3A_101] : memref<12288x320xf32, #tpu.memory_space<hbm>> -> memref<1x320xf32, #tpu.memory_space<hbm>>
      %dma_wait3A_103 = arith.constant 0 : i32
      %dma_wait3A_104 = tpu.memref_slice %arg3[%mul3A_2, %dma_wait3A_103] : memref<12288x320xf32, #tpu.memory_space<hbm>> -> memref<1x320xf32, #tpu.memory_space<hbm>>
      tpu.wait_dma2 semaphore(%run_scoped3A : memref<!tpu.dma_semaphore, #tpu.memory_space<semaphore_mem>>) src(%dma_wait3A_104 : memref<1x320xf32, #tpu.memory_space<hbm>>) dst(%arg8 : memref<1x320xf32, #tpu.memory_space<vmem>>)
      tpu.yield
    }) : () -> ()
    %dma_start3A = arith.constant 0 : i32
    %dma_start3A_6 = arith.constant 0 : i32
    %dma_start3A_7 = arith.constant 0 : i32
    %dma_start3A_8 = tpu.memref_slice %arg10[%dma_start3A_6, %dma_start3A_7] : memref<320x128xf32, #tpu.memory_space<vmem>> -> memref<128x128xf32, #tpu.memory_space<vmem>>
    %dma_start3A_9 = arith.constant 0 : i32
    %dma_start3A_10 = tpu.memref_slice %arg6[%dma_start3A, %dma_start3A_9] : memref<1x320xi32, #tpu.memory_space<vmem>> -> memref<1x128xi32, #tpu.memory_space<vmem>>
    %dma_start3A_11 = tpu.memref_squeeze %dma_start3A_10 : memref<1x128xi32, #tpu.memory_space<vmem>> -> memref<128xi32, #tpu.memory_space<vmem>>
    %dma_start3A_12 = arith.constant 0 : i32
    %dma_start3A_13 = arith.constant 0 : i32
    %dma_start3A_14 = tpu.memref_slice %arg4[%dma_start3A_12, %dma_start3A_13] : memref<100000x128xf32, #tpu.memory_space<hbm>> -> memref<100000x128xf32, #tpu.memory_space<hbm>>
    tpu.enqueue_indirect_dma source(%dma_start3A_14 : memref<100000x128xf32, #tpu.memory_space<hbm>>) target(%dma_start3A_8 : memref<128x128xf32, #tpu.memory_space<vmem>>) offsets(%dma_start3A_11 : memref<128xi32, #tpu.memory_space<vmem>>) semaphore(%arg15 : memref<!tpu.dma_semaphore, #tpu.memory_space<semaphore_mem>>)
    %dma_start3A_15 = arith.constant 0 : i32
    %dma_start3A_16 = arith.constant 128 : i32
    %dma_start3A_17 = arith.constant 0 : i32
    %dma_start3A_18 = tpu.memref_slice %arg10[%dma_start3A_16, %dma_start3A_17] : memref<320x128xf32, #tpu.memory_space<vmem>> -> memref<128x128xf32, #tpu.memory_space<vmem>>
    %dma_start3A_19 = arith.constant 128 : i32
    %dma_start3A_20 = tpu.memref_slice %arg6[%dma_start3A_15, %dma_start3A_19] : memref<1x320xi32, #tpu.memory_space<vmem>> -> memref<1x128xi32, #tpu.memory_space<vmem>>
    %dma_start3A_21 = tpu.memref_squeeze %dma_start3A_20 : memref<1x128xi32, #tpu.memory_space<vmem>> -> memref<128xi32, #tpu.memory_space<vmem>>
    %dma_start3A_22 = arith.constant 0 : i32
    %dma_start3A_23 = arith.constant 0 : i32
    %dma_start3A_24 = tpu.memref_slice %arg4[%dma_start3A_22, %dma_start3A_23] : memref<100000x128xf32, #tpu.memory_space<hbm>> -> memref<100000x128xf32, #tpu.memory_space<hbm>>
    tpu.enqueue_indirect_dma source(%dma_start3A_24 : memref<100000x128xf32, #tpu.memory_space<hbm>>) target(%dma_start3A_18 : memref<128x128xf32, #tpu.memory_space<vmem>>) offsets(%dma_start3A_21 : memref<128xi32, #tpu.memory_space<vmem>>) semaphore(%arg15 : memref<!tpu.dma_semaphore, #tpu.memory_space<semaphore_mem>>)
    %dma_start3A_25 = arith.constant 0 : i32
    %dma_start3A_26 = arith.constant 256 : i32
    %dma_start3A_27 = arith.constant 0 : i32
    %dma_start3A_28 = tpu.memref_slice %arg10[%dma_start3A_26, %dma_start3A_27] : memref<320x128xf32, #tpu.memory_space<vmem>> -> memref<64x128xf32, #tpu.memory_space<vmem>>
    %dma_start3A_29 = arith.constant 256 : i32
    %dma_start3A_30 = tpu.memref_slice %arg6[%dma_start3A_25, %dma_start3A_29] : memref<1x320xi32, #tpu.memory_space<vmem>> -> memref<1x64xi32, #tpu.memory_space<vmem>>
    %dma_start3A_31 = tpu.memref_squeeze %dma_start3A_30 : memref<1x64xi32, #tpu.memory_space<vmem>> -> memref<64xi32, #tpu.memory_space<vmem>>
    %dma_start3A_32 = arith.constant 0 : i32
    %dma_start3A_33 = arith.constant 0 : i32
    %dma_start3A_34 = tpu.memref_slice %arg4[%dma_start3A_32, %dma_start3A_33] : memref<100000x128xf32, #tpu.memory_space<hbm>> -> memref<100000x128xf32, #tpu.memory_space<hbm>>
    tpu.enqueue_indirect_dma source(%dma_start3A_34 : memref<100000x128xf32, #tpu.memory_space<hbm>>) target(%dma_start3A_28 : memref<64x128xf32, #tpu.memory_space<vmem>>) offsets(%dma_start3A_31 : memref<64xi32, #tpu.memory_space<vmem>>) semaphore(%arg15 : memref<!tpu.dma_semaphore, #tpu.memory_space<semaphore_mem>>)
    %add3A_35 = arith.constant 1 : i32
    %add3A_36 = arith.addi %mul3A_2, %add3A_35 : i32
    %dma_start3A_37 = arith.constant 0 : i32
    %dma_start3A_38 = tpu.memref_slice %arg2[%add3A_36, %dma_start3A_37] : memref<12288x320xi32, #tpu.memory_space<hbm>> -> memref<1x320xi32, #tpu.memory_space<hbm>>
    %dma_start3A_39 = arith.constant 0 : i32
    %dma_start3A_40 = tpu.memref_slice %arg2[%add3A_36, %dma_start3A_39] : memref<12288x320xi32, #tpu.memory_space<hbm>> -> memref<1x320xi32, #tpu.memory_space<hbm>>
    tpu.enqueue_dma source(%dma_start3A_40 : memref<1x320xi32, #tpu.memory_space<hbm>>) target(%arg7 : memref<1x320xi32, #tpu.memory_space<vmem>>) target_semaphore(%arg14 : memref<!tpu.dma_semaphore, #tpu.memory_space<semaphore_mem>>)
    %dma_start3A_41 = arith.constant 0 : i32
    %dma_start3A_42 = tpu.memref_slice %arg3[%add3A_36, %dma_start3A_41] : memref<12288x320xf32, #tpu.memory_space<hbm>> -> memref<1x320xf32, #tpu.memory_space<hbm>>
    %dma_start3A_43 = arith.constant 0 : i32
    %dma_start3A_44 = tpu.memref_slice %arg3[%add3A_36, %dma_start3A_43] : memref<12288x320xf32, #tpu.memory_space<hbm>> -> memref<1x320xf32, #tpu.memory_space<hbm>>
    tpu.enqueue_dma source(%dma_start3A_44 : memref<1x320xf32, #tpu.memory_space<hbm>>) target(%arg9 : memref<1x320xf32, #tpu.memory_space<vmem>>) target_semaphore(%arg14 : memref<!tpu.dma_semaphore, #tpu.memory_space<semaphore_mem>>)
    %scan3A = arith.constant 0 : i32
    %scan3A_45 = arith.constant 0 : i32
    %scan3A_46 = arith.constant 192 : i32
    %scan3A_47 = arith.addi %scan3A_45, %scan3A_46 : i32
    %scan3A_48 = arith.constant 1 : i32
    scf.for %scan3A_97 = %scan3A_45 to %scan3A_47 step %scan3A_48  : i32 {
      %mul3A_98 = arith.constant 2 : i32
      %mul3A_99 = arith.muli %mul3A_98, %scan3A_97 : i32
      %mul3A_100 = arith.constant 2 : i32
      %mul3A_101 = arith.muli %mul3A_100, %scan3A_97 : i32
      %add3A_102 = arith.constant 1 : i32
      %add3A_103 = arith.addi %mul3A_101, %add3A_102 : i32
      %dma_wait3A_104 = arith.constant 0 : i32
      %dma_wait3A_105 = arith.constant 0 : i32
      %dma_wait3A_106 = tpu.memref_slice %arg2[%dma_wait3A_104, %dma_wait3A_105] : memref<12288x320xi32, #tpu.memory_space<hbm>> -> memref<1x320xi32, #tpu.memory_space<hbm>>
      %dma_wait3A_107 = arith.constant 0 : i32
      %dma_wait3A_108 = arith.constant 0 : i32
      %dma_wait3A_109 = tpu.memref_slice %arg2[%dma_wait3A_107, %dma_wait3A_108] : memref<12288x320xi32, #tpu.memory_space<hbm>> -> memref<1x320xi32, #tpu.memory_space<hbm>>
      tpu.wait_dma2 semaphore(%arg14 : memref<!tpu.dma_semaphore, #tpu.memory_space<semaphore_mem>>) src(%dma_wait3A_109 : memref<1x320xi32, #tpu.memory_space<hbm>>) dst(%arg7 : memref<1x320xi32, #tpu.memory_space<vmem>>)
      %dma_wait3A_110 = arith.constant 0 : i32
      %dma_wait3A_111 = arith.constant 0 : i32
      %dma_wait3A_112 = tpu.memref_slice %arg3[%dma_wait3A_110, %dma_wait3A_111] : memref<12288x320xf32, #tpu.memory_space<hbm>> -> memref<1x320xf32, #tpu.memory_space<hbm>>
      %dma_wait3A_113 = arith.constant 0 : i32
      %dma_wait3A_114 = arith.constant 0 : i32
      %dma_wait3A_115 = tpu.memref_slice %arg3[%dma_wait3A_113, %dma_wait3A_114] : memref<12288x320xf32, #tpu.memory_space<hbm>> -> memref<1x320xf32, #tpu.memory_space<hbm>>
      tpu.wait_dma2 semaphore(%arg14 : memref<!tpu.dma_semaphore, #tpu.memory_space<semaphore_mem>>) src(%dma_wait3A_115 : memref<1x320xf32, #tpu.memory_space<hbm>>) dst(%arg9 : memref<1x320xf32, #tpu.memory_space<vmem>>)
      %dma_start3A_116 = arith.constant 0 : i32
      %dma_start3A_117 = arith.constant 0 : i32
      %dma_start3A_118 = arith.constant 0 : i32
      %dma_start3A_119 = tpu.memref_slice %arg11[%dma_start3A_117, %dma_start3A_118] : memref<320x128xf32, #tpu.memory_space<vmem>> -> memref<128x128xf32, #tpu.memory_space<vmem>>
      %dma_start3A_120 = arith.constant 0 : i32
      %dma_start3A_121 = tpu.memref_slice %arg7[%dma_start3A_116, %dma_start3A_120] : memref<1x320xi32, #tpu.memory_space<vmem>> -> memref<1x128xi32, #tpu.memory_space<vmem>>
      %dma_start3A_122 = tpu.memref_squeeze %dma_start3A_121 : memref<1x128xi32, #tpu.memory_space<vmem>> -> memref<128xi32, #tpu.memory_space<vmem>>
      %dma_start3A_123 = arith.constant 0 : i32
      %dma_start3A_124 = arith.constant 0 : i32
      %dma_start3A_125 = tpu.memref_slice %arg4[%dma_start3A_123, %dma_start3A_124] : memref<100000x128xf32, #tpu.memory_space<hbm>> -> memref<100000x128xf32, #tpu.memory_space<hbm>>
      tpu.enqueue_indirect_dma source(%dma_start3A_125 : memref<100000x128xf32, #tpu.memory_space<hbm>>) target(%dma_start3A_119 : memref<128x128xf32, #tpu.memory_space<vmem>>) offsets(%dma_start3A_122 : memref<128xi32, #tpu.memory_space<vmem>>) semaphore(%arg16 : memref<!tpu.dma_semaphore, #tpu.memory_space<semaphore_mem>>)
      %dma_start3A_126 = arith.constant 0 : i32
      %dma_start3A_127 = arith.constant 128 : i32
      %dma_start3A_128 = arith.constant 0 : i32
      %dma_start3A_129 = tpu.memref_slice %arg11[%dma_start3A_127, %dma_start3A_128] : memref<320x128xf32, #tpu.memory_space<vmem>> -> memref<128x128xf32, #tpu.memory_space<vmem>>
      %dma_start3A_130 = arith.constant 128 : i32
      %dma_start3A_131 = tpu.memref_slice %arg7[%dma_start3A_126, %dma_start3A_130] : memref<1x320xi32, #tpu.memory_space<vmem>> -> memref<1x128xi32, #tpu.memory_space<vmem>>
      %dma_start3A_132 = tpu.memref_squeeze %dma_start3A_131 : memref<1x128xi32, #tpu.memory_space<vmem>> -> memref<128xi32, #tpu.memory_space<vmem>>
      %dma_start3A_133 = arith.constant 0 : i32
      %dma_start3A_134 = arith.constant 0 : i32
      %dma_start3A_135 = tpu.memref_slice %arg4[%dma_start3A_133, %dma_start3A_134] : memref<100000x128xf32, #tpu.memory_space<hbm>> -> memref<100000x128xf32, #tpu.memory_space<hbm>>
      tpu.enqueue_indirect_dma source(%dma_start3A_135 : memref<100000x128xf32, #tpu.memory_space<hbm>>) target(%dma_start3A_129 : memref<128x128xf32, #tpu.memory_space<vmem>>) offsets(%dma_start3A_132 : memref<128xi32, #tpu.memory_space<vmem>>) semaphore(%arg16 : memref<!tpu.dma_semaphore, #tpu.memory_space<semaphore_mem>>)
      %dma_start3A_136 = arith.constant 0 : i32
      %dma_start3A_137 = arith.constant 256 : i32
      %dma_start3A_138 = arith.constant 0 : i32
      %dma_start3A_139 = tpu.memref_slice %arg11[%dma_start3A_137, %dma_start3A_138] : memref<320x128xf32, #tpu.memory_space<vmem>> -> memref<64x128xf32, #tpu.memory_space<vmem>>
      %dma_start3A_140 = arith.constant 256 : i32
      %dma_start3A_141 = tpu.memref_slice %arg7[%dma_start3A_136, %dma_start3A_140] : memref<1x320xi32, #tpu.memory_space<vmem>> -> memref<1x64xi32, #tpu.memory_space<vmem>>
      %dma_start3A_142 = tpu.memref_squeeze %dma_start3A_141 : memref<1x64xi32, #tpu.memory_space<vmem>> -> memref<64xi32, #tpu.memory_space<vmem>>
      %dma_start3A_143 = arith.constant 0 : i32
      %dma_start3A_144 = arith.constant 0 : i32
      %dma_start3A_145 = tpu.memref_slice %arg4[%dma_start3A_143, %dma_start3A_144] : memref<100000x128xf32, #tpu.memory_space<hbm>> -> memref<100000x128xf32, #tpu.memory_space<hbm>>
      tpu.enqueue_indirect_dma source(%dma_start3A_145 : memref<100000x128xf32, #tpu.memory_space<hbm>>) target(%dma_start3A_139 : memref<64x128xf32, #tpu.memory_space<vmem>>) offsets(%dma_start3A_142 : memref<64xi32, #tpu.memory_space<vmem>>) semaphore(%arg16 : memref<!tpu.dma_semaphore, #tpu.memory_space<semaphore_mem>>)
      %dma_wait3A_146 = arith.constant 0 : i32
      %dma_wait3A_147 = arith.constant 0 : i32
      %dma_wait3A_148 = tpu.memref_slice %arg10[%dma_wait3A_146, %dma_wait3A_147] : memref<320x128xf32, #tpu.memory_space<vmem>> -> memref<128x128xf32, #tpu.memory_space<vmem>>
      %dma_wait3A_149 = arith.constant 0 : i32
      %dma_wait3A_150 = arith.constant 0 : i32
      %dma_wait3A_151 = tpu.memref_slice %arg4[%dma_wait3A_149, %dma_wait3A_150] : memref<100000x128xf32, #tpu.memory_space<hbm>> -> memref<128x128xf32, #tpu.memory_space<hbm>>
      %dma_wait3A_152 = arith.constant 0 : i32
      %dma_wait3A_153 = arith.constant 0 : i32
      %dma_wait3A_154 = tpu.memref_slice %arg10[%dma_wait3A_152, %dma_wait3A_153] : memref<320x128xf32, #tpu.memory_space<vmem>> -> memref<128x128xf32, #tpu.memory_space<vmem>>
      %dma_wait3A_155 = arith.constant 0 : i32
      %dma_wait3A_156 = arith.constant 0 : i32
      %dma_wait3A_157 = tpu.memref_slice %arg4[%dma_wait3A_155, %dma_wait3A_156] : memref<100000x128xf32, #tpu.memory_space<hbm>> -> memref<128x128xf32, #tpu.memory_space<hbm>>
      tpu.wait_dma2 semaphore(%arg15 : memref<!tpu.dma_semaphore, #tpu.memory_space<semaphore_mem>>) src(%dma_wait3A_157 : memref<128x128xf32, #tpu.memory_space<hbm>>) dst(%dma_wait3A_154 : memref<128x128xf32, #tpu.memory_space<vmem>>)
      %dma_wait3A_158 = arith.constant 128 : i32
      %dma_wait3A_159 = arith.constant 0 : i32
      %dma_wait3A_160 = tpu.memref_slice %arg10[%dma_wait3A_158, %dma_wait3A_159] : memref<320x128xf32, #tpu.memory_space<vmem>> -> memref<128x128xf32, #tpu.memory_space<vmem>>
      %dma_wait3A_161 = arith.constant 0 : i32
      %dma_wait3A_162 = arith.constant 0 : i32
      %dma_wait3A_163 = tpu.memref_slice %arg4[%dma_wait3A_161, %dma_wait3A_162] : memref<100000x128xf32, #tpu.memory_space<hbm>> -> memref<128x128xf32, #tpu.memory_space<hbm>>
      %dma_wait3A_164 = arith.constant 128 : i32
      %dma_wait3A_165 = arith.constant 0 : i32
      %dma_wait3A_166 = tpu.memref_slice %arg10[%dma_wait3A_164, %dma_wait3A_165] : memref<320x128xf32, #tpu.memory_space<vmem>> -> memref<128x128xf32, #tpu.memory_space<vmem>>
      %dma_wait3A_167 = arith.constant 0 : i32
      %dma_wait3A_168 = arith.constant 0 : i32
      %dma_wait3A_169 = tpu.memref_slice %arg4[%dma_wait3A_167, %dma_wait3A_168] : memref<100000x128xf32, #tpu.memory_space<hbm>> -> memref<128x128xf32, #tpu.memory_space<hbm>>
      tpu.wait_dma2 semaphore(%arg15 : memref<!tpu.dma_semaphore, #tpu.memory_space<semaphore_mem>>) src(%dma_wait3A_169 : memref<128x128xf32, #tpu.memory_space<hbm>>) dst(%dma_wait3A_166 : memref<128x128xf32, #tpu.memory_space<vmem>>)
      %dma_wait3A_170 = arith.constant 256 : i32
      %dma_wait3A_171 = arith.constant 0 : i32
      %dma_wait3A_172 = tpu.memref_slice %arg10[%dma_wait3A_170, %dma_wait3A_171] : memref<320x128xf32, #tpu.memory_space<vmem>> -> memref<64x128xf32, #tpu.memory_space<vmem>>
      %dma_wait3A_173 = arith.constant 0 : i32
      %dma_wait3A_174 = arith.constant 0 : i32
      %dma_wait3A_175 = tpu.memref_slice %arg4[%dma_wait3A_173, %dma_wait3A_174] : memref<100000x128xf32, #tpu.memory_space<hbm>> -> memref<64x128xf32, #tpu.memory_space<hbm>>
      %dma_wait3A_176 = arith.constant 256 : i32
      %dma_wait3A_177 = arith.constant 0 : i32
      %dma_wait3A_178 = tpu.memref_slice %arg10[%dma_wait3A_176, %dma_wait3A_177] : memref<320x128xf32, #tpu.memory_space<vmem>> -> memref<64x128xf32, #tpu.memory_space<vmem>>
      %dma_wait3A_179 = arith.constant 0 : i32
      %dma_wait3A_180 = arith.constant 0 : i32
      %dma_wait3A_181 = tpu.memref_slice %arg4[%dma_wait3A_179, %dma_wait3A_180] : memref<100000x128xf32, #tpu.memory_space<hbm>> -> memref<64x128xf32, #tpu.memory_space<hbm>>
      tpu.wait_dma2 semaphore(%arg15 : memref<!tpu.dma_semaphore, #tpu.memory_space<semaphore_mem>>) src(%dma_wait3A_181 : memref<64x128xf32, #tpu.memory_space<hbm>>) dst(%dma_wait3A_178 : memref<64x128xf32, #tpu.memory_space<vmem>>)
      %jit3A = arith.constant 16 : i32
      %eq3A = arith.constant 0 : i32
      %eq3A_182 = arith.cmpi eq, %jit3A, %eq3A : i32
      %jit3A_183 = arith.constant 1 : i32
      %select_n3A = arith.select %eq3A_182, %jit3A_183, %jit3A : i32
      %rem3A = arith.remsi %mul3A_99, %select_n3A : i32
      %ne3A = arith.constant 0 : i32
      %ne3A_184 = arith.cmpi ne, %rem3A, %ne3A : i32
      %lt3A = arith.constant 0 : i32
      %lt3A_185 = arith.cmpi slt, %rem3A, %lt3A : i32
      %lt3A_186 = arith.constant 0 : i32
      %lt3A_187 = arith.cmpi slt, %select_n3A, %lt3A_186 : i32
      %ne3A_188 = arith.xori %lt3A_185, %lt3A_187 : i1
      %and3A = arith.andi %ne3A_188, %ne3A_184 : i1
      %add3A_189 = arith.addi %rem3A, %select_n3A : i32
      %select_n3A_190 = arith.select %and3A, %add3A_189, %rem3A : i32
      %broadcast_in_dim3A = arith.constant 0.000000e+00 : f32
      %broadcast_in_dim3A_191 = vector.broadcast %broadcast_in_dim3A : f32 to vector<16xf32>
      %broadcast_in_dim3A_192 = arith.constant 0.000000e+00 : f32
      %broadcast_in_dim3A_193 = vector.broadcast %broadcast_in_dim3A_192 : f32 to vector<16xf32>
      %broadcast_in_dim3A_194 = arith.constant 0.000000e+00 : f32
      %broadcast_in_dim3A_195 = vector.broadcast %broadcast_in_dim3A_194 : f32 to vector<16xf32>
      %broadcast_in_dim3A_196 = arith.constant 0.000000e+00 : f32
      %broadcast_in_dim3A_197 = vector.broadcast %broadcast_in_dim3A_196 : f32 to vector<16xf32>
      %broadcast_in_dim3A_198 = arith.constant 0.000000e+00 : f32
      %broadcast_in_dim3A_199 = vector.broadcast %broadcast_in_dim3A_198 : f32 to vector<16xf32>
      %broadcast_in_dim3A_200 = arith.constant 0.000000e+00 : f32
      %broadcast_in_dim3A_201 = vector.broadcast %broadcast_in_dim3A_200 : f32 to vector<16xf32>
      %broadcast_in_dim3A_202 = arith.constant 0.000000e+00 : f32
      %broadcast_in_dim3A_203 = vector.broadcast %broadcast_in_dim3A_202 : f32 to vector<16xf32>
      %broadcast_in_dim3A_204 = arith.constant 0.000000e+00 : f32
      %broadcast_in_dim3A_205 = vector.broadcast %broadcast_in_dim3A_204 : f32 to vector<16xf32>
      %scan3A_206 = arith.constant 0 : i32
      %scan3A_207 = arith.constant 20 : i32
      %scan3A_208 = arith.addi %scan3A_206, %scan3A_207 : i32
      %scan3A_209 = arith.constant 1 : i32
      %scan3A_210:8 = scf.for %scan3A_497 = %scan3A_206 to %scan3A_208 step %scan3A_209 iter_args(%scan3A_498 = %broadcast_in_dim3A_191, %scan3A_499 = %broadcast_in_dim3A_193, %scan3A_500 = %broadcast_in_dim3A_195, %scan3A_501 = %broadcast_in_dim3A_197, %scan3A_502 = %broadcast_in_dim3A_199, %scan3A_503 = %broadcast_in_dim3A_201, %scan3A_504 = %broadcast_in_dim3A_203, %scan3A_505 = %broadcast_in_dim3A_205) -> (vector<16xf32>, vector<16xf32>, vector<16xf32>, vector<16xf32>, vector<16xf32>, vector<16xf32>, vector<16xf32>, vector<16xf32>)  : i32 {
        %mul3A_506 = arith.constant 16 : i32
        %mul3A_507 = arith.muli %scan3A_497, %mul3A_506 : i32
        %get3A = arith.constant 0 : i32
        %get3A_508 = arith.index_cast %get3A : i32 to index
        %get3A_509 = arith.index_cast %mul3A_507 : i32 to index
        %get3A_510 = tpu.vector_load %arg8[%get3A_508, %get3A_509] {strides = array<i32>} : memref<1x320xf32, #tpu.memory_space<vmem>>, vector<1x16xf32>,
        %get3A_511 = vector.shape_cast %get3A_510 : vector<1x16xf32> to vector<16xf32>
        %slice3A = vector.extract_strided_slice %get3A_511 {offsets = [0], sizes = [1], strides = [1]} : vector<16xf32> to vector<1xf32>
        %squeeze3A = vector.extract %slice3A[0] : f32 from vector<1xf32>
        %add3A_512 = arith.constant 0 : i32
        %add3A_513 = arith.addi %mul3A_507, %add3A_512 : i32
        %get3A_514 = arith.index_cast %add3A_513 : i32 to index
        %get3A_515 = arith.constant 0 : index
        %get3A_516 = tpu.vector_load %arg10[%get3A_514, %get3A_515] {strides = array<i32>} : memref<320x128xf32, #tpu.memory_space<vmem>>, vector<1x16xf32>,
        %get3A_517 = vector.shape_cast %get3A_516 : vector<1x16xf32> to vector<16xf32>
        %mul3A_518 = vector.broadcast %squeeze3A : f32 to vector<16xf32>
        %mul3A_519 = arith.mulf %mul3A_518, %get3A_517 : vector<16xf32>
        %add3A_520 = arith.addf %scan3A_498, %mul3A_519 : vector<16xf32>
        %add3A_521 = arith.constant 0 : i32
        %add3A_522 = arith.addi %mul3A_507, %add3A_521 : i32
        %get3A_523 = arith.index_cast %add3A_522 : i32 to index
        %get3A_524 = arith.constant 16 : index
        %get3A_525 = tpu.vector_load %arg10[%get3A_523, %get3A_524] {strides = array<i32>} : memref<320x128xf32, #tpu.memory_space<vmem>>, vector<1x16xf32>,
        %get3A_526 = vector.shape_cast %get3A_525 : vector<1x16xf32> to vector<16xf32>
        %mul3A_527 = vector.broadcast %squeeze3A : f32 to vector<16xf32>
        %mul3A_528 = arith.mulf %mul3A_527, %get3A_526 : vector<16xf32>
        %add3A_529 = arith.addf %scan3A_499, %mul3A_528 : vector<16xf32>
        %add3A_530 = arith.constant 0 : i32
        %add3A_531 = arith.addi %mul3A_507, %add3A_530 : i32
        %get3A_532 = arith.index_cast %add3A_531 : i32 to index
        %get3A_533 = arith.constant 32 : index
        %get3A_534 = tpu.vector_load %arg10[%get3A_532, %get3A_533] {strides = array<i32>} : memref<320x128xf32, #tpu.memory_space<vmem>>, vector<1x16xf32>,
        %get3A_535 = vector.shape_cast %get3A_534 : vector<1x16xf32> to vector<16xf32>
        %mul3A_536 = vector.broadcast %squeeze3A : f32 to vector<16xf32>
        %mul3A_537 = arith.mulf %mul3A_536, %get3A_535 : vector<16xf32>
        %add3A_538 = arith.addf %scan3A_500, %mul3A_537 : vector<16xf32>
        %add3A_539 = arith.constant 0 : i32
        %add3A_540 = arith.addi %mul3A_507, %add3A_539 : i32
        %get3A_541 = arith.index_cast %add3A_540 : i32 to index
        %get3A_542 = arith.constant 48 : index
        %get3A_543 = tpu.vector_load %arg10[%get3A_541, %get3A_542] {strides = array<i32>} : memref<320x128xf32, #tpu.memory_space<vmem>>, vector<1x16xf32>,
        %get3A_544 = vector.shape_cast %get3A_543 : vector<1x16xf32> to vector<16xf32>
        %mul3A_545 = vector.broadcast %squeeze3A : f32 to vector<16xf32>
        %mul3A_546 = arith.mulf %mul3A_545, %get3A_544 : vector<16xf32>
        %add3A_547 = arith.addf %scan3A_501, %mul3A_546 : vector<16xf32>
        %add3A_548 = arith.constant 0 : i32
        %add3A_549 = arith.addi %mul3A_507, %add3A_548 : i32
        %get3A_550 = arith.index_cast %add3A_549 : i32 to index
        %get3A_551 = arith.constant 64 : index
        %get3A_552 = tpu.vector_load %arg10[%get3A_550, %get3A_551] {strides = array<i32>} : memref<320x128xf32, #tpu.memory_space<vmem>>, vector<1x16xf32>,
        %get3A_553 = vector.shape_cast %get3A_552 : vector<1x16xf32> to vector<16xf32>
        %mul3A_554 = vector.broadcast %squeeze3A : f32 to vector<16xf32>
        %mul3A_555 = arith.mulf %mul3A_554, %get3A_553 : vector<16xf32>
        %add3A_556 = arith.addf %scan3A_502, %mul3A_555 : vector<16xf32>
        %add3A_557 = arith.constant 0 : i32
        %add3A_558 = arith.addi %mul3A_507, %add3A_557 : i32
        %get3A_559 = arith.index_cast %add3A_558 : i32 to index
        %get3A_560 = arith.constant 80 : index
        %get3A_561 = tpu.vector_load %arg10[%get3A_559, %get3A_560] {strides = array<i32>} : memref<320x128xf32, #tpu.memory_space<vmem>>, vector<1x16xf32>,
        %get3A_562 = vector.shape_cast %get3A_561 : vector<1x16xf32> to vector<16xf32>
        %mul3A_563 = vector.broadcast %squeeze3A : f32 to vector<16xf32>
        %mul3A_564 = arith.mulf %mul3A_563, %get3A_562 : vector<16xf32>
        %add3A_565 = arith.addf %scan3A_503, %mul3A_564 : vector<16xf32>
        %add3A_566 = arith.constant 0 : i32
        %add3A_567 = arith.addi %mul3A_507, %add3A_566 : i32
        %get3A_568 = arith.index_cast %add3A_567 : i32 to index
        %get3A_569 = arith.constant 96 : index
        %get3A_570 = tpu.vector_load %arg10[%get3A_568, %get3A_569] {strides = array<i32>} : memref<320x128xf32, #tpu.memory_space<vmem>>, vector<1x16xf32>,
        %get3A_571 = vector.shape_cast %get3A_570 : vector<1x16xf32> to vector<16xf32>
        %mul3A_572 = vector.broadcast %squeeze3A : f32 to vector<16xf32>
        %mul3A_573 = arith.mulf %mul3A_572, %get3A_571 : vector<16xf32>
        %add3A_574 = arith.addf %scan3A_504, %mul3A_573 : vector<16xf32>
        %add3A_575 = arith.constant 0 : i32
        %add3A_576 = arith.addi %mul3A_507, %add3A_575 : i32
        %get3A_577 = arith.index_cast %add3A_576 : i32 to index
        %get3A_578 = arith.constant 112 : index
        %get3A_579 = tpu.vector_load %arg10[%get3A_577, %get3A_578] {strides = array<i32>} : memref<320x128xf32, #tpu.memory_space<vmem>>, vector<1x16xf32>,
        %get3A_580 = vector.shape_cast %get3A_579 : vector<1x16xf32> to vector<16xf32>
        %mul3A_581 = vector.broadcast %squeeze3A : f32 to vector<16xf32>
        %mul3A_582 = arith.mulf %mul3A_581, %get3A_580 : vector<16xf32>
        %add3A_583 = arith.addf %scan3A_505, %mul3A_582 : vector<16xf32>
        %slice3A_584 = vector.extract_strided_slice %get3A_511 {offsets = [1], sizes = [1], strides = [1]} : vector<16xf32> to vector<1xf32>
        %squeeze3A_585 = vector.extract %slice3A_584[0] : f32 from vector<1xf32>
        %add3A_586 = arith.constant 1 : i32
        %add3A_587 = arith.addi %mul3A_507, %add3A_586 : i32
        %get3A_588 = arith.index_cast %add3A_587 : i32 to index
        %get3A_589 = arith.constant 0 : index
        %get3A_590 = tpu.vector_load %arg10[%get3A_588, %get3A_589] {strides = array<i32>} : memref<320x128xf32, #tpu.memory_space<vmem>>, vector<1x16xf32>,
        %get3A_591 = vector.shape_cast %get3A_590 : vector<1x16xf32> to vector<16xf32>
        %mul3A_592 = vector.broadcast %squeeze3A_585 : f32 to vector<16xf32>
        %mul3A_593 = arith.mulf %mul3A_592, %get3A_591 : vector<16xf32>
        %add3A_594 = arith.addf %add3A_520, %mul3A_593 : vector<16xf32>
        %add3A_595 = arith.constant 1 : i32
        %add3A_596 = arith.addi %mul3A_507, %add3A_595 : i32
        %get3A_597 = arith.index_cast %add3A_596 : i32 to index
        %get3A_598 = arith.constant 16 : index
        %get3A_599 = tpu.vector_load %arg10[%get3A_597, %get3A_598] {strides = array<i32>} : memref<320x128xf32, #tpu.memory_space<vmem>>, vector<1x16xf32>,
        %get3A_600 = vector.shape_cast %get3A_599 : vector<1x16xf32> to vector<16xf32>
        %mul3A_601 = vector.broadcast %squeeze3A_585 : f32 to vector<16xf32>
        %mul3A_602 = arith.mulf %mul3A_601, %get3A_600 : vector<16xf32>
        %add3A_603 = arith.addf %add3A_529, %mul3A_602 : vector<16xf32>
        %add3A_604 = arith.constant 1 : i32
        %add3A_605 = arith.addi %mul3A_507, %add3A_604 : i32
        %get3A_606 = arith.index_cast %add3A_605 : i32 to index
        %get3A_607 = arith.constant 32 : index
        %get3A_608 = tpu.vector_load %arg10[%get3A_606, %get3A_607] {strides = array<i32>} : memref<320x128xf32, #tpu.memory_space<vmem>>, vector<1x16xf32>,
        %get3A_609 = vector.shape_cast %get3A_608 : vector<1x16xf32> to vector<16xf32>
        %mul3A_610 = vector.broadcast %squeeze3A_585 : f32 to vector<16xf32>
        %mul3A_611 = arith.mulf %mul3A_610, %get3A_609 : vector<16xf32>
        %add3A_612 = arith.addf %add3A_538, %mul3A_611 : vector<16xf32>
        %add3A_613 = arith.constant 1 : i32
        %add3A_614 = arith.addi %mul3A_507, %add3A_613 : i32
        %get3A_615 = arith.index_cast %add3A_614 : i32 to index
        %get3A_616 = arith.constant 48 : index
        %get3A_617 = tpu.vector_load %arg10[%get3A_615, %get3A_616] {strides = array<i32>} : memref<320x128xf32, #tpu.memory_space<vmem>>, vector<1x16xf32>,
        %get3A_618 = vector.shape_cast %get3A_617 : vector<1x16xf32> to vector<16xf32>
        %mul3A_619 = vector.broadcast %squeeze3A_585 : f32 to vector<16xf32>
        %mul3A_620 = arith.mulf %mul3A_619, %get3A_618 : vector<16xf32>
        %add3A_621 = arith.addf %add3A_547, %mul3A_620 : vector<16xf32>
        %add3A_622 = arith.constant 1 : i32
        %add3A_623 = arith.addi %mul3A_507, %add3A_622 : i32
        %get3A_624 = arith.index_cast %add3A_623 : i32 to index
        %get3A_625 = arith.constant 64 : index
        %get3A_626 = tpu.vector_load %arg10[%get3A_624, %get3A_625] {strides = array<i32>} : memref<320x128xf32, #tpu.memory_space<vmem>>, vector<1x16xf32>,
        %get3A_627 = vector.shape_cast %get3A_626 : vector<1x16xf32> to vector<16xf32>
        %mul3A_628 = vector.broadcast %squeeze3A_585 : f32 to vector<16xf32>
        %mul3A_629 = arith.mulf %mul3A_628, %get3A_627 : vector<16xf32>
        %add3A_630 = arith.addf %add3A_556, %mul3A_629 : vector<16xf32>
        %add3A_631 = arith.constant 1 : i32
        %add3A_632 = arith.addi %mul3A_507, %add3A_631 : i32
        %get3A_633 = arith.index_cast %add3A_632 : i32 to index
        %get3A_634 = arith.constant 80 : index
        %get3A_635 = tpu.vector_load %arg10[%get3A_633, %get3A_634] {strides = array<i32>} : memref<320x128xf32, #tpu.memory_space<vmem>>, vector<1x16xf32>,
        %get3A_636 = vector.shape_cast %get3A_635 : vector<1x16xf32> to vector<16xf32>
        %mul3A_637 = vector.broadcast %squeeze3A_585 : f32 to vector<16xf32>
        %mul3A_638 = arith.mulf %mul3A_637, %get3A_636 : vector<16xf32>
        %add3A_639 = arith.addf %add3A_565, %mul3A_638 : vector<16xf32>
        %add3A_640 = arith.constant 1 : i32
        %add3A_641 = arith.addi %mul3A_507, %add3A_640 : i32
        %get3A_642 = arith.index_cast %add3A_641 : i32 to index
        %get3A_643 = arith.constant 96 : index
        %get3A_644 = tpu.vector_load %arg10[%get3A_642, %get3A_643] {strides = array<i32>} : memref<320x128xf32, #tpu.memory_space<vmem>>, vector<1x16xf32>,
        %get3A_645 = vector.shape_cast %get3A_644 : vector<1x16xf32> to vector<16xf32>
        %mul3A_646 = vector.broadcast %squeeze3A_585 : f32 to vector<16xf32>
        %mul3A_647 = arith.mulf %mul3A_646, %get3A_645 : vector<16xf32>
        %add3A_648 = arith.addf %add3A_574, %mul3A_647 : vector<16xf32>
        %add3A_649 = arith.constant 1 : i32
        %add3A_650 = arith.addi %mul3A_507, %add3A_649 : i32
        %get3A_651 = arith.index_cast %add3A_650 : i32 to index
        %get3A_652 = arith.constant 112 : index
        %get3A_653 = tpu.vector_load %arg10[%get3A_651, %get3A_652] {strides = array<i32>} : memref<320x128xf32, #tpu.memory_space<vmem>>, vector<1x16xf32>,
        %get3A_654 = vector.shape_cast %get3A_653 : vector<1x16xf32> to vector<16xf32>
        %mul3A_655 = vector.broadcast %squeeze3A_585 : f32 to vector<16xf32>
        %mul3A_656 = arith.mulf %mul3A_655, %get3A_654 : vector<16xf32>
        %add3A_657 = arith.addf %add3A_583, %mul3A_656 : vector<16xf32>
        %slice3A_658 = vector.extract_strided_slice %get3A_511 {offsets = [2], sizes = [1], strides = [1]} : vector<16xf32> to vector<1xf32>
        %squeeze3A_659 = vector.extract %slice3A_658[0] : f32 from vector<1xf32>
        %add3A_660 = arith.constant 2 : i32
        %add3A_661 = arith.addi %mul3A_507, %add3A_660 : i32
        %get3A_662 = arith.index_cast %add3A_661 : i32 to index
        %get3A_663 = arith.constant 0 : index
        %get3A_664 = tpu.vector_load %arg10[%get3A_662, %get3A_663] {strides = array<i32>} : memref<320x128xf32, #tpu.memory_space<vmem>>, vector<1x16xf32>,
        %get3A_665 = vector.shape_cast %get3A_664 : vector<1x16xf32> to vector<16xf32>
        %mul3A_666 = vector.broadcast %squeeze3A_659 : f32 to vector<16xf32>
        %mul3A_667 = arith.mulf %mul3A_666, %get3A_665 : vector<16xf32>
        %add3A_668 = arith.addf %add3A_594, %mul3A_667 : vector<16xf32>
        %add3A_669 = arith.constant 2 : i32
        %add3A_670 = arith.addi %mul3A_507, %add3A_669 : i32
        %get3A_671 = arith.index_cast %add3A_670 : i32 to index
        %get3A_672 = arith.constant 16 : index
        %get3A_673 = tpu.vector_load %arg10[%get3A_671, %get3A_672] {strides = array<i32>} : memref<320x128xf32, #tpu.memory_space<vmem>>, vector<1x16xf32>,
        %get3A_674 = vector.shape_cast %get3A_673 : vector<1x16xf32> to vector<16xf32>
        %mul3A_675 = vector.broadcast %squeeze3A_659 : f32 to vector<16xf32>
        %mul3A_676 = arith.mulf %mul3A_675, %get3A_674 : vector<16xf32>
        %add3A_677 = arith.addf %add3A_603, %mul3A_676 : vector<16xf32>
        %add3A_678 = arith.constant 2 : i32
        %add3A_679 = arith.addi %mul3A_507, %add3A_678 : i32
        %get3A_680 = arith.index_cast %add3A_679 : i32 to index
        %get3A_681 = arith.constant 32 : index
        %get3A_682 = tpu.vector_load %arg10[%get3A_680, %get3A_681] {strides = array<i32>} : memref<320x128xf32, #tpu.memory_space<vmem>>, vector<1x16xf32>,
        %get3A_683 = vector.shape_cast %get3A_682 : vector<1x16xf32> to vector<16xf32>
        %mul3A_684 = vector.broadcast %squeeze3A_659 : f32 to vector<16xf32>
        %mul3A_685 = arith.mulf %mul3A_684, %get3A_683 : vector<16xf32>
        %add3A_686 = arith.addf %add3A_612, %mul3A_685 : vector<16xf32>
        %add3A_687 = arith.constant 2 : i32
        %add3A_688 = arith.addi %mul3A_507, %add3A_687 : i32
        %get3A_689 = arith.index_cast %add3A_688 : i32 to index
        %get3A_690 = arith.constant 48 : index
        %get3A_691 = tpu.vector_load %arg10[%get3A_689, %get3A_690] {strides = array<i32>} : memref<320x128xf32, #tpu.memory_space<vmem>>, vector<1x16xf32>,
        %get3A_692 = vector.shape_cast %get3A_691 : vector<1x16xf32> to vector<16xf32>
        %mul3A_693 = vector.broadcast %squeeze3A_659 : f32 to vector<16xf32>
        %mul3A_694 = arith.mulf %mul3A_693, %get3A_692 : vector<16xf32>
        %add3A_695 = arith.addf %add3A_621, %mul3A_694 : vector<16xf32>
        %add3A_696 = arith.constant 2 : i32
        %add3A_697 = arith.addi %mul3A_507, %add3A_696 : i32
        %get3A_698 = arith.index_cast %add3A_697 : i32 to index
        %get3A_699 = arith.constant 64 : index
        %get3A_700 = tpu.vector_load %arg10[%get3A_698, %get3A_699] {strides = array<i32>} : memref<320x128xf32, #tpu.memory_space<vmem>>, vector<1x16xf32>,
        %get3A_701 = vector.shape_cast %get3A_700 : vector<1x16xf32> to vector<16xf32>
        %mul3A_702 = vector.broadcast %squeeze3A_659 : f32 to vector<16xf32>
        %mul3A_703 = arith.mulf %mul3A_702, %get3A_701 : vector<16xf32>
        %add3A_704 = arith.addf %add3A_630, %mul3A_703 : vector<16xf32>
        %add3A_705 = arith.constant 2 : i32
        %add3A_706 = arith.addi %mul3A_507, %add3A_705 : i32
        %get3A_707 = arith.index_cast %add3A_706 : i32 to index
        %get3A_708 = arith.constant 80 : index
        %get3A_709 = tpu.vector_load %arg10[%get3A_707, %get3A_708] {strides = array<i32>} : memref<320x128xf32, #tpu.memory_space<vmem>>, vector<1x16xf32>,
        %get3A_710 = vector.shape_cast %get3A_709 : vector<1x16xf32> to vector<16xf32>
        %mul3A_711 = vector.broadcast %squeeze3A_659 : f32 to vector<16xf32>
        %mul3A_712 = arith.mulf %mul3A_711, %get3A_710 : vector<16xf32>
        %add3A_713 = arith.addf %add3A_639, %mul3A_712 : vector<16xf32>
        %add3A_714 = arith.constant 2 : i32
        %add3A_715 = arith.addi %mul3A_507, %add3A_714 : i32
        %get3A_716 = arith.index_cast %add3A_715 : i32 to index
        %get3A_717 = arith.constant 96 : index
        %get3A_718 = tpu.vector_load %arg10[%get3A_716, %get3A_717] {strides = array<i32>} : memref<320x128xf32, #tpu.memory_space<vmem>>, vector<1x16xf32>,
        %get3A_719 = vector.shape_cast %get3A_718 : vector<1x16xf32> to vector<16xf32>
        %mul3A_720 = vector.broadcast %squeeze3A_659 : f32 to vector<16xf32>
        %mul3A_721 = arith.mulf %mul3A_720, %get3A_719 : vector<16xf32>
        %add3A_722 = arith.addf %add3A_648, %mul3A_721 : vector<16xf32>
        %add3A_723 = arith.constant 2 : i32
        %add3A_724 = arith.addi %mul3A_507, %add3A_723 : i32
        %get3A_725 = arith.index_cast %add3A_724 : i32 to index
        %get3A_726 = arith.constant 112 : index
        %get3A_727 = tpu.vector_load %arg10[%get3A_725, %get3A_726] {strides = array<i32>} : memref<320x128xf32, #tpu.memory_space<vmem>>, vector<1x16xf32>,
        %get3A_728 = vector.shape_cast %get3A_727 : vector<1x16xf32> to vector<16xf32>
        %mul3A_729 = vector.broadcast %squeeze3A_659 : f32 to vector<16xf32>
        %mul3A_730 = arith.mulf %mul3A_729, %get3A_728 : vector<16xf32>
        %add3A_731 = arith.addf %add3A_657, %mul3A_730 : vector<16xf32>
        %slice3A_732 = vector.extract_strided_slice %get3A_511 {offsets = [3], sizes = [1], strides = [1]} : vector<16xf32> to vector<1xf32>
        %squeeze3A_733 = vector.extract %slice3A_732[0] : f32 from vector<1xf32>
        %add3A_734 = arith.constant 3 : i32
        %add3A_735 = arith.addi %mul3A_507, %add3A_734 : i32
        %get3A_736 = arith.index_cast %add3A_735 : i32 to index
        %get3A_737 = arith.constant 0 : index
        %get3A_738 = tpu.vector_load %arg10[%get3A_736, %get3A_737] {strides = array<i32>} : memref<320x128xf32, #tpu.memory_space<vmem>>, vector<1x16xf32>,
        %get3A_739 = vector.shape_cast %get3A_738 : vector<1x16xf32> to vector<16xf32>
        %mul3A_740 = vector.broadcast %squeeze3A_733 : f32 to vector<16xf32>
        %mul3A_741 = arith.mulf %mul3A_740, %get3A_739 : vector<16xf32>
        %add3A_742 = arith.addf %add3A_668, %mul3A_741 : vector<16xf32>
        %add3A_743 = arith.constant 3 : i32
        %add3A_744 = arith.addi %mul3A_507, %add3A_743 : i32
        %get3A_745 = arith.index_cast %add3A_744 : i32 to index
        %get3A_746 = arith.constant 16 : index
        %get3A_747 = tpu.vector_load %arg10[%get3A_745, %get3A_746] {strides = array<i32>} : memref<320x128xf32, #tpu.memory_space<vmem>>, vector<1x16xf32>,
        %get3A_748 = vector.shape_cast %get3A_747 : vector<1x16xf32> to vector<16xf32>
        %mul3A_749 = vector.broadcast %squeeze3A_733 : f32 to vector<16xf32>
        %mul3A_750 = arith.mulf %mul3A_749, %get3A_748 : vector<16xf32>
        %add3A_751 = arith.addf %add3A_677, %mul3A_750 : vector<16xf32>
        %add3A_752 = arith.constant 3 : i32
        %add3A_753 = arith.addi %mul3A_507, %add3A_752 : i32
        %get3A_754 = arith.index_cast %add3A_753 : i32 to index
        %get3A_755 = arith.constant 32 : index
        %get3A_756 = tpu.vector_load %arg10[%get3A_754, %get3A_755] {strides = array<i32>} : memref<320x128xf32, #tpu.memory_space<vmem>>, vector<1x16xf32>,
        %get3A_757 = vector.shape_cast %get3A_756 : vector<1x16xf32> to vector<16xf32>
        %mul3A_758 = vector.broadcast %squeeze3A_733 : f32 to vector<16xf32>
        %mul3A_759 = arith.mulf %mul3A_758, %get3A_757 : vector<16xf32>
        %add3A_760 = arith.addf %add3A_686, %mul3A_759 : vector<16xf32>
        %add3A_761 = arith.constant 3 : i32
        %add3A_762 = arith.addi %mul3A_507, %add3A_761 : i32
        %get3A_763 = arith.index_cast %add3A_762 : i32 to index
        %get3A_764 = arith.constant 48 : index
        %get3A_765 = tpu.vector_load %arg10[%get3A_763, %get3A_764] {strides = array<i32>} : memref<320x128xf32, #tpu.memory_space<vmem>>, vector<1x16xf32>,
        %get3A_766 = vector.shape_cast %get3A_765 : vector<1x16xf32> to vector<16xf32>
        %mul3A_767 = vector.broadcast %squeeze3A_733 : f32 to vector<16xf32>
        %mul3A_768 = arith.mulf %mul3A_767, %get3A_766 : vector<16xf32>
        %add3A_769 = arith.addf %add3A_695, %mul3A_768 : vector<16xf32>
        %add3A_770 = arith.constant 3 : i32
        %add3A_771 = arith.addi %mul3A_507, %add3A_770 : i32
        %get3A_772 = arith.index_cast %add3A_771 : i32 to index
        %get3A_773 = arith.constant 64 : index
        %get3A_774 = tpu.vector_load %arg10[%get3A_772, %get3A_773] {strides = array<i32>} : memref<320x128xf32, #tpu.memory_space<vmem>>, vector<1x16xf32>,
        %get3A_775 = vector.shape_cast %get3A_774 : vector<1x16xf32> to vector<16xf32>
        %mul3A_776 = vector.broadcast %squeeze3A_733 : f32 to vector<16xf32>
        %mul3A_777 = arith.mulf %mul3A_776, %get3A_775 : vector<16xf32>
        %add3A_778 = arith.addf %add3A_704, %mul3A_777 : vector<16xf32>
        %add3A_779 = arith.constant 3 : i32
        %add3A_780 = arith.addi %mul3A_507, %add3A_779 : i32
        %get3A_781 = arith.index_cast %add3A_780 : i32 to index
        %get3A_782 = arith.constant 80 : index
        %get3A_783 = tpu.vector_load %arg10[%get3A_781, %get3A_782] {strides = array<i32>} : memref<320x128xf32, #tpu.memory_space<vmem>>, vector<1x16xf32>,
        %get3A_784 = vector.shape_cast %get3A_783 : vector<1x16xf32> to vector<16xf32>
        %mul3A_785 = vector.broadcast %squeeze3A_733 : f32 to vector<16xf32>
        %mul3A_786 = arith.mulf %mul3A_785, %get3A_784 : vector<16xf32>
        %add3A_787 = arith.addf %add3A_713, %mul3A_786 : vector<16xf32>
        %add3A_788 = arith.constant 3 : i32
        %add3A_789 = arith.addi %mul3A_507, %add3A_788 : i32
        %get3A_790 = arith.index_cast %add3A_789 : i32 to index
        %get3A_791 = arith.constant 96 : index
        %get3A_792 = tpu.vector_load %arg10[%get3A_790, %get3A_791] {strides = array<i32>} : memref<320x128xf32, #tpu.memory_space<vmem>>, vector<1x16xf32>,
        %get3A_793 = vector.shape_cast %get3A_792 : vector<1x16xf32> to vector<16xf32>
        %mul3A_794 = vector.broadcast %squeeze3A_733 : f32 to vector<16xf32>
        %mul3A_795 = arith.mulf %mul3A_794, %get3A_793 : vector<16xf32>
        %add3A_796 = arith.addf %add3A_722, %mul3A_795 : vector<16xf32>
        %add3A_797 = arith.constant 3 : i32
        %add3A_798 = arith.addi %mul3A_507, %add3A_797 : i32
        %get3A_799 = arith.index_cast %add3A_798 : i32 to index
        %get3A_800 = arith.constant 112 : index
        %get3A_801 = tpu.vector_load %arg10[%get3A_799, %get3A_800] {strides = array<i32>} : memref<320x128xf32, #tpu.memory_space<vmem>>, vector<1x16xf32>,
        %get3A_802 = vector.shape_cast %get3A_801 : vector<1x16xf32> to vector<16xf32>
        %mul3A_803 = vector.broadcast %squeeze3A_733 : f32 to vector<16xf32>
        %mul3A_804 = arith.mulf %mul3A_803, %get3A_802 : vector<16xf32>
        %add3A_805 = arith.addf %add3A_731, %mul3A_804 : vector<16xf32>
        %slice3A_806 = vector.extract_strided_slice %get3A_511 {offsets = [4], sizes = [1], strides = [1]} : vector<16xf32> to vector<1xf32>
        %squeeze3A_807 = vector.extract %slice3A_806[0] : f32 from vector<1xf32>
        %add3A_808 = arith.constant 4 : i32
        %add3A_809 = arith.addi %mul3A_507, %add3A_808 : i32
        %get3A_810 = arith.index_cast %add3A_809 : i32 to index
        %get3A_811 = arith.constant 0 : index
        %get3A_812 = tpu.vector_load %arg10[%get3A_810, %get3A_811] {strides = array<i32>} : memref<320x128xf32, #tpu.memory_space<vmem>>, vector<1x16xf32>,
        %get3A_813 = vector.shape_cast %get3A_812 : vector<1x16xf32> to vector<16xf32>
        %mul3A_814 = vector.broadcast %squeeze3A_807 : f32 to vector<16xf32>
        %mul3A_815 = arith.mulf %mul3A_814, %get3A_813 : vector<16xf32>
        %add3A_816 = arith.addf %add3A_742, %mul3A_815 : vector<16xf32>
        %add3A_817 = arith.constant 4 : i32
        %add3A_818 = arith.addi %mul3A_507, %add3A_817 : i32
        %get3A_819 = arith.index_cast %add3A_818 : i32 to index
        %get3A_820 = arith.constant 16 : index
        %get3A_821 = tpu.vector_load %arg10[%get3A_819, %get3A_820] {strides = array<i32>} : memref<320x128xf32, #tpu.memory_space<vmem>>, vector<1x16xf32>,
        %get3A_822 = vector.shape_cast %get3A_821 : vector<1x16xf32> to vector<16xf32>
        %mul3A_823 = vector.broadcast %squeeze3A_807 : f32 to vector<16xf32>
        %mul3A_824 = arith.mulf %mul3A_823, %get3A_822 : vector<16xf32>
        %add3A_825 = arith.addf %add3A_751, %mul3A_824 : vector<16xf32>
        %add3A_826 = arith.constant 4 : i32
        %add3A_827 = arith.addi %mul3A_507, %add3A_826 : i32
        %get3A_828 = arith.index_cast %add3A_827 : i32 to index
        %get3A_829 = arith.constant 32 : index
        %get3A_830 = tpu.vector_load %arg10[%get3A_828, %get3A_829] {strides = array<i32>} : memref<320x128xf32, #tpu.memory_space<vmem>>, vector<1x16xf32>,
        %get3A_831 = vector.shape_cast %get3A_830 : vector<1x16xf32> to vector<16xf32>
        %mul3A_832 = vector.broadcast %squeeze3A_807 : f32 to vector<16xf32>
        %mul3A_833 = arith.mulf %mul3A_832, %get3A_831 : vector<16xf32>
        %add3A_834 = arith.addf %add3A_760, %mul3A_833 : vector<16xf32>
        %add3A_835 = arith.constant 4 : i32
        %add3A_836 = arith.addi %mul3A_507, %add3A_835 : i32
        %get3A_837 = arith.index_cast %add3A_836 : i32 to index
        %get3A_838 = arith.constant 48 : index
        %get3A_839 = tpu.vector_load %arg10[%get3A_837, %get3A_838] {strides = array<i32>} : memref<320x128xf32, #tpu.memory_space<vmem>>, vector<1x16xf32>,
        %get3A_840 = vector.shape_cast %get3A_839 : vector<1x16xf32> to vector<16xf32>
        %mul3A_841 = vector.broadcast %squeeze3A_807 : f32 to vector<16xf32>
        %mul3A_842 = arith.mulf %mul3A_841, %get3A_840 : vector<16xf32>
        %add3A_843 = arith.addf %add3A_769, %mul3A_842 : vector<16xf32>
        %add3A_844 = arith.constant 4 : i32
        %add3A_845 = arith.addi %mul3A_507, %add3A_844 : i32
        %get3A_846 = arith.index_cast %add3A_845 : i32 to index
        %get3A_847 = arith.constant 64 : index
        %get3A_848 = tpu.vector_load %arg10[%get3A_846, %get3A_847] {strides = array<i32>} : memref<320x128xf32, #tpu.memory_space<vmem>>, vector<1x16xf32>,
        %get3A_849 = vector.shape_cast %get3A_848 : vector<1x16xf32> to vector<16xf32>
        %mul3A_850 = vector.broadcast %squeeze3A_807 : f32 to vector<16xf32>
        %mul3A_851 = arith.mulf %mul3A_850, %get3A_849 : vector<16xf32>
        %add3A_852 = arith.addf %add3A_778, %mul3A_851 : vector<16xf32>
        %add3A_853 = arith.constant 4 : i32
        %add3A_854 = arith.addi %mul3A_507, %add3A_853 : i32
        %get3A_855 = arith.index_cast %add3A_854 : i32 to index
        %get3A_856 = arith.constant 80 : index
        %get3A_857 = tpu.vector_load %arg10[%get3A_855, %get3A_856] {strides = array<i32>} : memref<320x128xf32, #tpu.memory_space<vmem>>, vector<1x16xf32>,
        %get3A_858 = vector.shape_cast %get3A_857 : vector<1x16xf32> to vector<16xf32>
        %mul3A_859 = vector.broadcast %squeeze3A_807 : f32 to vector<16xf32>
        %mul3A_860 = arith.mulf %mul3A_859, %get3A_858 : vector<16xf32>
        %add3A_861 = arith.addf %add3A_787, %mul3A_860 : vector<16xf32>
        %add3A_862 = arith.constant 4 : i32
        %add3A_863 = arith.addi %mul3A_507, %add3A_862 : i32
        %get3A_864 = arith.index_cast %add3A_863 : i32 to index
        %get3A_865 = arith.constant 96 : index
        %get3A_866 = tpu.vector_load %arg10[%get3A_864, %get3A_865] {strides = array<i32>} : memref<320x128xf32, #tpu.memory_space<vmem>>, vector<1x16xf32>,
        %get3A_867 = vector.shape_cast %get3A_866 : vector<1x16xf32> to vector<16xf32>
        %mul3A_868 = vector.broadcast %squeeze3A_807 : f32 to vector<16xf32>
        %mul3A_869 = arith.mulf %mul3A_868, %get3A_867 : vector<16xf32>
        %add3A_870 = arith.addf %add3A_796, %mul3A_869 : vector<16xf32>
        %add3A_871 = arith.constant 4 : i32
        %add3A_872 = arith.addi %mul3A_507, %add3A_871 : i32
        %get3A_873 = arith.index_cast %add3A_872 : i32 to index
        %get3A_874 = arith.constant 112 : index
        %get3A_875 = tpu.vector_load %arg10[%get3A_873, %get3A_874] {strides = array<i32>} : memref<320x128xf32, #tpu.memory_space<vmem>>, vector<1x16xf32>,
        %get3A_876 = vector.shape_cast %get3A_875 : vector<1x16xf32> to vector<16xf32>
        %mul3A_877 = vector.broadcast %squeeze3A_807 : f32 to vector<16xf32>
        %mul3A_878 = arith.mulf %mul3A_877, %get3A_876 : vector<16xf32>
        %add3A_879 = arith.addf %add3A_805, %mul3A_878 : vector<16xf32>
        %slice3A_880 = vector.extract_strided_slice %get3A_511 {offsets = [5], sizes = [1], strides = [1]} : vector<16xf32> to vector<1xf32>
        %squeeze3A_881 = vector.extract %slice3A_880[0] : f32 from vector<1xf32>
        %add3A_882 = arith.constant 5 : i32
        %add3A_883 = arith.addi %mul3A_507, %add3A_882 : i32
        %get3A_884 = arith.index_cast %add3A_883 : i32 to index
        %get3A_885 = arith.constant 0 : index
        %get3A_886 = tpu.vector_load %arg10[%get3A_884, %get3A_885] {strides = array<i32>} : memref<320x128xf32, #tpu.memory_space<vmem>>, vector<1x16xf32>,
        %get3A_887 = vector.shape_cast %get3A_886 : vector<1x16xf32> to vector<16xf32>
        %mul3A_888 = vector.broadcast %squeeze3A_881 : f32 to vector<16xf32>
        %mul3A_889 = arith.mulf %mul3A_888, %get3A_887 : vector<16xf32>
        %add3A_890 = arith.addf %add3A_816, %mul3A_889 : vector<16xf32>
        %add3A_891 = arith.constant 5 : i32
        %add3A_892 = arith.addi %mul3A_507, %add3A_891 : i32
        %get3A_893 = arith.index_cast %add3A_892 : i32 to index
        %get3A_894 = arith.constant 16 : index
        %get3A_895 = tpu.vector_load %arg10[%get3A_893, %get3A_894] {strides = array<i32>} : memref<320x128xf32, #tpu.memory_space<vmem>>, vector<1x16xf32>,
        %get3A_896 = vector.shape_cast %get3A_895 : vector<1x16xf32> to vector<16xf32>
        %mul3A_897 = vector.broadcast %squeeze3A_881 : f32 to vector<16xf32>
        %mul3A_898 = arith.mulf %mul3A_897, %get3A_896 : vector<16xf32>
        %add3A_899 = arith.addf %add3A_825, %mul3A_898 : vector<16xf32>
        %add3A_900 = arith.constant 5 : i32
        %add3A_901 = arith.addi %mul3A_507, %add3A_900 : i32
        %get3A_902 = arith.index_cast %add3A_901 : i32 to index
        %get3A_903 = arith.constant 32 : index
        %get3A_904 = tpu.vector_load %arg10[%get3A_902, %get3A_903] {strides = array<i32>} : memref<320x128xf32, #tpu.memory_space<vmem>>, vector<1x16xf32>,
        %get3A_905 = vector.shape_cast %get3A_904 : vector<1x16xf32> to vector<16xf32>
        %mul3A_906 = vector.broadcast %squeeze3A_881 : f32 to vector<16xf32>
        %mul3A_907 = arith.mulf %mul3A_906, %get3A_905 : vector<16xf32>
        %add3A_908 = arith.addf %add3A_834, %mul3A_907 : vector<16xf32>
        %add3A_909 = arith.constant 5 : i32
        %add3A_910 = arith.addi %mul3A_507, %add3A_909 : i32
        %get3A_911 = arith.index_cast %add3A_910 : i32 to index
        %get3A_912 = arith.constant 48 : index
        %get3A_913 = tpu.vector_load %arg10[%get3A_911, %get3A_912] {strides = array<i32>} : memref<320x128xf32, #tpu.memory_space<vmem>>, vector<1x16xf32>,
        %get3A_914 = vector.shape_cast %get3A_913 : vector<1x16xf32> to vector<16xf32>
        %mul3A_915 = vector.broadcast %squeeze3A_881 : f32 to vector<16xf32>
        %mul3A_916 = arith.mulf %mul3A_915, %get3A_914 : vector<16xf32>
        %add3A_917 = arith.addf %add3A_843, %mul3A_916 : vector<16xf32>
        %add3A_918 = arith.constant 5 : i32
        %add3A_919 = arith.addi %mul3A_507, %add3A_918 : i32
        %get3A_920 = arith.index_cast %add3A_919 : i32 to index
        %get3A_921 = arith.constant 64 : index
        %get3A_922 = tpu.vector_load %arg10[%get3A_920, %get3A_921] {strides = array<i32>} : memref<320x128xf32, #tpu.memory_space<vmem>>, vector<1x16xf32>,
        %get3A_923 = vector.shape_cast %get3A_922 : vector<1x16xf32> to vector<16xf32>
        %mul3A_924 = vector.broadcast %squeeze3A_881 : f32 to vector<16xf32>
        %mul3A_925 = arith.mulf %mul3A_924, %get3A_923 : vector<16xf32>
        %add3A_926 = arith.addf %add3A_852, %mul3A_925 : vector<16xf32>
        %add3A_927 = arith.constant 5 : i32
        %add3A_928 = arith.addi %mul3A_507, %add3A_927 : i32
        %get3A_929 = arith.index_cast %add3A_928 : i32 to index
        %get3A_930 = arith.constant 80 : index
        %get3A_931 = tpu.vector_load %arg10[%get3A_929, %get3A_930] {strides = array<i32>} : memref<320x128xf32, #tpu.memory_space<vmem>>, vector<1x16xf32>,
        %get3A_932 = vector.shape_cast %get3A_931 : vector<1x16xf32> to vector<16xf32>
        %mul3A_933 = vector.broadcast %squeeze3A_881 : f32 to vector<16xf32>
        %mul3A_934 = arith.mulf %mul3A_933, %get3A_932 : vector<16xf32>
        %add3A_935 = arith.addf %add3A_861, %mul3A_934 : vector<16xf32>
        %add3A_936 = arith.constant 5 : i32
        %add3A_937 = arith.addi %mul3A_507, %add3A_936 : i32
        %get3A_938 = arith.index_cast %add3A_937 : i32 to index
        %get3A_939 = arith.constant 96 : index
        %get3A_940 = tpu.vector_load %arg10[%get3A_938, %get3A_939] {strides = array<i32>} : memref<320x128xf32, #tpu.memory_space<vmem>>, vector<1x16xf32>,
        %get3A_941 = vector.shape_cast %get3A_940 : vector<1x16xf32> to vector<16xf32>
        %mul3A_942 = vector.broadcast %squeeze3A_881 : f32 to vector<16xf32>
        %mul3A_943 = arith.mulf %mul3A_942, %get3A_941 : vector<16xf32>
        %add3A_944 = arith.addf %add3A_870, %mul3A_943 : vector<16xf32>
        %add3A_945 = arith.constant 5 : i32
        %add3A_946 = arith.addi %mul3A_507, %add3A_945 : i32
        %get3A_947 = arith.index_cast %add3A_946 : i32 to index
        %get3A_948 = arith.constant 112 : index
        %get3A_949 = tpu.vector_load %arg10[%get3A_947, %get3A_948] {strides = array<i32>} : memref<320x128xf32, #tpu.memory_space<vmem>>, vector<1x16xf32>,
        %get3A_950 = vector.shape_cast %get3A_949 : vector<1x16xf32> to vector<16xf32>
        %mul3A_951 = vector.broadcast %squeeze3A_881 : f32 to vector<16xf32>
        %mul3A_952 = arith.mulf %mul3A_951, %get3A_950 : vector<16xf32>
        %add3A_953 = arith.addf %add3A_879, %mul3A_952 : vector<16xf32>
        %slice3A_954 = vector.extract_strided_slice %get3A_511 {offsets = [6], sizes = [1], strides = [1]} : vector<16xf32> to vector<1xf32>
        %squeeze3A_955 = vector.extract %slice3A_954[0] : f32 from vector<1xf32>
        %add3A_956 = arith.constant 6 : i32
        %add3A_957 = arith.addi %mul3A_507, %add3A_956 : i32
        %get3A_958 = arith.index_cast %add3A_957 : i32 to index
        %get3A_959 = arith.constant 0 : index
        %get3A_960 = tpu.vector_load %arg10[%get3A_958, %get3A_959] {strides = array<i32>} : memref<320x128xf32, #tpu.memory_space<vmem>>, vector<1x16xf32>,
        %get3A_961 = vector.shape_cast %get3A_960 : vector<1x16xf32> to vector<16xf32>
        %mul3A_962 = vector.broadcast %squeeze3A_955 : f32 to vector<16xf32>
        %mul3A_963 = arith.mulf %mul3A_962, %get3A_961 : vector<16xf32>
        %add3A_964 = arith.addf %add3A_890, %mul3A_963 : vector<16xf32>
        %add3A_965 = arith.constant 6 : i32
        %add3A_966 = arith.addi %mul3A_507, %add3A_965 : i32
        %get3A_967 = arith.index_cast %add3A_966 : i32 to index
        %get3A_968 = arith.constant 16 : index
        %get3A_969 = tpu.vector_load %arg10[%get3A_967, %get3A_968] {strides = array<i32>} : memref<320x128xf32, #tpu.memory_space<vmem>>, vector<1x16xf32>,
        %get3A_970 = vector.shape_cast %get3A_969 : vector<1x16xf32> to vector<16xf32>
        %mul3A_971 = vector.broadcast %squeeze3A_955 : f32 to vector<16xf32>
        %mul3A_972 = arith.mulf %mul3A_971, %get3A_970 : vector<16xf32>
        %add3A_973 = arith.addf %add3A_899, %mul3A_972 : vector<16xf32>
        %add3A_974 = arith.constant 6 : i32
        %add3A_975 = arith.addi %mul3A_507, %add3A_974 : i32
        %get3A_976 = arith.index_cast %add3A_975 : i32 to index
        %get3A_977 = arith.constant 32 : index
        %get3A_978 = tpu.vector_load %arg10[%get3A_976, %get3A_977] {strides = array<i32>} : memref<320x128xf32, #tpu.memory_space<vmem>>, vector<1x16xf32>,
        %get3A_979 = vector.shape_cast %get3A_978 : vector<1x16xf32> to vector<16xf32>
        %mul3A_980 = vector.broadcast %squeeze3A_955 : f32 to vector<16xf32>
        %mul3A_981 = arith.mulf %mul3A_980, %get3A_979 : vector<16xf32>
        %add3A_982 = arith.addf %add3A_908, %mul3A_981 : vector<16xf32>
        %add3A_983 = arith.constant 6 : i32
        %add3A_984 = arith.addi %mul3A_507, %add3A_983 : i32
        %get3A_985 = arith.index_cast %add3A_984 : i32 to index
        %get3A_986 = arith.constant 48 : index
        %get3A_987 = tpu.vector_load %arg10[%get3A_985, %get3A_986] {strides = array<i32>} : memref<320x128xf32, #tpu.memory_space<vmem>>, vector<1x16xf32>,
        %get3A_988 = vector.shape_cast %get3A_987 : vector<1x16xf32> to vector<16xf32>
        %mul3A_989 = vector.broadcast %squeeze3A_955 : f32 to vector<16xf32>
        %mul3A_990 = arith.mulf %mul3A_989, %get3A_988 : vector<16xf32>
        %add3A_991 = arith.addf %add3A_917, %mul3A_990 : vector<16xf32>
        %add3A_992 = arith.constant 6 : i32
        %add3A_993 = arith.addi %mul3A_507, %add3A_992 : i32
        %get3A_994 = arith.index_cast %add3A_993 : i32 to index
        %get3A_995 = arith.constant 64 : index
        %get3A_996 = tpu.vector_load %arg10[%get3A_994, %get3A_995] {strides = array<i32>} : memref<320x128xf32, #tpu.memory_space<vmem>>, vector<1x16xf32>,
        %get3A_997 = vector.shape_cast %get3A_996 : vector<1x16xf32> to vector<16xf32>
        %mul3A_998 = vector.broadcast %squeeze3A_955 : f32 to vector<16xf32>
        %mul3A_999 = arith.mulf %mul3A_998, %get3A_997 : vector<16xf32>
        %add3A_1000 = arith.addf %add3A_926, %mul3A_999 : vector<16xf32>
        %add3A_1001 = arith.constant 6 : i32
        %add3A_1002 = arith.addi %mul3A_507, %add3A_1001 : i32
        %get3A_1003 = arith.index_cast %add3A_1002 : i32 to index
        %get3A_1004 = arith.constant 80 : index
        %get3A_1005 = tpu.vector_load %arg10[%get3A_1003, %get3A_1004] {strides = array<i32>} : memref<320x128xf32, #tpu.memory_space<vmem>>, vector<1x16xf32>,
        %get3A_1006 = vector.shape_cast %get3A_1005 : vector<1x16xf32> to vector<16xf32>
        %mul3A_1007 = vector.broadcast %squeeze3A_955 : f32 to vector<16xf32>
        %mul3A_1008 = arith.mulf %mul3A_1007, %get3A_1006 : vector<16xf32>
        %add3A_1009 = arith.addf %add3A_935, %mul3A_1008 : vector<16xf32>
        %add3A_1010 = arith.constant 6 : i32
        %add3A_1011 = arith.addi %mul3A_507, %add3A_1010 : i32
        %get3A_1012 = arith.index_cast %add3A_1011 : i32 to index
        %get3A_1013 = arith.constant 96 : index
        %get3A_1014 = tpu.vector_load %arg10[%get3A_1012, %get3A_1013] {strides = array<i32>} : memref<320x128xf32, #tpu.memory_space<vmem>>, vector<1x16xf32>,
        %get3A_1015 = vector.shape_cast %get3A_1014 : vector<1x16xf32> to vector<16xf32>
        %mul3A_1016 = vector.broadcast %squeeze3A_955 : f32 to vector<16xf32>
        %mul3A_1017 = arith.mulf %mul3A_1016, %get3A_1015 : vector<16xf32>
        %add3A_1018 = arith.addf %add3A_944, %mul3A_1017 : vector<16xf32>
        %add3A_1019 = arith.constant 6 : i32
        %add3A_1020 = arith.addi %mul3A_507, %add3A_1019 : i32
        %get3A_1021 = arith.index_cast %add3A_1020 : i32 to index
        %get3A_1022 = arith.constant 112 : index
        %get3A_1023 = tpu.vector_load %arg10[%get3A_1021, %get3A_1022] {strides = array<i32>} : memref<320x128xf32, #tpu.memory_space<vmem>>, vector<1x16xf32>,
        %get3A_1024 = vector.shape_cast %get3A_1023 : vector<1x16xf32> to vector<16xf32>
        %mul3A_1025 = vector.broadcast %squeeze3A_955 : f32 to vector<16xf32>
        %mul3A_1026 = arith.mulf %mul3A_1025, %get3A_1024 : vector<16xf32>
        %add3A_1027 = arith.addf %add3A_953, %mul3A_1026 : vector<16xf32>
        %slice3A_1028 = vector.extract_strided_slice %get3A_511 {offsets = [7], sizes = [1], strides = [1]} : vector<16xf32> to vector<1xf32>
        %squeeze3A_1029 = vector.extract %slice3A_1028[0] : f32 from vector<1xf32>
        %add3A_1030 = arith.constant 7 : i32
        %add3A_1031 = arith.addi %mul3A_507, %add3A_1030 : i32
        %get3A_1032 = arith.index_cast %add3A_1031 : i32 to index
        %get3A_1033 = arith.constant 0 : index
        %get3A_1034 = tpu.vector_load %arg10[%get3A_1032, %get3A_1033] {strides = array<i32>} : memref<320x128xf32, #tpu.memory_space<vmem>>, vector<1x16xf32>,
        %get3A_1035 = vector.shape_cast %get3A_1034 : vector<1x16xf32> to vector<16xf32>
        %mul3A_1036 = vector.broadcast %squeeze3A_1029 : f32 to vector<16xf32>
        %mul3A_1037 = arith.mulf %mul3A_1036, %get3A_1035 : vector<16xf32>
        %add3A_1038 = arith.addf %add3A_964, %mul3A_1037 : vector<16xf32>
        %add3A_1039 = arith.constant 7 : i32
        %add3A_1040 = arith.addi %mul3A_507, %add3A_1039 : i32
        %get3A_1041 = arith.index_cast %add3A_1040 : i32 to index
        %get3A_1042 = arith.constant 16 : index
        %get3A_1043 = tpu.vector_load %arg10[%get3A_1041, %get3A_1042] {strides = array<i32>} : memref<320x128xf32, #tpu.memory_space<vmem>>, vector<1x16xf32>,
        %get3A_1044 = vector.shape_cast %get3A_1043 : vector<1x16xf32> to vector<16xf32>
        %mul3A_1045 = vector.broadcast %squeeze3A_1029 : f32 to vector<16xf32>
        %mul3A_1046 = arith.mulf %mul3A_1045, %get3A_1044 : vector<16xf32>
        %add3A_1047 = arith.addf %add3A_973, %mul3A_1046 : vector<16xf32>
        %add3A_1048 = arith.constant 7 : i32
        %add3A_1049 = arith.addi %mul3A_507, %add3A_1048 : i32
        %get3A_1050 = arith.index_cast %add3A_1049 : i32 to index
        %get3A_1051 = arith.constant 32 : index
        %get3A_1052 = tpu.vector_load %arg10[%get3A_1050, %get3A_1051] {strides = array<i32>} : memref<320x128xf32, #tpu.memory_space<vmem>>, vector<1x16xf32>,
        %get3A_1053 = vector.shape_cast %get3A_1052 : vector<1x16xf32> to vector<16xf32>
        %mul3A_1054 = vector.broadcast %squeeze3A_1029 : f32 to vector<16xf32>
        %mul3A_1055 = arith.mulf %mul3A_1054, %get3A_1053 : vector<16xf32>
        %add3A_1056 = arith.addf %add3A_982, %mul3A_1055 : vector<16xf32>
        %add3A_1057 = arith.constant 7 : i32
        %add3A_1058 = arith.addi %mul3A_507, %add3A_1057 : i32
        %get3A_1059 = arith.index_cast %add3A_1058 : i32 to index
        %get3A_1060 = arith.constant 48 : index
        %get3A_1061 = tpu.vector_load %arg10[%get3A_1059, %get3A_1060] {strides = array<i32>} : memref<320x128xf32, #tpu.memory_space<vmem>>, vector<1x16xf32>,
        %get3A_1062 = vector.shape_cast %get3A_1061 : vector<1x16xf32> to vector<16xf32>
        %mul3A_1063 = vector.broadcast %squeeze3A_1029 : f32 to vector<16xf32>
        %mul3A_1064 = arith.mulf %mul3A_1063, %get3A_1062 : vector<16xf32>
        %add3A_1065 = arith.addf %add3A_991, %mul3A_1064 : vector<16xf32>
        %add3A_1066 = arith.constant 7 : i32
        %add3A_1067 = arith.addi %mul3A_507, %add3A_1066 : i32
        %get3A_1068 = arith.index_cast %add3A_1067 : i32 to index
        %get3A_1069 = arith.constant 64 : index
        %get3A_1070 = tpu.vector_load %arg10[%get3A_1068, %get3A_1069] {strides = array<i32>} : memref<320x128xf32, #tpu.memory_space<vmem>>, vector<1x16xf32>,
        %get3A_1071 = vector.shape_cast %get3A_1070 : vector<1x16xf32> to vector<16xf32>
        %mul3A_1072 = vector.broadcast %squeeze3A_1029 : f32 to vector<16xf32>
        %mul3A_1073 = arith.mulf %mul3A_1072, %get3A_1071 : vector<16xf32>
        %add3A_1074 = arith.addf %add3A_1000, %mul3A_1073 : vector<16xf32>
        %add3A_1075 = arith.constant 7 : i32
        %add3A_1076 = arith.addi %mul3A_507, %add3A_1075 : i32
        %get3A_1077 = arith.index_cast %add3A_1076 : i32 to index
        %get3A_1078 = arith.constant 80 : index
        %get3A_1079 = tpu.vector_load %arg10[%get3A_1077, %get3A_1078] {strides = array<i32>} : memref<320x128xf32, #tpu.memory_space<vmem>>, vector<1x16xf32>,
        %get3A_1080 = vector.shape_cast %get3A_1079 : vector<1x16xf32> to vector<16xf32>
        %mul3A_1081 = vector.broadcast %squeeze3A_1029 : f32 to vector<16xf32>
        %mul3A_1082 = arith.mulf %mul3A_1081, %get3A_1080 : vector<16xf32>
        %add3A_1083 = arith.addf %add3A_1009, %mul3A_1082 : vector<16xf32>
        %add3A_1084 = arith.constant 7 : i32
        %add3A_1085 = arith.addi %mul3A_507, %add3A_1084 : i32
        %get3A_1086 = arith.index_cast %add3A_1085 : i32 to index
        %get3A_1087 = arith.constant 96 : index
        %get3A_1088 = tpu.vector_load %arg10[%get3A_1086, %get3A_1087] {strides = array<i32>} : memref<320x128xf32, #tpu.memory_space<vmem>>, vector<1x16xf32>,
        %get3A_1089 = vector.shape_cast %get3A_1088 : vector<1x16xf32> to vector<16xf32>
        %mul3A_1090 = vector.broadcast %squeeze3A_1029 : f32 to vector<16xf32>
        %mul3A_1091 = arith.mulf %mul3A_1090, %get3A_1089 : vector<16xf32>
        %add3A_1092 = arith.addf %add3A_1018, %mul3A_1091 : vector<16xf32>
        %add3A_1093 = arith.constant 7 : i32
        %add3A_1094 = arith.addi %mul3A_507, %add3A_1093 : i32
        %get3A_1095 = arith.index_cast %add3A_1094 : i32 to index
        %get3A_1096 = arith.constant 112 : index
        %get3A_1097 = tpu.vector_load %arg10[%get3A_1095, %get3A_1096] {strides = array<i32>} : memref<320x128xf32, #tpu.memory_space<vmem>>, vector<1x16xf32>,
        %get3A_1098 = vector.shape_cast %get3A_1097 : vector<1x16xf32> to vector<16xf32>
        %mul3A_1099 = vector.broadcast %squeeze3A_1029 : f32 to vector<16xf32>
        %mul3A_1100 = arith.mulf %mul3A_1099, %get3A_1098 : vector<16xf32>
        %add3A_1101 = arith.addf %add3A_1027, %mul3A_1100 : vector<16xf32>
        %slice3A_1102 = vector.extract_strided_slice %get3A_511 {offsets = [8], sizes = [1], strides = [1]} : vector<16xf32> to vector<1xf32>
        %squeeze3A_1103 = vector.extract %slice3A_1102[0] : f32 from vector<1xf32>
        %add3A_1104 = arith.constant 8 : i32
        %add3A_1105 = arith.addi %mul3A_507, %add3A_1104 : i32
        %get3A_1106 = arith.index_cast %add3A_1105 : i32 to index
        %get3A_1107 = arith.constant 0 : index
        %get3A_1108 = tpu.vector_load %arg10[%get3A_1106, %get3A_1107] {strides = array<i32>} : memref<320x128xf32, #tpu.memory_space<vmem>>, vector<1x16xf32>,
        %get3A_1109 = vector.shape_cast %get3A_1108 : vector<1x16xf32> to vector<16xf32>
        %mul3A_1110 = vector.broadcast %squeeze3A_1103 : f32 to vector<16xf32>
        %mul3A_1111 = arith.mulf %mul3A_1110, %get3A_1109 : vector<16xf32>
        %add3A_1112 = arith.addf %add3A_1038, %mul3A_1111 : vector<16xf32>
        %add3A_1113 = arith.constant 8 : i32
        %add3A_1114 = arith.addi %mul3A_507, %add3A_1113 : i32
        %get3A_1115 = arith.index_cast %add3A_1114 : i32 to index
        %get3A_1116 = arith.constant 16 : index
        %get3A_1117 = tpu.vector_load %arg10[%get3A_1115, %get3A_1116] {strides = array<i32>} : memref<320x128xf32, #tpu.memory_space<vmem>>, vector<1x16xf32>,
        %get3A_1118 = vector.shape_cast %get3A_1117 : vector<1x16xf32> to vector<16xf32>
        %mul3A_1119 = vector.broadcast %squeeze3A_1103 : f32 to vector<16xf32>
        %mul3A_1120 = arith.mulf %mul3A_1119, %get3A_1118 : vector<16xf32>
        %add3A_1121 = arith.addf %add3A_1047, %mul3A_1120 : vector<16xf32>
        %add3A_1122 = arith.constant 8 : i32
        %add3A_1123 = arith.addi %mul3A_507, %add3A_1122 : i32
        %get3A_1124 = arith.index_cast %add3A_1123 : i32 to index
        %get3A_1125 = arith.constant 32 : index
        %get3A_1126 = tpu.vector_load %arg10[%get3A_1124, %get3A_1125] {strides = array<i32>} : memref<320x128xf32, #tpu.memory_space<vmem>>, vector<1x16xf32>,
        %get3A_1127 = vector.shape_cast %get3A_1126 : vector<1x16xf32> to vector<16xf32>
        %mul3A_1128 = vector.broadcast %squeeze3A_1103 : f32 to vector<16xf32>
        %mul3A_1129 = arith.mulf %mul3A_1128, %get3A_1127 : vector<16xf32>
        %add3A_1130 = arith.addf %add3A_1056, %mul3A_1129 : vector<16xf32>
        %add3A_1131 = arith.constant 8 : i32
        %add3A_1132 = arith.addi %mul3A_507, %add3A_1131 : i32
        %get3A_1133 = arith.index_cast %add3A_1132 : i32 to index
        %get3A_1134 = arith.constant 48 : index
        %get3A_1135 = tpu.vector_load %arg10[%get3A_1133, %get3A_1134] {strides = array<i32>} : memref<320x128xf32, #tpu.memory_space<vmem>>, vector<1x16xf32>,
        %get3A_1136 = vector.shape_cast %get3A_1135 : vector<1x16xf32> to vector<16xf32>
        %mul3A_1137 = vector.broadcast %squeeze3A_1103 : f32 to vector<16xf32>
        %mul3A_1138 = arith.mulf %mul3A_1137, %get3A_1136 : vector<16xf32>
        %add3A_1139 = arith.addf %add3A_1065, %mul3A_1138 : vector<16xf32>
        %add3A_1140 = arith.constant 8 : i32
        %add3A_1141 = arith.addi %mul3A_507, %add3A_1140 : i32
        %get3A_1142 = arith.index_cast %add3A_1141 : i32 to index
        %get3A_1143 = arith.constant 64 : index
        %get3A_1144 = tpu.vector_load %arg10[%get3A_1142, %get3A_1143] {strides = array<i32>} : memref<320x128xf32, #tpu.memory_space<vmem>>, vector<1x16xf32>,
        %get3A_1145 = vector.shape_cast %get3A_1144 : vector<1x16xf32> to vector<16xf32>
        %mul3A_1146 = vector.broadcast %squeeze3A_1103 : f32 to vector<16xf32>
        %mul3A_1147 = arith.mulf %mul3A_1146, %get3A_1145 : vector<16xf32>
        %add3A_1148 = arith.addf %add3A_1074, %mul3A_1147 : vector<16xf32>
        %add3A_1149 = arith.constant 8 : i32
        %add3A_1150 = arith.addi %mul3A_507, %add3A_1149 : i32
        %get3A_1151 = arith.index_cast %add3A_1150 : i32 to index
        %get3A_1152 = arith.constant 80 : index
        %get3A_1153 = tpu.vector_load %arg10[%get3A_1151, %get3A_1152] {strides = array<i32>} : memref<320x128xf32, #tpu.memory_space<vmem>>, vector<1x16xf32>,
        %get3A_1154 = vector.shape_cast %get3A_1153 : vector<1x16xf32> to vector<16xf32>
        %mul3A_1155 = vector.broadcast %squeeze3A_1103 : f32 to vector<16xf32>
        %mul3A_1156 = arith.mulf %mul3A_1155, %get3A_1154 : vector<16xf32>
        %add3A_1157 = arith.addf %add3A_1083, %mul3A_1156 : vector<16xf32>
        %add3A_1158 = arith.constant 8 : i32
        %add3A_1159 = arith.addi %mul3A_507, %add3A_1158 : i32
        %get3A_1160 = arith.index_cast %add3A_1159 : i32 to index
        %get3A_1161 = arith.constant 96 : index
        %get3A_1162 = tpu.vector_load %arg10[%get3A_1160, %get3A_1161] {strides = array<i32>} : memref<320x128xf32, #tpu.memory_space<vmem>>, vector<1x16xf32>,
        %get3A_1163 = vector.shape_cast %get3A_1162 : vector<1x16xf32> to vector<16xf32>
        %mul3A_1164 = vector.broadcast %squeeze3A_1103 : f32 to vector<16xf32>
        %mul3A_1165 = arith.mulf %mul3A_1164, %get3A_1163 : vector<16xf32>
        %add3A_1166 = arith.addf %add3A_1092, %mul3A_1165 : vector<16xf32>
        %add3A_1167 = arith.constant 8 : i32
        %add3A_1168 = arith.addi %mul3A_507, %add3A_1167 : i32
        %get3A_1169 = arith.index_cast %add3A_1168 : i32 to index
        %get3A_1170 = arith.constant 112 : index
        %get3A_1171 = tpu.vector_load %arg10[%get3A_1169, %get3A_1170] {strides = array<i32>} : memref<320x128xf32, #tpu.memory_space<vmem>>, vector<1x16xf32>,
        %get3A_1172 = vector.shape_cast %get3A_1171 : vector<1x16xf32> to vector<16xf32>
        %mul3A_1173 = vector.broadcast %squeeze3A_1103 : f32 to vector<16xf32>
        %mul3A_1174 = arith.mulf %mul3A_1173, %get3A_1172 : vector<16xf32>
        %add3A_1175 = arith.addf %add3A_1101, %mul3A_1174 : vector<16xf32>
        %slice3A_1176 = vector.extract_strided_slice %get3A_511 {offsets = [9], sizes = [1], strides = [1]} : vector<16xf32> to vector<1xf32>
        %squeeze3A_1177 = vector.extract %slice3A_1176[0] : f32 from vector<1xf32>
        %add3A_1178 = arith.constant 9 : i32
        %add3A_1179 = arith.addi %mul3A_507, %add3A_1178 : i32
        %get3A_1180 = arith.index_cast %add3A_1179 : i32 to index
        %get3A_1181 = arith.constant 0 : index
        %get3A_1182 = tpu.vector_load %arg10[%get3A_1180, %get3A_1181] {strides = array<i32>} : memref<320x128xf32, #tpu.memory_space<vmem>>, vector<1x16xf32>,
        %get3A_1183 = vector.shape_cast %get3A_1182 : vector<1x16xf32> to vector<16xf32>
        %mul3A_1184 = vector.broadcast %squeeze3A_1177 : f32 to vector<16xf32>
        %mul3A_1185 = arith.mulf %mul3A_1184, %get3A_1183 : vector<16xf32>
        %add3A_1186 = arith.addf %add3A_1112, %mul3A_1185 : vector<16xf32>
        %add3A_1187 = arith.constant 9 : i32
        %add3A_1188 = arith.addi %mul3A_507, %add3A_1187 : i32
        %get3A_1189 = arith.index_cast %add3A_1188 : i32 to index
        %get3A_1190 = arith.constant 16 : index
        %get3A_1191 = tpu.vector_load %arg10[%get3A_1189, %get3A_1190] {strides = array<i32>} : memref<320x128xf32, #tpu.memory_space<vmem>>, vector<1x16xf32>,
        %get3A_1192 = vector.shape_cast %get3A_1191 : vector<1x16xf32> to vector<16xf32>
        %mul3A_1193 = vector.broadcast %squeeze3A_1177 : f32 to vector<16xf32>
        %mul3A_1194 = arith.mulf %mul3A_1193, %get3A_1192 : vector<16xf32>
        %add3A_1195 = arith.addf %add3A_1121, %mul3A_1194 : vector<16xf32>
        %add3A_1196 = arith.constant 9 : i32
        %add3A_1197 = arith.addi %mul3A_507, %add3A_1196 : i32
        %get3A_1198 = arith.index_cast %add3A_1197 : i32 to index
        %get3A_1199 = arith.constant 32 : index
        %get3A_1200 = tpu.vector_load %arg10[%get3A_1198, %get3A_1199] {strides = array<i32>} : memref<320x128xf32, #tpu.memory_space<vmem>>, vector<1x16xf32>,
        %get3A_1201 = vector.shape_cast %get3A_1200 : vector<1x16xf32> to vector<16xf32>
        %mul3A_1202 = vector.broadcast %squeeze3A_1177 : f32 to vector<16xf32>
        %mul3A_1203 = arith.mulf %mul3A_1202, %get3A_1201 : vector<16xf32>
        %add3A_1204 = arith.addf %add3A_1130, %mul3A_1203 : vector<16xf32>
        %add3A_1205 = arith.constant 9 : i32
        %add3A_1206 = arith.addi %mul3A_507, %add3A_1205 : i32
        %get3A_1207 = arith.index_cast %add3A_1206 : i32 to index
        %get3A_1208 = arith.constant 48 : index
        %get3A_1209 = tpu.vector_load %arg10[%get3A_1207, %get3A_1208] {strides = array<i32>} : memref<320x128xf32, #tpu.memory_space<vmem>>, vector<1x16xf32>,
        %get3A_1210 = vector.shape_cast %get3A_1209 : vector<1x16xf32> to vector<16xf32>
        %mul3A_1211 = vector.broadcast %squeeze3A_1177 : f32 to vector<16xf32>
        %mul3A_1212 = arith.mulf %mul3A_1211, %get3A_1210 : vector<16xf32>
        %add3A_1213 = arith.addf %add3A_1139, %mul3A_1212 : vector<16xf32>
        %add3A_1214 = arith.constant 9 : i32
        %add3A_1215 = arith.addi %mul3A_507, %add3A_1214 : i32
        %get3A_1216 = arith.index_cast %add3A_1215 : i32 to index
        %get3A_1217 = arith.constant 64 : index
        %get3A_1218 = tpu.vector_load %arg10[%get3A_1216, %get3A_1217] {strides = array<i32>} : memref<320x128xf32, #tpu.memory_space<vmem>>, vector<1x16xf32>,
        %get3A_1219 = vector.shape_cast %get3A_1218 : vector<1x16xf32> to vector<16xf32>
        %mul3A_1220 = vector.broadcast %squeeze3A_1177 : f32 to vector<16xf32>
        %mul3A_1221 = arith.mulf %mul3A_1220, %get3A_1219 : vector<16xf32>
        %add3A_1222 = arith.addf %add3A_1148, %mul3A_1221 : vector<16xf32>
        %add3A_1223 = arith.constant 9 : i32
        %add3A_1224 = arith.addi %mul3A_507, %add3A_1223 : i32
        %get3A_1225 = arith.index_cast %add3A_1224 : i32 to index
        %get3A_1226 = arith.constant 80 : index
        %get3A_1227 = tpu.vector_load %arg10[%get3A_1225, %get3A_1226] {strides = array<i32>} : memref<320x128xf32, #tpu.memory_space<vmem>>, vector<1x16xf32>,
        %get3A_1228 = vector.shape_cast %get3A_1227 : vector<1x16xf32> to vector<16xf32>
        %mul3A_1229 = vector.broadcast %squeeze3A_1177 : f32 to vector<16xf32>
        %mul3A_1230 = arith.mulf %mul3A_1229, %get3A_1228 : vector<16xf32>
        %add3A_1231 = arith.addf %add3A_1157, %mul3A_1230 : vector<16xf32>
        %add3A_1232 = arith.constant 9 : i32
        %add3A_1233 = arith.addi %mul3A_507, %add3A_1232 : i32
        %get3A_1234 = arith.index_cast %add3A_1233 : i32 to index
        %get3A_1235 = arith.constant 96 : index
        %get3A_1236 = tpu.vector_load %arg10[%get3A_1234, %get3A_1235] {strides = array<i32>} : memref<320x128xf32, #tpu.memory_space<vmem>>, vector<1x16xf32>,
        %get3A_1237 = vector.shape_cast %get3A_1236 : vector<1x16xf32> to vector<16xf32>
        %mul3A_1238 = vector.broadcast %squeeze3A_1177 : f32 to vector<16xf32>
        %mul3A_1239 = arith.mulf %mul3A_1238, %get3A_1237 : vector<16xf32>
        %add3A_1240 = arith.addf %add3A_1166, %mul3A_1239 : vector<16xf32>
        %add3A_1241 = arith.constant 9 : i32
        %add3A_1242 = arith.addi %mul3A_507, %add3A_1241 : i32
        %get3A_1243 = arith.index_cast %add3A_1242 : i32 to index
        %get3A_1244 = arith.constant 112 : index
        %get3A_1245 = tpu.vector_load %arg10[%get3A_1243, %get3A_1244] {strides = array<i32>} : memref<320x128xf32, #tpu.memory_space<vmem>>, vector<1x16xf32>,
        %get3A_1246 = vector.shape_cast %get3A_1245 : vector<1x16xf32> to vector<16xf32>
        %mul3A_1247 = vector.broadcast %squeeze3A_1177 : f32 to vector<16xf32>
        %mul3A_1248 = arith.mulf %mul3A_1247, %get3A_1246 : vector<16xf32>
        %add3A_1249 = arith.addf %add3A_1175, %mul3A_1248 : vector<16xf32>
        %slice3A_1250 = vector.extract_strided_slice %get3A_511 {offsets = [10], sizes = [1], strides = [1]} : vector<16xf32> to vector<1xf32>
        %squeeze3A_1251 = vector.extract %slice3A_1250[0] : f32 from vector<1xf32>
        %add3A_1252 = arith.constant 10 : i32
        %add3A_1253 = arith.addi %mul3A_507, %add3A_1252 : i32
        %get3A_1254 = arith.index_cast %add3A_1253 : i32 to index
        %get3A_1255 = arith.constant 0 : index
        %get3A_1256 = tpu.vector_load %arg10[%get3A_1254, %get3A_1255] {strides = array<i32>} : memref<320x128xf32, #tpu.memory_space<vmem>>, vector<1x16xf32>,
        %get3A_1257 = vector.shape_cast %get3A_1256 : vector<1x16xf32> to vector<16xf32>
        %mul3A_1258 = vector.broadcast %squeeze3A_1251 : f32 to vector<16xf32>
        %mul3A_1259 = arith.mulf %mul3A_1258, %get3A_1257 : vector<16xf32>
        %add3A_1260 = arith.addf %add3A_1186, %mul3A_1259 : vector<16xf32>
        %add3A_1261 = arith.constant 10 : i32
        %add3A_1262 = arith.addi %mul3A_507, %add3A_1261 : i32
        %get3A_1263 = arith.index_cast %add3A_1262 : i32 to index
        %get3A_1264 = arith.constant 16 : index
        %get3A_1265 = tpu.vector_load %arg10[%get3A_1263, %get3A_1264] {strides = array<i32>} : memref<320x128xf32, #tpu.memory_space<vmem>>, vector<1x16xf32>,
        %get3A_1266 = vector.shape_cast %get3A_1265 : vector<1x16xf32> to vector<16xf32>
        %mul3A_1267 = vector.broadcast %squeeze3A_1251 : f32 to vector<16xf32>
        %mul3A_1268 = arith.mulf %mul3A_1267, %get3A_1266 : vector<16xf32>
        %add3A_1269 = arith.addf %add3A_1195, %mul3A_1268 : vector<16xf32>
        %add3A_1270 = arith.constant 10 : i32
        %add3A_1271 = arith.addi %mul3A_507, %add3A_1270 : i32
        %get3A_1272 = arith.index_cast %add3A_1271 : i32 to index
        %get3A_1273 = arith.constant 32 : index
        %get3A_1274 = tpu.vector_load %arg10[%get3A_1272, %get3A_1273] {strides = array<i32>} : memref<320x128xf32, #tpu.memory_space<vmem>>, vector<1x16xf32>,
        %get3A_1275 = vector.shape_cast %get3A_1274 : vector<1x16xf32> to vector<16xf32>
        %mul3A_1276 = vector.broadcast %squeeze3A_1251 : f32 to vector<16xf32>
        %mul3A_1277 = arith.mulf %mul3A_1276, %get3A_1275 : vector<16xf32>
        %add3A_1278 = arith.addf %add3A_1204, %mul3A_1277 : vector<16xf32>
        %add3A_1279 = arith.constant 10 : i32
        %add3A_1280 = arith.addi %mul3A_507, %add3A_1279 : i32
        %get3A_1281 = arith.index_cast %add3A_1280 : i32 to index
        %get3A_1282 = arith.constant 48 : index
        %get3A_1283 = tpu.vector_load %arg10[%get3A_1281, %get3A_1282] {strides = array<i32>} : memref<320x128xf32, #tpu.memory_space<vmem>>, vector<1x16xf32>,
        %get3A_1284 = vector.shape_cast %get3A_1283 : vector<1x16xf32> to vector<16xf32>
        %mul3A_1285 = vector.broadcast %squeeze3A_1251 : f32 to vector<16xf32>
        %mul3A_1286 = arith.mulf %mul3A_1285, %get3A_1284 : vector<16xf32>
        %add3A_1287 = arith.addf %add3A_1213, %mul3A_1286 : vector<16xf32>
        %add3A_1288 = arith.constant 10 : i32
        %add3A_1289 = arith.addi %mul3A_507, %add3A_1288 : i32
        %get3A_1290 = arith.index_cast %add3A_1289 : i32 to index
        %get3A_1291 = arith.constant 64 : index
        %get3A_1292 = tpu.vector_load %arg10[%get3A_1290, %get3A_1291] {strides = array<i32>} : memref<320x128xf32, #tpu.memory_space<vmem>>, vector<1x16xf32>,
        %get3A_1293 = vector.shape_cast %get3A_1292 : vector<1x16xf32> to vector<16xf32>
        %mul3A_1294 = vector.broadcast %squeeze3A_1251 : f32 to vector<16xf32>
        %mul3A_1295 = arith.mulf %mul3A_1294, %get3A_1293 : vector<16xf32>
        %add3A_1296 = arith.addf %add3A_1222, %mul3A_1295 : vector<16xf32>
        %add3A_1297 = arith.constant 10 : i32
        %add3A_1298 = arith.addi %mul3A_507, %add3A_1297 : i32
        %get3A_1299 = arith.index_cast %add3A_1298 : i32 to index
        %get3A_1300 = arith.constant 80 : index
        %get3A_1301 = tpu.vector_load %arg10[%get3A_1299, %get3A_1300] {strides = array<i32>} : memref<320x128xf32, #tpu.memory_space<vmem>>, vector<1x16xf32>,
        %get3A_1302 = vector.shape_cast %get3A_1301 : vector<1x16xf32> to vector<16xf32>
        %mul3A_1303 = vector.broadcast %squeeze3A_1251 : f32 to vector<16xf32>
        %mul3A_1304 = arith.mulf %mul3A_1303, %get3A_1302 : vector<16xf32>
        %add3A_1305 = arith.addf %add3A_1231, %mul3A_1304 : vector<16xf32>
        %add3A_1306 = arith.constant 10 : i32
        %add3A_1307 = arith.addi %mul3A_507, %add3A_1306 : i32
        %get3A_1308 = arith.index_cast %add3A_1307 : i32 to index
        %get3A_1309 = arith.constant 96 : index
        %get3A_1310 = tpu.vector_load %arg10[%get3A_1308, %get3A_1309] {strides = array<i32>} : memref<320x128xf32, #tpu.memory_space<vmem>>, vector<1x16xf32>,
        %get3A_1311 = vector.shape_cast %get3A_1310 : vector<1x16xf32> to vector<16xf32>
        %mul3A_1312 = vector.broadcast %squeeze3A_1251 : f32 to vector<16xf32>
        %mul3A_1313 = arith.mulf %mul3A_1312, %get3A_1311 : vector<16xf32>
        %add3A_1314 = arith.addf %add3A_1240, %mul3A_1313 : vector<16xf32>
        %add3A_1315 = arith.constant 10 : i32
        %add3A_1316 = arith.addi %mul3A_507, %add3A_1315 : i32
        %get3A_1317 = arith.index_cast %add3A_1316 : i32 to index
        %get3A_1318 = arith.constant 112 : index
        %get3A_1319 = tpu.vector_load %arg10[%get3A_1317, %get3A_1318] {strides = array<i32>} : memref<320x128xf32, #tpu.memory_space<vmem>>, vector<1x16xf32>,
        %get3A_1320 = vector.shape_cast %get3A_1319 : vector<1x16xf32> to vector<16xf32>
        %mul3A_1321 = vector.broadcast %squeeze3A_1251 : f32 to vector<16xf32>
        %mul3A_1322 = arith.mulf %mul3A_1321, %get3A_1320 : vector<16xf32>
        %add3A_1323 = arith.addf %add3A_1249, %mul3A_1322 : vector<16xf32>
        %slice3A_1324 = vector.extract_strided_slice %get3A_511 {offsets = [11], sizes = [1], strides = [1]} : vector<16xf32> to vector<1xf32>
        %squeeze3A_1325 = vector.extract %slice3A_1324[0] : f32 from vector<1xf32>
        %add3A_1326 = arith.constant 11 : i32
        %add3A_1327 = arith.addi %mul3A_507, %add3A_1326 : i32
        %get3A_1328 = arith.index_cast %add3A_1327 : i32 to index
        %get3A_1329 = arith.constant 0 : index
        %get3A_1330 = tpu.vector_load %arg10[%get3A_1328, %get3A_1329] {strides = array<i32>} : memref<320x128xf32, #tpu.memory_space<vmem>>, vector<1x16xf32>,
        %get3A_1331 = vector.shape_cast %get3A_1330 : vector<1x16xf32> to vector<16xf32>
        %mul3A_1332 = vector.broadcast %squeeze3A_1325 : f32 to vector<16xf32>
        %mul3A_1333 = arith.mulf %mul3A_1332, %get3A_1331 : vector<16xf32>
        %add3A_1334 = arith.addf %add3A_1260, %mul3A_1333 : vector<16xf32>
        %add3A_1335 = arith.constant 11 : i32
        %add3A_1336 = arith.addi %mul3A_507, %add3A_1335 : i32
        %get3A_1337 = arith.index_cast %add3A_1336 : i32 to index
        %get3A_1338 = arith.constant 16 : index
        %get3A_1339 = tpu.vector_load %arg10[%get3A_1337, %get3A_1338] {strides = array<i32>} : memref<320x128xf32, #tpu.memory_space<vmem>>, vector<1x16xf32>,
        %get3A_1340 = vector.shape_cast %get3A_1339 : vector<1x16xf32> to vector<16xf32>
        %mul3A_1341 = vector.broadcast %squeeze3A_1325 : f32 to vector<16xf32>
        %mul3A_1342 = arith.mulf %mul3A_1341, %get3A_1340 : vector<16xf32>
        %add3A_1343 = arith.addf %add3A_1269, %mul3A_1342 : vector<16xf32>
        %add3A_1344 = arith.constant 11 : i32
        %add3A_1345 = arith.addi %mul3A_507, %add3A_1344 : i32
        %get3A_1346 = arith.index_cast %add3A_1345 : i32 to index
        %get3A_1347 = arith.constant 32 : index
        %get3A_1348 = tpu.vector_load %arg10[%get3A_1346, %get3A_1347] {strides = array<i32>} : memref<320x128xf32, #tpu.memory_space<vmem>>, vector<1x16xf32>,
        %get3A_1349 = vector.shape_cast %get3A_1348 : vector<1x16xf32> to vector<16xf32>
        %mul3A_1350 = vector.broadcast %squeeze3A_1325 : f32 to vector<16xf32>
        %mul3A_1351 = arith.mulf %mul3A_1350, %get3A_1349 : vector<16xf32>
        %add3A_1352 = arith.addf %add3A_1278, %mul3A_1351 : vector<16xf32>
        %add3A_1353 = arith.constant 11 : i32
        %add3A_1354 = arith.addi %mul3A_507, %add3A_1353 : i32
        %get3A_1355 = arith.index_cast %add3A_1354 : i32 to index
        %get3A_1356 = arith.constant 48 : index
        %get3A_1357 = tpu.vector_load %arg10[%get3A_1355, %get3A_1356] {strides = array<i32>} : memref<320x128xf32, #tpu.memory_space<vmem>>, vector<1x16xf32>,
        %get3A_1358 = vector.shape_cast %get3A_1357 : vector<1x16xf32> to vector<16xf32>
        %mul3A_1359 = vector.broadcast %squeeze3A_1325 : f32 to vector<16xf32>
        %mul3A_1360 = arith.mulf %mul3A_1359, %get3A_1358 : vector<16xf32>
        %add3A_1361 = arith.addf %add3A_1287, %mul3A_1360 : vector<16xf32>
        %add3A_1362 = arith.constant 11 : i32
        %add3A_1363 = arith.addi %mul3A_507, %add3A_1362 : i32
        %get3A_1364 = arith.index_cast %add3A_1363 : i32 to index
        %get3A_1365 = arith.constant 64 : index
        %get3A_1366 = tpu.vector_load %arg10[%get3A_1364, %get3A_1365] {strides = array<i32>} : memref<320x128xf32, #tpu.memory_space<vmem>>, vector<1x16xf32>,
        %get3A_1367 = vector.shape_cast %get3A_1366 : vector<1x16xf32> to vector<16xf32>
        %mul3A_1368 = vector.broadcast %squeeze3A_1325 : f32 to vector<16xf32>
        %mul3A_1369 = arith.mulf %mul3A_1368, %get3A_1367 : vector<16xf32>
        %add3A_1370 = arith.addf %add3A_1296, %mul3A_1369 : vector<16xf32>
        %add3A_1371 = arith.constant 11 : i32
        %add3A_1372 = arith.addi %mul3A_507, %add3A_1371 : i32
        %get3A_1373 = arith.index_cast %add3A_1372 : i32 to index
        %get3A_1374 = arith.constant 80 : index
        %get3A_1375 = tpu.vector_load %arg10[%get3A_1373, %get3A_1374] {strides = array<i32>} : memref<320x128xf32, #tpu.memory_space<vmem>>, vector<1x16xf32>,
        %get3A_1376 = vector.shape_cast %get3A_1375 : vector<1x16xf32> to vector<16xf32>
        %mul3A_1377 = vector.broadcast %squeeze3A_1325 : f32 to vector<16xf32>
        %mul3A_1378 = arith.mulf %mul3A_1377, %get3A_1376 : vector<16xf32>
        %add3A_1379 = arith.addf %add3A_1305, %mul3A_1378 : vector<16xf32>
        %add3A_1380 = arith.constant 11 : i32
        %add3A_1381 = arith.addi %mul3A_507, %add3A_1380 : i32
        %get3A_1382 = arith.index_cast %add3A_1381 : i32 to index
        %get3A_1383 = arith.constant 96 : index
        %get3A_1384 = tpu.vector_load %arg10[%get3A_1382, %get3A_1383] {strides = array<i32>} : memref<320x128xf32, #tpu.memory_space<vmem>>, vector<1x16xf32>,
        %get3A_1385 = vector.shape_cast %get3A_1384 : vector<1x16xf32> to vector<16xf32>
        %mul3A_1386 = vector.broadcast %squeeze3A_1325 : f32 to vector<16xf32>
        %mul3A_1387 = arith.mulf %mul3A_1386, %get3A_1385 : vector<16xf32>
        %add3A_1388 = arith.addf %add3A_1314, %mul3A_1387 : vector<16xf32>
        %add3A_1389 = arith.constant 11 : i32
        %add3A_1390 = arith.addi %mul3A_507, %add3A_1389 : i32
        %get3A_1391 = arith.index_cast %add3A_1390 : i32 to index
        %get3A_1392 = arith.constant 112 : index
        %get3A_1393 = tpu.vector_load %arg10[%get3A_1391, %get3A_1392] {strides = array<i32>} : memref<320x128xf32, #tpu.memory_space<vmem>>, vector<1x16xf32>,
        %get3A_1394 = vector.shape_cast %get3A_1393 : vector<1x16xf32> to vector<16xf32>
        %mul3A_1395 = vector.broadcast %squeeze3A_1325 : f32 to vector<16xf32>
        %mul3A_1396 = arith.mulf %mul3A_1395, %get3A_1394 : vector<16xf32>
        %add3A_1397 = arith.addf %add3A_1323, %mul3A_1396 : vector<16xf32>
        %slice3A_1398 = vector.extract_strided_slice %get3A_511 {offsets = [12], sizes = [1], strides = [1]} : vector<16xf32> to vector<1xf32>
        %squeeze3A_1399 = vector.extract %slice3A_1398[0] : f32 from vector<1xf32>
        %add3A_1400 = arith.constant 12 : i32
        %add3A_1401 = arith.addi %mul3A_507, %add3A_1400 : i32
        %get3A_1402 = arith.index_cast %add3A_1401 : i32 to index
        %get3A_1403 = arith.constant 0 : index
        %get3A_1404 = tpu.vector_load %arg10[%get3A_1402, %get3A_1403] {strides = array<i32>} : memref<320x128xf32, #tpu.memory_space<vmem>>, vector<1x16xf32>,
        %get3A_1405 = vector.shape_cast %get3A_1404 : vector<1x16xf32> to vector<16xf32>
        %mul3A_1406 = vector.broadcast %squeeze3A_1399 : f32 to vector<16xf32>
        %mul3A_1407 = arith.mulf %mul3A_1406, %get3A_1405 : vector<16xf32>
        %add3A_1408 = arith.addf %add3A_1334, %mul3A_1407 : vector<16xf32>
        %add3A_1409 = arith.constant 12 : i32
        %add3A_1410 = arith.addi %mul3A_507, %add3A_1409 : i32
        %get3A_1411 = arith.index_cast %add3A_1410 : i32 to index
        %get3A_1412 = arith.constant 16 : index
        %get3A_1413 = tpu.vector_load %arg10[%get3A_1411, %get3A_1412] {strides = array<i32>} : memref<320x128xf32, #tpu.memory_space<vmem>>, vector<1x16xf32>,
        %get3A_1414 = vector.shape_cast %get3A_1413 : vector<1x16xf32> to vector<16xf32>
        %mul3A_1415 = vector.broadcast %squeeze3A_1399 : f32 to vector<16xf32>
        %mul3A_1416 = arith.mulf %mul3A_1415, %get3A_1414 : vector<16xf32>
        %add3A_1417 = arith.addf %add3A_1343, %mul3A_1416 : vector<16xf32>
        %add3A_1418 = arith.constant 12 : i32
        %add3A_1419 = arith.addi %mul3A_507, %add3A_1418 : i32
        %get3A_1420 = arith.index_cast %add3A_1419 : i32 to index
        %get3A_1421 = arith.constant 32 : index
        %get3A_1422 = tpu.vector_load %arg10[%get3A_1420, %get3A_1421] {strides = array<i32>} : memref<320x128xf32, #tpu.memory_space<vmem>>, vector<1x16xf32>,
        %get3A_1423 = vector.shape_cast %get3A_1422 : vector<1x16xf32> to vector<16xf32>
        %mul3A_1424 = vector.broadcast %squeeze3A_1399 : f32 to vector<16xf32>
        %mul3A_1425 = arith.mulf %mul3A_1424, %get3A_1423 : vector<16xf32>
        %add3A_1426 = arith.addf %add3A_1352, %mul3A_1425 : vector<16xf32>
        %add3A_1427 = arith.constant 12 : i32
        %add3A_1428 = arith.addi %mul3A_507, %add3A_1427 : i32
        %get3A_1429 = arith.index_cast %add3A_1428 : i32 to index
        %get3A_1430 = arith.constant 48 : index
        %get3A_1431 = tpu.vector_load %arg10[%get3A_1429, %get3A_1430] {strides = array<i32>} : memref<320x128xf32, #tpu.memory_space<vmem>>, vector<1x16xf32>,
        %get3A_1432 = vector.shape_cast %get3A_1431 : vector<1x16xf32> to vector<16xf32>
        %mul3A_1433 = vector.broadcast %squeeze3A_1399 : f32 to vector<16xf32>
        %mul3A_1434 = arith.mulf %mul3A_1433, %get3A_1432 : vector<16xf32>
        %add3A_1435 = arith.addf %add3A_1361, %mul3A_1434 : vector<16xf32>
        %add3A_1436 = arith.constant 12 : i32
        %add3A_1437 = arith.addi %mul3A_507, %add3A_1436 : i32
        %get3A_1438 = arith.index_cast %add3A_1437 : i32 to index
        %get3A_1439 = arith.constant 64 : index
        %get3A_1440 = tpu.vector_load %arg10[%get3A_1438, %get3A_1439] {strides = array<i32>} : memref<320x128xf32, #tpu.memory_space<vmem>>, vector<1x16xf32>,
        %get3A_1441 = vector.shape_cast %get3A_1440 : vector<1x16xf32> to vector<16xf32>
        %mul3A_1442 = vector.broadcast %squeeze3A_1399 : f32 to vector<16xf32>
        %mul3A_1443 = arith.mulf %mul3A_1442, %get3A_1441 : vector<16xf32>
        %add3A_1444 = arith.addf %add3A_1370, %mul3A_1443 : vector<16xf32>
        %add3A_1445 = arith.constant 12 : i32
        %add3A_1446 = arith.addi %mul3A_507, %add3A_1445 : i32
        %get3A_1447 = arith.index_cast %add3A_1446 : i32 to index
        %get3A_1448 = arith.constant 80 : index
        %get3A_1449 = tpu.vector_load %arg10[%get3A_1447, %get3A_1448] {strides = array<i32>} : memref<320x128xf32, #tpu.memory_space<vmem>>, vector<1x16xf32>,
        %get3A_1450 = vector.shape_cast %get3A_1449 : vector<1x16xf32> to vector<16xf32>
        %mul3A_1451 = vector.broadcast %squeeze3A_1399 : f32 to vector<16xf32>
        %mul3A_1452 = arith.mulf %mul3A_1451, %get3A_1450 : vector<16xf32>
        %add3A_1453 = arith.addf %add3A_1379, %mul3A_1452 : vector<16xf32>
        %add3A_1454 = arith.constant 12 : i32
        %add3A_1455 = arith.addi %mul3A_507, %add3A_1454 : i32
        %get3A_1456 = arith.index_cast %add3A_1455 : i32 to index
        %get3A_1457 = arith.constant 96 : index
        %get3A_1458 = tpu.vector_load %arg10[%get3A_1456, %get3A_1457] {strides = array<i32>} : memref<320x128xf32, #tpu.memory_space<vmem>>, vector<1x16xf32>,
        %get3A_1459 = vector.shape_cast %get3A_1458 : vector<1x16xf32> to vector<16xf32>
        %mul3A_1460 = vector.broadcast %squeeze3A_1399 : f32 to vector<16xf32>
        %mul3A_1461 = arith.mulf %mul3A_1460, %get3A_1459 : vector<16xf32>
        %add3A_1462 = arith.addf %add3A_1388, %mul3A_1461 : vector<16xf32>
        %add3A_1463 = arith.constant 12 : i32
        %add3A_1464 = arith.addi %mul3A_507, %add3A_1463 : i32
        %get3A_1465 = arith.index_cast %add3A_1464 : i32 to index
        %get3A_1466 = arith.constant 112 : index
        %get3A_1467 = tpu.vector_load %arg10[%get3A_1465, %get3A_1466] {strides = array<i32>} : memref<320x128xf32, #tpu.memory_space<vmem>>, vector<1x16xf32>,
        %get3A_1468 = vector.shape_cast %get3A_1467 : vector<1x16xf32> to vector<16xf32>
        %mul3A_1469 = vector.broadcast %squeeze3A_1399 : f32 to vector<16xf32>
        %mul3A_1470 = arith.mulf %mul3A_1469, %get3A_1468 : vector<16xf32>
        %add3A_1471 = arith.addf %add3A_1397, %mul3A_1470 : vector<16xf32>
        %slice3A_1472 = vector.extract_strided_slice %get3A_511 {offsets = [13], sizes = [1], strides = [1]} : vector<16xf32> to vector<1xf32>
        %squeeze3A_1473 = vector.extract %slice3A_1472[0] : f32 from vector<1xf32>
        %add3A_1474 = arith.constant 13 : i32
        %add3A_1475 = arith.addi %mul3A_507, %add3A_1474 : i32
        %get3A_1476 = arith.index_cast %add3A_1475 : i32 to index
        %get3A_1477 = arith.constant 0 : index
        %get3A_1478 = tpu.vector_load %arg10[%get3A_1476, %get3A_1477] {strides = array<i32>} : memref<320x128xf32, #tpu.memory_space<vmem>>, vector<1x16xf32>,
        %get3A_1479 = vector.shape_cast %get3A_1478 : vector<1x16xf32> to vector<16xf32>
        %mul3A_1480 = vector.broadcast %squeeze3A_1473 : f32 to vector<16xf32>
        %mul3A_1481 = arith.mulf %mul3A_1480, %get3A_1479 : vector<16xf32>
        %add3A_1482 = arith.addf %add3A_1408, %mul3A_1481 : vector<16xf32>
        %add3A_1483 = arith.constant 13 : i32
        %add3A_1484 = arith.addi %mul3A_507, %add3A_1483 : i32
        %get3A_1485 = arith.index_cast %add3A_1484 : i32 to index
        %get3A_1486 = arith.constant 16 : index
        %get3A_1487 = tpu.vector_load %arg10[%get3A_1485, %get3A_1486] {strides = array<i32>} : memref<320x128xf32, #tpu.memory_space<vmem>>, vector<1x16xf32>,
        %get3A_1488 = vector.shape_cast %get3A_1487 : vector<1x16xf32> to vector<16xf32>
        %mul3A_1489 = vector.broadcast %squeeze3A_1473 : f32 to vector<16xf32>
        %mul3A_1490 = arith.mulf %mul3A_1489, %get3A_1488 : vector<16xf32>
        %add3A_1491 = arith.addf %add3A_1417, %mul3A_1490 : vector<16xf32>
        %add3A_1492 = arith.constant 13 : i32
        %add3A_1493 = arith.addi %mul3A_507, %add3A_1492 : i32
        %get3A_1494 = arith.index_cast %add3A_1493 : i32 to index
        %get3A_1495 = arith.constant 32 : index
        %get3A_1496 = tpu.vector_load %arg10[%get3A_1494, %get3A_1495] {strides = array<i32>} : memref<320x128xf32, #tpu.memory_space<vmem>>, vector<1x16xf32>,
        %get3A_1497 = vector.shape_cast %get3A_1496 : vector<1x16xf32> to vector<16xf32>
        %mul3A_1498 = vector.broadcast %squeeze3A_1473 : f32 to vector<16xf32>
        %mul3A_1499 = arith.mulf %mul3A_1498, %get3A_1497 : vector<16xf32>
        %add3A_1500 = arith.addf %add3A_1426, %mul3A_1499 : vector<16xf32>
        %add3A_1501 = arith.constant 13 : i32
        %add3A_1502 = arith.addi %mul3A_507, %add3A_1501 : i32
        %get3A_1503 = arith.index_cast %add3A_1502 : i32 to index
        %get3A_1504 = arith.constant 48 : index
        %get3A_1505 = tpu.vector_load %arg10[%get3A_1503, %get3A_1504] {strides = array<i32>} : memref<320x128xf32, #tpu.memory_space<vmem>>, vector<1x16xf32>,
        %get3A_1506 = vector.shape_cast %get3A_1505 : vector<1x16xf32> to vector<16xf32>
        %mul3A_1507 = vector.broadcast %squeeze3A_1473 : f32 to vector<16xf32>
        %mul3A_1508 = arith.mulf %mul3A_1507, %get3A_1506 : vector<16xf32>
        %add3A_1509 = arith.addf %add3A_1435, %mul3A_1508 : vector<16xf32>
        %add3A_1510 = arith.constant 13 : i32
        %add3A_1511 = arith.addi %mul3A_507, %add3A_1510 : i32
        %get3A_1512 = arith.index_cast %add3A_1511 : i32 to index
        %get3A_1513 = arith.constant 64 : index
        %get3A_1514 = tpu.vector_load %arg10[%get3A_1512, %get3A_1513] {strides = array<i32>} : memref<320x128xf32, #tpu.memory_space<vmem>>, vector<1x16xf32>,
        %get3A_1515 = vector.shape_cast %get3A_1514 : vector<1x16xf32> to vector<16xf32>
        %mul3A_1516 = vector.broadcast %squeeze3A_1473 : f32 to vector<16xf32>
        %mul3A_1517 = arith.mulf %mul3A_1516, %get3A_1515 : vector<16xf32>
        %add3A_1518 = arith.addf %add3A_1444, %mul3A_1517 : vector<16xf32>
        %add3A_1519 = arith.constant 13 : i32
        %add3A_1520 = arith.addi %mul3A_507, %add3A_1519 : i32
        %get3A_1521 = arith.index_cast %add3A_1520 : i32 to index
        %get3A_1522 = arith.constant 80 : index
        %get3A_1523 = tpu.vector_load %arg10[%get3A_1521, %get3A_1522] {strides = array<i32>} : memref<320x128xf32, #tpu.memory_space<vmem>>, vector<1x16xf32>,
        %get3A_1524 = vector.shape_cast %get3A_1523 : vector<1x16xf32> to vector<16xf32>
        %mul3A_1525 = vector.broadcast %squeeze3A_1473 : f32 to vector<16xf32>
        %mul3A_1526 = arith.mulf %mul3A_1525, %get3A_1524 : vector<16xf32>
        %add3A_1527 = arith.addf %add3A_1453, %mul3A_1526 : vector<16xf32>
        %add3A_1528 = arith.constant 13 : i32
        %add3A_1529 = arith.addi %mul3A_507, %add3A_1528 : i32
        %get3A_1530 = arith.index_cast %add3A_1529 : i32 to index
        %get3A_1531 = arith.constant 96 : index
        %get3A_1532 = tpu.vector_load %arg10[%get3A_1530, %get3A_1531] {strides = array<i32>} : memref<320x128xf32, #tpu.memory_space<vmem>>, vector<1x16xf32>,
        %get3A_1533 = vector.shape_cast %get3A_1532 : vector<1x16xf32> to vector<16xf32>
        %mul3A_1534 = vector.broadcast %squeeze3A_1473 : f32 to vector<16xf32>
        %mul3A_1535 = arith.mulf %mul3A_1534, %get3A_1533 : vector<16xf32>
        %add3A_1536 = arith.addf %add3A_1462, %mul3A_1535 : vector<16xf32>
        %add3A_1537 = arith.constant 13 : i32
        %add3A_1538 = arith.addi %mul3A_507, %add3A_1537 : i32
        %get3A_1539 = arith.index_cast %add3A_1538 : i32 to index
        %get3A_1540 = arith.constant 112 : index
        %get3A_1541 = tpu.vector_load %arg10[%get3A_1539, %get3A_1540] {strides = array<i32>} : memref<320x128xf32, #tpu.memory_space<vmem>>, vector<1x16xf32>,
        %get3A_1542 = vector.shape_cast %get3A_1541 : vector<1x16xf32> to vector<16xf32>
        %mul3A_1543 = vector.broadcast %squeeze3A_1473 : f32 to vector<16xf32>
        %mul3A_1544 = arith.mulf %mul3A_1543, %get3A_1542 : vector<16xf32>
        %add3A_1545 = arith.addf %add3A_1471, %mul3A_1544 : vector<16xf32>
        %slice3A_1546 = vector.extract_strided_slice %get3A_511 {offsets = [14], sizes = [1], strides = [1]} : vector<16xf32> to vector<1xf32>
        %squeeze3A_1547 = vector.extract %slice3A_1546[0] : f32 from vector<1xf32>
        %add3A_1548 = arith.constant 14 : i32
        %add3A_1549 = arith.addi %mul3A_507, %add3A_1548 : i32
        %get3A_1550 = arith.index_cast %add3A_1549 : i32 to index
        %get3A_1551 = arith.constant 0 : index
        %get3A_1552 = tpu.vector_load %arg10[%get3A_1550, %get3A_1551] {strides = array<i32>} : memref<320x128xf32, #tpu.memory_space<vmem>>, vector<1x16xf32>,
        %get3A_1553 = vector.shape_cast %get3A_1552 : vector<1x16xf32> to vector<16xf32>
        %mul3A_1554 = vector.broadcast %squeeze3A_1547 : f32 to vector<16xf32>
        %mul3A_1555 = arith.mulf %mul3A_1554, %get3A_1553 : vector<16xf32>
        %add3A_1556 = arith.addf %add3A_1482, %mul3A_1555 : vector<16xf32>
        %add3A_1557 = arith.constant 14 : i32
        %add3A_1558 = arith.addi %mul3A_507, %add3A_1557 : i32
        %get3A_1559 = arith.index_cast %add3A_1558 : i32 to index
        %get3A_1560 = arith.constant 16 : index
        %get3A_1561 = tpu.vector_load %arg10[%get3A_1559, %get3A_1560] {strides = array<i32>} : memref<320x128xf32, #tpu.memory_space<vmem>>, vector<1x16xf32>,
        %get3A_1562 = vector.shape_cast %get3A_1561 : vector<1x16xf32> to vector<16xf32>
        %mul3A_1563 = vector.broadcast %squeeze3A_1547 : f32 to vector<16xf32>
        %mul3A_1564 = arith.mulf %mul3A_1563, %get3A_1562 : vector<16xf32>
        %add3A_1565 = arith.addf %add3A_1491, %mul3A_1564 : vector<16xf32>
        %add3A_1566 = arith.constant 14 : i32
        %add3A_1567 = arith.addi %mul3A_507, %add3A_1566 : i32
        %get3A_1568 = arith.index_cast %add3A_1567 : i32 to index
        %get3A_1569 = arith.constant 32 : index
        %get3A_1570 = tpu.vector_load %arg10[%get3A_1568, %get3A_1569] {strides = array<i32>} : memref<320x128xf32, #tpu.memory_space<vmem>>, vector<1x16xf32>,
        %get3A_1571 = vector.shape_cast %get3A_1570 : vector<1x16xf32> to vector<16xf32>
        %mul3A_1572 = vector.broadcast %squeeze3A_1547 : f32 to vector<16xf32>
        %mul3A_1573 = arith.mulf %mul3A_1572, %get3A_1571 : vector<16xf32>
        %add3A_1574 = arith.addf %add3A_1500, %mul3A_1573 : vector<16xf32>
        %add3A_1575 = arith.constant 14 : i32
        %add3A_1576 = arith.addi %mul3A_507, %add3A_1575 : i32
        %get3A_1577 = arith.index_cast %add3A_1576 : i32 to index
        %get3A_1578 = arith.constant 48 : index
        %get3A_1579 = tpu.vector_load %arg10[%get3A_1577, %get3A_1578] {strides = array<i32>} : memref<320x128xf32, #tpu.memory_space<vmem>>, vector<1x16xf32>,
        %get3A_1580 = vector.shape_cast %get3A_1579 : vector<1x16xf32> to vector<16xf32>
        %mul3A_1581 = vector.broadcast %squeeze3A_1547 : f32 to vector<16xf32>
        %mul3A_1582 = arith.mulf %mul3A_1581, %get3A_1580 : vector<16xf32>
        %add3A_1583 = arith.addf %add3A_1509, %mul3A_1582 : vector<16xf32>
        %add3A_1584 = arith.constant 14 : i32
        %add3A_1585 = arith.addi %mul3A_507, %add3A_1584 : i32
        %get3A_1586 = arith.index_cast %add3A_1585 : i32 to index
        %get3A_1587 = arith.constant 64 : index
        %get3A_1588 = tpu.vector_load %arg10[%get3A_1586, %get3A_1587] {strides = array<i32>} : memref<320x128xf32, #tpu.memory_space<vmem>>, vector<1x16xf32>,
        %get3A_1589 = vector.shape_cast %get3A_1588 : vector<1x16xf32> to vector<16xf32>
        %mul3A_1590 = vector.broadcast %squeeze3A_1547 : f32 to vector<16xf32>
        %mul3A_1591 = arith.mulf %mul3A_1590, %get3A_1589 : vector<16xf32>
        %add3A_1592 = arith.addf %add3A_1518, %mul3A_1591 : vector<16xf32>
        %add3A_1593 = arith.constant 14 : i32
        %add3A_1594 = arith.addi %mul3A_507, %add3A_1593 : i32
        %get3A_1595 = arith.index_cast %add3A_1594 : i32 to index
        %get3A_1596 = arith.constant 80 : index
        %get3A_1597 = tpu.vector_load %arg10[%get3A_1595, %get3A_1596] {strides = array<i32>} : memref<320x128xf32, #tpu.memory_space<vmem>>, vector<1x16xf32>,
        %get3A_1598 = vector.shape_cast %get3A_1597 : vector<1x16xf32> to vector<16xf32>
        %mul3A_1599 = vector.broadcast %squeeze3A_1547 : f32 to vector<16xf32>
        %mul3A_1600 = arith.mulf %mul3A_1599, %get3A_1598 : vector<16xf32>
        %add3A_1601 = arith.addf %add3A_1527, %mul3A_1600 : vector<16xf32>
        %add3A_1602 = arith.constant 14 : i32
        %add3A_1603 = arith.addi %mul3A_507, %add3A_1602 : i32
        %get3A_1604 = arith.index_cast %add3A_1603 : i32 to index
        %get3A_1605 = arith.constant 96 : index
        %get3A_1606 = tpu.vector_load %arg10[%get3A_1604, %get3A_1605] {strides = array<i32>} : memref<320x128xf32, #tpu.memory_space<vmem>>, vector<1x16xf32>,
        %get3A_1607 = vector.shape_cast %get3A_1606 : vector<1x16xf32> to vector<16xf32>
        %mul3A_1608 = vector.broadcast %squeeze3A_1547 : f32 to vector<16xf32>
        %mul3A_1609 = arith.mulf %mul3A_1608, %get3A_1607 : vector<16xf32>
        %add3A_1610 = arith.addf %add3A_1536, %mul3A_1609 : vector<16xf32>
        %add3A_1611 = arith.constant 14 : i32
        %add3A_1612 = arith.addi %mul3A_507, %add3A_1611 : i32
        %get3A_1613 = arith.index_cast %add3A_1612 : i32 to index
        %get3A_1614 = arith.constant 112 : index
        %get3A_1615 = tpu.vector_load %arg10[%get3A_1613, %get3A_1614] {strides = array<i32>} : memref<320x128xf32, #tpu.memory_space<vmem>>, vector<1x16xf32>,
        %get3A_1616 = vector.shape_cast %get3A_1615 : vector<1x16xf32> to vector<16xf32>
        %mul3A_1617 = vector.broadcast %squeeze3A_1547 : f32 to vector<16xf32>
        %mul3A_1618 = arith.mulf %mul3A_1617, %get3A_1616 : vector<16xf32>
        %add3A_1619 = arith.addf %add3A_1545, %mul3A_1618 : vector<16xf32>
        %slice3A_1620 = vector.extract_strided_slice %get3A_511 {offsets = [15], sizes = [1], strides = [1]} : vector<16xf32> to vector<1xf32>
        %squeeze3A_1621 = vector.extract %slice3A_1620[0] : f32 from vector<1xf32>
        %add3A_1622 = arith.constant 15 : i32
        %add3A_1623 = arith.addi %mul3A_507, %add3A_1622 : i32
        %get3A_1624 = arith.index_cast %add3A_1623 : i32 to index
        %get3A_1625 = arith.constant 0 : index
        %get3A_1626 = tpu.vector_load %arg10[%get3A_1624, %get3A_1625] {strides = array<i32>} : memref<320x128xf32, #tpu.memory_space<vmem>>, vector<1x16xf32>,
        %get3A_1627 = vector.shape_cast %get3A_1626 : vector<1x16xf32> to vector<16xf32>
        %mul3A_1628 = vector.broadcast %squeeze3A_1621 : f32 to vector<16xf32>
        %mul3A_1629 = arith.mulf %mul3A_1628, %get3A_1627 : vector<16xf32>
        %add3A_1630 = arith.addf %add3A_1556, %mul3A_1629 : vector<16xf32>
        %add3A_1631 = arith.constant 15 : i32
        %add3A_1632 = arith.addi %mul3A_507, %add3A_1631 : i32
        %get3A_1633 = arith.index_cast %add3A_1632 : i32 to index
        %get3A_1634 = arith.constant 16 : index
        %get3A_1635 = tpu.vector_load %arg10[%get3A_1633, %get3A_1634] {strides = array<i32>} : memref<320x128xf32, #tpu.memory_space<vmem>>, vector<1x16xf32>,
        %get3A_1636 = vector.shape_cast %get3A_1635 : vector<1x16xf32> to vector<16xf32>
        %mul3A_1637 = vector.broadcast %squeeze3A_1621 : f32 to vector<16xf32>
        %mul3A_1638 = arith.mulf %mul3A_1637, %get3A_1636 : vector<16xf32>
        %add3A_1639 = arith.addf %add3A_1565, %mul3A_1638 : vector<16xf32>
        %add3A_1640 = arith.constant 15 : i32
        %add3A_1641 = arith.addi %mul3A_507, %add3A_1640 : i32
        %get3A_1642 = arith.index_cast %add3A_1641 : i32 to index
        %get3A_1643 = arith.constant 32 : index
        %get3A_1644 = tpu.vector_load %arg10[%get3A_1642, %get3A_1643] {strides = array<i32>} : memref<320x128xf32, #tpu.memory_space<vmem>>, vector<1x16xf32>,
        %get3A_1645 = vector.shape_cast %get3A_1644 : vector<1x16xf32> to vector<16xf32>
        %mul3A_1646 = vector.broadcast %squeeze3A_1621 : f32 to vector<16xf32>
        %mul3A_1647 = arith.mulf %mul3A_1646, %get3A_1645 : vector<16xf32>
        %add3A_1648 = arith.addf %add3A_1574, %mul3A_1647 : vector<16xf32>
        %add3A_1649 = arith.constant 15 : i32
        %add3A_1650 = arith.addi %mul3A_507, %add3A_1649 : i32
        %get3A_1651 = arith.index_cast %add3A_1650 : i32 to index
        %get3A_1652 = arith.constant 48 : index
        %get3A_1653 = tpu.vector_load %arg10[%get3A_1651, %get3A_1652] {strides = array<i32>} : memref<320x128xf32, #tpu.memory_space<vmem>>, vector<1x16xf32>,
        %get3A_1654 = vector.shape_cast %get3A_1653 : vector<1x16xf32> to vector<16xf32>
        %mul3A_1655 = vector.broadcast %squeeze3A_1621 : f32 to vector<16xf32>
        %mul3A_1656 = arith.mulf %mul3A_1655, %get3A_1654 : vector<16xf32>
        %add3A_1657 = arith.addf %add3A_1583, %mul3A_1656 : vector<16xf32>
        %add3A_1658 = arith.constant 15 : i32
        %add3A_1659 = arith.addi %mul3A_507, %add3A_1658 : i32
        %get3A_1660 = arith.index_cast %add3A_1659 : i32 to index
        %get3A_1661 = arith.constant 64 : index
        %get3A_1662 = tpu.vector_load %arg10[%get3A_1660, %get3A_1661] {strides = array<i32>} : memref<320x128xf32, #tpu.memory_space<vmem>>, vector<1x16xf32>,
        %get3A_1663 = vector.shape_cast %get3A_1662 : vector<1x16xf32> to vector<16xf32>
        %mul3A_1664 = vector.broadcast %squeeze3A_1621 : f32 to vector<16xf32>
        %mul3A_1665 = arith.mulf %mul3A_1664, %get3A_1663 : vector<16xf32>
        %add3A_1666 = arith.addf %add3A_1592, %mul3A_1665 : vector<16xf32>
        %add3A_1667 = arith.constant 15 : i32
        %add3A_1668 = arith.addi %mul3A_507, %add3A_1667 : i32
        %get3A_1669 = arith.index_cast %add3A_1668 : i32 to index
        %get3A_1670 = arith.constant 80 : index
        %get3A_1671 = tpu.vector_load %arg10[%get3A_1669, %get3A_1670] {strides = array<i32>} : memref<320x128xf32, #tpu.memory_space<vmem>>, vector<1x16xf32>,
        %get3A_1672 = vector.shape_cast %get3A_1671 : vector<1x16xf32> to vector<16xf32>
        %mul3A_1673 = vector.broadcast %squeeze3A_1621 : f32 to vector<16xf32>
        %mul3A_1674 = arith.mulf %mul3A_1673, %get3A_1672 : vector<16xf32>
        %add3A_1675 = arith.addf %add3A_1601, %mul3A_1674 : vector<16xf32>
        %add3A_1676 = arith.constant 15 : i32
        %add3A_1677 = arith.addi %mul3A_507, %add3A_1676 : i32
        %get3A_1678 = arith.index_cast %add3A_1677 : i32 to index
        %get3A_1679 = arith.constant 96 : index
        %get3A_1680 = tpu.vector_load %arg10[%get3A_1678, %get3A_1679] {strides = array<i32>} : memref<320x128xf32, #tpu.memory_space<vmem>>, vector<1x16xf32>,
        %get3A_1681 = vector.shape_cast %get3A_1680 : vector<1x16xf32> to vector<16xf32>
        %mul3A_1682 = vector.broadcast %squeeze3A_1621 : f32 to vector<16xf32>
        %mul3A_1683 = arith.mulf %mul3A_1682, %get3A_1681 : vector<16xf32>
        %add3A_1684 = arith.addf %add3A_1610, %mul3A_1683 : vector<16xf32>
        %add3A_1685 = arith.constant 15 : i32
        %add3A_1686 = arith.addi %mul3A_507, %add3A_1685 : i32
        %get3A_1687 = arith.index_cast %add3A_1686 : i32 to index
        %get3A_1688 = arith.constant 112 : index
        %get3A_1689 = tpu.vector_load %arg10[%get3A_1687, %get3A_1688] {strides = array<i32>} : memref<320x128xf32, #tpu.memory_space<vmem>>, vector<1x16xf32>,
        %get3A_1690 = vector.shape_cast %get3A_1689 : vector<1x16xf32> to vector<16xf32>
        %mul3A_1691 = vector.broadcast %squeeze3A_1621 : f32 to vector<16xf32>
        %mul3A_1692 = arith.mulf %mul3A_1691, %get3A_1690 : vector<16xf32>
        %add3A_1693 = arith.addf %add3A_1619, %mul3A_1692 : vector<16xf32>
        scf.yield %add3A_1630, %add3A_1639, %add3A_1648, %add3A_1657, %add3A_1666, %add3A_1675, %add3A_1684, %add3A_1693 : vector<16xf32>, vector<16xf32>, vector<16xf32>, vector<16xf32>, vector<16xf32>, vector<16xf32>, vector<16xf32>, vector<16xf32>
      }
      %scan3A_211 = arith.constant 20 : i32
      %mul3A_212 = arith.constant 5.000000e-02 : f32
      %mul3A_213 = vector.broadcast %mul3A_212 : f32 to vector<16xf32>
      %mul3A_214 = arith.mulf %scan3A_210#0, %mul3A_213 : vector<16xf32>
      %swap3A = arith.index_cast %select_n3A_190 : i32 to index
      %swap3A_215 = arith.constant 0 : index
      %swap3A_216 = tpu.vector_load %arg12[%swap3A, %swap3A_215] {strides = array<i32>} : memref<16x128xf32, #tpu.memory_space<vmem>>, vector<1x16xf32>,
      %swap3A_217 = vector.shape_cast %swap3A_216 : vector<1x16xf32> to vector<16xf32>
      %swap3A_218 = vector.shape_cast %mul3A_214 : vector<16xf32> to vector<1x16xf32>
      tpu.vector_store %arg12[%swap3A, %swap3A_215], %swap3A_218 {strides = array<i32>} : memref<16x128xf32, #tpu.memory_space<vmem>>, vector<1x16xf32>,
      %mul3A_219 = arith.constant 5.000000e-02 : f32
      %mul3A_220 = vector.broadcast %mul3A_219 : f32 to vector<16xf32>
      %mul3A_221 = arith.mulf %scan3A_210#1, %mul3A_220 : vector<16xf32>
      %swap3A_222 = arith.index_cast %select_n3A_190 : i32 to index
      %swap3A_223 = arith.constant 16 : index
      %swap3A_224 = tpu.vector_load %arg12[%swap3A_222, %swap3A_223] {strides = array<i32>} : memref<16x128xf32, #tpu.memory_space<vmem>>, vector<1x16xf32>,
      %swap3A_225 = vector.shape_cast %swap3A_224 : vector<1x16xf32> to vector<16xf32>
      %swap3A_226 = vector.shape_cast %mul3A_221 : vector<16xf32> to vector<1x16xf32>
      tpu.vector_store %arg12[%swap3A_222, %swap3A_223], %swap3A_226 {strides = array<i32>} : memref<16x128xf32, #tpu.memory_space<vmem>>, vector<1x16xf32>,
      %mul3A_227 = arith.constant 5.000000e-02 : f32
      %mul3A_228 = vector.broadcast %mul3A_227 : f32 to vector<16xf32>
      %mul3A_229 = arith.mulf %scan3A_210#2, %mul3A_228 : vector<16xf32>
      %swap3A_230 = arith.index_cast %select_n3A_190 : i32 to index
      %swap3A_231 = arith.constant 32 : index
      %swap3A_232 = tpu.vector_load %arg12[%swap3A_230, %swap3A_231] {strides = array<i32>} : memref<16x128xf32, #tpu.memory_space<vmem>>, vector<1x16xf32>,
      %swap3A_233 = vector.shape_cast %swap3A_232 : vector<1x16xf32> to vector<16xf32>
      %swap3A_234 = vector.shape_cast %mul3A_229 : vector<16xf32> to vector<1x16xf32>
      tpu.vector_store %arg12[%swap3A_230, %swap3A_231], %swap3A_234 {strides = array<i32>} : memref<16x128xf32, #tpu.memory_space<vmem>>, vector<1x16xf32>,
      %mul3A_235 = arith.constant 5.000000e-02 : f32
      %mul3A_236 = vector.broadcast %mul3A_235 : f32 to vector<16xf32>
      %mul3A_237 = arith.mulf %scan3A_210#3, %mul3A_236 : vector<16xf32>
      %swap3A_238 = arith.index_cast %select_n3A_190 : i32 to index
      %swap3A_239 = arith.constant 48 : index
      %swap3A_240 = tpu.vector_load %arg12[%swap3A_238, %swap3A_239] {strides = array<i32>} : memref<16x128xf32, #tpu.memory_space<vmem>>, vector<1x16xf32>,
      %swap3A_241 = vector.shape_cast %swap3A_240 : vector<1x16xf32> to vector<16xf32>
      %swap3A_242 = vector.shape_cast %mul3A_237 : vector<16xf32> to vector<1x16xf32>
      tpu.vector_store %arg12[%swap3A_238, %swap3A_239], %swap3A_242 {strides = array<i32>} : memref<16x128xf32, #tpu.memory_space<vmem>>, vector<1x16xf32>,
      %mul3A_243 = arith.constant 5.000000e-02 : f32
      %mul3A_244 = vector.broadcast %mul3A_243 : f32 to vector<16xf32>
      %mul3A_245 = arith.mulf %scan3A_210#4, %mul3A_244 : vector<16xf32>
      %swap3A_246 = arith.index_cast %select_n3A_190 : i32 to index
      %swap3A_247 = arith.constant 64 : index
      %swap3A_248 = tpu.vector_load %arg12[%swap3A_246, %swap3A_247] {strides = array<i32>} : memref<16x128xf32, #tpu.memory_space<vmem>>, vector<1x16xf32>,
      %swap3A_249 = vector.shape_cast %swap3A_248 : vector<1x16xf32> to vector<16xf32>
      %swap3A_250 = vector.shape_cast %mul3A_245 : vector<16xf32> to vector<1x16xf32>
      tpu.vector_store %arg12[%swap3A_246, %swap3A_247], %swap3A_250 {strides = array<i32>} : memref<16x128xf32, #tpu.memory_space<vmem>>, vector<1x16xf32>,
      %mul3A_251 = arith.constant 5.000000e-02 : f32
      %mul3A_252 = vector.broadcast %mul3A_251 : f32 to vector<16xf32>
      %mul3A_253 = arith.mulf %scan3A_210#5, %mul3A_252 : vector<16xf32>
      %swap3A_254 = arith.index_cast %select_n3A_190 : i32 to index
      %swap3A_255 = arith.constant 80 : index
      %swap3A_256 = tpu.vector_load %arg12[%swap3A_254, %swap3A_255] {strides = array<i32>} : memref<16x128xf32, #tpu.memory_space<vmem>>, vector<1x16xf32>,
      %swap3A_257 = vector.shape_cast %swap3A_256 : vector<1x16xf32> to vector<16xf32>
      %swap3A_258 = vector.shape_cast %mul3A_253 : vector<16xf32> to vector<1x16xf32>
      tpu.vector_store %arg12[%swap3A_254, %swap3A_255], %swap3A_258 {strides = array<i32>} : memref<16x128xf32, #tpu.memory_space<vmem>>, vector<1x16xf32>,
      %mul3A_259 = arith.constant 5.000000e-02 : f32
      %mul3A_260 = vector.broadcast %mul3A_259 : f32 to vector<16xf32>
      %mul3A_261 = arith.mulf %scan3A_210#6, %mul3A_260 : vector<16xf32>
      %swap3A_262 = arith.index_cast %select_n3A_190 : i32 to index
      %swap3A_263 = arith.constant 96 : index
      %swap3A_264 = tpu.vector_load %arg12[%swap3A_262, %swap3A_263] {strides = array<i32>} : memref<16x128xf32, #tpu.memory_space<vmem>>, vector<1x16xf32>,
      %swap3A_265 = vector.shape_cast %swap3A_264 : vector<1x16xf32> to vector<16xf32>
      %swap3A_266 = vector.shape_cast %mul3A_261 : vector<16xf32> to vector<1x16xf32>
      tpu.vector_store %arg12[%swap3A_262, %swap3A_263], %swap3A_266 {strides = array<i32>} : memref<16x128xf32, #tpu.memory_space<vmem>>, vector<1x16xf32>,
      %mul3A_267 = arith.constant 5.000000e-02 : f32
      %mul3A_268 = vector.broadcast %mul3A_267 : f32 to vector<16xf32>
      %mul3A_269 = arith.mulf %scan3A_210#7, %mul3A_268 : vector<16xf32>
      %swap3A_270 = arith.index_cast %select_n3A_190 : i32 to index
      %swap3A_271 = arith.constant 112 : index
      %swap3A_272 = tpu.vector_load %arg12[%swap3A_270, %swap3A_271] {strides = array<i32>} : memref<16x128xf32, #tpu.memory_space<vmem>>, vector<1x16xf32>,
      %swap3A_273 = vector.shape_cast %swap3A_272 : vector<1x16xf32> to vector<16xf32>
      %swap3A_274 = vector.shape_cast %mul3A_269 : vector<16xf32> to vector<1x16xf32>
      tpu.vector_store %arg12[%swap3A_270, %swap3A_271], %swap3A_274 {strides = array<i32>} : memref<16x128xf32, #tpu.memory_space<vmem>>, vector<1x16xf32>,
      %add3A_275 = arith.addi %mul3A_2, %mul3A_99 : i32
      %add3A_276 = arith.constant 2 : i32
      %add3A_277 = arith.addi %add3A_275, %add3A_276 : i32
      %min3A = arith.minsi %add3A_277, %sub3A_5 : i32
      %dma_start3A_278 = arith.constant 0 : i32
      %dma_start3A_279 = tpu.memref_slice %arg2[%min3A, %dma_start3A_278] : memref<12288x320xi32, #tpu.memory_space<hbm>> -> memref<1x320xi32, #tpu.memory_space<hbm>>
      %dma_start3A_280 = arith.constant 0 : i32
      %dma_start3A_281 = tpu.memref_slice %arg2[%min3A, %dma_start3A_280] : memref<12288x320xi32, #tpu.memory_space<hbm>> -> memref<1x320xi32, #tpu.memory_space<hbm>>
      tpu.enqueue_dma source(%dma_start3A_281 : memref<1x320xi32, #tpu.memory_space<hbm>>) target(%arg6 : memref<1x320xi32, #tpu.memory_space<vmem>>) target_semaphore(%arg13 : memref<!tpu.dma_semaphore, #tpu.memory_space<semaphore_mem>>)
      %dma_start3A_282 = arith.constant 0 : i32
      %dma_start3A_283 = tpu.memref_slice %arg3[%min3A, %dma_start3A_282] : memref<12288x320xf32, #tpu.memory_space<hbm>> -> memref<1x320xf32, #tpu.memory_space<hbm>>
      %dma_start3A_284 = arith.constant 0 : i32
      %dma_start3A_285 = tpu.memref_slice %arg3[%min3A, %dma_start3A_284] : memref<12288x320xf32, #tpu.memory_space<hbm>> -> memref<1x320xf32, #tpu.memory_space<hbm>>
      tpu.enqueue_dma source(%dma_start3A_285 : memref<1x320xf32, #tpu.memory_space<hbm>>) target(%arg8 : memref<1x320xf32, #tpu.memory_space<vmem>>) target_semaphore(%arg13 : memref<!tpu.dma_semaphore, #tpu.memory_space<semaphore_mem>>)
      %dma_wait3A_286 = arith.constant 0 : i32
      %dma_wait3A_287 = arith.constant 0 : i32
      %dma_wait3A_288 = tpu.memref_slice %arg2[%dma_wait3A_286, %dma_wait3A_287] : memref<12288x320xi32, #tpu.memory_space<hbm>> -> memref<1x320xi32, #tpu.memory_space<hbm>>
      %dma_wait3A_289 = arith.constant 0 : i32
      %dma_wait3A_290 = arith.constant 0 : i32
      %dma_wait3A_291 = tpu.memref_slice %arg2[%dma_wait3A_289, %dma_wait3A_290] : memref<12288x320xi32, #tpu.memory_space<hbm>> -> memref<1x320xi32, #tpu.memory_space<hbm>>
      tpu.wait_dma2 semaphore(%arg13 : memref<!tpu.dma_semaphore, #tpu.memory_space<semaphore_mem>>) src(%dma_wait3A_291 : memref<1x320xi32, #tpu.memory_space<hbm>>) dst(%arg6 : memref<1x320xi32, #tpu.memory_space<vmem>>)
      %dma_wait3A_292 = arith.constant 0 : i32
      %dma_wait3A_293 = arith.constant 0 : i32
      %dma_wait3A_294 = tpu.memref_slice %arg3[%dma_wait3A_292, %dma_wait3A_293] : memref<12288x320xf32, #tpu.memory_space<hbm>> -> memref<1x320xf32, #tpu.memory_space<hbm>>
      %dma_wait3A_295 = arith.constant 0 : i32
      %dma_wait3A_296 = arith.constant 0 : i32
      %dma_wait3A_297 = tpu.memref_slice %arg3[%dma_wait3A_295, %dma_wait3A_296] : memref<12288x320xf32, #tpu.memory_space<hbm>> -> memref<1x320xf32, #tpu.memory_space<hbm>>
      tpu.wait_dma2 semaphore(%arg13 : memref<!tpu.dma_semaphore, #tpu.memory_space<semaphore_mem>>) src(%dma_wait3A_297 : memref<1x320xf32, #tpu.memory_space<hbm>>) dst(%arg8 : memref<1x320xf32, #tpu.memory_space<vmem>>)
      %dma_start3A_298 = arith.constant 0 : i32
      %dma_start3A_299 = arith.constant 0 : i32
      %dma_start3A_300 = arith.constant 0 : i32
      %dma_start3A_301 = tpu.memref_slice %arg10[%dma_start3A_299, %dma_start3A_300] : memref<320x128xf32, #tpu.memory_space<vmem>> -> memref<128x128xf32, #tpu.memory_space<vmem>>
      %dma_start3A_302 = arith.constant 0 : i32
      %dma_start3A_303 = tpu.memref_slice %arg6[%dma_start3A_298, %dma_start3A_302] : memref<1x320xi32, #tpu.memory_space<vmem>> -> memref<1x128xi32, #tpu.memory_space<vmem>>
      %dma_start3A_304 = tpu.memref_squeeze %dma_start3A_303 : memref<1x128xi32, #tpu.memory_space<vmem>> -> memref<128xi32, #tpu.memory_space<vmem>>
      %dma_start3A_305 = arith.constant 0 : i32
      %dma_start3A_306 = arith.constant 0 : i32
      %dma_start3A_307 = tpu.memref_slice %arg4[%dma_start3A_305, %dma_start3A_306] : memref<100000x128xf32, #tpu.memory_space<hbm>> -> memref<100000x128xf32, #tpu.memory_space<hbm>>
      tpu.enqueue_indirect_dma source(%dma_start3A_307 : memref<100000x128xf32, #tpu.memory_space<hbm>>) target(%dma_start3A_301 : memref<128x128xf32, #tpu.memory_space<vmem>>) offsets(%dma_start3A_304 : memref<128xi32, #tpu.memory_space<vmem>>) semaphore(%arg15 : memref<!tpu.dma_semaphore, #tpu.memory_space<semaphore_mem>>)
      %dma_start3A_308 = arith.constant 0 : i32
      %dma_start3A_309 = arith.constant 128 : i32
      %dma_start3A_310 = arith.constant 0 : i32
      %dma_start3A_311 = tpu.memref_slice %arg10[%dma_start3A_309, %dma_start3A_310] : memref<320x128xf32, #tpu.memory_space<vmem>> -> memref<128x128xf32, #tpu.memory_space<vmem>>
      %dma_start3A_312 = arith.constant 128 : i32
      %dma_start3A_313 = tpu.memref_slice %arg6[%dma_start3A_308, %dma_start3A_312] : memref<1x320xi32, #tpu.memory_space<vmem>> -> memref<1x128xi32, #tpu.memory_space<vmem>>
      %dma_start3A_314 = tpu.memref_squeeze %dma_start3A_313 : memref<1x128xi32, #tpu.memory_space<vmem>> -> memref<128xi32, #tpu.memory_space<vmem>>
      %dma_start3A_315 = arith.constant 0 : i32
      %dma_start3A_316 = arith.constant 0 : i32
      %dma_start3A_317 = tpu.memref_slice %arg4[%dma_start3A_315, %dma_start3A_316] : memref<100000x128xf32, #tpu.memory_space<hbm>> -> memref<100000x128xf32, #tpu.memory_space<hbm>>
      tpu.enqueue_indirect_dma source(%dma_start3A_317 : memref<100000x128xf32, #tpu.memory_space<hbm>>) target(%dma_start3A_311 : memref<128x128xf32, #tpu.memory_space<vmem>>) offsets(%dma_start3A_314 : memref<128xi32, #tpu.memory_space<vmem>>) semaphore(%arg15 : memref<!tpu.dma_semaphore, #tpu.memory_space<semaphore_mem>>)
      %dma_start3A_318 = arith.constant 0 : i32
      %dma_start3A_319 = arith.constant 256 : i32
      %dma_start3A_320 = arith.constant 0 : i32
      %dma_start3A_321 = tpu.memref_slice %arg10[%dma_start3A_319, %dma_start3A_320] : memref<320x128xf32, #tpu.memory_space<vmem>> -> memref<64x128xf32, #tpu.memory_space<vmem>>
      %dma_start3A_322 = arith.constant 256 : i32
      %dma_start3A_323 = tpu.memref_slice %arg6[%dma_start3A_318, %dma_start3A_322] : memref<1x320xi32, #tpu.memory_space<vmem>> -> memref<1x64xi32, #tpu.memory_space<vmem>>
      %dma_start3A_324 = tpu.memref_squeeze %dma_start3A_323 : memref<1x64xi32, #tpu.memory_space<vmem>> -> memref<64xi32, #tpu.memory_space<vmem>>
      %dma_start3A_325 = arith.constant 0 : i32
      %dma_start3A_326 = arith.constant 0 : i32
      %dma_start3A_327 = tpu.memref_slice %arg4[%dma_start3A_325, %dma_start3A_326] : memref<100000x128xf32, #tpu.memory_space<hbm>> -> memref<100000x128xf32, #tpu.memory_space<hbm>>
      tpu.enqueue_indirect_dma source(%dma_start3A_327 : memref<100000x128xf32, #tpu.memory_space<hbm>>) target(%dma_start3A_321 : memref<64x128xf32, #tpu.memory_space<vmem>>) offsets(%dma_start3A_324 : memref<64xi32, #tpu.memory_space<vmem>>) semaphore(%arg15 : memref<!tpu.dma_semaphore, #tpu.memory_space<semaphore_mem>>)
      %dma_wait3A_328 = arith.constant 0 : i32
      %dma_wait3A_329 = arith.constant 0 : i32
      %dma_wait3A_330 = tpu.memref_slice %arg11[%dma_wait3A_328, %dma_wait3A_329] : memref<320x128xf32, #tpu.memory_space<vmem>> -> memref<128x128xf32, #tpu.memory_space<vmem>>
      %dma_wait3A_331 = arith.constant 0 : i32
      %dma_wait3A_332 = arith.constant 0 : i32
      %dma_wait3A_333 = tpu.memref_slice %arg4[%dma_wait3A_331, %dma_wait3A_332] : memref<100000x128xf32, #tpu.memory_space<hbm>> -> memref<128x128xf32, #tpu.memory_space<hbm>>
      %dma_wait3A_334 = arith.constant 0 : i32
      %dma_wait3A_335 = arith.constant 0 : i32
      %dma_wait3A_336 = tpu.memref_slice %arg11[%dma_wait3A_334, %dma_wait3A_335] : memref<320x128xf32, #tpu.memory_space<vmem>> -> memref<128x128xf32, #tpu.memory_space<vmem>>
      %dma_wait3A_337 = arith.constant 0 : i32
      %dma_wait3A_338 = arith.constant 0 : i32
      %dma_wait3A_339 = tpu.memref_slice %arg4[%dma_wait3A_337, %dma_wait3A_338] : memref<100000x128xf32, #tpu.memory_space<hbm>> -> memref<128x128xf32, #tpu.memory_space<hbm>>
      tpu.wait_dma2 semaphore(%arg16 : memref<!tpu.dma_semaphore, #tpu.memory_space<semaphore_mem>>) src(%dma_wait3A_339 : memref<128x128xf32, #tpu.memory_space<hbm>>) dst(%dma_wait3A_336 : memref<128x128xf32, #tpu.memory_space<vmem>>)
      %dma_wait3A_340 = arith.constant 128 : i32
      %dma_wait3A_341 = arith.constant 0 : i32
      %dma_wait3A_342 = tpu.memref_slice %arg11[%dma_wait3A_340, %dma_wait3A_341] : memref<320x128xf32, #tpu.memory_space<vmem>> -> memref<128x128xf32, #tpu.memory_space<vmem>>
      %dma_wait3A_343 = arith.constant 0 : i32
      %dma_wait3A_344 = arith.constant 0 : i32
      %dma_wait3A_345 = tpu.memref_slice %arg4[%dma_wait3A_343, %dma_wait3A_344] : memref<100000x128xf32, #tpu.memory_space<hbm>> -> memref<128x128xf32, #tpu.memory_space<hbm>>
      %dma_wait3A_346 = arith.constant 128 : i32
      %dma_wait3A_347 = arith.constant 0 : i32
      %dma_wait3A_348 = tpu.memref_slice %arg11[%dma_wait3A_346, %dma_wait3A_347] : memref<320x128xf32, #tpu.memory_space<vmem>> -> memref<128x128xf32, #tpu.memory_space<vmem>>
      %dma_wait3A_349 = arith.constant 0 : i32
      %dma_wait3A_350 = arith.constant 0 : i32
      %dma_wait3A_351 = tpu.memref_slice %arg4[%dma_wait3A_349, %dma_wait3A_350] : memref<100000x128xf32, #tpu.memory_space<hbm>> -> memref<128x128xf32, #tpu.memory_space<hbm>>
      tpu.wait_dma2 semaphore(%arg16 : memref<!tpu.dma_semaphore, #tpu.memory_space<semaphore_mem>>) src(%dma_wait3A_351 : memref<128x128xf32, #tpu.memory_space<hbm>>) dst(%dma_wait3A_348 : memref<128x128xf32, #tpu.memory_space<vmem>>)
      %dma_wait3A_352 = arith.constant 256 : i32
      %dma_wait3A_353 = arith.constant 0 : i32
      %dma_wait3A_354 = tpu.memref_slice %arg11[%dma_wait3A_352, %dma_wait3A_353] : memref<320x128xf32, #tpu.memory_space<vmem>> -> memref<64x128xf32, #tpu.memory_space<vmem>>
      %dma_wait3A_355 = arith.constant 0 : i32
      %dma_wait3A_356 = arith.constant 0 : i32
      %dma_wait3A_357 = tpu.memref_slice %arg4[%dma_wait3A_355, %dma_wait3A_356] : memref<100000x128xf32, #tpu.memory_space<hbm>> -> memref<64x128xf32, #tpu.memory_space<hbm>>
      %dma_wait3A_358 = arith.constant 256 : i32
      %dma_wait3A_359 = arith.constant 0 : i32
      %dma_wait3A_360 = tpu.memref_slice %arg11[%dma_wait3A_358, %dma_wait3A_359] : memref<320x128xf32, #tpu.memory_space<vmem>> -> memref<64x128xf32, #tpu.memory_space<vmem>>
      %dma_wait3A_361 = arith.constant 0 : i32
      %dma_wait3A_362 = arith.constant 0 : i32
      %dma_wait3A_363 = tpu.memref_slice %arg4[%dma_wait3A_361, %dma_wait3A_362] : memref<100000x128xf32, #tpu.memory_space<hbm>> -> memref<64x128xf32, #tpu.memory_space<hbm>>
      tpu.wait_dma2 semaphore(%arg16 : memref<!tpu.dma_semaphore, #tpu.memory_space<semaphore_mem>>) src(%dma_wait3A_363 : memref<64x128xf32, #tpu.memory_space<hbm>>) dst(%dma_wait3A_360 : memref<64x128xf32, #tpu.memory_space<vmem>>)
      %jit3A_364 = arith.constant 16 : i32
      %eq3A_365 = arith.constant 0 : i32
      %eq3A_366 = arith.cmpi eq, %jit3A_364, %eq3A_365 : i32
      %jit3A_367 = arith.constant 1 : i32
      %select_n3A_368 = arith.select %eq3A_366, %jit3A_367, %jit3A_364 : i32
      %rem3A_369 = arith.remsi %add3A_103, %select_n3A_368 : i32
      %ne3A_370 = arith.constant 0 : i32
      %ne3A_371 = arith.cmpi ne, %rem3A_369, %ne3A_370 : i32
      %lt3A_372 = arith.constant 0 : i32
      %lt3A_373 = arith.cmpi slt, %rem3A_369, %lt3A_372 : i32
      %lt3A_374 = arith.constant 0 : i32
      %lt3A_375 = arith.cmpi slt, %select_n3A_368, %lt3A_374 : i32
      %ne3A_376 = arith.xori %lt3A_373, %lt3A_375 : i1
      %and3A_377 = arith.andi %ne3A_376, %ne3A_371 : i1
      %add3A_378 = arith.addi %rem3A_369, %select_n3A_368 : i32
      %select_n3A_379 = arith.select %and3A_377, %add3A_378, %rem3A_369 : i32
      %broadcast_in_dim3A_380 = arith.constant 0.000000e+00 : f32
      %broadcast_in_dim3A_381 = vector.broadcast %broadcast_in_dim3A_380 : f32 to vector<16xf32>
      %broadcast_in_dim3A_382 = arith.constant 0.000000e+00 : f32
      %broadcast_in_dim3A_383 = vector.broadcast %broadcast_in_dim3A_382 : f32 to vector<16xf32>
      %broadcast_in_dim3A_384 = arith.constant 0.000000e+00 : f32
      %broadcast_in_dim3A_385 = vector.broadcast %broadcast_in_dim3A_384 : f32 to vector<16xf32>
      %broadcast_in_dim3A_386 = arith.constant 0.000000e+00 : f32
      %broadcast_in_dim3A_387 = vector.broadcast %broadcast_in_dim3A_386 : f32 to vector<16xf32>
      %broadcast_in_dim3A_388 = arith.constant 0.000000e+00 : f32
      %broadcast_in_dim3A_389 = vector.broadcast %broadcast_in_dim3A_388 : f32 to vector<16xf32>
      %broadcast_in_dim3A_390 = arith.constant 0.000000e+00 : f32
      %broadcast_in_dim3A_391 = vector.broadcast %broadcast_in_dim3A_390 : f32 to vector<16xf32>
      %broadcast_in_dim3A_392 = arith.constant 0.000000e+00 : f32
      %broadcast_in_dim3A_393 = vector.broadcast %broadcast_in_dim3A_392 : f32 to vector<16xf32>
      %broadcast_in_dim3A_394 = arith.constant 0.000000e+00 : f32
      %broadcast_in_dim3A_395 = vector.broadcast %broadcast_in_dim3A_394 : f32 to vector<16xf32>
      %scan3A_396 = arith.constant 0 : i32
      %scan3A_397 = arith.constant 20 : i32
      %scan3A_398 = arith.addi %scan3A_396, %scan3A_397 : i32
      %scan3A_399 = arith.constant 1 : i32
      %scan3A_400:8 = scf.for %scan3A_497 = %scan3A_396 to %scan3A_398 step %scan3A_399 iter_args(%scan3A_498 = %broadcast_in_dim3A_381, %scan3A_499 = %broadcast_in_dim3A_383, %scan3A_500 = %broadcast_in_dim3A_385, %scan3A_501 = %broadcast_in_dim3A_387, %scan3A_502 = %broadcast_in_dim3A_389, %scan3A_503 = %broadcast_in_dim3A_391, %scan3A_504 = %broadcast_in_dim3A_393, %scan3A_505 = %broadcast_in_dim3A_395) -> (vector<16xf32>, vector<16xf32>, vector<16xf32>, vector<16xf32>, vector<16xf32>, vector<16xf32>, vector<16xf32>, vector<16xf32>)  : i32 {
        %mul3A_506 = arith.constant 16 : i32
        %mul3A_507 = arith.muli %scan3A_497, %mul3A_506 : i32
        %get3A = arith.constant 0 : i32
        %get3A_508 = arith.index_cast %get3A : i32 to index
        %get3A_509 = arith.index_cast %mul3A_507 : i32 to index
        %get3A_510 = tpu.vector_load %arg9[%get3A_508, %get3A_509] {strides = array<i32>} : memref<1x320xf32, #tpu.memory_space<vmem>>, vector<1x16xf32>,
        %get3A_511 = vector.shape_cast %get3A_510 : vector<1x16xf32> to vector<16xf32>
        %slice3A = vector.extract_strided_slice %get3A_511 {offsets = [0], sizes = [1], strides = [1]} : vector<16xf32> to vector<1xf32>
        %squeeze3A = vector.extract %slice3A[0] : f32 from vector<1xf32>
        %add3A_512 = arith.constant 0 : i32
        %add3A_513 = arith.addi %mul3A_507, %add3A_512 : i32
        %get3A_514 = arith.index_cast %add3A_513 : i32 to index
        %get3A_515 = arith.constant 0 : index
        %get3A_516 = tpu.vector_load %arg11[%get3A_514, %get3A_515] {strides = array<i32>} : memref<320x128xf32, #tpu.memory_space<vmem>>, vector<1x16xf32>,
        %get3A_517 = vector.shape_cast %get3A_516 : vector<1x16xf32> to vector<16xf32>
        %mul3A_518 = vector.broadcast %squeeze3A : f32 to vector<16xf32>
        %mul3A_519 = arith.mulf %mul3A_518, %get3A_517 : vector<16xf32>
        %add3A_520 = arith.addf %scan3A_498, %mul3A_519 : vector<16xf32>
        %add3A_521 = arith.constant 0 : i32
        %add3A_522 = arith.addi %mul3A_507, %add3A_521 : i32
        %get3A_523 = arith.index_cast %add3A_522 : i32 to index
        %get3A_524 = arith.constant 16 : index
        %get3A_525 = tpu.vector_load %arg11[%get3A_523, %get3A_524] {strides = array<i32>} : memref<320x128xf32, #tpu.memory_space<vmem>>, vector<1x16xf32>,
        %get3A_526 = vector.shape_cast %get3A_525 : vector<1x16xf32> to vector<16xf32>
        %mul3A_527 = vector.broadcast %squeeze3A : f32 to vector<16xf32>
        %mul3A_528 = arith.mulf %mul3A_527, %get3A_526 : vector<16xf32>
        %add3A_529 = arith.addf %scan3A_499, %mul3A_528 : vector<16xf32>
        %add3A_530 = arith.constant 0 : i32
        %add3A_531 = arith.addi %mul3A_507, %add3A_530 : i32
        %get3A_532 = arith.index_cast %add3A_531 : i32 to index
        %get3A_533 = arith.constant 32 : index
        %get3A_534 = tpu.vector_load %arg11[%get3A_532, %get3A_533] {strides = array<i32>} : memref<320x128xf32, #tpu.memory_space<vmem>>, vector<1x16xf32>,
        %get3A_535 = vector.shape_cast %get3A_534 : vector<1x16xf32> to vector<16xf32>
        %mul3A_536 = vector.broadcast %squeeze3A : f32 to vector<16xf32>
        %mul3A_537 = arith.mulf %mul3A_536, %get3A_535 : vector<16xf32>
        %add3A_538 = arith.addf %scan3A_500, %mul3A_537 : vector<16xf32>
        %add3A_539 = arith.constant 0 : i32
        %add3A_540 = arith.addi %mul3A_507, %add3A_539 : i32
        %get3A_541 = arith.index_cast %add3A_540 : i32 to index
        %get3A_542 = arith.constant 48 : index
        %get3A_543 = tpu.vector_load %arg11[%get3A_541, %get3A_542] {strides = array<i32>} : memref<320x128xf32, #tpu.memory_space<vmem>>, vector<1x16xf32>,
        %get3A_544 = vector.shape_cast %get3A_543 : vector<1x16xf32> to vector<16xf32>
        %mul3A_545 = vector.broadcast %squeeze3A : f32 to vector<16xf32>
        %mul3A_546 = arith.mulf %mul3A_545, %get3A_544 : vector<16xf32>
        %add3A_547 = arith.addf %scan3A_501, %mul3A_546 : vector<16xf32>
        %add3A_548 = arith.constant 0 : i32
        %add3A_549 = arith.addi %mul3A_507, %add3A_548 : i32
        %get3A_550 = arith.index_cast %add3A_549 : i32 to index
        %get3A_551 = arith.constant 64 : index
        %get3A_552 = tpu.vector_load %arg11[%get3A_550, %get3A_551] {strides = array<i32>} : memref<320x128xf32, #tpu.memory_space<vmem>>, vector<1x16xf32>,
        %get3A_553 = vector.shape_cast %get3A_552 : vector<1x16xf32> to vector<16xf32>
        %mul3A_554 = vector.broadcast %squeeze3A : f32 to vector<16xf32>
        %mul3A_555 = arith.mulf %mul3A_554, %get3A_553 : vector<16xf32>
        %add3A_556 = arith.addf %scan3A_502, %mul3A_555 : vector<16xf32>
        %add3A_557 = arith.constant 0 : i32
        %add3A_558 = arith.addi %mul3A_507, %add3A_557 : i32
        %get3A_559 = arith.index_cast %add3A_558 : i32 to index
        %get3A_560 = arith.constant 80 : index
        %get3A_561 = tpu.vector_load %arg11[%get3A_559, %get3A_560] {strides = array<i32>} : memref<320x128xf32, #tpu.memory_space<vmem>>, vector<1x16xf32>,
        %get3A_562 = vector.shape_cast %get3A_561 : vector<1x16xf32> to vector<16xf32>
        %mul3A_563 = vector.broadcast %squeeze3A : f32 to vector<16xf32>
        %mul3A_564 = arith.mulf %mul3A_563, %get3A_562 : vector<16xf32>
        %add3A_565 = arith.addf %scan3A_503, %mul3A_564 : vector<16xf32>
        %add3A_566 = arith.constant 0 : i32
        %add3A_567 = arith.addi %mul3A_507, %add3A_566 : i32
        %get3A_568 = arith.index_cast %add3A_567 : i32 to index
        %get3A_569 = arith.constant 96 : index
        %get3A_570 = tpu.vector_load %arg11[%get3A_568, %get3A_569] {strides = array<i32>} : memref<320x128xf32, #tpu.memory_space<vmem>>, vector<1x16xf32>,
        %get3A_571 = vector.shape_cast %get3A_570 : vector<1x16xf32> to vector<16xf32>
        %mul3A_572 = vector.broadcast %squeeze3A : f32 to vector<16xf32>
        %mul3A_573 = arith.mulf %mul3A_572, %get3A_571 : vector<16xf32>
        %add3A_574 = arith.addf %scan3A_504, %mul3A_573 : vector<16xf32>
        %add3A_575 = arith.constant 0 : i32
        %add3A_576 = arith.addi %mul3A_507, %add3A_575 : i32
        %get3A_577 = arith.index_cast %add3A_576 : i32 to index
        %get3A_578 = arith.constant 112 : index
        %get3A_579 = tpu.vector_load %arg11[%get3A_577, %get3A_578] {strides = array<i32>} : memref<320x128xf32, #tpu.memory_space<vmem>>, vector<1x16xf32>,
        %get3A_580 = vector.shape_cast %get3A_579 : vector<1x16xf32> to vector<16xf32>
        %mul3A_581 = vector.broadcast %squeeze3A : f32 to vector<16xf32>
        %mul3A_582 = arith.mulf %mul3A_581, %get3A_580 : vector<16xf32>
        %add3A_583 = arith.addf %scan3A_505, %mul3A_582 : vector<16xf32>
        %slice3A_584 = vector.extract_strided_slice %get3A_511 {offsets = [1], sizes = [1], strides = [1]} : vector<16xf32> to vector<1xf32>
        %squeeze3A_585 = vector.extract %slice3A_584[0] : f32 from vector<1xf32>
        %add3A_586 = arith.constant 1 : i32
        %add3A_587 = arith.addi %mul3A_507, %add3A_586 : i32
        %get3A_588 = arith.index_cast %add3A_587 : i32 to index
        %get3A_589 = arith.constant 0 : index
        %get3A_590 = tpu.vector_load %arg11[%get3A_588, %get3A_589] {strides = array<i32>} : memref<320x128xf32, #tpu.memory_space<vmem>>, vector<1x16xf32>,
        %get3A_591 = vector.shape_cast %get3A_590 : vector<1x16xf32> to vector<16xf32>
        %mul3A_592 = vector.broadcast %squeeze3A_585 : f32 to vector<16xf32>
        %mul3A_593 = arith.mulf %mul3A_592, %get3A_591 : vector<16xf32>
        %add3A_594 = arith.addf %add3A_520, %mul3A_593 : vector<16xf32>
        %add3A_595 = arith.constant 1 : i32
        %add3A_596 = arith.addi %mul3A_507, %add3A_595 : i32
        %get3A_597 = arith.index_cast %add3A_596 : i32 to index
        %get3A_598 = arith.constant 16 : index
        %get3A_599 = tpu.vector_load %arg11[%get3A_597, %get3A_598] {strides = array<i32>} : memref<320x128xf32, #tpu.memory_space<vmem>>, vector<1x16xf32>,
        %get3A_600 = vector.shape_cast %get3A_599 : vector<1x16xf32> to vector<16xf32>
        %mul3A_601 = vector.broadcast %squeeze3A_585 : f32 to vector<16xf32>
        %mul3A_602 = arith.mulf %mul3A_601, %get3A_600 : vector<16xf32>
        %add3A_603 = arith.addf %add3A_529, %mul3A_602 : vector<16xf32>
        %add3A_604 = arith.constant 1 : i32
        %add3A_605 = arith.addi %mul3A_507, %add3A_604 : i32
        %get3A_606 = arith.index_cast %add3A_605 : i32 to index
        %get3A_607 = arith.constant 32 : index
        %get3A_608 = tpu.vector_load %arg11[%get3A_606, %get3A_607] {strides = array<i32>} : memref<320x128xf32, #tpu.memory_space<vmem>>, vector<1x16xf32>,
        %get3A_609 = vector.shape_cast %get3A_608 : vector<1x16xf32> to vector<16xf32>
        %mul3A_610 = vector.broadcast %squeeze3A_585 : f32 to vector<16xf32>
        %mul3A_611 = arith.mulf %mul3A_610, %get3A_609 : vector<16xf32>
        %add3A_612 = arith.addf %add3A_538, %mul3A_611 : vector<16xf32>
        %add3A_613 = arith.constant 1 : i32
        %add3A_614 = arith.addi %mul3A_507, %add3A_613 : i32
        %get3A_615 = arith.index_cast %add3A_614 : i32 to index
        %get3A_616 = arith.constant 48 : index
        %get3A_617 = tpu.vector_load %arg11[%get3A_615, %get3A_616] {strides = array<i32>} : memref<320x128xf32, #tpu.memory_space<vmem>>, vector<1x16xf32>,
        %get3A_618 = vector.shape_cast %get3A_617 : vector<1x16xf32> to vector<16xf32>
        %mul3A_619 = vector.broadcast %squeeze3A_585 : f32 to vector<16xf32>
        %mul3A_620 = arith.mulf %mul3A_619, %get3A_618 : vector<16xf32>
        %add3A_621 = arith.addf %add3A_547, %mul3A_620 : vector<16xf32>
        %add3A_622 = arith.constant 1 : i32
        %add3A_623 = arith.addi %mul3A_507, %add3A_622 : i32
        %get3A_624 = arith.index_cast %add3A_623 : i32 to index
        %get3A_625 = arith.constant 64 : index
        %get3A_626 = tpu.vector_load %arg11[%get3A_624, %get3A_625] {strides = array<i32>} : memref<320x128xf32, #tpu.memory_space<vmem>>, vector<1x16xf32>,
        %get3A_627 = vector.shape_cast %get3A_626 : vector<1x16xf32> to vector<16xf32>
        %mul3A_628 = vector.broadcast %squeeze3A_585 : f32 to vector<16xf32>
        %mul3A_629 = arith.mulf %mul3A_628, %get3A_627 : vector<16xf32>
        %add3A_630 = arith.addf %add3A_556, %mul3A_629 : vector<16xf32>
        %add3A_631 = arith.constant 1 : i32
        %add3A_632 = arith.addi %mul3A_507, %add3A_631 : i32
        %get3A_633 = arith.index_cast %add3A_632 : i32 to index
        %get3A_634 = arith.constant 80 : index
        %get3A_635 = tpu.vector_load %arg11[%get3A_633, %get3A_634] {strides = array<i32>} : memref<320x128xf32, #tpu.memory_space<vmem>>, vector<1x16xf32>,
        %get3A_636 = vector.shape_cast %get3A_635 : vector<1x16xf32> to vector<16xf32>
        %mul3A_637 = vector.broadcast %squeeze3A_585 : f32 to vector<16xf32>
        %mul3A_638 = arith.mulf %mul3A_637, %get3A_636 : vector<16xf32>
        %add3A_639 = arith.addf %add3A_565, %mul3A_638 : vector<16xf32>
        %add3A_640 = arith.constant 1 : i32
        %add3A_641 = arith.addi %mul3A_507, %add3A_640 : i32
        %get3A_642 = arith.index_cast %add3A_641 : i32 to index
        %get3A_643 = arith.constant 96 : index
        %get3A_644 = tpu.vector_load %arg11[%get3A_642, %get3A_643] {strides = array<i32>} : memref<320x128xf32, #tpu.memory_space<vmem>>, vector<1x16xf32>,
        %get3A_645 = vector.shape_cast %get3A_644 : vector<1x16xf32> to vector<16xf32>
        %mul3A_646 = vector.broadcast %squeeze3A_585 : f32 to vector<16xf32>
        %mul3A_647 = arith.mulf %mul3A_646, %get3A_645 : vector<16xf32>
        %add3A_648 = arith.addf %add3A_574, %mul3A_647 : vector<16xf32>
        %add3A_649 = arith.constant 1 : i32
        %add3A_650 = arith.addi %mul3A_507, %add3A_649 : i32
        %get3A_651 = arith.index_cast %add3A_650 : i32 to index
        %get3A_652 = arith.constant 112 : index
        %get3A_653 = tpu.vector_load %arg11[%get3A_651, %get3A_652] {strides = array<i32>} : memref<320x128xf32, #tpu.memory_space<vmem>>, vector<1x16xf32>,
        %get3A_654 = vector.shape_cast %get3A_653 : vector<1x16xf32> to vector<16xf32>
        %mul3A_655 = vector.broadcast %squeeze3A_585 : f32 to vector<16xf32>
        %mul3A_656 = arith.mulf %mul3A_655, %get3A_654 : vector<16xf32>
        %add3A_657 = arith.addf %add3A_583, %mul3A_656 : vector<16xf32>
        %slice3A_658 = vector.extract_strided_slice %get3A_511 {offsets = [2], sizes = [1], strides = [1]} : vector<16xf32> to vector<1xf32>
        %squeeze3A_659 = vector.extract %slice3A_658[0] : f32 from vector<1xf32>
        %add3A_660 = arith.constant 2 : i32
        %add3A_661 = arith.addi %mul3A_507, %add3A_660 : i32
        %get3A_662 = arith.index_cast %add3A_661 : i32 to index
        %get3A_663 = arith.constant 0 : index
        %get3A_664 = tpu.vector_load %arg11[%get3A_662, %get3A_663] {strides = array<i32>} : memref<320x128xf32, #tpu.memory_space<vmem>>, vector<1x16xf32>,
        %get3A_665 = vector.shape_cast %get3A_664 : vector<1x16xf32> to vector<16xf32>
        %mul3A_666 = vector.broadcast %squeeze3A_659 : f32 to vector<16xf32>
        %mul3A_667 = arith.mulf %mul3A_666, %get3A_665 : vector<16xf32>
        %add3A_668 = arith.addf %add3A_594, %mul3A_667 : vector<16xf32>
        %add3A_669 = arith.constant 2 : i32
        %add3A_670 = arith.addi %mul3A_507, %add3A_669 : i32
        %get3A_671 = arith.index_cast %add3A_670 : i32 to index
        %get3A_672 = arith.constant 16 : index
        %get3A_673 = tpu.vector_load %arg11[%get3A_671, %get3A_672] {strides = array<i32>} : memref<320x128xf32, #tpu.memory_space<vmem>>, vector<1x16xf32>,
        %get3A_674 = vector.shape_cast %get3A_673 : vector<1x16xf32> to vector<16xf32>
        %mul3A_675 = vector.broadcast %squeeze3A_659 : f32 to vector<16xf32>
        %mul3A_676 = arith.mulf %mul3A_675, %get3A_674 : vector<16xf32>
        %add3A_677 = arith.addf %add3A_603, %mul3A_676 : vector<16xf32>
        %add3A_678 = arith.constant 2 : i32
        %add3A_679 = arith.addi %mul3A_507, %add3A_678 : i32
        %get3A_680 = arith.index_cast %add3A_679 : i32 to index
        %get3A_681 = arith.constant 32 : index
        %get3A_682 = tpu.vector_load %arg11[%get3A_680, %get3A_681] {strides = array<i32>} : memref<320x128xf32, #tpu.memory_space<vmem>>, vector<1x16xf32>,
        %get3A_683 = vector.shape_cast %get3A_682 : vector<1x16xf32> to vector<16xf32>
        %mul3A_684 = vector.broadcast %squeeze3A_659 : f32 to vector<16xf32>
        %mul3A_685 = arith.mulf %mul3A_684, %get3A_683 : vector<16xf32>
        %add3A_686 = arith.addf %add3A_612, %mul3A_685 : vector<16xf32>
        %add3A_687 = arith.constant 2 : i32
        %add3A_688 = arith.addi %mul3A_507, %add3A_687 : i32
        %get3A_689 = arith.index_cast %add3A_688 : i32 to index
        %get3A_690 = arith.constant 48 : index
        %get3A_691 = tpu.vector_load %arg11[%get3A_689, %get3A_690] {strides = array<i32>} : memref<320x128xf32, #tpu.memory_space<vmem>>, vector<1x16xf32>,
        %get3A_692 = vector.shape_cast %get3A_691 : vector<1x16xf32> to vector<16xf32>
        %mul3A_693 = vector.broadcast %squeeze3A_659 : f32 to vector<16xf32>
        %mul3A_694 = arith.mulf %mul3A_693, %get3A_692 : vector<16xf32>
        %add3A_695 = arith.addf %add3A_621, %mul3A_694 : vector<16xf32>
        %add3A_696 = arith.constant 2 : i32
        %add3A_697 = arith.addi %mul3A_507, %add3A_696 : i32
        %get3A_698 = arith.index_cast %add3A_697 : i32 to index
        %get3A_699 = arith.constant 64 : index
        %get3A_700 = tpu.vector_load %arg11[%get3A_698, %get3A_699] {strides = array<i32>} : memref<320x128xf32, #tpu.memory_space<vmem>>, vector<1x16xf32>,
        %get3A_701 = vector.shape_cast %get3A_700 : vector<1x16xf32> to vector<16xf32>
        %mul3A_702 = vector.broadcast %squeeze3A_659 : f32 to vector<16xf32>
        %mul3A_703 = arith.mulf %mul3A_702, %get3A_701 : vector<16xf32>
        %add3A_704 = arith.addf %add3A_630, %mul3A_703 : vector<16xf32>
        %add3A_705 = arith.constant 2 : i32
        %add3A_706 = arith.addi %mul3A_507, %add3A_705 : i32
        %get3A_707 = arith.index_cast %add3A_706 : i32 to index
        %get3A_708 = arith.constant 80 : index
        %get3A_709 = tpu.vector_load %arg11[%get3A_707, %get3A_708] {strides = array<i32>} : memref<320x128xf32, #tpu.memory_space<vmem>>, vector<1x16xf32>,
        %get3A_710 = vector.shape_cast %get3A_709 : vector<1x16xf32> to vector<16xf32>
        %mul3A_711 = vector.broadcast %squeeze3A_659 : f32 to vector<16xf32>
        %mul3A_712 = arith.mulf %mul3A_711, %get3A_710 : vector<16xf32>
        %add3A_713 = arith.addf %add3A_639, %mul3A_712 : vector<16xf32>
        %add3A_714 = arith.constant 2 : i32
        %add3A_715 = arith.addi %mul3A_507, %add3A_714 : i32
        %get3A_716 = arith.index_cast %add3A_715 : i32 to index
        %get3A_717 = arith.constant 96 : index
        %get3A_718 = tpu.vector_load %arg11[%get3A_716, %get3A_717] {strides = array<i32>} : memref<320x128xf32, #tpu.memory_space<vmem>>, vector<1x16xf32>,
        %get3A_719 = vector.shape_cast %get3A_718 : vector<1x16xf32> to vector<16xf32>
        %mul3A_720 = vector.broadcast %squeeze3A_659 : f32 to vector<16xf32>
        %mul3A_721 = arith.mulf %mul3A_720, %get3A_719 : vector<16xf32>
        %add3A_722 = arith.addf %add3A_648, %mul3A_721 : vector<16xf32>
        %add3A_723 = arith.constant 2 : i32
        %add3A_724 = arith.addi %mul3A_507, %add3A_723 : i32
        %get3A_725 = arith.index_cast %add3A_724 : i32 to index
        %get3A_726 = arith.constant 112 : index
        %get3A_727 = tpu.vector_load %arg11[%get3A_725, %get3A_726] {strides = array<i32>} : memref<320x128xf32, #tpu.memory_space<vmem>>, vector<1x16xf32>,
        %get3A_728 = vector.shape_cast %get3A_727 : vector<1x16xf32> to vector<16xf32>
        %mul3A_729 = vector.broadcast %squeeze3A_659 : f32 to vector<16xf32>
        %mul3A_730 = arith.mulf %mul3A_729, %get3A_728 : vector<16xf32>
        %add3A_731 = arith.addf %add3A_657, %mul3A_730 : vector<16xf32>
        %slice3A_732 = vector.extract_strided_slice %get3A_511 {offsets = [3], sizes = [1], strides = [1]} : vector<16xf32> to vector<1xf32>
        %squeeze3A_733 = vector.extract %slice3A_732[0] : f32 from vector<1xf32>
        %add3A_734 = arith.constant 3 : i32
        %add3A_735 = arith.addi %mul3A_507, %add3A_734 : i32
        %get3A_736 = arith.index_cast %add3A_735 : i32 to index
        %get3A_737 = arith.constant 0 : index
        %get3A_738 = tpu.vector_load %arg11[%get3A_736, %get3A_737] {strides = array<i32>} : memref<320x128xf32, #tpu.memory_space<vmem>>, vector<1x16xf32>,
        %get3A_739 = vector.shape_cast %get3A_738 : vector<1x16xf32> to vector<16xf32>
        %mul3A_740 = vector.broadcast %squeeze3A_733 : f32 to vector<16xf32>
        %mul3A_741 = arith.mulf %mul3A_740, %get3A_739 : vector<16xf32>
        %add3A_742 = arith.addf %add3A_668, %mul3A_741 : vector<16xf32>
        %add3A_743 = arith.constant 3 : i32
        %add3A_744 = arith.addi %mul3A_507, %add3A_743 : i32
        %get3A_745 = arith.index_cast %add3A_744 : i32 to index
        %get3A_746 = arith.constant 16 : index
        %get3A_747 = tpu.vector_load %arg11[%get3A_745, %get3A_746] {strides = array<i32>} : memref<320x128xf32, #tpu.memory_space<vmem>>, vector<1x16xf32>,
        %get3A_748 = vector.shape_cast %get3A_747 : vector<1x16xf32> to vector<16xf32>
        %mul3A_749 = vector.broadcast %squeeze3A_733 : f32 to vector<16xf32>
        %mul3A_750 = arith.mulf %mul3A_749, %get3A_748 : vector<16xf32>
        %add3A_751 = arith.addf %add3A_677, %mul3A_750 : vector<16xf32>
        %add3A_752 = arith.constant 3 : i32
        %add3A_753 = arith.addi %mul3A_507, %add3A_752 : i32
        %get3A_754 = arith.index_cast %add3A_753 : i32 to index
        %get3A_755 = arith.constant 32 : index
        %get3A_756 = tpu.vector_load %arg11[%get3A_754, %get3A_755] {strides = array<i32>} : memref<320x128xf32, #tpu.memory_space<vmem>>, vector<1x16xf32>,
        %get3A_757 = vector.shape_cast %get3A_756 : vector<1x16xf32> to vector<16xf32>
        %mul3A_758 = vector.broadcast %squeeze3A_733 : f32 to vector<16xf32>
        %mul3A_759 = arith.mulf %mul3A_758, %get3A_757 : vector<16xf32>
        %add3A_760 = arith.addf %add3A_686, %mul3A_759 : vector<16xf32>
        %add3A_761 = arith.constant 3 : i32
        %add3A_762 = arith.addi %mul3A_507, %add3A_761 : i32
        %get3A_763 = arith.index_cast %add3A_762 : i32 to index
        %get3A_764 = arith.constant 48 : index
        %get3A_765 = tpu.vector_load %arg11[%get3A_763, %get3A_764] {strides = array<i32>} : memref<320x128xf32, #tpu.memory_space<vmem>>, vector<1x16xf32>,
        %get3A_766 = vector.shape_cast %get3A_765 : vector<1x16xf32> to vector<16xf32>
        %mul3A_767 = vector.broadcast %squeeze3A_733 : f32 to vector<16xf32>
        %mul3A_768 = arith.mulf %mul3A_767, %get3A_766 : vector<16xf32>
        %add3A_769 = arith.addf %add3A_695, %mul3A_768 : vector<16xf32>
        %add3A_770 = arith.constant 3 : i32
        %add3A_771 = arith.addi %mul3A_507, %add3A_770 : i32
        %get3A_772 = arith.index_cast %add3A_771 : i32 to index
        %get3A_773 = arith.constant 64 : index
        %get3A_774 = tpu.vector_load %arg11[%get3A_772, %get3A_773] {strides = array<i32>} : memref<320x128xf32, #tpu.memory_space<vmem>>, vector<1x16xf32>,
        %get3A_775 = vector.shape_cast %get3A_774 : vector<1x16xf32> to vector<16xf32>
        %mul3A_776 = vector.broadcast %squeeze3A_733 : f32 to vector<16xf32>
        %mul3A_777 = arith.mulf %mul3A_776, %get3A_775 : vector<16xf32>
        %add3A_778 = arith.addf %add3A_704, %mul3A_777 : vector<16xf32>
        %add3A_779 = arith.constant 3 : i32
        %add3A_780 = arith.addi %mul3A_507, %add3A_779 : i32
        %get3A_781 = arith.index_cast %add3A_780 : i32 to index
        %get3A_782 = arith.constant 80 : index
        %get3A_783 = tpu.vector_load %arg11[%get3A_781, %get3A_782] {strides = array<i32>} : memref<320x128xf32, #tpu.memory_space<vmem>>, vector<1x16xf32>,
        %get3A_784 = vector.shape_cast %get3A_783 : vector<1x16xf32> to vector<16xf32>
        %mul3A_785 = vector.broadcast %squeeze3A_733 : f32 to vector<16xf32>
        %mul3A_786 = arith.mulf %mul3A_785, %get3A_784 : vector<16xf32>
        %add3A_787 = arith.addf %add3A_713, %mul3A_786 : vector<16xf32>
        %add3A_788 = arith.constant 3 : i32
        %add3A_789 = arith.addi %mul3A_507, %add3A_788 : i32
        %get3A_790 = arith.index_cast %add3A_789 : i32 to index
        %get3A_791 = arith.constant 96 : index
        %get3A_792 = tpu.vector_load %arg11[%get3A_790, %get3A_791] {strides = array<i32>} : memref<320x128xf32, #tpu.memory_space<vmem>>, vector<1x16xf32>,
        %get3A_793 = vector.shape_cast %get3A_792 : vector<1x16xf32> to vector<16xf32>
        %mul3A_794 = vector.broadcast %squeeze3A_733 : f32 to vector<16xf32>
        %mul3A_795 = arith.mulf %mul3A_794, %get3A_793 : vector<16xf32>
        %add3A_796 = arith.addf %add3A_722, %mul3A_795 : vector<16xf32>
        %add3A_797 = arith.constant 3 : i32
        %add3A_798 = arith.addi %mul3A_507, %add3A_797 : i32
        %get3A_799 = arith.index_cast %add3A_798 : i32 to index
        %get3A_800 = arith.constant 112 : index
        %get3A_801 = tpu.vector_load %arg11[%get3A_799, %get3A_800] {strides = array<i32>} : memref<320x128xf32, #tpu.memory_space<vmem>>, vector<1x16xf32>,
        %get3A_802 = vector.shape_cast %get3A_801 : vector<1x16xf32> to vector<16xf32>
        %mul3A_803 = vector.broadcast %squeeze3A_733 : f32 to vector<16xf32>
        %mul3A_804 = arith.mulf %mul3A_803, %get3A_802 : vector<16xf32>
        %add3A_805 = arith.addf %add3A_731, %mul3A_804 : vector<16xf32>
        %slice3A_806 = vector.extract_strided_slice %get3A_511 {offsets = [4], sizes = [1], strides = [1]} : vector<16xf32> to vector<1xf32>
        %squeeze3A_807 = vector.extract %slice3A_806[0] : f32 from vector<1xf32>
        %add3A_808 = arith.constant 4 : i32
        %add3A_809 = arith.addi %mul3A_507, %add3A_808 : i32
        %get3A_810 = arith.index_cast %add3A_809 : i32 to index
        %get3A_811 = arith.constant 0 : index
        %get3A_812 = tpu.vector_load %arg11[%get3A_810, %get3A_811] {strides = array<i32>} : memref<320x128xf32, #tpu.memory_space<vmem>>, vector<1x16xf32>,
        %get3A_813 = vector.shape_cast %get3A_812 : vector<1x16xf32> to vector<16xf32>
        %mul3A_814 = vector.broadcast %squeeze3A_807 : f32 to vector<16xf32>
        %mul3A_815 = arith.mulf %mul3A_814, %get3A_813 : vector<16xf32>
        %add3A_816 = arith.addf %add3A_742, %mul3A_815 : vector<16xf32>
        %add3A_817 = arith.constant 4 : i32
        %add3A_818 = arith.addi %mul3A_507, %add3A_817 : i32
        %get3A_819 = arith.index_cast %add3A_818 : i32 to index
        %get3A_820 = arith.constant 16 : index
        %get3A_821 = tpu.vector_load %arg11[%get3A_819, %get3A_820] {strides = array<i32>} : memref<320x128xf32, #tpu.memory_space<vmem>>, vector<1x16xf32>,
        %get3A_822 = vector.shape_cast %get3A_821 : vector<1x16xf32> to vector<16xf32>
        %mul3A_823 = vector.broadcast %squeeze3A_807 : f32 to vector<16xf32>
        %mul3A_824 = arith.mulf %mul3A_823, %get3A_822 : vector<16xf32>
        %add3A_825 = arith.addf %add3A_751, %mul3A_824 : vector<16xf32>
        %add3A_826 = arith.constant 4 : i32
        %add3A_827 = arith.addi %mul3A_507, %add3A_826 : i32
        %get3A_828 = arith.index_cast %add3A_827 : i32 to index
        %get3A_829 = arith.constant 32 : index
        %get3A_830 = tpu.vector_load %arg11[%get3A_828, %get3A_829] {strides = array<i32>} : memref<320x128xf32, #tpu.memory_space<vmem>>, vector<1x16xf32>,
        %get3A_831 = vector.shape_cast %get3A_830 : vector<1x16xf32> to vector<16xf32>
        %mul3A_832 = vector.broadcast %squeeze3A_807 : f32 to vector<16xf32>
        %mul3A_833 = arith.mulf %mul3A_832, %get3A_831 : vector<16xf32>
        %add3A_834 = arith.addf %add3A_760, %mul3A_833 : vector<16xf32>
        %add3A_835 = arith.constant 4 : i32
        %add3A_836 = arith.addi %mul3A_507, %add3A_835 : i32
        %get3A_837 = arith.index_cast %add3A_836 : i32 to index
        %get3A_838 = arith.constant 48 : index
        %get3A_839 = tpu.vector_load %arg11[%get3A_837, %get3A_838] {strides = array<i32>} : memref<320x128xf32, #tpu.memory_space<vmem>>, vector<1x16xf32>,
        %get3A_840 = vector.shape_cast %get3A_839 : vector<1x16xf32> to vector<16xf32>
        %mul3A_841 = vector.broadcast %squeeze3A_807 : f32 to vector<16xf32>
        %mul3A_842 = arith.mulf %mul3A_841, %get3A_840 : vector<16xf32>
        %add3A_843 = arith.addf %add3A_769, %mul3A_842 : vector<16xf32>
        %add3A_844 = arith.constant 4 : i32
        %add3A_845 = arith.addi %mul3A_507, %add3A_844 : i32
        %get3A_846 = arith.index_cast %add3A_845 : i32 to index
        %get3A_847 = arith.constant 64 : index
        %get3A_848 = tpu.vector_load %arg11[%get3A_846, %get3A_847] {strides = array<i32>} : memref<320x128xf32, #tpu.memory_space<vmem>>, vector<1x16xf32>,
        %get3A_849 = vector.shape_cast %get3A_848 : vector<1x16xf32> to vector<16xf32>
        %mul3A_850 = vector.broadcast %squeeze3A_807 : f32 to vector<16xf32>
        %mul3A_851 = arith.mulf %mul3A_850, %get3A_849 : vector<16xf32>
        %add3A_852 = arith.addf %add3A_778, %mul3A_851 : vector<16xf32>
        %add3A_853 = arith.constant 4 : i32
        %add3A_854 = arith.addi %mul3A_507, %add3A_853 : i32
        %get3A_855 = arith.index_cast %add3A_854 : i32 to index
        %get3A_856 = arith.constant 80 : index
        %get3A_857 = tpu.vector_load %arg11[%get3A_855, %get3A_856] {strides = array<i32>} : memref<320x128xf32, #tpu.memory_space<vmem>>, vector<1x16xf32>,
        %get3A_858 = vector.shape_cast %get3A_857 : vector<1x16xf32> to vector<16xf32>
        %mul3A_859 = vector.broadcast %squeeze3A_807 : f32 to vector<16xf32>
        %mul3A_860 = arith.mulf %mul3A_859, %get3A_858 : vector<16xf32>
        %add3A_861 = arith.addf %add3A_787, %mul3A_860 : vector<16xf32>
        %add3A_862 = arith.constant 4 : i32
        %add3A_863 = arith.addi %mul3A_507, %add3A_862 : i32
        %get3A_864 = arith.index_cast %add3A_863 : i32 to index
        %get3A_865 = arith.constant 96 : index
        %get3A_866 = tpu.vector_load %arg11[%get3A_864, %get3A_865] {strides = array<i32>} : memref<320x128xf32, #tpu.memory_space<vmem>>, vector<1x16xf32>,
        %get3A_867 = vector.shape_cast %get3A_866 : vector<1x16xf32> to vector<16xf32>
        %mul3A_868 = vector.broadcast %squeeze3A_807 : f32 to vector<16xf32>
        %mul3A_869 = arith.mulf %mul3A_868, %get3A_867 : vector<16xf32>
        %add3A_870 = arith.addf %add3A_796, %mul3A_869 : vector<16xf32>
        %add3A_871 = arith.constant 4 : i32
        %add3A_872 = arith.addi %mul3A_507, %add3A_871 : i32
        %get3A_873 = arith.index_cast %add3A_872 : i32 to index
        %get3A_874 = arith.constant 112 : index
        %get3A_875 = tpu.vector_load %arg11[%get3A_873, %get3A_874] {strides = array<i32>} : memref<320x128xf32, #tpu.memory_space<vmem>>, vector<1x16xf32>,
        %get3A_876 = vector.shape_cast %get3A_875 : vector<1x16xf32> to vector<16xf32>
        %mul3A_877 = vector.broadcast %squeeze3A_807 : f32 to vector<16xf32>
        %mul3A_878 = arith.mulf %mul3A_877, %get3A_876 : vector<16xf32>
        %add3A_879 = arith.addf %add3A_805, %mul3A_878 : vector<16xf32>
        %slice3A_880 = vector.extract_strided_slice %get3A_511 {offsets = [5], sizes = [1], strides = [1]} : vector<16xf32> to vector<1xf32>
        %squeeze3A_881 = vector.extract %slice3A_880[0] : f32 from vector<1xf32>
        %add3A_882 = arith.constant 5 : i32
        %add3A_883 = arith.addi %mul3A_507, %add3A_882 : i32
        %get3A_884 = arith.index_cast %add3A_883 : i32 to index
        %get3A_885 = arith.constant 0 : index
        %get3A_886 = tpu.vector_load %arg11[%get3A_884, %get3A_885] {strides = array<i32>} : memref<320x128xf32, #tpu.memory_space<vmem>>, vector<1x16xf32>,
        %get3A_887 = vector.shape_cast %get3A_886 : vector<1x16xf32> to vector<16xf32>
        %mul3A_888 = vector.broadcast %squeeze3A_881 : f32 to vector<16xf32>
        %mul3A_889 = arith.mulf %mul3A_888, %get3A_887 : vector<16xf32>
        %add3A_890 = arith.addf %add3A_816, %mul3A_889 : vector<16xf32>
        %add3A_891 = arith.constant 5 : i32
        %add3A_892 = arith.addi %mul3A_507, %add3A_891 : i32
        %get3A_893 = arith.index_cast %add3A_892 : i32 to index
        %get3A_894 = arith.constant 16 : index
        %get3A_895 = tpu.vector_load %arg11[%get3A_893, %get3A_894] {strides = array<i32>} : memref<320x128xf32, #tpu.memory_space<vmem>>, vector<1x16xf32>,
        %get3A_896 = vector.shape_cast %get3A_895 : vector<1x16xf32> to vector<16xf32>
        %mul3A_897 = vector.broadcast %squeeze3A_881 : f32 to vector<16xf32>
        %mul3A_898 = arith.mulf %mul3A_897, %get3A_896 : vector<16xf32>
        %add3A_899 = arith.addf %add3A_825, %mul3A_898 : vector<16xf32>
        %add3A_900 = arith.constant 5 : i32
        %add3A_901 = arith.addi %mul3A_507, %add3A_900 : i32
        %get3A_902 = arith.index_cast %add3A_901 : i32 to index
        %get3A_903 = arith.constant 32 : index
        %get3A_904 = tpu.vector_load %arg11[%get3A_902, %get3A_903] {strides = array<i32>} : memref<320x128xf32, #tpu.memory_space<vmem>>, vector<1x16xf32>,
        %get3A_905 = vector.shape_cast %get3A_904 : vector<1x16xf32> to vector<16xf32>
        %mul3A_906 = vector.broadcast %squeeze3A_881 : f32 to vector<16xf32>
        %mul3A_907 = arith.mulf %mul3A_906, %get3A_905 : vector<16xf32>
        %add3A_908 = arith.addf %add3A_834, %mul3A_907 : vector<16xf32>
        %add3A_909 = arith.constant 5 : i32
        %add3A_910 = arith.addi %mul3A_507, %add3A_909 : i32
        %get3A_911 = arith.index_cast %add3A_910 : i32 to index
        %get3A_912 = arith.constant 48 : index
        %get3A_913 = tpu.vector_load %arg11[%get3A_911, %get3A_912] {strides = array<i32>} : memref<320x128xf32, #tpu.memory_space<vmem>>, vector<1x16xf32>,
        %get3A_914 = vector.shape_cast %get3A_913 : vector<1x16xf32> to vector<16xf32>
        %mul3A_915 = vector.broadcast %squeeze3A_881 : f32 to vector<16xf32>
        %mul3A_916 = arith.mulf %mul3A_915, %get3A_914 : vector<16xf32>
        %add3A_917 = arith.addf %add3A_843, %mul3A_916 : vector<16xf32>
        %add3A_918 = arith.constant 5 : i32
        %add3A_919 = arith.addi %mul3A_507, %add3A_918 : i32
        %get3A_920 = arith.index_cast %add3A_919 : i32 to index
        %get3A_921 = arith.constant 64 : index
        %get3A_922 = tpu.vector_load %arg11[%get3A_920, %get3A_921] {strides = array<i32>} : memref<320x128xf32, #tpu.memory_space<vmem>>, vector<1x16xf32>,
        %get3A_923 = vector.shape_cast %get3A_922 : vector<1x16xf32> to vector<16xf32>
        %mul3A_924 = vector.broadcast %squeeze3A_881 : f32 to vector<16xf32>
        %mul3A_925 = arith.mulf %mul3A_924, %get3A_923 : vector<16xf32>
        %add3A_926 = arith.addf %add3A_852, %mul3A_925 : vector<16xf32>
        %add3A_927 = arith.constant 5 : i32
        %add3A_928 = arith.addi %mul3A_507, %add3A_927 : i32
        %get3A_929 = arith.index_cast %add3A_928 : i32 to index
        %get3A_930 = arith.constant 80 : index
        %get3A_931 = tpu.vector_load %arg11[%get3A_929, %get3A_930] {strides = array<i32>} : memref<320x128xf32, #tpu.memory_space<vmem>>, vector<1x16xf32>,
        %get3A_932 = vector.shape_cast %get3A_931 : vector<1x16xf32> to vector<16xf32>
        %mul3A_933 = vector.broadcast %squeeze3A_881 : f32 to vector<16xf32>
        %mul3A_934 = arith.mulf %mul3A_933, %get3A_932 : vector<16xf32>
        %add3A_935 = arith.addf %add3A_861, %mul3A_934 : vector<16xf32>
        %add3A_936 = arith.constant 5 : i32
        %add3A_937 = arith.addi %mul3A_507, %add3A_936 : i32
        %get3A_938 = arith.index_cast %add3A_937 : i32 to index
        %get3A_939 = arith.constant 96 : index
        %get3A_940 = tpu.vector_load %arg11[%get3A_938, %get3A_939] {strides = array<i32>} : memref<320x128xf32, #tpu.memory_space<vmem>>, vector<1x16xf32>,
        %get3A_941 = vector.shape_cast %get3A_940 : vector<1x16xf32> to vector<16xf32>
        %mul3A_942 = vector.broadcast %squeeze3A_881 : f32 to vector<16xf32>
        %mul3A_943 = arith.mulf %mul3A_942, %get3A_941 : vector<16xf32>
        %add3A_944 = arith.addf %add3A_870, %mul3A_943 : vector<16xf32>
        %add3A_945 = arith.constant 5 : i32
        %add3A_946 = arith.addi %mul3A_507, %add3A_945 : i32
        %get3A_947 = arith.index_cast %add3A_946 : i32 to index
        %get3A_948 = arith.constant 112 : index
        %get3A_949 = tpu.vector_load %arg11[%get3A_947, %get3A_948] {strides = array<i32>} : memref<320x128xf32, #tpu.memory_space<vmem>>, vector<1x16xf32>,
        %get3A_950 = vector.shape_cast %get3A_949 : vector<1x16xf32> to vector<16xf32>
        %mul3A_951 = vector.broadcast %squeeze3A_881 : f32 to vector<16xf32>
        %mul3A_952 = arith.mulf %mul3A_951, %get3A_950 : vector<16xf32>
        %add3A_953 = arith.addf %add3A_879, %mul3A_952 : vector<16xf32>
        %slice3A_954 = vector.extract_strided_slice %get3A_511 {offsets = [6], sizes = [1], strides = [1]} : vector<16xf32> to vector<1xf32>
        %squeeze3A_955 = vector.extract %slice3A_954[0] : f32 from vector<1xf32>
        %add3A_956 = arith.constant 6 : i32
        %add3A_957 = arith.addi %mul3A_507, %add3A_956 : i32
        %get3A_958 = arith.index_cast %add3A_957 : i32 to index
        %get3A_959 = arith.constant 0 : index
        %get3A_960 = tpu.vector_load %arg11[%get3A_958, %get3A_959] {strides = array<i32>} : memref<320x128xf32, #tpu.memory_space<vmem>>, vector<1x16xf32>,
        %get3A_961 = vector.shape_cast %get3A_960 : vector<1x16xf32> to vector<16xf32>
        %mul3A_962 = vector.broadcast %squeeze3A_955 : f32 to vector<16xf32>
        %mul3A_963 = arith.mulf %mul3A_962, %get3A_961 : vector<16xf32>
        %add3A_964 = arith.addf %add3A_890, %mul3A_963 : vector<16xf32>
        %add3A_965 = arith.constant 6 : i32
        %add3A_966 = arith.addi %mul3A_507, %add3A_965 : i32
        %get3A_967 = arith.index_cast %add3A_966 : i32 to index
        %get3A_968 = arith.constant 16 : index
        %get3A_969 = tpu.vector_load %arg11[%get3A_967, %get3A_968] {strides = array<i32>} : memref<320x128xf32, #tpu.memory_space<vmem>>, vector<1x16xf32>,
        %get3A_970 = vector.shape_cast %get3A_969 : vector<1x16xf32> to vector<16xf32>
        %mul3A_971 = vector.broadcast %squeeze3A_955 : f32 to vector<16xf32>
        %mul3A_972 = arith.mulf %mul3A_971, %get3A_970 : vector<16xf32>
        %add3A_973 = arith.addf %add3A_899, %mul3A_972 : vector<16xf32>
        %add3A_974 = arith.constant 6 : i32
        %add3A_975 = arith.addi %mul3A_507, %add3A_974 : i32
        %get3A_976 = arith.index_cast %add3A_975 : i32 to index
        %get3A_977 = arith.constant 32 : index
        %get3A_978 = tpu.vector_load %arg11[%get3A_976, %get3A_977] {strides = array<i32>} : memref<320x128xf32, #tpu.memory_space<vmem>>, vector<1x16xf32>,
        %get3A_979 = vector.shape_cast %get3A_978 : vector<1x16xf32> to vector<16xf32>
        %mul3A_980 = vector.broadcast %squeeze3A_955 : f32 to vector<16xf32>
        %mul3A_981 = arith.mulf %mul3A_980, %get3A_979 : vector<16xf32>
        %add3A_982 = arith.addf %add3A_908, %mul3A_981 : vector<16xf32>
        %add3A_983 = arith.constant 6 : i32
        %add3A_984 = arith.addi %mul3A_507, %add3A_983 : i32
        %get3A_985 = arith.index_cast %add3A_984 : i32 to index
        %get3A_986 = arith.constant 48 : index
        %get3A_987 = tpu.vector_load %arg11[%get3A_985, %get3A_986] {strides = array<i32>} : memref<320x128xf32, #tpu.memory_space<vmem>>, vector<1x16xf32>,
        %get3A_988 = vector.shape_cast %get3A_987 : vector<1x16xf32> to vector<16xf32>
        %mul3A_989 = vector.broadcast %squeeze3A_955 : f32 to vector<16xf32>
        %mul3A_990 = arith.mulf %mul3A_989, %get3A_988 : vector<16xf32>
        %add3A_991 = arith.addf %add3A_917, %mul3A_990 : vector<16xf32>
        %add3A_992 = arith.constant 6 : i32
        %add3A_993 = arith.addi %mul3A_507, %add3A_992 : i32
        %get3A_994 = arith.index_cast %add3A_993 : i32 to index
        %get3A_995 = arith.constant 64 : index
        %get3A_996 = tpu.vector_load %arg11[%get3A_994, %get3A_995] {strides = array<i32>} : memref<320x128xf32, #tpu.memory_space<vmem>>, vector<1x16xf32>,
        %get3A_997 = vector.shape_cast %get3A_996 : vector<1x16xf32> to vector<16xf32>
        %mul3A_998 = vector.broadcast %squeeze3A_955 : f32 to vector<16xf32>
        %mul3A_999 = arith.mulf %mul3A_998, %get3A_997 : vector<16xf32>
        %add3A_1000 = arith.addf %add3A_926, %mul3A_999 : vector<16xf32>
        %add3A_1001 = arith.constant 6 : i32
        %add3A_1002 = arith.addi %mul3A_507, %add3A_1001 : i32
        %get3A_1003 = arith.index_cast %add3A_1002 : i32 to index
        %get3A_1004 = arith.constant 80 : index
        %get3A_1005 = tpu.vector_load %arg11[%get3A_1003, %get3A_1004] {strides = array<i32>} : memref<320x128xf32, #tpu.memory_space<vmem>>, vector<1x16xf32>,
        %get3A_1006 = vector.shape_cast %get3A_1005 : vector<1x16xf32> to vector<16xf32>
        %mul3A_1007 = vector.broadcast %squeeze3A_955 : f32 to vector<16xf32>
        %mul3A_1008 = arith.mulf %mul3A_1007, %get3A_1006 : vector<16xf32>
        %add3A_1009 = arith.addf %add3A_935, %mul3A_1008 : vector<16xf32>
        %add3A_1010 = arith.constant 6 : i32
        %add3A_1011 = arith.addi %mul3A_507, %add3A_1010 : i32
        %get3A_1012 = arith.index_cast %add3A_1011 : i32 to index
        %get3A_1013 = arith.constant 96 : index
        %get3A_1014 = tpu.vector_load %arg11[%get3A_1012, %get3A_1013] {strides = array<i32>} : memref<320x128xf32, #tpu.memory_space<vmem>>, vector<1x16xf32>,
        %get3A_1015 = vector.shape_cast %get3A_1014 : vector<1x16xf32> to vector<16xf32>
        %mul3A_1016 = vector.broadcast %squeeze3A_955 : f32 to vector<16xf32>
        %mul3A_1017 = arith.mulf %mul3A_1016, %get3A_1015 : vector<16xf32>
        %add3A_1018 = arith.addf %add3A_944, %mul3A_1017 : vector<16xf32>
        %add3A_1019 = arith.constant 6 : i32
        %add3A_1020 = arith.addi %mul3A_507, %add3A_1019 : i32
        %get3A_1021 = arith.index_cast %add3A_1020 : i32 to index
        %get3A_1022 = arith.constant 112 : index
        %get3A_1023 = tpu.vector_load %arg11[%get3A_1021, %get3A_1022] {strides = array<i32>} : memref<320x128xf32, #tpu.memory_space<vmem>>, vector<1x16xf32>,
        %get3A_1024 = vector.shape_cast %get3A_1023 : vector<1x16xf32> to vector<16xf32>
        %mul3A_1025 = vector.broadcast %squeeze3A_955 : f32 to vector<16xf32>
        %mul3A_1026 = arith.mulf %mul3A_1025, %get3A_1024 : vector<16xf32>
        %add3A_1027 = arith.addf %add3A_953, %mul3A_1026 : vector<16xf32>
        %slice3A_1028 = vector.extract_strided_slice %get3A_511 {offsets = [7], sizes = [1], strides = [1]} : vector<16xf32> to vector<1xf32>
        %squeeze3A_1029 = vector.extract %slice3A_1028[0] : f32 from vector<1xf32>
        %add3A_1030 = arith.constant 7 : i32
        %add3A_1031 = arith.addi %mul3A_507, %add3A_1030 : i32
        %get3A_1032 = arith.index_cast %add3A_1031 : i32 to index
        %get3A_1033 = arith.constant 0 : index
        %get3A_1034 = tpu.vector_load %arg11[%get3A_1032, %get3A_1033] {strides = array<i32>} : memref<320x128xf32, #tpu.memory_space<vmem>>, vector<1x16xf32>,
        %get3A_1035 = vector.shape_cast %get3A_1034 : vector<1x16xf32> to vector<16xf32>
        %mul3A_1036 = vector.broadcast %squeeze3A_1029 : f32 to vector<16xf32>
        %mul3A_1037 = arith.mulf %mul3A_1036, %get3A_1035 : vector<16xf32>
        %add3A_1038 = arith.addf %add3A_964, %mul3A_1037 : vector<16xf32>
        %add3A_1039 = arith.constant 7 : i32
        %add3A_1040 = arith.addi %mul3A_507, %add3A_1039 : i32
        %get3A_1041 = arith.index_cast %add3A_1040 : i32 to index
        %get3A_1042 = arith.constant 16 : index
        %get3A_1043 = tpu.vector_load %arg11[%get3A_1041, %get3A_1042] {strides = array<i32>} : memref<320x128xf32, #tpu.memory_space<vmem>>, vector<1x16xf32>,
        %get3A_1044 = vector.shape_cast %get3A_1043 : vector<1x16xf32> to vector<16xf32>
        %mul3A_1045 = vector.broadcast %squeeze3A_1029 : f32 to vector<16xf32>
        %mul3A_1046 = arith.mulf %mul3A_1045, %get3A_1044 : vector<16xf32>
        %add3A_1047 = arith.addf %add3A_973, %mul3A_1046 : vector<16xf32>
        %add3A_1048 = arith.constant 7 : i32
        %add3A_1049 = arith.addi %mul3A_507, %add3A_1048 : i32
        %get3A_1050 = arith.index_cast %add3A_1049 : i32 to index
        %get3A_1051 = arith.constant 32 : index
        %get3A_1052 = tpu.vector_load %arg11[%get3A_1050, %get3A_1051] {strides = array<i32>} : memref<320x128xf32, #tpu.memory_space<vmem>>, vector<1x16xf32>,
        %get3A_1053 = vector.shape_cast %get3A_1052 : vector<1x16xf32> to vector<16xf32>
        %mul3A_1054 = vector.broadcast %squeeze3A_1029 : f32 to vector<16xf32>
        %mul3A_1055 = arith.mulf %mul3A_1054, %get3A_1053 : vector<16xf32>
        %add3A_1056 = arith.addf %add3A_982, %mul3A_1055 : vector<16xf32>
        %add3A_1057 = arith.constant 7 : i32
        %add3A_1058 = arith.addi %mul3A_507, %add3A_1057 : i32
        %get3A_1059 = arith.index_cast %add3A_1058 : i32 to index
        %get3A_1060 = arith.constant 48 : index
        %get3A_1061 = tpu.vector_load %arg11[%get3A_1059, %get3A_1060] {strides = array<i32>} : memref<320x128xf32, #tpu.memory_space<vmem>>, vector<1x16xf32>,
        %get3A_1062 = vector.shape_cast %get3A_1061 : vector<1x16xf32> to vector<16xf32>
        %mul3A_1063 = vector.broadcast %squeeze3A_1029 : f32 to vector<16xf32>
        %mul3A_1064 = arith.mulf %mul3A_1063, %get3A_1062 : vector<16xf32>
        %add3A_1065 = arith.addf %add3A_991, %mul3A_1064 : vector<16xf32>
        %add3A_1066 = arith.constant 7 : i32
        %add3A_1067 = arith.addi %mul3A_507, %add3A_1066 : i32
        %get3A_1068 = arith.index_cast %add3A_1067 : i32 to index
        %get3A_1069 = arith.constant 64 : index
        %get3A_1070 = tpu.vector_load %arg11[%get3A_1068, %get3A_1069] {strides = array<i32>} : memref<320x128xf32, #tpu.memory_space<vmem>>, vector<1x16xf32>,
        %get3A_1071 = vector.shape_cast %get3A_1070 : vector<1x16xf32> to vector<16xf32>
        %mul3A_1072 = vector.broadcast %squeeze3A_1029 : f32 to vector<16xf32>
        %mul3A_1073 = arith.mulf %mul3A_1072, %get3A_1071 : vector<16xf32>
        %add3A_1074 = arith.addf %add3A_1000, %mul3A_1073 : vector<16xf32>
        %add3A_1075 = arith.constant 7 : i32
        %add3A_1076 = arith.addi %mul3A_507, %add3A_1075 : i32
        %get3A_1077 = arith.index_cast %add3A_1076 : i32 to index
        %get3A_1078 = arith.constant 80 : index
        %get3A_1079 = tpu.vector_load %arg11[%get3A_1077, %get3A_1078] {strides = array<i32>} : memref<320x128xf32, #tpu.memory_space<vmem>>, vector<1x16xf32>,
        %get3A_1080 = vector.shape_cast %get3A_1079 : vector<1x16xf32> to vector<16xf32>
        %mul3A_1081 = vector.broadcast %squeeze3A_1029 : f32 to vector<16xf32>
        %mul3A_1082 = arith.mulf %mul3A_1081, %get3A_1080 : vector<16xf32>
        %add3A_1083 = arith.addf %add3A_1009, %mul3A_1082 : vector<16xf32>
        %add3A_1084 = arith.constant 7 : i32
        %add3A_1085 = arith.addi %mul3A_507, %add3A_1084 : i32
        %get3A_1086 = arith.index_cast %add3A_1085 : i32 to index
        %get3A_1087 = arith.constant 96 : index
        %get3A_1088 = tpu.vector_load %arg11[%get3A_1086, %get3A_1087] {strides = array<i32>} : memref<320x128xf32, #tpu.memory_space<vmem>>, vector<1x16xf32>,
        %get3A_1089 = vector.shape_cast %get3A_1088 : vector<1x16xf32> to vector<16xf32>
        %mul3A_1090 = vector.broadcast %squeeze3A_1029 : f32 to vector<16xf32>
        %mul3A_1091 = arith.mulf %mul3A_1090, %get3A_1089 : vector<16xf32>
        %add3A_1092 = arith.addf %add3A_1018, %mul3A_1091 : vector<16xf32>
        %add3A_1093 = arith.constant 7 : i32
        %add3A_1094 = arith.addi %mul3A_507, %add3A_1093 : i32
        %get3A_1095 = arith.index_cast %add3A_1094 : i32 to index
        %get3A_1096 = arith.constant 112 : index
        %get3A_1097 = tpu.vector_load %arg11[%get3A_1095, %get3A_1096] {strides = array<i32>} : memref<320x128xf32, #tpu.memory_space<vmem>>, vector<1x16xf32>,
        %get3A_1098 = vector.shape_cast %get3A_1097 : vector<1x16xf32> to vector<16xf32>
        %mul3A_1099 = vector.broadcast %squeeze3A_1029 : f32 to vector<16xf32>
        %mul3A_1100 = arith.mulf %mul3A_1099, %get3A_1098 : vector<16xf32>
        %add3A_1101 = arith.addf %add3A_1027, %mul3A_1100 : vector<16xf32>
        %slice3A_1102 = vector.extract_strided_slice %get3A_511 {offsets = [8], sizes = [1], strides = [1]} : vector<16xf32> to vector<1xf32>
        %squeeze3A_1103 = vector.extract %slice3A_1102[0] : f32 from vector<1xf32>
        %add3A_1104 = arith.constant 8 : i32
        %add3A_1105 = arith.addi %mul3A_507, %add3A_1104 : i32
        %get3A_1106 = arith.index_cast %add3A_1105 : i32 to index
        %get3A_1107 = arith.constant 0 : index
        %get3A_1108 = tpu.vector_load %arg11[%get3A_1106, %get3A_1107] {strides = array<i32>} : memref<320x128xf32, #tpu.memory_space<vmem>>, vector<1x16xf32>,
        %get3A_1109 = vector.shape_cast %get3A_1108 : vector<1x16xf32> to vector<16xf32>
        %mul3A_1110 = vector.broadcast %squeeze3A_1103 : f32 to vector<16xf32>
        %mul3A_1111 = arith.mulf %mul3A_1110, %get3A_1109 : vector<16xf32>
        %add3A_1112 = arith.addf %add3A_1038, %mul3A_1111 : vector<16xf32>
        %add3A_1113 = arith.constant 8 : i32
        %add3A_1114 = arith.addi %mul3A_507, %add3A_1113 : i32
        %get3A_1115 = arith.index_cast %add3A_1114 : i32 to index
        %get3A_1116 = arith.constant 16 : index
        %get3A_1117 = tpu.vector_load %arg11[%get3A_1115, %get3A_1116] {strides = array<i32>} : memref<320x128xf32, #tpu.memory_space<vmem>>, vector<1x16xf32>,
        %get3A_1118 = vector.shape_cast %get3A_1117 : vector<1x16xf32> to vector<16xf32>
        %mul3A_1119 = vector.broadcast %squeeze3A_1103 : f32 to vector<16xf32>
        %mul3A_1120 = arith.mulf %mul3A_1119, %get3A_1118 : vector<16xf32>
        %add3A_1121 = arith.addf %add3A_1047, %mul3A_1120 : vector<16xf32>
        %add3A_1122 = arith.constant 8 : i32
        %add3A_1123 = arith.addi %mul3A_507, %add3A_1122 : i32
        %get3A_1124 = arith.index_cast %add3A_1123 : i32 to index
        %get3A_1125 = arith.constant 32 : index
        %get3A_1126 = tpu.vector_load %arg11[%get3A_1124, %get3A_1125] {strides = array<i32>} : memref<320x128xf32, #tpu.memory_space<vmem>>, vector<1x16xf32>,
        %get3A_1127 = vector.shape_cast %get3A_1126 : vector<1x16xf32> to vector<16xf32>
        %mul3A_1128 = vector.broadcast %squeeze3A_1103 : f32 to vector<16xf32>
        %mul3A_1129 = arith.mulf %mul3A_1128, %get3A_1127 : vector<16xf32>
        %add3A_1130 = arith.addf %add3A_1056, %mul3A_1129 : vector<16xf32>
        %add3A_1131 = arith.constant 8 : i32
        %add3A_1132 = arith.addi %mul3A_507, %add3A_1131 : i32
        %get3A_1133 = arith.index_cast %add3A_1132 : i32 to index
        %get3A_1134 = arith.constant 48 : index
        %get3A_1135 = tpu.vector_load %arg11[%get3A_1133, %get3A_1134] {strides = array<i32>} : memref<320x128xf32, #tpu.memory_space<vmem>>, vector<1x16xf32>,
        %get3A_1136 = vector.shape_cast %get3A_1135 : vector<1x16xf32> to vector<16xf32>
        %mul3A_1137 = vector.broadcast %squeeze3A_1103 : f32 to vector<16xf32>
        %mul3A_1138 = arith.mulf %mul3A_1137, %get3A_1136 : vector<16xf32>
        %add3A_1139 = arith.addf %add3A_1065, %mul3A_1138 : vector<16xf32>
        %add3A_1140 = arith.constant 8 : i32
        %add3A_1141 = arith.addi %mul3A_507, %add3A_1140 : i32
        %get3A_1142 = arith.index_cast %add3A_1141 : i32 to index
        %get3A_1143 = arith.constant 64 : index
        %get3A_1144 = tpu.vector_load %arg11[%get3A_1142, %get3A_1143] {strides = array<i32>} : memref<320x128xf32, #tpu.memory_space<vmem>>, vector<1x16xf32>,
        %get3A_1145 = vector.shape_cast %get3A_1144 : vector<1x16xf32> to vector<16xf32>
        %mul3A_1146 = vector.broadcast %squeeze3A_1103 : f32 to vector<16xf32>
        %mul3A_1147 = arith.mulf %mul3A_1146, %get3A_1145 : vector<16xf32>
        %add3A_1148 = arith.addf %add3A_1074, %mul3A_1147 : vector<16xf32>
        %add3A_1149 = arith.constant 8 : i32
        %add3A_1150 = arith.addi %mul3A_507, %add3A_1149 : i32
        %get3A_1151 = arith.index_cast %add3A_1150 : i32 to index
        %get3A_1152 = arith.constant 80 : index
        %get3A_1153 = tpu.vector_load %arg11[%get3A_1151, %get3A_1152] {strides = array<i32>} : memref<320x128xf32, #tpu.memory_space<vmem>>, vector<1x16xf32>,
        %get3A_1154 = vector.shape_cast %get3A_1153 : vector<1x16xf32> to vector<16xf32>
        %mul3A_1155 = vector.broadcast %squeeze3A_1103 : f32 to vector<16xf32>
        %mul3A_1156 = arith.mulf %mul3A_1155, %get3A_1154 : vector<16xf32>
        %add3A_1157 = arith.addf %add3A_1083, %mul3A_1156 : vector<16xf32>
        %add3A_1158 = arith.constant 8 : i32
        %add3A_1159 = arith.addi %mul3A_507, %add3A_1158 : i32
        %get3A_1160 = arith.index_cast %add3A_1159 : i32 to index
        %get3A_1161 = arith.constant 96 : index
        %get3A_1162 = tpu.vector_load %arg11[%get3A_1160, %get3A_1161] {strides = array<i32>} : memref<320x128xf32, #tpu.memory_space<vmem>>, vector<1x16xf32>,
        %get3A_1163 = vector.shape_cast %get3A_1162 : vector<1x16xf32> to vector<16xf32>
        %mul3A_1164 = vector.broadcast %squeeze3A_1103 : f32 to vector<16xf32>
        %mul3A_1165 = arith.mulf %mul3A_1164, %get3A_1163 : vector<16xf32>
        %add3A_1166 = arith.addf %add3A_1092, %mul3A_1165 : vector<16xf32>
        %add3A_1167 = arith.constant 8 : i32
        %add3A_1168 = arith.addi %mul3A_507, %add3A_1167 : i32
        %get3A_1169 = arith.index_cast %add3A_1168 : i32 to index
        %get3A_1170 = arith.constant 112 : index
        %get3A_1171 = tpu.vector_load %arg11[%get3A_1169, %get3A_1170] {strides = array<i32>} : memref<320x128xf32, #tpu.memory_space<vmem>>, vector<1x16xf32>,
        %get3A_1172 = vector.shape_cast %get3A_1171 : vector<1x16xf32> to vector<16xf32>
        %mul3A_1173 = vector.broadcast %squeeze3A_1103 : f32 to vector<16xf32>
        %mul3A_1174 = arith.mulf %mul3A_1173, %get3A_1172 : vector<16xf32>
        %add3A_1175 = arith.addf %add3A_1101, %mul3A_1174 : vector<16xf32>
        %slice3A_1176 = vector.extract_strided_slice %get3A_511 {offsets = [9], sizes = [1], strides = [1]} : vector<16xf32> to vector<1xf32>
        %squeeze3A_1177 = vector.extract %slice3A_1176[0] : f32 from vector<1xf32>
        %add3A_1178 = arith.constant 9 : i32
        %add3A_1179 = arith.addi %mul3A_507, %add3A_1178 : i32
        %get3A_1180 = arith.index_cast %add3A_1179 : i32 to index
        %get3A_1181 = arith.constant 0 : index
        %get3A_1182 = tpu.vector_load %arg11[%get3A_1180, %get3A_1181] {strides = array<i32>} : memref<320x128xf32, #tpu.memory_space<vmem>>, vector<1x16xf32>,
        %get3A_1183 = vector.shape_cast %get3A_1182 : vector<1x16xf32> to vector<16xf32>
        %mul3A_1184 = vector.broadcast %squeeze3A_1177 : f32 to vector<16xf32>
        %mul3A_1185 = arith.mulf %mul3A_1184, %get3A_1183 : vector<16xf32>
        %add3A_1186 = arith.addf %add3A_1112, %mul3A_1185 : vector<16xf32>
        %add3A_1187 = arith.constant 9 : i32
        %add3A_1188 = arith.addi %mul3A_507, %add3A_1187 : i32
        %get3A_1189 = arith.index_cast %add3A_1188 : i32 to index
        %get3A_1190 = arith.constant 16 : index
        %get3A_1191 = tpu.vector_load %arg11[%get3A_1189, %get3A_1190] {strides = array<i32>} : memref<320x128xf32, #tpu.memory_space<vmem>>, vector<1x16xf32>,
        %get3A_1192 = vector.shape_cast %get3A_1191 : vector<1x16xf32> to vector<16xf32>
        %mul3A_1193 = vector.broadcast %squeeze3A_1177 : f32 to vector<16xf32>
        %mul3A_1194 = arith.mulf %mul3A_1193, %get3A_1192 : vector<16xf32>
        %add3A_1195 = arith.addf %add3A_1121, %mul3A_1194 : vector<16xf32>
        %add3A_1196 = arith.constant 9 : i32
        %add3A_1197 = arith.addi %mul3A_507, %add3A_1196 : i32
        %get3A_1198 = arith.index_cast %add3A_1197 : i32 to index
        %get3A_1199 = arith.constant 32 : index
        %get3A_1200 = tpu.vector_load %arg11[%get3A_1198, %get3A_1199] {strides = array<i32>} : memref<320x128xf32, #tpu.memory_space<vmem>>, vector<1x16xf32>,
        %get3A_1201 = vector.shape_cast %get3A_1200 : vector<1x16xf32> to vector<16xf32>
        %mul3A_1202 = vector.broadcast %squeeze3A_1177 : f32 to vector<16xf32>
        %mul3A_1203 = arith.mulf %mul3A_1202, %get3A_1201 : vector<16xf32>
        %add3A_1204 = arith.addf %add3A_1130, %mul3A_1203 : vector<16xf32>
        %add3A_1205 = arith.constant 9 : i32
        %add3A_1206 = arith.addi %mul3A_507, %add3A_1205 : i32
        %get3A_1207 = arith.index_cast %add3A_1206 : i32 to index
        %get3A_1208 = arith.constant 48 : index
        %get3A_1209 = tpu.vector_load %arg11[%get3A_1207, %get3A_1208] {strides = array<i32>} : memref<320x128xf32, #tpu.memory_space<vmem>>, vector<1x16xf32>,
        %get3A_1210 = vector.shape_cast %get3A_1209 : vector<1x16xf32> to vector<16xf32>
        %mul3A_1211 = vector.broadcast %squeeze3A_1177 : f32 to vector<16xf32>
        %mul3A_1212 = arith.mulf %mul3A_1211, %get3A_1210 : vector<16xf32>
        %add3A_1213 = arith.addf %add3A_1139, %mul3A_1212 : vector<16xf32>
        %add3A_1214 = arith.constant 9 : i32
        %add3A_1215 = arith.addi %mul3A_507, %add3A_1214 : i32
        %get3A_1216 = arith.index_cast %add3A_1215 : i32 to index
        %get3A_1217 = arith.constant 64 : index
        %get3A_1218 = tpu.vector_load %arg11[%get3A_1216, %get3A_1217] {strides = array<i32>} : memref<320x128xf32, #tpu.memory_space<vmem>>, vector<1x16xf32>,
        %get3A_1219 = vector.shape_cast %get3A_1218 : vector<1x16xf32> to vector<16xf32>
        %mul3A_1220 = vector.broadcast %squeeze3A_1177 : f32 to vector<16xf32>
        %mul3A_1221 = arith.mulf %mul3A_1220, %get3A_1219 : vector<16xf32>
        %add3A_1222 = arith.addf %add3A_1148, %mul3A_1221 : vector<16xf32>
        %add3A_1223 = arith.constant 9 : i32
        %add3A_1224 = arith.addi %mul3A_507, %add3A_1223 : i32
        %get3A_1225 = arith.index_cast %add3A_1224 : i32 to index
        %get3A_1226 = arith.constant 80 : index
        %get3A_1227 = tpu.vector_load %arg11[%get3A_1225, %get3A_1226] {strides = array<i32>} : memref<320x128xf32, #tpu.memory_space<vmem>>, vector<1x16xf32>,
        %get3A_1228 = vector.shape_cast %get3A_1227 : vector<1x16xf32> to vector<16xf32>
        %mul3A_1229 = vector.broadcast %squeeze3A_1177 : f32 to vector<16xf32>
        %mul3A_1230 = arith.mulf %mul3A_1229, %get3A_1228 : vector<16xf32>
        %add3A_1231 = arith.addf %add3A_1157, %mul3A_1230 : vector<16xf32>
        %add3A_1232 = arith.constant 9 : i32
        %add3A_1233 = arith.addi %mul3A_507, %add3A_1232 : i32
        %get3A_1234 = arith.index_cast %add3A_1233 : i32 to index
        %get3A_1235 = arith.constant 96 : index
        %get3A_1236 = tpu.vector_load %arg11[%get3A_1234, %get3A_1235] {strides = array<i32>} : memref<320x128xf32, #tpu.memory_space<vmem>>, vector<1x16xf32>,
        %get3A_1237 = vector.shape_cast %get3A_1236 : vector<1x16xf32> to vector<16xf32>
        %mul3A_1238 = vector.broadcast %squeeze3A_1177 : f32 to vector<16xf32>
        %mul3A_1239 = arith.mulf %mul3A_1238, %get3A_1237 : vector<16xf32>
        %add3A_1240 = arith.addf %add3A_1166, %mul3A_1239 : vector<16xf32>
        %add3A_1241 = arith.constant 9 : i32
        %add3A_1242 = arith.addi %mul3A_507, %add3A_1241 : i32
        %get3A_1243 = arith.index_cast %add3A_1242 : i32 to index
        %get3A_1244 = arith.constant 112 : index
        %get3A_1245 = tpu.vector_load %arg11[%get3A_1243, %get3A_1244] {strides = array<i32>} : memref<320x128xf32, #tpu.memory_space<vmem>>, vector<1x16xf32>,
        %get3A_1246 = vector.shape_cast %get3A_1245 : vector<1x16xf32> to vector<16xf32>
        %mul3A_1247 = vector.broadcast %squeeze3A_1177 : f32 to vector<16xf32>
        %mul3A_1248 = arith.mulf %mul3A_1247, %get3A_1246 : vector<16xf32>
        %add3A_1249 = arith.addf %add3A_1175, %mul3A_1248 : vector<16xf32>
        %slice3A_1250 = vector.extract_strided_slice %get3A_511 {offsets = [10], sizes = [1], strides = [1]} : vector<16xf32> to vector<1xf32>
        %squeeze3A_1251 = vector.extract %slice3A_1250[0] : f32 from vector<1xf32>
        %add3A_1252 = arith.constant 10 : i32
        %add3A_1253 = arith.addi %mul3A_507, %add3A_1252 : i32
        %get3A_1254 = arith.index_cast %add3A_1253 : i32 to index
        %get3A_1255 = arith.constant 0 : index
        %get3A_1256 = tpu.vector_load %arg11[%get3A_1254, %get3A_1255] {strides = array<i32>} : memref<320x128xf32, #tpu.memory_space<vmem>>, vector<1x16xf32>,
        %get3A_1257 = vector.shape_cast %get3A_1256 : vector<1x16xf32> to vector<16xf32>
        %mul3A_1258 = vector.broadcast %squeeze3A_1251 : f32 to vector<16xf32>
        %mul3A_1259 = arith.mulf %mul3A_1258, %get3A_1257 : vector<16xf32>
        %add3A_1260 = arith.addf %add3A_1186, %mul3A_1259 : vector<16xf32>
        %add3A_1261 = arith.constant 10 : i32
        %add3A_1262 = arith.addi %mul3A_507, %add3A_1261 : i32
        %get3A_1263 = arith.index_cast %add3A_1262 : i32 to index
        %get3A_1264 = arith.constant 16 : index
        %get3A_1265 = tpu.vector_load %arg11[%get3A_1263, %get3A_1264] {strides = array<i32>} : memref<320x128xf32, #tpu.memory_space<vmem>>, vector<1x16xf32>,
        %get3A_1266 = vector.shape_cast %get3A_1265 : vector<1x16xf32> to vector<16xf32>
        %mul3A_1267 = vector.broadcast %squeeze3A_1251 : f32 to vector<16xf32>
        %mul3A_1268 = arith.mulf %mul3A_1267, %get3A_1266 : vector<16xf32>
        %add3A_1269 = arith.addf %add3A_1195, %mul3A_1268 : vector<16xf32>
        %add3A_1270 = arith.constant 10 : i32
        %add3A_1271 = arith.addi %mul3A_507, %add3A_1270 : i32
        %get3A_1272 = arith.index_cast %add3A_1271 : i32 to index
        %get3A_1273 = arith.constant 32 : index
        %get3A_1274 = tpu.vector_load %arg11[%get3A_1272, %get3A_1273] {strides = array<i32>} : memref<320x128xf32, #tpu.memory_space<vmem>>, vector<1x16xf32>,
        %get3A_1275 = vector.shape_cast %get3A_1274 : vector<1x16xf32> to vector<16xf32>
        %mul3A_1276 = vector.broadcast %squeeze3A_1251 : f32 to vector<16xf32>
        %mul3A_1277 = arith.mulf %mul3A_1276, %get3A_1275 : vector<16xf32>
        %add3A_1278 = arith.addf %add3A_1204, %mul3A_1277 : vector<16xf32>
        %add3A_1279 = arith.constant 10 : i32
        %add3A_1280 = arith.addi %mul3A_507, %add3A_1279 : i32
        %get3A_1281 = arith.index_cast %add3A_1280 : i32 to index
        %get3A_1282 = arith.constant 48 : index
        %get3A_1283 = tpu.vector_load %arg11[%get3A_1281, %get3A_1282] {strides = array<i32>} : memref<320x128xf32, #tpu.memory_space<vmem>>, vector<1x16xf32>,
        %get3A_1284 = vector.shape_cast %get3A_1283 : vector<1x16xf32> to vector<16xf32>
        %mul3A_1285 = vector.broadcast %squeeze3A_1251 : f32 to vector<16xf32>
        %mul3A_1286 = arith.mulf %mul3A_1285, %get3A_1284 : vector<16xf32>
        %add3A_1287 = arith.addf %add3A_1213, %mul3A_1286 : vector<16xf32>
        %add3A_1288 = arith.constant 10 : i32
        %add3A_1289 = arith.addi %mul3A_507, %add3A_1288 : i32
        %get3A_1290 = arith.index_cast %add3A_1289 : i32 to index
        %get3A_1291 = arith.constant 64 : index
        %get3A_1292 = tpu.vector_load %arg11[%get3A_1290, %get3A_1291] {strides = array<i32>} : memref<320x128xf32, #tpu.memory_space<vmem>>, vector<1x16xf32>,
        %get3A_1293 = vector.shape_cast %get3A_1292 : vector<1x16xf32> to vector<16xf32>
        %mul3A_1294 = vector.broadcast %squeeze3A_1251 : f32 to vector<16xf32>
        %mul3A_1295 = arith.mulf %mul3A_1294, %get3A_1293 : vector<16xf32>
        %add3A_1296 = arith.addf %add3A_1222, %mul3A_1295 : vector<16xf32>
        %add3A_1297 = arith.constant 10 : i32
        %add3A_1298 = arith.addi %mul3A_507, %add3A_1297 : i32
        %get3A_1299 = arith.index_cast %add3A_1298 : i32 to index
        %get3A_1300 = arith.constant 80 : index
        %get3A_1301 = tpu.vector_load %arg11[%get3A_1299, %get3A_1300] {strides = array<i32>} : memref<320x128xf32, #tpu.memory_space<vmem>>, vector<1x16xf32>,
        %get3A_1302 = vector.shape_cast %get3A_1301 : vector<1x16xf32> to vector<16xf32>
        %mul3A_1303 = vector.broadcast %squeeze3A_1251 : f32 to vector<16xf32>
        %mul3A_1304 = arith.mulf %mul3A_1303, %get3A_1302 : vector<16xf32>
        %add3A_1305 = arith.addf %add3A_1231, %mul3A_1304 : vector<16xf32>
        %add3A_1306 = arith.constant 10 : i32
        %add3A_1307 = arith.addi %mul3A_507, %add3A_1306 : i32
        %get3A_1308 = arith.index_cast %add3A_1307 : i32 to index
        %get3A_1309 = arith.constant 96 : index
        %get3A_1310 = tpu.vector_load %arg11[%get3A_1308, %get3A_1309] {strides = array<i32>} : memref<320x128xf32, #tpu.memory_space<vmem>>, vector<1x16xf32>,
        %get3A_1311 = vector.shape_cast %get3A_1310 : vector<1x16xf32> to vector<16xf32>
        %mul3A_1312 = vector.broadcast %squeeze3A_1251 : f32 to vector<16xf32>
        %mul3A_1313 = arith.mulf %mul3A_1312, %get3A_1311 : vector<16xf32>
        %add3A_1314 = arith.addf %add3A_1240, %mul3A_1313 : vector<16xf32>
        %add3A_1315 = arith.constant 10 : i32
        %add3A_1316 = arith.addi %mul3A_507, %add3A_1315 : i32
        %get3A_1317 = arith.index_cast %add3A_1316 : i32 to index
        %get3A_1318 = arith.constant 112 : index
        %get3A_1319 = tpu.vector_load %arg11[%get3A_1317, %get3A_1318] {strides = array<i32>} : memref<320x128xf32, #tpu.memory_space<vmem>>, vector<1x16xf32>,
        %get3A_1320 = vector.shape_cast %get3A_1319 : vector<1x16xf32> to vector<16xf32>
        %mul3A_1321 = vector.broadcast %squeeze3A_1251 : f32 to vector<16xf32>
        %mul3A_1322 = arith.mulf %mul3A_1321, %get3A_1320 : vector<16xf32>
        %add3A_1323 = arith.addf %add3A_1249, %mul3A_1322 : vector<16xf32>
        %slice3A_1324 = vector.extract_strided_slice %get3A_511 {offsets = [11], sizes = [1], strides = [1]} : vector<16xf32> to vector<1xf32>
        %squeeze3A_1325 = vector.extract %slice3A_1324[0] : f32 from vector<1xf32>
        %add3A_1326 = arith.constant 11 : i32
        %add3A_1327 = arith.addi %mul3A_507, %add3A_1326 : i32
        %get3A_1328 = arith.index_cast %add3A_1327 : i32 to index
        %get3A_1329 = arith.constant 0 : index
        %get3A_1330 = tpu.vector_load %arg11[%get3A_1328, %get3A_1329] {strides = array<i32>} : memref<320x128xf32, #tpu.memory_space<vmem>>, vector<1x16xf32>,
        %get3A_1331 = vector.shape_cast %get3A_1330 : vector<1x16xf32> to vector<16xf32>
        %mul3A_1332 = vector.broadcast %squeeze3A_1325 : f32 to vector<16xf32>
        %mul3A_1333 = arith.mulf %mul3A_1332, %get3A_1331 : vector<16xf32>
        %add3A_1334 = arith.addf %add3A_1260, %mul3A_1333 : vector<16xf32>
        %add3A_1335 = arith.constant 11 : i32
        %add3A_1336 = arith.addi %mul3A_507, %add3A_1335 : i32
        %get3A_1337 = arith.index_cast %add3A_1336 : i32 to index
        %get3A_1338 = arith.constant 16 : index
        %get3A_1339 = tpu.vector_load %arg11[%get3A_1337, %get3A_1338] {strides = array<i32>} : memref<320x128xf32, #tpu.memory_space<vmem>>, vector<1x16xf32>,
        %get3A_1340 = vector.shape_cast %get3A_1339 : vector<1x16xf32> to vector<16xf32>
        %mul3A_1341 = vector.broadcast %squeeze3A_1325 : f32 to vector<16xf32>
        %mul3A_1342 = arith.mulf %mul3A_1341, %get3A_1340 : vector<16xf32>
        %add3A_1343 = arith.addf %add3A_1269, %mul3A_1342 : vector<16xf32>
        %add3A_1344 = arith.constant 11 : i32
        %add3A_1345 = arith.addi %mul3A_507, %add3A_1344 : i32
        %get3A_1346 = arith.index_cast %add3A_1345 : i32 to index
        %get3A_1347 = arith.constant 32 : index
        %get3A_1348 = tpu.vector_load %arg11[%get3A_1346, %get3A_1347] {strides = array<i32>} : memref<320x128xf32, #tpu.memory_space<vmem>>, vector<1x16xf32>,
        %get3A_1349 = vector.shape_cast %get3A_1348 : vector<1x16xf32> to vector<16xf32>
        %mul3A_1350 = vector.broadcast %squeeze3A_1325 : f32 to vector<16xf32>
        %mul3A_1351 = arith.mulf %mul3A_1350, %get3A_1349 : vector<16xf32>
        %add3A_1352 = arith.addf %add3A_1278, %mul3A_1351 : vector<16xf32>
        %add3A_1353 = arith.constant 11 : i32
        %add3A_1354 = arith.addi %mul3A_507, %add3A_1353 : i32
        %get3A_1355 = arith.index_cast %add3A_1354 : i32 to index
        %get3A_1356 = arith.constant 48 : index
        %get3A_1357 = tpu.vector_load %arg11[%get3A_1355, %get3A_1356] {strides = array<i32>} : memref<320x128xf32, #tpu.memory_space<vmem>>, vector<1x16xf32>,
        %get3A_1358 = vector.shape_cast %get3A_1357 : vector<1x16xf32> to vector<16xf32>
        %mul3A_1359 = vector.broadcast %squeeze3A_1325 : f32 to vector<16xf32>
        %mul3A_1360 = arith.mulf %mul3A_1359, %get3A_1358 : vector<16xf32>
        %add3A_1361 = arith.addf %add3A_1287, %mul3A_1360 : vector<16xf32>
        %add3A_1362 = arith.constant 11 : i32
        %add3A_1363 = arith.addi %mul3A_507, %add3A_1362 : i32
        %get3A_1364 = arith.index_cast %add3A_1363 : i32 to index
        %get3A_1365 = arith.constant 64 : index
        %get3A_1366 = tpu.vector_load %arg11[%get3A_1364, %get3A_1365] {strides = array<i32>} : memref<320x128xf32, #tpu.memory_space<vmem>>, vector<1x16xf32>,
        %get3A_1367 = vector.shape_cast %get3A_1366 : vector<1x16xf32> to vector<16xf32>
        %mul3A_1368 = vector.broadcast %squeeze3A_1325 : f32 to vector<16xf32>
        %mul3A_1369 = arith.mulf %mul3A_1368, %get3A_1367 : vector<16xf32>
        %add3A_1370 = arith.addf %add3A_1296, %mul3A_1369 : vector<16xf32>
        %add3A_1371 = arith.constant 11 : i32
        %add3A_1372 = arith.addi %mul3A_507, %add3A_1371 : i32
        %get3A_1373 = arith.index_cast %add3A_1372 : i32 to index
        %get3A_1374 = arith.constant 80 : index
        %get3A_1375 = tpu.vector_load %arg11[%get3A_1373, %get3A_1374] {strides = array<i32>} : memref<320x128xf32, #tpu.memory_space<vmem>>, vector<1x16xf32>,
        %get3A_1376 = vector.shape_cast %get3A_1375 : vector<1x16xf32> to vector<16xf32>
        %mul3A_1377 = vector.broadcast %squeeze3A_1325 : f32 to vector<16xf32>
        %mul3A_1378 = arith.mulf %mul3A_1377, %get3A_1376 : vector<16xf32>
        %add3A_1379 = arith.addf %add3A_1305, %mul3A_1378 : vector<16xf32>
        %add3A_1380 = arith.constant 11 : i32
        %add3A_1381 = arith.addi %mul3A_507, %add3A_1380 : i32
        %get3A_1382 = arith.index_cast %add3A_1381 : i32 to index
        %get3A_1383 = arith.constant 96 : index
        %get3A_1384 = tpu.vector_load %arg11[%get3A_1382, %get3A_1383] {strides = array<i32>} : memref<320x128xf32, #tpu.memory_space<vmem>>, vector<1x16xf32>,
        %get3A_1385 = vector.shape_cast %get3A_1384 : vector<1x16xf32> to vector<16xf32>
        %mul3A_1386 = vector.broadcast %squeeze3A_1325 : f32 to vector<16xf32>
        %mul3A_1387 = arith.mulf %mul3A_1386, %get3A_1385 : vector<16xf32>
        %add3A_1388 = arith.addf %add3A_1314, %mul3A_1387 : vector<16xf32>
        %add3A_1389 = arith.constant 11 : i32
        %add3A_1390 = arith.addi %mul3A_507, %add3A_1389 : i32
        %get3A_1391 = arith.index_cast %add3A_1390 : i32 to index
        %get3A_1392 = arith.constant 112 : index
        %get3A_1393 = tpu.vector_load %arg11[%get3A_1391, %get3A_1392] {strides = array<i32>} : memref<320x128xf32, #tpu.memory_space<vmem>>, vector<1x16xf32>,
        %get3A_1394 = vector.shape_cast %get3A_1393 : vector<1x16xf32> to vector<16xf32>
        %mul3A_1395 = vector.broadcast %squeeze3A_1325 : f32 to vector<16xf32>
        %mul3A_1396 = arith.mulf %mul3A_1395, %get3A_1394 : vector<16xf32>
        %add3A_1397 = arith.addf %add3A_1323, %mul3A_1396 : vector<16xf32>
        %slice3A_1398 = vector.extract_strided_slice %get3A_511 {offsets = [12], sizes = [1], strides = [1]} : vector<16xf32> to vector<1xf32>
        %squeeze3A_1399 = vector.extract %slice3A_1398[0] : f32 from vector<1xf32>
        %add3A_1400 = arith.constant 12 : i32
        %add3A_1401 = arith.addi %mul3A_507, %add3A_1400 : i32
        %get3A_1402 = arith.index_cast %add3A_1401 : i32 to index
        %get3A_1403 = arith.constant 0 : index
        %get3A_1404 = tpu.vector_load %arg11[%get3A_1402, %get3A_1403] {strides = array<i32>} : memref<320x128xf32, #tpu.memory_space<vmem>>, vector<1x16xf32>,
        %get3A_1405 = vector.shape_cast %get3A_1404 : vector<1x16xf32> to vector<16xf32>
        %mul3A_1406 = vector.broadcast %squeeze3A_1399 : f32 to vector<16xf32>
        %mul3A_1407 = arith.mulf %mul3A_1406, %get3A_1405 : vector<16xf32>
        %add3A_1408 = arith.addf %add3A_1334, %mul3A_1407 : vector<16xf32>
        %add3A_1409 = arith.constant 12 : i32
        %add3A_1410 = arith.addi %mul3A_507, %add3A_1409 : i32
        %get3A_1411 = arith.index_cast %add3A_1410 : i32 to index
        %get3A_1412 = arith.constant 16 : index
        %get3A_1413 = tpu.vector_load %arg11[%get3A_1411, %get3A_1412] {strides = array<i32>} : memref<320x128xf32, #tpu.memory_space<vmem>>, vector<1x16xf32>,
        %get3A_1414 = vector.shape_cast %get3A_1413 : vector<1x16xf32> to vector<16xf32>
        %mul3A_1415 = vector.broadcast %squeeze3A_1399 : f32 to vector<16xf32>
        %mul3A_1416 = arith.mulf %mul3A_1415, %get3A_1414 : vector<16xf32>
        %add3A_1417 = arith.addf %add3A_1343, %mul3A_1416 : vector<16xf32>
        %add3A_1418 = arith.constant 12 : i32
        %add3A_1419 = arith.addi %mul3A_507, %add3A_1418 : i32
        %get3A_1420 = arith.index_cast %add3A_1419 : i32 to index
        %get3A_1421 = arith.constant 32 : index
        %get3A_1422 = tpu.vector_load %arg11[%get3A_1420, %get3A_1421] {strides = array<i32>} : memref<320x128xf32, #tpu.memory_space<vmem>>, vector<1x16xf32>,
        %get3A_1423 = vector.shape_cast %get3A_1422 : vector<1x16xf32> to vector<16xf32>
        %mul3A_1424 = vector.broadcast %squeeze3A_1399 : f32 to vector<16xf32>
        %mul3A_1425 = arith.mulf %mul3A_1424, %get3A_1423 : vector<16xf32>
        %add3A_1426 = arith.addf %add3A_1352, %mul3A_1425 : vector<16xf32>
        %add3A_1427 = arith.constant 12 : i32
        %add3A_1428 = arith.addi %mul3A_507, %add3A_1427 : i32
        %get3A_1429 = arith.index_cast %add3A_1428 : i32 to index
        %get3A_1430 = arith.constant 48 : index
        %get3A_1431 = tpu.vector_load %arg11[%get3A_1429, %get3A_1430] {strides = array<i32>} : memref<320x128xf32, #tpu.memory_space<vmem>>, vector<1x16xf32>,
        %get3A_1432 = vector.shape_cast %get3A_1431 : vector<1x16xf32> to vector<16xf32>
        %mul3A_1433 = vector.broadcast %squeeze3A_1399 : f32 to vector<16xf32>
        %mul3A_1434 = arith.mulf %mul3A_1433, %get3A_1432 : vector<16xf32>
        %add3A_1435 = arith.addf %add3A_1361, %mul3A_1434 : vector<16xf32>
        %add3A_1436 = arith.constant 12 : i32
        %add3A_1437 = arith.addi %mul3A_507, %add3A_1436 : i32
        %get3A_1438 = arith.index_cast %add3A_1437 : i32 to index
        %get3A_1439 = arith.constant 64 : index
        %get3A_1440 = tpu.vector_load %arg11[%get3A_1438, %get3A_1439] {strides = array<i32>} : memref<320x128xf32, #tpu.memory_space<vmem>>, vector<1x16xf32>,
        %get3A_1441 = vector.shape_cast %get3A_1440 : vector<1x16xf32> to vector<16xf32>
        %mul3A_1442 = vector.broadcast %squeeze3A_1399 : f32 to vector<16xf32>
        %mul3A_1443 = arith.mulf %mul3A_1442, %get3A_1441 : vector<16xf32>
        %add3A_1444 = arith.addf %add3A_1370, %mul3A_1443 : vector<16xf32>
        %add3A_1445 = arith.constant 12 : i32
        %add3A_1446 = arith.addi %mul3A_507, %add3A_1445 : i32
        %get3A_1447 = arith.index_cast %add3A_1446 : i32 to index
        %get3A_1448 = arith.constant 80 : index
        %get3A_1449 = tpu.vector_load %arg11[%get3A_1447, %get3A_1448] {strides = array<i32>} : memref<320x128xf32, #tpu.memory_space<vmem>>, vector<1x16xf32>,
        %get3A_1450 = vector.shape_cast %get3A_1449 : vector<1x16xf32> to vector<16xf32>
        %mul3A_1451 = vector.broadcast %squeeze3A_1399 : f32 to vector<16xf32>
        %mul3A_1452 = arith.mulf %mul3A_1451, %get3A_1450 : vector<16xf32>
        %add3A_1453 = arith.addf %add3A_1379, %mul3A_1452 : vector<16xf32>
        %add3A_1454 = arith.constant 12 : i32
        %add3A_1455 = arith.addi %mul3A_507, %add3A_1454 : i32
        %get3A_1456 = arith.index_cast %add3A_1455 : i32 to index
        %get3A_1457 = arith.constant 96 : index
        %get3A_1458 = tpu.vector_load %arg11[%get3A_1456, %get3A_1457] {strides = array<i32>} : memref<320x128xf32, #tpu.memory_space<vmem>>, vector<1x16xf32>,
        %get3A_1459 = vector.shape_cast %get3A_1458 : vector<1x16xf32> to vector<16xf32>
        %mul3A_1460 = vector.broadcast %squeeze3A_1399 : f32 to vector<16xf32>
        %mul3A_1461 = arith.mulf %mul3A_1460, %get3A_1459 : vector<16xf32>
        %add3A_1462 = arith.addf %add3A_1388, %mul3A_1461 : vector<16xf32>
        %add3A_1463 = arith.constant 12 : i32
        %add3A_1464 = arith.addi %mul3A_507, %add3A_1463 : i32
        %get3A_1465 = arith.index_cast %add3A_1464 : i32 to index
        %get3A_1466 = arith.constant 112 : index
        %get3A_1467 = tpu.vector_load %arg11[%get3A_1465, %get3A_1466] {strides = array<i32>} : memref<320x128xf32, #tpu.memory_space<vmem>>, vector<1x16xf32>,
        %get3A_1468 = vector.shape_cast %get3A_1467 : vector<1x16xf32> to vector<16xf32>
        %mul3A_1469 = vector.broadcast %squeeze3A_1399 : f32 to vector<16xf32>
        %mul3A_1470 = arith.mulf %mul3A_1469, %get3A_1468 : vector<16xf32>
        %add3A_1471 = arith.addf %add3A_1397, %mul3A_1470 : vector<16xf32>
        %slice3A_1472 = vector.extract_strided_slice %get3A_511 {offsets = [13], sizes = [1], strides = [1]} : vector<16xf32> to vector<1xf32>
        %squeeze3A_1473 = vector.extract %slice3A_1472[0] : f32 from vector<1xf32>
        %add3A_1474 = arith.constant 13 : i32
        %add3A_1475 = arith.addi %mul3A_507, %add3A_1474 : i32
        %get3A_1476 = arith.index_cast %add3A_1475 : i32 to index
        %get3A_1477 = arith.constant 0 : index
        %get3A_1478 = tpu.vector_load %arg11[%get3A_1476, %get3A_1477] {strides = array<i32>} : memref<320x128xf32, #tpu.memory_space<vmem>>, vector<1x16xf32>,
        %get3A_1479 = vector.shape_cast %get3A_1478 : vector<1x16xf32> to vector<16xf32>
        %mul3A_1480 = vector.broadcast %squeeze3A_1473 : f32 to vector<16xf32>
        %mul3A_1481 = arith.mulf %mul3A_1480, %get3A_1479 : vector<16xf32>
        %add3A_1482 = arith.addf %add3A_1408, %mul3A_1481 : vector<16xf32>
        %add3A_1483 = arith.constant 13 : i32
        %add3A_1484 = arith.addi %mul3A_507, %add3A_1483 : i32
        %get3A_1485 = arith.index_cast %add3A_1484 : i32 to index
        %get3A_1486 = arith.constant 16 : index
        %get3A_1487 = tpu.vector_load %arg11[%get3A_1485, %get3A_1486] {strides = array<i32>} : memref<320x128xf32, #tpu.memory_space<vmem>>, vector<1x16xf32>,
        %get3A_1488 = vector.shape_cast %get3A_1487 : vector<1x16xf32> to vector<16xf32>
        %mul3A_1489 = vector.broadcast %squeeze3A_1473 : f32 to vector<16xf32>
        %mul3A_1490 = arith.mulf %mul3A_1489, %get3A_1488 : vector<16xf32>
        %add3A_1491 = arith.addf %add3A_1417, %mul3A_1490 : vector<16xf32>
        %add3A_1492 = arith.constant 13 : i32
        %add3A_1493 = arith.addi %mul3A_507, %add3A_1492 : i32
        %get3A_1494 = arith.index_cast %add3A_1493 : i32 to index
        %get3A_1495 = arith.constant 32 : index
        %get3A_1496 = tpu.vector_load %arg11[%get3A_1494, %get3A_1495] {strides = array<i32>} : memref<320x128xf32, #tpu.memory_space<vmem>>, vector<1x16xf32>,
        %get3A_1497 = vector.shape_cast %get3A_1496 : vector<1x16xf32> to vector<16xf32>
        %mul3A_1498 = vector.broadcast %squeeze3A_1473 : f32 to vector<16xf32>
        %mul3A_1499 = arith.mulf %mul3A_1498, %get3A_1497 : vector<16xf32>
        %add3A_1500 = arith.addf %add3A_1426, %mul3A_1499 : vector<16xf32>
        %add3A_1501 = arith.constant 13 : i32
        %add3A_1502 = arith.addi %mul3A_507, %add3A_1501 : i32
        %get3A_1503 = arith.index_cast %add3A_1502 : i32 to index
        %get3A_1504 = arith.constant 48 : index
        %get3A_1505 = tpu.vector_load %arg11[%get3A_1503, %get3A_1504] {strides = array<i32>} : memref<320x128xf32, #tpu.memory_space<vmem>>, vector<1x16xf32>,
        %get3A_1506 = vector.shape_cast %get3A_1505 : vector<1x16xf32> to vector<16xf32>
        %mul3A_1507 = vector.broadcast %squeeze3A_1473 : f32 to vector<16xf32>
        %mul3A_1508 = arith.mulf %mul3A_1507, %get3A_1506 : vector<16xf32>
        %add3A_1509 = arith.addf %add3A_1435, %mul3A_1508 : vector<16xf32>
        %add3A_1510 = arith.constant 13 : i32
        %add3A_1511 = arith.addi %mul3A_507, %add3A_1510 : i32
        %get3A_1512 = arith.index_cast %add3A_1511 : i32 to index
        %get3A_1513 = arith.constant 64 : index
        %get3A_1514 = tpu.vector_load %arg11[%get3A_1512, %get3A_1513] {strides = array<i32>} : memref<320x128xf32, #tpu.memory_space<vmem>>, vector<1x16xf32>,
        %get3A_1515 = vector.shape_cast %get3A_1514 : vector<1x16xf32> to vector<16xf32>
        %mul3A_1516 = vector.broadcast %squeeze3A_1473 : f32 to vector<16xf32>
        %mul3A_1517 = arith.mulf %mul3A_1516, %get3A_1515 : vector<16xf32>
        %add3A_1518 = arith.addf %add3A_1444, %mul3A_1517 : vector<16xf32>
        %add3A_1519 = arith.constant 13 : i32
        %add3A_1520 = arith.addi %mul3A_507, %add3A_1519 : i32
        %get3A_1521 = arith.index_cast %add3A_1520 : i32 to index
        %get3A_1522 = arith.constant 80 : index
        %get3A_1523 = tpu.vector_load %arg11[%get3A_1521, %get3A_1522] {strides = array<i32>} : memref<320x128xf32, #tpu.memory_space<vmem>>, vector<1x16xf32>,
        %get3A_1524 = vector.shape_cast %get3A_1523 : vector<1x16xf32> to vector<16xf32>
        %mul3A_1525 = vector.broadcast %squeeze3A_1473 : f32 to vector<16xf32>
        %mul3A_1526 = arith.mulf %mul3A_1525, %get3A_1524 : vector<16xf32>
        %add3A_1527 = arith.addf %add3A_1453, %mul3A_1526 : vector<16xf32>
        %add3A_1528 = arith.constant 13 : i32
        %add3A_1529 = arith.addi %mul3A_507, %add3A_1528 : i32
        %get3A_1530 = arith.index_cast %add3A_1529 : i32 to index
        %get3A_1531 = arith.constant 96 : index
        %get3A_1532 = tpu.vector_load %arg11[%get3A_1530, %get3A_1531] {strides = array<i32>} : memref<320x128xf32, #tpu.memory_space<vmem>>, vector<1x16xf32>,
        %get3A_1533 = vector.shape_cast %get3A_1532 : vector<1x16xf32> to vector<16xf32>
        %mul3A_1534 = vector.broadcast %squeeze3A_1473 : f32 to vector<16xf32>
        %mul3A_1535 = arith.mulf %mul3A_1534, %get3A_1533 : vector<16xf32>
        %add3A_1536 = arith.addf %add3A_1462, %mul3A_1535 : vector<16xf32>
        %add3A_1537 = arith.constant 13 : i32
        %add3A_1538 = arith.addi %mul3A_507, %add3A_1537 : i32
        %get3A_1539 = arith.index_cast %add3A_1538 : i32 to index
        %get3A_1540 = arith.constant 112 : index
        %get3A_1541 = tpu.vector_load %arg11[%get3A_1539, %get3A_1540] {strides = array<i32>} : memref<320x128xf32, #tpu.memory_space<vmem>>, vector<1x16xf32>,
        %get3A_1542 = vector.shape_cast %get3A_1541 : vector<1x16xf32> to vector<16xf32>
        %mul3A_1543 = vector.broadcast %squeeze3A_1473 : f32 to vector<16xf32>
        %mul3A_1544 = arith.mulf %mul3A_1543, %get3A_1542 : vector<16xf32>
        %add3A_1545 = arith.addf %add3A_1471, %mul3A_1544 : vector<16xf32>
        %slice3A_1546 = vector.extract_strided_slice %get3A_511 {offsets = [14], sizes = [1], strides = [1]} : vector<16xf32> to vector<1xf32>
        %squeeze3A_1547 = vector.extract %slice3A_1546[0] : f32 from vector<1xf32>
        %add3A_1548 = arith.constant 14 : i32
        %add3A_1549 = arith.addi %mul3A_507, %add3A_1548 : i32
        %get3A_1550 = arith.index_cast %add3A_1549 : i32 to index
        %get3A_1551 = arith.constant 0 : index
        %get3A_1552 = tpu.vector_load %arg11[%get3A_1550, %get3A_1551] {strides = array<i32>} : memref<320x128xf32, #tpu.memory_space<vmem>>, vector<1x16xf32>,
        %get3A_1553 = vector.shape_cast %get3A_1552 : vector<1x16xf32> to vector<16xf32>
        %mul3A_1554 = vector.broadcast %squeeze3A_1547 : f32 to vector<16xf32>
        %mul3A_1555 = arith.mulf %mul3A_1554, %get3A_1553 : vector<16xf32>
        %add3A_1556 = arith.addf %add3A_1482, %mul3A_1555 : vector<16xf32>
        %add3A_1557 = arith.constant 14 : i32
        %add3A_1558 = arith.addi %mul3A_507, %add3A_1557 : i32
        %get3A_1559 = arith.index_cast %add3A_1558 : i32 to index
        %get3A_1560 = arith.constant 16 : index
        %get3A_1561 = tpu.vector_load %arg11[%get3A_1559, %get3A_1560] {strides = array<i32>} : memref<320x128xf32, #tpu.memory_space<vmem>>, vector<1x16xf32>,
        %get3A_1562 = vector.shape_cast %get3A_1561 : vector<1x16xf32> to vector<16xf32>
        %mul3A_1563 = vector.broadcast %squeeze3A_1547 : f32 to vector<16xf32>
        %mul3A_1564 = arith.mulf %mul3A_1563, %get3A_1562 : vector<16xf32>
        %add3A_1565 = arith.addf %add3A_1491, %mul3A_1564 : vector<16xf32>
        %add3A_1566 = arith.constant 14 : i32
        %add3A_1567 = arith.addi %mul3A_507, %add3A_1566 : i32
        %get3A_1568 = arith.index_cast %add3A_1567 : i32 to index
        %get3A_1569 = arith.constant 32 : index
        %get3A_1570 = tpu.vector_load %arg11[%get3A_1568, %get3A_1569] {strides = array<i32>} : memref<320x128xf32, #tpu.memory_space<vmem>>, vector<1x16xf32>,
        %get3A_1571 = vector.shape_cast %get3A_1570 : vector<1x16xf32> to vector<16xf32>
        %mul3A_1572 = vector.broadcast %squeeze3A_1547 : f32 to vector<16xf32>
        %mul3A_1573 = arith.mulf %mul3A_1572, %get3A_1571 : vector<16xf32>
        %add3A_1574 = arith.addf %add3A_1500, %mul3A_1573 : vector<16xf32>
        %add3A_1575 = arith.constant 14 : i32
        %add3A_1576 = arith.addi %mul3A_507, %add3A_1575 : i32
        %get3A_1577 = arith.index_cast %add3A_1576 : i32 to index
        %get3A_1578 = arith.constant 48 : index
        %get3A_1579 = tpu.vector_load %arg11[%get3A_1577, %get3A_1578] {strides = array<i32>} : memref<320x128xf32, #tpu.memory_space<vmem>>, vector<1x16xf32>,
        %get3A_1580 = vector.shape_cast %get3A_1579 : vector<1x16xf32> to vector<16xf32>
        %mul3A_1581 = vector.broadcast %squeeze3A_1547 : f32 to vector<16xf32>
        %mul3A_1582 = arith.mulf %mul3A_1581, %get3A_1580 : vector<16xf32>
        %add3A_1583 = arith.addf %add3A_1509, %mul3A_1582 : vector<16xf32>
        %add3A_1584 = arith.constant 14 : i32
        %add3A_1585 = arith.addi %mul3A_507, %add3A_1584 : i32
        %get3A_1586 = arith.index_cast %add3A_1585 : i32 to index
        %get3A_1587 = arith.constant 64 : index
        %get3A_1588 = tpu.vector_load %arg11[%get3A_1586, %get3A_1587] {strides = array<i32>} : memref<320x128xf32, #tpu.memory_space<vmem>>, vector<1x16xf32>,
        %get3A_1589 = vector.shape_cast %get3A_1588 : vector<1x16xf32> to vector<16xf32>
        %mul3A_1590 = vector.broadcast %squeeze3A_1547 : f32 to vector<16xf32>
        %mul3A_1591 = arith.mulf %mul3A_1590, %get3A_1589 : vector<16xf32>
        %add3A_1592 = arith.addf %add3A_1518, %mul3A_1591 : vector<16xf32>
        %add3A_1593 = arith.constant 14 : i32
        %add3A_1594 = arith.addi %mul3A_507, %add3A_1593 : i32
        %get3A_1595 = arith.index_cast %add3A_1594 : i32 to index
        %get3A_1596 = arith.constant 80 : index
        %get3A_1597 = tpu.vector_load %arg11[%get3A_1595, %get3A_1596] {strides = array<i32>} : memref<320x128xf32, #tpu.memory_space<vmem>>, vector<1x16xf32>,
        %get3A_1598 = vector.shape_cast %get3A_1597 : vector<1x16xf32> to vector<16xf32>
        %mul3A_1599 = vector.broadcast %squeeze3A_1547 : f32 to vector<16xf32>
        %mul3A_1600 = arith.mulf %mul3A_1599, %get3A_1598 : vector<16xf32>
        %add3A_1601 = arith.addf %add3A_1527, %mul3A_1600 : vector<16xf32>
        %add3A_1602 = arith.constant 14 : i32
        %add3A_1603 = arith.addi %mul3A_507, %add3A_1602 : i32
        %get3A_1604 = arith.index_cast %add3A_1603 : i32 to index
        %get3A_1605 = arith.constant 96 : index
        %get3A_1606 = tpu.vector_load %arg11[%get3A_1604, %get3A_1605] {strides = array<i32>} : memref<320x128xf32, #tpu.memory_space<vmem>>, vector<1x16xf32>,
        %get3A_1607 = vector.shape_cast %get3A_1606 : vector<1x16xf32> to vector<16xf32>
        %mul3A_1608 = vector.broadcast %squeeze3A_1547 : f32 to vector<16xf32>
        %mul3A_1609 = arith.mulf %mul3A_1608, %get3A_1607 : vector<16xf32>
        %add3A_1610 = arith.addf %add3A_1536, %mul3A_1609 : vector<16xf32>
        %add3A_1611 = arith.constant 14 : i32
        %add3A_1612 = arith.addi %mul3A_507, %add3A_1611 : i32
        %get3A_1613 = arith.index_cast %add3A_1612 : i32 to index
        %get3A_1614 = arith.constant 112 : index
        %get3A_1615 = tpu.vector_load %arg11[%get3A_1613, %get3A_1614] {strides = array<i32>} : memref<320x128xf32, #tpu.memory_space<vmem>>, vector<1x16xf32>,
        %get3A_1616 = vector.shape_cast %get3A_1615 : vector<1x16xf32> to vector<16xf32>
        %mul3A_1617 = vector.broadcast %squeeze3A_1547 : f32 to vector<16xf32>
        %mul3A_1618 = arith.mulf %mul3A_1617, %get3A_1616 : vector<16xf32>
        %add3A_1619 = arith.addf %add3A_1545, %mul3A_1618 : vector<16xf32>
        %slice3A_1620 = vector.extract_strided_slice %get3A_511 {offsets = [15], sizes = [1], strides = [1]} : vector<16xf32> to vector<1xf32>
        %squeeze3A_1621 = vector.extract %slice3A_1620[0] : f32 from vector<1xf32>
        %add3A_1622 = arith.constant 15 : i32
        %add3A_1623 = arith.addi %mul3A_507, %add3A_1622 : i32
        %get3A_1624 = arith.index_cast %add3A_1623 : i32 to index
        %get3A_1625 = arith.constant 0 : index
        %get3A_1626 = tpu.vector_load %arg11[%get3A_1624, %get3A_1625] {strides = array<i32>} : memref<320x128xf32, #tpu.memory_space<vmem>>, vector<1x16xf32>,
        %get3A_1627 = vector.shape_cast %get3A_1626 : vector<1x16xf32> to vector<16xf32>
        %mul3A_1628 = vector.broadcast %squeeze3A_1621 : f32 to vector<16xf32>
        %mul3A_1629 = arith.mulf %mul3A_1628, %get3A_1627 : vector<16xf32>
        %add3A_1630 = arith.addf %add3A_1556, %mul3A_1629 : vector<16xf32>
        %add3A_1631 = arith.constant 15 : i32
        %add3A_1632 = arith.addi %mul3A_507, %add3A_1631 : i32
        %get3A_1633 = arith.index_cast %add3A_1632 : i32 to index
        %get3A_1634 = arith.constant 16 : index
        %get3A_1635 = tpu.vector_load %arg11[%get3A_1633, %get3A_1634] {strides = array<i32>} : memref<320x128xf32, #tpu.memory_space<vmem>>, vector<1x16xf32>,
        %get3A_1636 = vector.shape_cast %get3A_1635 : vector<1x16xf32> to vector<16xf32>
        %mul3A_1637 = vector.broadcast %squeeze3A_1621 : f32 to vector<16xf32>
        %mul3A_1638 = arith.mulf %mul3A_1637, %get3A_1636 : vector<16xf32>
        %add3A_1639 = arith.addf %add3A_1565, %mul3A_1638 : vector<16xf32>
        %add3A_1640 = arith.constant 15 : i32
        %add3A_1641 = arith.addi %mul3A_507, %add3A_1640 : i32
        %get3A_1642 = arith.index_cast %add3A_1641 : i32 to index
        %get3A_1643 = arith.constant 32 : index
        %get3A_1644 = tpu.vector_load %arg11[%get3A_1642, %get3A_1643] {strides = array<i32>} : memref<320x128xf32, #tpu.memory_space<vmem>>, vector<1x16xf32>,
        %get3A_1645 = vector.shape_cast %get3A_1644 : vector<1x16xf32> to vector<16xf32>
        %mul3A_1646 = vector.broadcast %squeeze3A_1621 : f32 to vector<16xf32>
        %mul3A_1647 = arith.mulf %mul3A_1646, %get3A_1645 : vector<16xf32>
        %add3A_1648 = arith.addf %add3A_1574, %mul3A_1647 : vector<16xf32>
        %add3A_1649 = arith.constant 15 : i32
        %add3A_1650 = arith.addi %mul3A_507, %add3A_1649 : i32
        %get3A_1651 = arith.index_cast %add3A_1650 : i32 to index
        %get3A_1652 = arith.constant 48 : index
        %get3A_1653 = tpu.vector_load %arg11[%get3A_1651, %get3A_1652] {strides = array<i32>} : memref<320x128xf32, #tpu.memory_space<vmem>>, vector<1x16xf32>,
        %get3A_1654 = vector.shape_cast %get3A_1653 : vector<1x16xf32> to vector<16xf32>
        %mul3A_1655 = vector.broadcast %squeeze3A_1621 : f32 to vector<16xf32>
        %mul3A_1656 = arith.mulf %mul3A_1655, %get3A_1654 : vector<16xf32>
        %add3A_1657 = arith.addf %add3A_1583, %mul3A_1656 : vector<16xf32>
        %add3A_1658 = arith.constant 15 : i32
        %add3A_1659 = arith.addi %mul3A_507, %add3A_1658 : i32
        %get3A_1660 = arith.index_cast %add3A_1659 : i32 to index
        %get3A_1661 = arith.constant 64 : index
        %get3A_1662 = tpu.vector_load %arg11[%get3A_1660, %get3A_1661] {strides = array<i32>} : memref<320x128xf32, #tpu.memory_space<vmem>>, vector<1x16xf32>,
        %get3A_1663 = vector.shape_cast %get3A_1662 : vector<1x16xf32> to vector<16xf32>
        %mul3A_1664 = vector.broadcast %squeeze3A_1621 : f32 to vector<16xf32>
        %mul3A_1665 = arith.mulf %mul3A_1664, %get3A_1663 : vector<16xf32>
        %add3A_1666 = arith.addf %add3A_1592, %mul3A_1665 : vector<16xf32>
        %add3A_1667 = arith.constant 15 : i32
        %add3A_1668 = arith.addi %mul3A_507, %add3A_1667 : i32
        %get3A_1669 = arith.index_cast %add3A_1668 : i32 to index
        %get3A_1670 = arith.constant 80 : index
        %get3A_1671 = tpu.vector_load %arg11[%get3A_1669, %get3A_1670] {strides = array<i32>} : memref<320x128xf32, #tpu.memory_space<vmem>>, vector<1x16xf32>,
        %get3A_1672 = vector.shape_cast %get3A_1671 : vector<1x16xf32> to vector<16xf32>
        %mul3A_1673 = vector.broadcast %squeeze3A_1621 : f32 to vector<16xf32>
        %mul3A_1674 = arith.mulf %mul3A_1673, %get3A_1672 : vector<16xf32>
        %add3A_1675 = arith.addf %add3A_1601, %mul3A_1674 : vector<16xf32>
        %add3A_1676 = arith.constant 15 : i32
        %add3A_1677 = arith.addi %mul3A_507, %add3A_1676 : i32
        %get3A_1678 = arith.index_cast %add3A_1677 : i32 to index
        %get3A_1679 = arith.constant 96 : index
        %get3A_1680 = tpu.vector_load %arg11[%get3A_1678, %get3A_1679] {strides = array<i32>} : memref<320x128xf32, #tpu.memory_space<vmem>>, vector<1x16xf32>,
        %get3A_1681 = vector.shape_cast %get3A_1680 : vector<1x16xf32> to vector<16xf32>
        %mul3A_1682 = vector.broadcast %squeeze3A_1621 : f32 to vector<16xf32>
        %mul3A_1683 = arith.mulf %mul3A_1682, %get3A_1681 : vector<16xf32>
        %add3A_1684 = arith.addf %add3A_1610, %mul3A_1683 : vector<16xf32>
        %add3A_1685 = arith.constant 15 : i32
        %add3A_1686 = arith.addi %mul3A_507, %add3A_1685 : i32
        %get3A_1687 = arith.index_cast %add3A_1686 : i32 to index
        %get3A_1688 = arith.constant 112 : index
        %get3A_1689 = tpu.vector_load %arg11[%get3A_1687, %get3A_1688] {strides = array<i32>} : memref<320x128xf32, #tpu.memory_space<vmem>>, vector<1x16xf32>,
        %get3A_1690 = vector.shape_cast %get3A_1689 : vector<1x16xf32> to vector<16xf32>
        %mul3A_1691 = vector.broadcast %squeeze3A_1621 : f32 to vector<16xf32>
        %mul3A_1692 = arith.mulf %mul3A_1691, %get3A_1690 : vector<16xf32>
        %add3A_1693 = arith.addf %add3A_1619, %mul3A_1692 : vector<16xf32>
        scf.yield %add3A_1630, %add3A_1639, %add3A_1648, %add3A_1657, %add3A_1666, %add3A_1675, %add3A_1684, %add3A_1693 : vector<16xf32>, vector<16xf32>, vector<16xf32>, vector<16xf32>, vector<16xf32>, vector<16xf32>, vector<16xf32>, vector<16xf32>
      }
      %scan3A_401 = arith.constant 20 : i32
      %mul3A_402 = arith.constant 5.000000e-02 : f32
      %mul3A_403 = vector.broadcast %mul3A_402 : f32 to vector<16xf32>
      %mul3A_404 = arith.mulf %scan3A_400#0, %mul3A_403 : vector<16xf32>
      %swap3A_405 = arith.index_cast %select_n3A_379 : i32 to index
      %swap3A_406 = arith.constant 0 : index
      %swap3A_407 = tpu.vector_load %arg12[%swap3A_405, %swap3A_406] {strides = array<i32>} : memref<16x128xf32, #tpu.memory_space<vmem>>, vector<1x16xf32>,
      %swap3A_408 = vector.shape_cast %swap3A_407 : vector<1x16xf32> to vector<16xf32>
      %swap3A_409 = vector.shape_cast %mul3A_404 : vector<16xf32> to vector<1x16xf32>
      tpu.vector_store %arg12[%swap3A_405, %swap3A_406], %swap3A_409 {strides = array<i32>} : memref<16x128xf32, #tpu.memory_space<vmem>>, vector<1x16xf32>,
      %mul3A_410 = arith.constant 5.000000e-02 : f32
      %mul3A_411 = vector.broadcast %mul3A_410 : f32 to vector<16xf32>
      %mul3A_412 = arith.mulf %scan3A_400#1, %mul3A_411 : vector<16xf32>
      %swap3A_413 = arith.index_cast %select_n3A_379 : i32 to index
      %swap3A_414 = arith.constant 16 : index
      %swap3A_415 = tpu.vector_load %arg12[%swap3A_413, %swap3A_414] {strides = array<i32>} : memref<16x128xf32, #tpu.memory_space<vmem>>, vector<1x16xf32>,
      %swap3A_416 = vector.shape_cast %swap3A_415 : vector<1x16xf32> to vector<16xf32>
      %swap3A_417 = vector.shape_cast %mul3A_412 : vector<16xf32> to vector<1x16xf32>
      tpu.vector_store %arg12[%swap3A_413, %swap3A_414], %swap3A_417 {strides = array<i32>} : memref<16x128xf32, #tpu.memory_space<vmem>>, vector<1x16xf32>,
      %mul3A_418 = arith.constant 5.000000e-02 : f32
      %mul3A_419 = vector.broadcast %mul3A_418 : f32 to vector<16xf32>
      %mul3A_420 = arith.mulf %scan3A_400#2, %mul3A_419 : vector<16xf32>
      %swap3A_421 = arith.index_cast %select_n3A_379 : i32 to index
      %swap3A_422 = arith.constant 32 : index
      %swap3A_423 = tpu.vector_load %arg12[%swap3A_421, %swap3A_422] {strides = array<i32>} : memref<16x128xf32, #tpu.memory_space<vmem>>, vector<1x16xf32>,
      %swap3A_424 = vector.shape_cast %swap3A_423 : vector<1x16xf32> to vector<16xf32>
      %swap3A_425 = vector.shape_cast %mul3A_420 : vector<16xf32> to vector<1x16xf32>
      tpu.vector_store %arg12[%swap3A_421, %swap3A_422], %swap3A_425 {strides = array<i32>} : memref<16x128xf32, #tpu.memory_space<vmem>>, vector<1x16xf32>,
      %mul3A_426 = arith.constant 5.000000e-02 : f32
      %mul3A_427 = vector.broadcast %mul3A_426 : f32 to vector<16xf32>
      %mul3A_428 = arith.mulf %scan3A_400#3, %mul3A_427 : vector<16xf32>
      %swap3A_429 = arith.index_cast %select_n3A_379 : i32 to index
      %swap3A_430 = arith.constant 48 : index
      %swap3A_431 = tpu.vector_load %arg12[%swap3A_429, %swap3A_430] {strides = array<i32>} : memref<16x128xf32, #tpu.memory_space<vmem>>, vector<1x16xf32>,
      %swap3A_432 = vector.shape_cast %swap3A_431 : vector<1x16xf32> to vector<16xf32>
      %swap3A_433 = vector.shape_cast %mul3A_428 : vector<16xf32> to vector<1x16xf32>
      tpu.vector_store %arg12[%swap3A_429, %swap3A_430], %swap3A_433 {strides = array<i32>} : memref<16x128xf32, #tpu.memory_space<vmem>>, vector<1x16xf32>,
      %mul3A_434 = arith.constant 5.000000e-02 : f32
      %mul3A_435 = vector.broadcast %mul3A_434 : f32 to vector<16xf32>
      %mul3A_436 = arith.mulf %scan3A_400#4, %mul3A_435 : vector<16xf32>
      %swap3A_437 = arith.index_cast %select_n3A_379 : i32 to index
      %swap3A_438 = arith.constant 64 : index
      %swap3A_439 = tpu.vector_load %arg12[%swap3A_437, %swap3A_438] {strides = array<i32>} : memref<16x128xf32, #tpu.memory_space<vmem>>, vector<1x16xf32>,
      %swap3A_440 = vector.shape_cast %swap3A_439 : vector<1x16xf32> to vector<16xf32>
      %swap3A_441 = vector.shape_cast %mul3A_436 : vector<16xf32> to vector<1x16xf32>
      tpu.vector_store %arg12[%swap3A_437, %swap3A_438], %swap3A_441 {strides = array<i32>} : memref<16x128xf32, #tpu.memory_space<vmem>>, vector<1x16xf32>,
      %mul3A_442 = arith.constant 5.000000e-02 : f32
      %mul3A_443 = vector.broadcast %mul3A_442 : f32 to vector<16xf32>
      %mul3A_444 = arith.mulf %scan3A_400#5, %mul3A_443 : vector<16xf32>
      %swap3A_445 = arith.index_cast %select_n3A_379 : i32 to index
      %swap3A_446 = arith.constant 80 : index
      %swap3A_447 = tpu.vector_load %arg12[%swap3A_445, %swap3A_446] {strides = array<i32>} : memref<16x128xf32, #tpu.memory_space<vmem>>, vector<1x16xf32>,
      %swap3A_448 = vector.shape_cast %swap3A_447 : vector<1x16xf32> to vector<16xf32>
      %swap3A_449 = vector.shape_cast %mul3A_444 : vector<16xf32> to vector<1x16xf32>
      tpu.vector_store %arg12[%swap3A_445, %swap3A_446], %swap3A_449 {strides = array<i32>} : memref<16x128xf32, #tpu.memory_space<vmem>>, vector<1x16xf32>,
      %mul3A_450 = arith.constant 5.000000e-02 : f32
      %mul3A_451 = vector.broadcast %mul3A_450 : f32 to vector<16xf32>
      %mul3A_452 = arith.mulf %scan3A_400#6, %mul3A_451 : vector<16xf32>
      %swap3A_453 = arith.index_cast %select_n3A_379 : i32 to index
      %swap3A_454 = arith.constant 96 : index
      %swap3A_455 = tpu.vector_load %arg12[%swap3A_453, %swap3A_454] {strides = array<i32>} : memref<16x128xf32, #tpu.memory_space<vmem>>, vector<1x16xf32>,
      %swap3A_456 = vector.shape_cast %swap3A_455 : vector<1x16xf32> to vector<16xf32>
      %swap3A_457 = vector.shape_cast %mul3A_452 : vector<16xf32> to vector<1x16xf32>
      tpu.vector_store %arg12[%swap3A_453, %swap3A_454], %swap3A_457 {strides = array<i32>} : memref<16x128xf32, #tpu.memory_space<vmem>>, vector<1x16xf32>,
      %mul3A_458 = arith.constant 5.000000e-02 : f32
      %mul3A_459 = vector.broadcast %mul3A_458 : f32 to vector<16xf32>
      %mul3A_460 = arith.mulf %scan3A_400#7, %mul3A_459 : vector<16xf32>
      %swap3A_461 = arith.index_cast %select_n3A_379 : i32 to index
      %swap3A_462 = arith.constant 112 : index
      %swap3A_463 = tpu.vector_load %arg12[%swap3A_461, %swap3A_462] {strides = array<i32>} : memref<16x128xf32, #tpu.memory_space<vmem>>, vector<1x16xf32>,
      %swap3A_464 = vector.shape_cast %swap3A_463 : vector<1x16xf32> to vector<16xf32>
      %swap3A_465 = vector.shape_cast %mul3A_460 : vector<16xf32> to vector<1x16xf32>
      tpu.vector_store %arg12[%swap3A_461, %swap3A_462], %swap3A_465 {strides = array<i32>} : memref<16x128xf32, #tpu.memory_space<vmem>>, vector<1x16xf32>,
      %jit3A_466 = arith.constant 8 : i32
      %eq3A_467 = arith.constant 0 : i32
      %eq3A_468 = arith.cmpi eq, %jit3A_466, %eq3A_467 : i32
      %jit3A_469 = arith.constant 1 : i32
      %select_n3A_470 = arith.select %eq3A_468, %jit3A_469, %jit3A_466 : i32
      %rem3A_471 = arith.remsi %scan3A_97, %select_n3A_470 : i32
      %ne3A_472 = arith.constant 0 : i32
      %ne3A_473 = arith.cmpi ne, %rem3A_471, %ne3A_472 : i32
      %lt3A_474 = arith.constant 0 : i32
      %lt3A_475 = arith.cmpi slt, %rem3A_471, %lt3A_474 : i32
      %lt3A_476 = arith.constant 0 : i32
      %lt3A_477 = arith.cmpi slt, %select_n3A_470, %lt3A_476 : i32
      %ne3A_478 = arith.xori %lt3A_475, %lt3A_477 : i1
      %and3A_479 = arith.andi %ne3A_478, %ne3A_473 : i1
      %add3A_480 = arith.addi %rem3A_471, %select_n3A_470 : i32
      %select_n3A_481 = arith.select %and3A_479, %add3A_480, %rem3A_471 : i32
      %eq3A_482 = arith.constant 7 : i32
      %eq3A_483 = arith.cmpi eq, %select_n3A_481, %eq3A_482 : i32
      %convert_element_type3A = arith.extui %eq3A_483 : i1 to i32
      %cond3A = arith.constant 0 : i32
      %cond3A_484 = arith.cmpi ne, %convert_element_type3A, %cond3A : i32
      scf.if %cond3A_484 {
        %jit3A_497 = arith.constant 8 : i32
        %div3A = arith.divsi %scan3A_97, %jit3A_497 : i32
        %sign3A = arith.constant 0 : i32
        %sign3A_498 = arith.cmpi sgt, %scan3A_97, %sign3A : i32
        %sign3A_499 = arith.extui %sign3A_498 : i1 to i32
        %sign3A_500 = arith.constant 0 : i32
        %sign3A_501 = arith.cmpi slt, %scan3A_97, %sign3A_500 : i32
        %sign3A_502 = arith.extui %sign3A_501 : i1 to i32
        %sign3A_503 = arith.subi %sign3A_499, %sign3A_502 : i32
        %sign3A_504 = arith.constant 0 : i32
        %sign3A_505 = arith.cmpi sgt, %jit3A_497, %sign3A_504 : i32
        %sign3A_506 = arith.extui %sign3A_505 : i1 to i32
        %sign3A_507 = arith.constant 0 : i32
        %sign3A_508 = arith.cmpi slt, %jit3A_497, %sign3A_507 : i32
        %sign3A_509 = arith.extui %sign3A_508 : i1 to i32
        %sign3A_510 = arith.subi %sign3A_506, %sign3A_509 : i32
        %ne3A_511 = arith.cmpi ne, %sign3A_503, %sign3A_510 : i32
        %rem3A_512 = arith.remsi %scan3A_97, %jit3A_497 : i32
        %ne3A_513 = arith.constant 0 : i32
        %ne3A_514 = arith.cmpi ne, %rem3A_512, %ne3A_513 : i32
        %and3A_515 = arith.andi %ne3A_511, %ne3A_514 : i1
        %sub3A_516 = arith.constant 1 : i32
        %sub3A_517 = arith.subi %div3A, %sub3A_516 : i32
        %select_n3A_518 = arith.select %and3A_515, %sub3A_517, %div3A : i32
        %mul3A_519 = arith.constant 16 : i32
        %mul3A_520 = arith.muli %select_n3A_518, %mul3A_519 : i32
        %add3A_521 = arith.addi %mul3A_2, %mul3A_520 : i32
        "tpu.region"() ({
          %run_scoped3A = tpu.sem_alloc : memref<!tpu.dma_semaphore, #tpu.memory_space<semaphore_mem>>
          %dma_start3A_522 = arith.constant 0 : i32
          %dma_start3A_523 = tpu.memref_slice %arg5[%add3A_521, %dma_start3A_522] : memref<12288x128xf32, #tpu.memory_space<hbm>> -> memref<16x128xf32, #tpu.memory_space<hbm>>
          %dma_start3A_524 = arith.constant 0 : i32
          %dma_start3A_525 = tpu.memref_slice %arg5[%add3A_521, %dma_start3A_524] : memref<12288x128xf32, #tpu.memory_space<hbm>> -> memref<16x128xf32, #tpu.memory_space<hbm>>
          tpu.enqueue_dma source(%arg12 : memref<16x128xf32, #tpu.memory_space<vmem>>) target(%dma_start3A_525 : memref<16x128xf32, #tpu.memory_space<hbm>>) target_semaphore(%run_scoped3A : memref<!tpu.dma_semaphore, #tpu.memory_space<semaphore_mem>>)
          %dma_wait3A_526 = arith.constant 0 : i32
          %dma_wait3A_527 = tpu.memref_slice %arg5[%add3A_521, %dma_wait3A_526] : memref<12288x128xf32, #tpu.memory_space<hbm>> -> memref<16x128xf32, #tpu.memory_space<hbm>>
          %dma_wait3A_528 = arith.constant 0 : i32
          %dma_wait3A_529 = tpu.memref_slice %arg5[%add3A_521, %dma_wait3A_528] : memref<12288x128xf32, #tpu.memory_space<hbm>> -> memref<16x128xf32, #tpu.memory_space<hbm>>
          tpu.wait_dma2 semaphore(%run_scoped3A : memref<!tpu.dma_semaphore, #tpu.memory_space<semaphore_mem>>) src(%arg12 : memref<16x128xf32, #tpu.memory_space<vmem>>) dst(%dma_wait3A_529 : memref<16x128xf32, #tpu.memory_space<hbm>>)
          tpu.yield
        }) : () -> ()
      } else {
      }
      %add3A_485 = arith.addi %mul3A_2, %add3A_103 : i32
      %add3A_486 = arith.constant 2 : i32
      %add3A_487 = arith.addi %add3A_485, %add3A_486 : i32
      %min3A_488 = arith.minsi %add3A_487, %sub3A_5 : i32
      %dma_start3A_489 = arith.constant 0 : i32
      %dma_start3A_490 = tpu.memref_slice %arg2[%min3A_488, %dma_start3A_489] : memref<12288x320xi32, #tpu.memory_space<hbm>> -> memref<1x320xi32, #tpu.memory_space<hbm>>
      %dma_start3A_491 = arith.constant 0 : i32
      %dma_start3A_492 = tpu.memref_slice %arg2[%min3A_488, %dma_start3A_491] : memref<12288x320xi32, #tpu.memory_space<hbm>> -> memref<1x320xi32, #tpu.memory_space<hbm>>
      tpu.enqueue_dma source(%dma_start3A_492 : memref<1x320xi32, #tpu.memory_space<hbm>>) target(%arg7 : memref<1x320xi32, #tpu.memory_space<vmem>>) target_semaphore(%arg14 : memref<!tpu.dma_semaphore, #tpu.memory_space<semaphore_mem>>)
      %dma_start3A_493 = arith.constant 0 : i32
      %dma_start3A_494 = tpu.memref_slice %arg3[%min3A_488, %dma_start3A_493] : memref<12288x320xf32, #tpu.memory_space<hbm>> -> memref<1x320xf32, #tpu.memory_space<hbm>>
      %dma_start3A_495 = arith.constant 0 : i32
      %dma_start3A_496 = tpu.memref_slice %arg3[%min3A_488, %dma_start3A_495] : memref<12288x320xf32, #tpu.memory_space<hbm>> -> memref<1x320xf32, #tpu.memory_space<hbm>>
      tpu.enqueue_dma source(%dma_start3A_496 : memref<1x320xf32, #tpu.memory_space<hbm>>) target(%arg9 : memref<1x320xf32, #tpu.memory_space<vmem>>) target_semaphore(%arg14 : memref<!tpu.dma_semaphore, #tpu.memory_space<semaphore_mem>>)
    }
    %scan3A_49 = arith.constant 192 : i32
    %dma_wait3A = arith.constant 0 : i32
    %dma_wait3A_50 = arith.constant 0 : i32
    %dma_wait3A_51 = tpu.memref_slice %arg2[%dma_wait3A, %dma_wait3A_50] : memref<12288x320xi32, #tpu.memory_space<hbm>> -> memref<1x320xi32, #tpu.memory_space<hbm>>
    %dma_wait3A_52 = arith.constant 0 : i32
    %dma_wait3A_53 = arith.constant 0 : i32
    %dma_wait3A_54 = tpu.memref_slice %arg2[%dma_wait3A_52, %dma_wait3A_53] : memref<12288x320xi32, #tpu.memory_space<hbm>> -> memref<1x320xi32, #tpu.memory_space<hbm>>
    tpu.wait_dma2 semaphore(%arg14 : memref<!tpu.dma_semaphore, #tpu.memory_space<semaphore_mem>>) src(%dma_wait3A_54 : memref<1x320xi32, #tpu.memory_space<hbm>>) dst(%arg7 : memref<1x320xi32, #tpu.memory_space<vmem>>)
    %dma_wait3A_55 = arith.constant 0 : i32
    %dma_wait3A_56 = arith.constant 0 : i32
    %dma_wait3A_57 = tpu.memref_slice %arg3[%dma_wait3A_55, %dma_wait3A_56] : memref<12288x320xf32, #tpu.memory_space<hbm>> -> memref<1x320xf32, #tpu.memory_space<hbm>>
    %dma_wait3A_58 = arith.constant 0 : i32
    %dma_wait3A_59 = arith.constant 0 : i32
    %dma_wait3A_60 = tpu.memref_slice %arg3[%dma_wait3A_58, %dma_wait3A_59] : memref<12288x320xf32, #tpu.memory_space<hbm>> -> memref<1x320xf32, #tpu.memory_space<hbm>>
    tpu.wait_dma2 semaphore(%arg14 : memref<!tpu.dma_semaphore, #tpu.memory_space<semaphore_mem>>) src(%dma_wait3A_60 : memref<1x320xf32, #tpu.memory_space<hbm>>) dst(%arg9 : memref<1x320xf32, #tpu.memory_space<vmem>>)
    %dma_wait3A_61 = arith.constant 0 : i32
    %dma_wait3A_62 = arith.constant 0 : i32
    %dma_wait3A_63 = tpu.memref_slice %arg10[%dma_wait3A_61, %dma_wait3A_62] : memref<320x128xf32, #tpu.memory_space<vmem>> -> memref<128x128xf32, #tpu.memory_space<vmem>>
    %dma_wait3A_64 = arith.constant 0 : i32
    %dma_wait3A_65 = arith.constant 0 : i32
    %dma_wait3A_66 = tpu.memref_slice %arg4[%dma_wait3A_64, %dma_wait3A_65] : memref<100000x128xf32, #tpu.memory_space<hbm>> -> memref<128x128xf32, #tpu.memory_space<hbm>>
    %dma_wait3A_67 = arith.constant 0 : i32
    %dma_wait3A_68 = arith.constant 0 : i32
    %dma_wait3A_69 = tpu.memref_slice %arg10[%dma_wait3A_67, %dma_wait3A_68] : memref<320x128xf32, #tpu.memory_space<vmem>> -> memref<128x128xf32, #tpu.memory_space<vmem>>
    %dma_wait3A_70 = arith.constant 0 : i32
    %dma_wait3A_71 = arith.constant 0 : i32
    %dma_wait3A_72 = tpu.memref_slice %arg4[%dma_wait3A_70, %dma_wait3A_71] : memref<100000x128xf32, #tpu.memory_space<hbm>> -> memref<128x128xf32, #tpu.memory_space<hbm>>
    tpu.wait_dma2 semaphore(%arg15 : memref<!tpu.dma_semaphore, #tpu.memory_space<semaphore_mem>>) src(%dma_wait3A_72 : memref<128x128xf32, #tpu.memory_space<hbm>>) dst(%dma_wait3A_69 : memref<128x128xf32, #tpu.memory_space<vmem>>)
    %dma_wait3A_73 = arith.constant 128 : i32
    %dma_wait3A_74 = arith.constant 0 : i32
    %dma_wait3A_75 = tpu.memref_slice %arg10[%dma_wait3A_73, %dma_wait3A_74] : memref<320x128xf32, #tpu.memory_space<vmem>> -> memref<128x128xf32, #tpu.memory_space<vmem>>
    %dma_wait3A_76 = arith.constant 0 : i32
    %dma_wait3A_77 = arith.constant 0 : i32
    %dma_wait3A_78 = tpu.memref_slice %arg4[%dma_wait3A_76, %dma_wait3A_77] : memref<100000x128xf32, #tpu.memory_space<hbm>> -> memref<128x128xf32, #tpu.memory_space<hbm>>
    %dma_wait3A_79 = arith.constant 128 : i32
    %dma_wait3A_80 = arith.constant 0 : i32
    %dma_wait3A_81 = tpu.memref_slice %arg10[%dma_wait3A_79, %dma_wait3A_80] : memref<320x128xf32, #tpu.memory_space<vmem>> -> memref<128x128xf32, #tpu.memory_space<vmem>>
    %dma_wait3A_82 = arith.constant 0 : i32
    %dma_wait3A_83 = arith.constant 0 : i32
    %dma_wait3A_84 = tpu.memref_slice %arg4[%dma_wait3A_82, %dma_wait3A_83] : memref<100000x128xf32, #tpu.memory_space<hbm>> -> memref<128x128xf32, #tpu.memory_space<hbm>>
    tpu.wait_dma2 semaphore(%arg15 : memref<!tpu.dma_semaphore, #tpu.memory_space<semaphore_mem>>) src(%dma_wait3A_84 : memref<128x128xf32, #tpu.memory_space<hbm>>) dst(%dma_wait3A_81 : memref<128x128xf32, #tpu.memory_space<vmem>>)
    %dma_wait3A_85 = arith.constant 256 : i32
    %dma_wait3A_86 = arith.constant 0 : i32
    %dma_wait3A_87 = tpu.memref_slice %arg10[%dma_wait3A_85, %dma_wait3A_86] : memref<320x128xf32, #tpu.memory_space<vmem>> -> memref<64x128xf32, #tpu.memory_space<vmem>>
    %dma_wait3A_88 = arith.constant 0 : i32
    %dma_wait3A_89 = arith.constant 0 : i32
    %dma_wait3A_90 = tpu.memref_slice %arg4[%dma_wait3A_88, %dma_wait3A_89] : memref<100000x128xf32, #tpu.memory_space<hbm>> -> memref<64x128xf32, #tpu.memory_space<hbm>>
    %dma_wait3A_91 = arith.constant 256 : i32
    %dma_wait3A_92 = arith.constant 0 : i32
    %dma_wait3A_93 = tpu.memref_slice %arg10[%dma_wait3A_91, %dma_wait3A_92] : memref<320x128xf32, #tpu.memory_space<vmem>> -> memref<64x128xf32, #tpu.memory_space<vmem>>
    %dma_wait3A_94 = arith.constant 0 : i32
    %dma_wait3A_95 = arith.constant 0 : i32
    %dma_wait3A_96 = tpu.memref_slice %arg4[%dma_wait3A_94, %dma_wait3A_95] : memref<100000x128xf32, #tpu.memory_space<hbm>> -> memref<64x128xf32, #tpu.memory_space<hbm>>
    tpu.wait_dma2 semaphore(%arg15 : memref<!tpu.dma_semaphore, #tpu.memory_space<semaphore_mem>>) src(%dma_wait3A_96 : memref<64x128xf32, #tpu.memory_space<hbm>>) dst(%dma_wait3A_93 : memref<64x128xf32, #tpu.memory_space<vmem>>)
    return
  }
}

module attributes {stable_mosaic.version = 14 : i64} {
  func.func @_mlp_body(%arg0: memref<4096x384xf32, #tpu.memory_space<vmem>>, %arg1: memref<2048x384xf32, #tpu.memory_space<vmem>>, %arg2: memref<1x2048xf32, #tpu.memory_space<vmem>>, %arg3: memref<128x2048xf32, #tpu.memory_space<vmem>>, %arg4: memref<1x128xf32, #tpu.memory_space<vmem>>, %arg5: memref<4096x128xf32, #tpu.memory_space<vmem>>) attributes {dimension_semantics = [], scalar_prefetch = 0 : i64, scratch_operands = 0 : i64, tpu.core_type = #tpu.core_type<tc>} {
    %get3A = arith.constant 0 : index
    %get3A_0 = arith.constant 0 : index
    %get3A_1 = vector.load %arg1[%get3A, %get3A_0] : memref<2048x384xf32, #tpu.memory_space<vmem>>, vector<2048x384xf32>
    %get3A_2 = arith.constant 0 : index
    %get3A_3 = arith.constant 0 : index
    %get3A_4 = vector.load %arg3[%get3A_2, %get3A_3] : memref<128x2048xf32, #tpu.memory_space<vmem>>, vector<128x2048xf32>
    %dot_general3A = arith.constant dense<0.000000e+00> : vector<384x128xf32>
    %dot_general3A_5 = tpu.matmul %get3A_1, %get3A_4, %dot_general3A {dimension_numbers = #tpu.dot_dimension_numbers<[0], [1], [1], [0], [0, 1, 1, 0], [], []>, transpose_lhs_hint = false} : vector<2048x384xf32>, vector<128x2048xf32>, vector<384x128xf32> -> vector<384x128xf32>
    %get3A_6 = arith.constant 0 : index
    %get3A_7 = arith.constant 0 : index
    %get3A_8 = vector.load %arg2[%get3A_6, %get3A_7] : memref<1x2048xf32, #tpu.memory_space<vmem>>, vector<1x2048xf32>
    %get3A_9 = arith.constant 0 : index
    %get3A_10 = arith.constant 0 : index
    %get3A_11 = vector.load %arg3[%get3A_9, %get3A_10] : memref<128x2048xf32, #tpu.memory_space<vmem>>, vector<128x2048xf32>
    %dot_general3A_12 = arith.constant dense<0.000000e+00> : vector<1x128xf32>
    %dot_general3A_13 = tpu.matmul %get3A_8, %get3A_11, %dot_general3A_12 {dimension_numbers = #tpu.dot_dimension_numbers<[1], [1], [0], [0], [0, 0, 1, 0], [], []>, transpose_lhs_hint = false} : vector<1x2048xf32>, vector<128x2048xf32>, vector<1x128xf32> -> vector<1x128xf32>
    %get3A_14 = arith.constant 0 : index
    %get3A_15 = arith.constant 0 : index
    %get3A_16 = vector.load %arg4[%get3A_14, %get3A_15] : memref<1x128xf32, #tpu.memory_space<vmem>>, vector<1x128xf32>
    %add3A = arith.addf %dot_general3A_13, %get3A_16 : vector<1x128xf32>
    %get3A_17 = arith.constant 0 : index
    %get3A_18 = arith.constant 0 : index
    %get3A_19 = vector.load %arg0[%get3A_17, %get3A_18] : memref<4096x384xf32, #tpu.memory_space<vmem>>, vector<4096x384xf32>
    %dot_general3A_20 = arith.constant dense<0.000000e+00> : vector<4096x128xf32>
    %dot_general3A_21 = tpu.matmul %get3A_19, %dot_general3A_5, %dot_general3A_20 {dimension_numbers = #tpu.dot_dimension_numbers<[1], [0], [0], [1], [0, 0, 1, 1], [], []>, transpose_lhs_hint = false} : vector<4096x384xf32>, vector<384x128xf32>, vector<4096x128xf32> -> vector<4096x128xf32>
    %add3A_22 = vector.broadcast %add3A : vector<1x128xf32> to vector<4096x128xf32>
    %add3A_23 = arith.addf %dot_general3A_21, %add3A_22 : vector<4096x128xf32>
    %reduce_max3A = arith.constant dense<0xFF800000> : vector<4096xf32>
    %reduce_max3A_24 = vector.multi_reduction <maximumf>, %add3A_23, %reduce_max3A [1] : vector<4096x128xf32> to vector<4096xf32>
    %broadcast_in_dim3A = vector.shape_cast %reduce_max3A_24 : vector<4096xf32> to vector<4096x1xf32>
    %sub3A = vector.broadcast %broadcast_in_dim3A : vector<4096x1xf32> to vector<4096x128xf32>
    %sub3A_25 = arith.subf %add3A_23, %sub3A : vector<4096x128xf32>
    %exp3A = math.exp %sub3A_25 : vector<4096x128xf32>
    %reduce_sum3A = arith.constant dense<0.000000e+00> : vector<4096xf32>
    %reduce_sum3A_26 = vector.multi_reduction <add>, %exp3A, %reduce_sum3A [1] : vector<4096x128xf32> to vector<4096xf32>
    %broadcast_in_dim3A_27 = vector.shape_cast %reduce_sum3A_26 : vector<4096xf32> to vector<4096x1xf32>
    %log3A = math.log %broadcast_in_dim3A_27 : vector<4096x1xf32>
    %add3A_28 = arith.addf %log3A, %broadcast_in_dim3A : vector<4096x1xf32>
    %sub3A_29 = vector.broadcast %add3A_28 : vector<4096x1xf32> to vector<4096x128xf32>
    %sub3A_30 = arith.subf %add3A_23, %sub3A_29 : vector<4096x128xf32>
    %swap3A = arith.constant 0 : index
    %swap3A_31 = arith.constant 0 : index
    %swap3A_32 = vector.load %arg5[%swap3A, %swap3A_31] : memref<4096x128xf32, #tpu.memory_space<vmem>>, vector<4096x128xf32>
    tpu.vector_store %arg5[%swap3A, %swap3A_31], %sub3A_30 {strides = array<i32>} : memref<4096x128xf32, #tpu.memory_space<vmem>>, vector<4096x128xf32>,
    return
  }
}

</mosaic_0001>

<sc_bundles>
// kernel: kernel.4.cloned.1.call-start
scs
__scs_entry_jumppad:
0x0: {  	(pc) =	sbr.rel $0x88, $3  }
0x1: {  	(tag) =	ssettag $0x0;
	lr =	simm.s32 $0x1  }
0x2: {  	[smem:$0x3F9A] =	sst lr;
	_ =	strace $0xD0000000  }
0x3: {  	_ = 	snop  }
0x4: {  	_ = 	snop  }
0x5: {  	_ = 	snop  }
0x6: {  	_ = 	snop  }
0x7: {  	_ = 	snop  }
__scs_overlays_trampoline_lowered:
0x8: {  	[smem:$0x3FA9] =	sst s0  }
0x9: {  	[smem:$0x3FAA] =	sst s1  }
0xa: {  	[smem:$0x3FAB] =	sst s2  }
0xb: {  	[smem:$0x3FAC] =	sst s3  }
0xc: {  	[smem:$0x3FAD] =	sst s4  }
0xd: {  	[smem:$0x3FAE] =	sst s5  }
0xe: {  	[smem:$0x3FAF] =	sst s6  }
0xf: {  	[smem:$0x3FB0] =	sst s7  }
0x10: {  	[smem:$0x3FB1] =	sst s8  }
0x11: {  	[smem:$0x3FB2] =	sst s9;
	s0 =	simm.s32 @!p0 $0x0  }
0x12: {  	s1 =	sld [smem:$0x3F98];
	s0 =	simm.s32 @p0 $0x1  }
0x13: {  	[smem:$0x3FB3] =	sst s0;
	s0 =	simm.s32 @!p1 $0x0  }
0x14: {  	s2 =	sld [smem:$0x3F97];
	s0 =	simm.s32 @p1 $0x1  }
0x15: {  	[smem:$0x3FB4] =	sst s0;
	s0 =	simm.s32 @!p2 $0x0  }
0x16: {  	s3 =	sld [smem:$0x3FDB];
	s0 =	simm.s32 @p2 $0x1  }
0x17: {  	s4 =	simm.s32 $0x1BF5;
	[smem:$0x3FB6] =	sst s0  }
0x18: {  	s0 =	sld [smem:$0x3F99];
	_ =	swait.ge [sflag:s4], $0x0  }
0x19: {  	s7 =	sld [smem:$0x3F9A]  }
0x1a: {  	s8 =	sadd.s32 $0xFFFFE003, lr  }
0x1b: {  	s9 =	sadd.s32 $0xFFFFFEF7, lr;
	s5 =	simm.s32 $0xFFFFFFFF;
	p2 =	slt.u32 s8, $0xFFFFF086  }
0x1c: {  	p1 =	slt.u32 s9, $0xF7A;
	s5 =	simm.s32 @!p2 $0x0  }
0x1d: {  	s5 =	simm.s32 @p1 $0x1;
	p0 =	seq.s32 s7, s2  }
0x1e: {  	s7 =	smul.u32 @!p0 $0xF7A, s2;
	p2 =	seq.s32 @!p0 s5, $0x0  }
0x1f: {  	s9 =	smul.u32 $0xF7A, s1;
	s8 =	simm.s32 @!p0 $0x1BF5;
	p2 =	por !p2, p0  }
0x20: {  	[sflag:s8] =	ssyncset.s32 @!p0 $0xFFFFF086;
	s6 =	sadd.s32 @!p0 s3, s7;
	s7 =	simm.s32 @!p0 $0x108  }
0x21: {  	s3 =	sadd.s32 s3, s9;
	s6 =	sadd.s32 @!p0 $0x88, s6;
	s7 =	simm.s32 @p2 $0x1082  }
0x22: {  	[simem:s7], [sflag:s8] =	dma.local @!p0 [hbm:s6], $0xF7A  }
0x23: {  	s9 =	sor.u32 $0xD0000000, s2;
	s6 =	simm.s32 $0x108;
	_ =	swait.ge @!p0 [sflag:s8], $0x0  }
0x24: {  	s3 =	sadd.s32 $0x88, s3;
	s6 =	simm.s32 @!p1 $0x1082;
	[sflag:s4] =	ssyncset.s32 $0xFFFFF086  }
0x25: {  	[simem:s6], [sflag:s4] =	dma.local [hbm:s3], $0xF7A  }
0x26: {  	[smem:$0x3F9A] =	sst s1;
	(tag) =	ssettag s2;
	_ =	strace s9  }
0x27: {  	s1 =	sld [smem:$0x3FAA]  }
0x28: {  	s2 =	sld [smem:$0x3FAB]  }
0x29: {  	s4 =	sld [smem:$0x3FAD]  }
0x2a: {  	p0 =	seq.s32 s5, $0x0;
	s5 =	sld [smem:$0x3FAE]  }
0x2b: {  	s6 =	sld [smem:$0x3FAF]  }
0x2c: {  	s7 =	sld [smem:$0x3FB0]  }
0x2d: {  	s3 =	simm.s32 $0x108;
	s8 =	sld [smem:$0x3FB1]  }
0x2e: {  	s3 =	simm.s32 @!p0 $0x1082;
	s9 =	sld [smem:$0x3FB2]  }
0x2f: {  	lr =	sadd.s32 s0, s3;
	s0 =	sld [smem:$0x3FA9]  }
0x30: {  	s3 =	sld [smem:$0x3FAC]  }
0x31: {  	[smem:$0x3FB5] =	sst s10  }
0x32: {  	s10 =	sld [smem:$0x3FB3];
	_ =	sdelay $0x3  }
0x33: {  	p0 =	seq.s32 s10, $0x1;
	s10 =	sld [smem:$0x3FB5];
	_ =	sdelay $0x3  }
0x34: {  	[smem:$0x3FB5] =	sst s10  }
0x35: {  	s10 =	sld [smem:$0x3FB4];
	_ =	sdelay $0x3  }
0x36: {  	p1 =	seq.s32 s10, $0x1;
	s10 =	sld [smem:$0x3FB5];
	_ =	sdelay $0x3  }
0x37: {  	[smem:$0x3FB5] =	sst s10  }
0x38: {  	s10 =	sld [smem:$0x3FB6]  }
0x39: {  	_ = 	snop;
	(pc) =	sbr.ind lr, $3  }
0x3a: {  	_ = 	snop  }
0x3b: {  	_ = 	snop  }
0x3c: {  	p2 =	seq.s32 s10, $0x1;
	s10 =	sld [smem:$0x3FB5]  }
0x3d: {  	_ =	shalt  }
0x3e: {  	_ =	shalt  }
0x3f: {  	_ =	shalt  }
0x40: {  	_ =	shalt  }
0x41: {  	_ =	shalt  }
0x42: {  	_ =	shalt  }
0x43: {  	_ =	shalt  }
0x44: {  	_ =	shalt  }
0x45: {  	_ =	shalt  }
0x46: {  	_ =	shalt  }
0x47: {  	_ =	shalt  }
0x48: {  	_ =	shalt  }
0x49: {  	_ =	shalt  }
0x4a: {  	_ =	shalt  }
0x4b: {  	_ =	shalt  }
0x4c: {  	_ =	shalt  }
0x4d: {  	_ =	shalt  }
0x4e: {  	_ =	shalt  }
0x4f: {  	_ =	shalt  }
0x50: {  	_ =	shalt  }
0x51: {  	_ =	shalt  }
0x52: {  	_ =	shalt  }
0x53: {  	_ =	shalt  }
0x54: {  	_ =	shalt  }
0x55: {  	_ =	shalt  }
0x56: {  	_ =	shalt  }
0x57: {  	_ =	shalt  }
0x58: {  	_ =	shalt  }
0x59: {  	_ =	shalt  }
0x5a: {  	_ =	shalt  }
0x5b: {  	_ =	shalt  }
0x5c: {  	_ =	shalt  }
0x5d: {  	_ =	shalt  }
0x5e: {  	_ =	shalt  }
0x5f: {  	_ =	shalt  }
0x60: {  	_ =	shalt  }
0x61: {  	_ =	shalt  }
0x62: {  	_ =	shalt  }
0x63: {  	_ =	shalt  }
0x64: {  	_ =	shalt  }
0x65: {  	_ =	shalt  }
0x66: {  	_ =	shalt  }
0x67: {  	_ =	shalt  }
0x68: {  	_ =	shalt  }
0x69: {  	_ =	shalt  }
0x6a: {  	_ =	shalt  }
0x6b: {  	_ =	shalt  }
0x6c: {  	_ =	shalt  }
0x6d: {  	_ =	shalt  }
0x6e: {  	_ =	shalt  }
0x6f: {  	_ =	shalt  }
0x70: {  	_ =	shalt  }
0x71: {  	_ =	shalt  }
0x72: {  	_ =	shalt  }
0x73: {  	_ =	shalt  }
0x74: {  	_ =	shalt  }
0x75: {  	_ =	shalt  }
0x76: {  	_ =	shalt  }
0x77: {  	_ =	shalt  }
0x78: {  	_ =	shalt  }
0x79: {  	_ =	shalt  }
0x7a: {  	_ =	shalt  }
0x7b: {  	_ =	shalt  }
0x7c: {  	_ =	shalt  }
0x7d: {  	_ =	shalt  }
0x7e: {  	_ =	shalt  }
0x7f: {  	_ =	shalt  }
0x80: {  	_ =	shalt  }
0x81: {  	_ =	shalt  }
0x82: {  	_ =	shalt  }
0x83: {  	_ =	shalt  }
0x84: {  	_ =	shalt  }
0x85: {  	_ =	shalt  }
0x86: {  	_ =	shalt  }
0x87: {  	_ =	shalt  }
.Lfunc_end0:
.L_simem_size_0:
called_computation_lowered:
.L_overlay_start_0:
0x88: {  	s2 =	sld [smem:$0x3FD9]  }
0x89: {  	s3 =	sld [smem:$0x3FFE];
	_ =	sdelay $0x1  }
0x8a: {  	s1 =	srdreg.scid  }
0x8b: {  	s0 =	sand.u32 $0x1, s1  }
0x8c: {  	s17 =	sshll.u32 s0, $0xA;
	s2 =	sadd.s32 s3, s2  }
0x8d: {  	s2 =	sadd.s32 s2, s17  }
0x8e: {  	[smem:$0x3FC1] =	sst s2  }
0x8f: {  	_ = 	snop  }
0x90: {  	s2 =	sld [smem:$0x3FC7];
	(tm) =	ssettm $0x1  }
0x91: {  	s18 =	sld [smem:$0x3FFB];
	_ =	sdelay $0x3  }
0x92: {  	_ =	strace s18  }
0x93: {  	s3 =	sld [smem:$0x3FFC];
	_ =	sdelay $0x3  }
0x94: {  	_ =	strace s3  }
0x95: {  	s3 =	sld [smem:$0x3FFD];
	_ =	sdelay $0x3  }
0x96: {  	_ =	strace s3  }
0x97: {  	_ =	strace $0x8FFFFFFF  }
0x98: {  	s19 =	sld [smem:$0x3FDB];
	_ =	sdelay $0x1  }
0x99: {  	s4 =	simm.s32 $_scs_section_size  }
0x9a: {  	s5 =	simm.s32 $_size__tile_overlayer_lowered;
	s6 =	simm.s32 $_tile_overlayer_lowered  }
0x9b: {  	s22 =	simm.s32 $0x1BFF;
	s21 =	sshll.u32 s6, $0x1;
	s3 =	sadd.s32 s4, s19  }
0x9c: {  	s7 =	simm.s32 $0x0;
	s20 =	sshll.u32 s5, $0x1;
	s5 =	sadd.s32 s21, s3  }
0x9d: {  	[timem:s7], [sflag:s22] =	dma.local [hbm:s5], s20  }
0x9e: {  	_ =	swait.ge [sflag:s22], s20  }
0x9f: {  	s4 =	ssub.s32 $0x0, s20;
	[sflag:s22] =	ssyncset.done $0x0  }
0xa0: {  	[sflag:s22] =	ssyncadd.s32 s4;
	_ =	sdelay $0x1  }
0xa1: {  	s23 =	simm.s32 $0x1B8B  }
0xa2: {  	_ =	swait.ge [sflag:s23], $0x1  }
0xa3: {  	[sflag:s23] =	ssyncset.done $0x0  }
0xa4: {  	s25 =	simm.s32 $0x1B8E;
	s24 =	sld [smem:$0x3FFE];
	[sflag:s23] =	ssyncadd.s32 $0xFFFFFFFF  }
0xa5: {  	s26 =	simm.s32 $execute0_lowered;
	[smem:$0x3FD2] =	sst s25  }
0xa6: {  	s5 =	sshll.u32 s26, $0x1;
	_ =	strace $0x80000046;
	[dreg:$0x1] =	wrdreg $0xFFFFFFFF  }
0xa7: {  	s28 =	simm.s32 $_size_execute0_lowered;
	s3 =	sadd.s32 s3, s5;
	[dreg:$0x0] =	wrdreg $0x0  }
0xa8: {  	s5 =	sshll.u32 s28, $0x1;
	[dreg:$0x2] =	wrdreg s3  }
0xa9: {  	[dreg:$0x3] =	wrdreg s5  }
0xaa: {  	[dreg:$0x4] =	wrdreg $0xC0  }
0xab: {  	_ =	task [dreg:s7], $0x5FFFF  }
0xac: {  	[dreg:$0x1] =	wrdreg $0xFFFFFFFF  }
0xad: {  	[dreg:$0x0] =	wrdreg $0x60  }
0xae: {  	[dreg:$0x2] =	wrdreg s24  }
0xaf: {  	[dreg:$0x3] =	wrdreg s2  }
0xb0: {  	[dreg:$0x4] =	wrdreg $0x9  }
0xb1: {  	_ =	task.clear_ibuf [dreg:s7], $0x5FFFF;
	_ =	strace $0x90000046  }
0xb2: {  	s29 =	simm.s32 $0x9;
	_ =	strace $0x80000048  }
0xb3: {  	_ =	swait.ge [sflag:s29], $0x1  }
0xb4: {  	[sflag:s29] =	ssyncadd.s32 $0xFFFFFFFF  }
0xb5: {  	_ =	strace $0x90000048  }
0xb6: {  	_ =	sfence  }
0xb7: {  	s30 =	sld [smem:$0x0];
	_ =	sdelay $0x2  }
0xb8: {  	s31 =	sshll.u32 s1, $0xD;
	s1 =	sshrl.u32 s1, $0x2  }
0xb9: {  	s3 =	sand.u32 $0x4000, s31;
	s1 =	sadd.s32 s1, s30  }
0xba: {  	s0 =	sor.u32 s3, s0;
	s1 =	sshll.u32 s1, $0x11  }
0xbb: {  	s0 =	sor.u32 s1, s0  }
0xbc: {  	s0 =	sadd.s32 $0x8F2B, s0  }
0xbd: {  	[sflag:s0] =	ssyncadd.remote.s32 $0x1  }
0xbe: {  	_ =	sfence.sel $0xFFFF  }
0xbf: {  	[dreg:$0x0] =	wrdreg $0xFFFFFFFF;
	(pc) =	sbr.abs _section_cstart, $3  }
0xc0: {  	[dreg:$0x1] =	wrdreg $0xFFFFFFFF  }
0xc1: {  	_ =	task.clear_ibuf [dreg:s7], $0x2FFFF;
	_ =	strace $0x9FFFFFFF  }
0xc2: {  	(tm) =	ssettm $0x7FFFFFFF  }
0xc3: {  	_ =	shalt  }
tec
execute0_lowered:
.L_overlay_start_1:
0x0: {  	(tag) =	ssettag $0x1  }
0x1: {  	s0 =	srdreg.scid  }
0x2: {  	s2 =	stileid.u32;
	s1 =	rddreg [dreg:$0x0];
	s4 =	simm.s32 $0x0  }
0x3: {  	s15 =	simm.s32 $0x80;
	s16 =	simm.s32 $0x400;
	s18 =	simm.s32 $0x300  }
0x4: {  	s19 =	simm.s32 $0x600;
	s20 =	simm.s32 $0x4600;
	s21 =	simm.s32 $0x40  }
0x5: {  	s22 =	simm.s32 $0x100;
	s23 =	simm.s32 $0x8600;
	s24 =	simm.s32 $0x180  }
0x6: {  	s29 =	simm.s32 $0x200;
	s30 =	simm.s32 $0xE600;
	s31 =	simm.s32 $0x280  }
0x7: {  	s0 =	sand.u32 $0x1, s0;
	s3 =	sshll.u32 s2, $0x1;
	s2 =	rddreg [dreg:$0x1]  }
0x8: {  	s10 =	simm.s32 $0x0;
	[smem:$0x7FF] =	sst s4;
	s3 =	sor.u32 s0, s3  }
0x9: {  	s4 =	sadd.s32 $0x301C00, s1;
	s0 =	ssub.s32 $0x2, s0;
	s8 =	smul.u32 $0x180, s3  }
0xa: {  	s6 =	sadd.s32 $0x1C00, s1;
	_ =	strace $0x80000047;
	s7 =	sshrl.u32 s0, $0x1  }
0xb: {  	s13 =	smul.u32 $0xC000, s3;
	s3 =	simm.s32 $0x1;
	s5 =	sshrl.u32 s8, $0x3  }
0xc: {  	s0 =	ssub.s32 s0, s7;
	s7 =	sadd.s32 $0x17F, s8;
	s9 =	smul.u32 $0x180, s5  }
0xd: {  	s12 =	sor.u32 $0x2, s8;
	s0 =	smax.u32 s0, $0x1;
	s8 =	simm.s32 $0x4  }
0xe: {  	s5 =	sadd.s32 $0x391C00, s1;
	[dreg:$0x7] =	wrdreg s0;
	s25 =	sadd.s32 s4, s9  }
0xf: {  	s26 =	sor.u32 $0x10, s9;
	s9 =	sadd.s32 s5, s9;
	[dreg:$0x3] =	wrdreg s25  }
0x10: {  	s0 =	simm.s32 $0x3;
	[dreg:$0x4] =	wrdreg s9;
	s28 =	sadd.s32 s4, s26  }
0x11: {  	s1 =	sadd.s32 s5, s26;
	s25 =	simm.s32 $0x480;
	[dreg:$0x5] =	wrdreg s28  }
0x12: {  	s26 =	simm.s32 $0x2;
	[dreg:$0x6] =	wrdreg s1;
	s1 =	simm.s32 $0x12600  }
.LBB2_1:
0x13: {  	s9 =	simm.s32 $0x0;
	s11 =	rddreg [dreg:$0x3]  }
0x14: {  	[tilespmem:s9], [sflag:$0x5] =	stream.strided.gather [hbm4b:s11+s15], $0x180, s16, s15, $0x38;
	[tilespmem:$0x14E00] =	vst v63  }
0x15: {  	[dreg:$0x8] =	wrdreg s10;
	s11 =	simm.s32 $0x5  }
0x16: {  	_ =	swait.ge [sflag:s11], $0x180  }
0x17: {  	[sflag:s11] =	ssyncset.done $0x0  }
0x18: {  	s14 =	rddreg [dreg:$0x4];
	[sflag:s11] =	ssyncadd.s32 $0xFFFFFE80  }
0x19: {  	[tilespmem:s18], [sflag:$0x5] =	stream.strided.gather [hbm4b:s14+s15], $0x180, s16, s15, $0x38;
	[tilespmem:$0x14E00] =	vst v63  }
0x1a: {  	_ =	swait.ge [sflag:s11], $0x180  }
0x1b: {  	[sflag:s11] =	ssyncset.done $0x0  }
0x1c: {  	[sflag:s11] =	ssyncadd.s32 $0xFFFFFE80  }
0x1d: {  	[tilespmem:s19], [sflag:$0x3] =	stream.indirect.gather [hbm4b:s2+s15], $0x80, s9, s15, $0xb8;
	[tilespmem:$0x14E00] =	vst v63  }
0x1e: {  	_ = 	snop  }
0x1f: {  	[tilespmem:s20], [sflag:$0x3] =	stream.indirect.gather [hbm4b:s2+s15], $0x80, s15, s15, $0xb8;
	[tilespmem:$0x14E00] =	vst v63  }
0x20: {  	_ = 	snop  }
0x21: {  	[tilespmem:s23], [sflag:$0x3] =	stream.indirect.gather [hbm4b:s2+s21], $0x80, s22, s21, $0xb8;
	[tilespmem:$0x14E00] =	vst v63  }
0x22: {  	s17 =	rddreg [dreg:$0x5]  }
0x23: {  	[tilespmem:s24], [sflag:$0x2] =	stream.strided.gather [hbm4b:s17+s15], $0x180, s16, s15, $0x38;
	[tilespmem:$0x14E00] =	vst v63  }
0x24: {  	s10 =	simm.s32 $0x0;
	s28 =	rddreg [dreg:$0x6]  }
0x25: {  	[tilespmem:s25], [sflag:$0x2] =	stream.strided.gather [hbm4b:s28+s15], $0x180, s16, s15, $0x38;
	[tilespmem:$0x14E00] =	vst v63  }
.LBB2_2:
0x26: {  	_ =	swait.ge [sflag:s26], $0x180  }
0x27: {  	[sflag:s26] =	ssyncset.done $0x0  }
0x28: {  	[sflag:s26] =	ssyncadd.s32 $0xFFFFFE80  }
0x29: {  	_ =	swait.ge [sflag:s26], $0x180  }
0x2a: {  	[sflag:s26] =	ssyncset.done $0x0  }
0x2b: {  	s9 =	simm.s32 $0xA600;
	[sflag:s26] =	ssyncadd.s32 $0xFFFFFE80  }
0x2c: {  	[tilespmem:s9], [sflag:$0x4] =	stream.indirect.gather [hbm4b:s2+s15], $0x80, s24, s15, $0xb8;
	[tilespmem:$0x14E00] =	vst v63  }
0x2d: {  	_ = 	snop  }
0x2e: {  	[tilespmem:s30], [sflag:$0x4] =	stream.indirect.gather [hbm4b:s2+s15], $0x80, s29, s15, $0xb8;
	[tilespmem:$0x14E00] =	vst v63  }
0x2f: {  	_ = 	snop  }
0x30: {  	[tilespmem:s1], [sflag:$0x4] =	stream.indirect.gather [hbm4b:s2+s21], $0x80, s31, s21, $0xb8;
	[tilespmem:$0x14E00] =	vst v63  }
0x31: {  	_ =	swait.ge [sflag:s0], $0x4000  }
0x32: {  	[sflag:s0] =	ssyncset.done $0x0  }
0x33: {  	[sflag:s0] =	ssyncadd.s32 $0xFFFFC000  }
0x34: {  	_ =	swait.ge [sflag:s0], $0x4000  }
0x35: {  	[sflag:s0] =	ssyncset.done $0x0  }
0x36: {  	[sflag:s0] =	ssyncadd.s32 $0xFFFFC000  }
0x37: {  	_ =	swait.ge [sflag:s0], $0x2000  }
0x38: {  	[sflag:s0] =	ssyncset.done $0x0  }
0x39: {  	s11 =	simm.s32 $0xA00;
	[sflag:s0] =	ssyncadd.s32 $0xFFFFE000  }
0x3a: {  	v29 =	vld [tilespmem:s11+$0x380]  }
0x3b: {  	v31 =	vld [tilespmem:s11+$0x390]  }
0x3c: {  	v32 =	vld [tilespmem:s11+$0x3A0]  }
0x3d: {  	v38 =	vld [tilespmem:s11+$0x3B0]  }
0x3e: {  	v39 =	vld [tilespmem:s11+$0x3C0]  }
0x3f: {  	v40 =	vld [tilespmem:s11+$0x3D0]  }
0x40: {  	v41 =	vld [tilespmem:s11+$0x300]  }
0x41: {  	v48 =	vld [tilespmem:s11+$0x310]  }
0x42: {  	v0 =	vld [tilespmem:s11+$0x100]  }
0x43: {  	v53 =	vld [tilespmem:s11+$0x320]  }
0x44: {  	v54 =	vld [tilespmem:s11+$0x330]  }
0x45: {  	v55 =	vld [tilespmem:s11+$0x340]  }
0x46: {  	v56 =	vld [tilespmem:s11+$0x350]  }
0x47: {  	s28 =	simm.s32 $0x0;
	[tilespmem:$0x1FF50] =	vst v0;
	v0 =	vld [tilespmem:s11+$0x120]  }
0x48: {  	v22 =	vld [tilespmem:s28+$0x300]  }
0x49: {  	v13 =	vld [tilespmem:s11+$0xFFFFFD00]  }
0x4a: {  	v17 =	vld [tilespmem:s11+$0xFFFFFC80]  }
0x4b: {  	v12 =	vld [tilespmem:s11+$0xFFFFFC00]  }
0x4c: {  	[tilespmem:$0x1FF60] =	vst v0;
	v0 =	vld [tilespmem:s11+$0x130]  }
0x4d: {  	v18 =	vld [tilespmem:s11+$0xFFFFFC10]  }
0x4e: {  	v30 =	vld [tilespmem:s11+$0xFFFFFC90]  }
0x4f: {  	v57 =	vld [tilespmem:s11+$0xFFFFFC20];
	v1 =	vbroadcast v22, $0xE;
	v3 =	vbroadcast v22, $0xC  }
0x50: {  	v58 =	vld [tilespmem:s11+$0xFFFFFC30];
	v2 =	vbroadcast v22, $0xD;
	v7 =	vbroadcast v22, $0xA  }
0x51: {  	v4 =	vbroadcast v22, $0xB;
	v24 =	vbroadcast v22, $0x0;
	[tilespmem:$0x1FF70] =	vst v0;
	v0 =	vld [tilespmem:s11+$0x140]  }
0x52: {  	v59 =	vld [tilespmem:s11+$0xFFFFFCA0];
	v9 =	vbroadcast v22, $0x8;
	v8 =	vbroadcast v22, $0x9  }
0x53: {  	v62 =	vld [tilespmem:s11+$0xFFFFFD10];
	v23 =	vbroadcast v22, $0x1;
	v21 =	vbroadcast v22, $0x2  }
0x54: {  	v10 =	vld [tilespmem:s11+$0xFFFFFD20];
	v60 =	vmul.f32 v12, v24;
	v12 =	vbroadcast v22, $0x6  }
0x55: {  	v61 =	vld [tilespmem:s11+$0xFFFFFCB0];
	v18 =	vmul.f32 v18, v24;
	v17 =	vmul.f32 v17, v23  }
0x56: {  	v6 =	vimm.f32 $0.0e+00;
	v30 =	vmul.f32 v30, v23;
	v57 =	vmul.f32 v57, v24;
	[tilespmem:$0x1FF80] =	vst v0;
	v0 =	vld [tilespmem:s11+$0x150]  }
0x57: {  	v16 =	vld [tilespmem:s11+$0x280];
	v63 =	vmul.f32 v13, v21;
	v60 =	vadd.f32 v60, v6;
	v18 =	vadd.f32 v18, v6  }
0x58: {  	v5 =	vimm.f32 $0.0e+00;
	v52 =	vld [tilespmem:s11+$0x2C0];
	v13 =	vmul.f32 v58, v24;
	v62 =	vmul.f32 v62, v21  }
0x59: {  	v11 =	vld [tilespmem:s11+$0xFFFFFD30];
	v10 =	vmul.f32 v10, v21;
	v60 =	vadd.f32 v17, v60;
	v58 =	vadd.f32 v30, v18  }
0x5a: {  	[tilespmem:$0x1FE80] =	vst v5;
	v17 =	vmul.f32 v59, v23;
	v18 =	vadd.f32 v57, v6;
	v57 =	vmul.f32 v61, v23;
	v59 =	vld [tilespmem:s11+$0xFFFFFD80]  }
0x5b: {  	v5 =	vld [tilespmem:s11+$0xFFFFFD90];
	v30 =	vadd.f32 v13, v6;
	v13 =	vbroadcast v22, $0x7;
	[tilespmem:$0x1FF90] =	vst v0;
	v0 =	vbroadcast v22, $0xF  }
0x5c: {  	v6 =	vld [tilespmem:s11+$0xFFFFFDA0];
	v61 =	vadd.f32 v17, v18;
	v18 =	vbroadcast v22, $0x4;
	v17 =	vbroadcast v22, $0x5  }
0x5d: {  	v60 =	vadd.f32 v63, v60;
	v63 =	vld [tilespmem:s11+$0xFFFFFDB0];
	v22 =	vbroadcast v22, $0x3;
	v20 =	vmul.f32 v29, v0  }
0x5e: {  	v11 =	vmul.f32 v11, v21;
	v57 =	vadd.f32 v57, v30;
	v10 =	vadd.f32 v10, v61;
	v61 =	vld [tilespmem:s11+$0xFFFFFE10]  }
0x5f: {  	v58 =	vadd.f32 v62, v58;
	v62 =	vld [tilespmem:s11+$0xFFFFFE00];
	v59 =	vmul.f32 v59, v22;
	[tilespmem:$0x1FE90] =	vst v20;
	v20 =	vmul.f32 v31, v0  }
0x60: {  	v11 =	vadd.f32 v11, v57;
	v57 =	vld [tilespmem:s11+$0xFFFFFE20];
	v5 =	vmul.f32 v5, v22  }
0x61: {  	v59 =	vadd.f32 v59, v60;
	v60 =	vld [tilespmem:s11+$0xFFFFFE30];
	[tilespmem:$0x1FEA0] =	vst v20;
	v20 =	vmul.f32 v32, v0  }
0x62: {  	v6 =	vmul.f32 v6, v22;
	v5 =	vadd.f32 v5, v58;
	v58 =	vld [tilespmem:s11+$0xFFFFFE80]  }
0x63: {  	[tilespmem:$0x1FEB0] =	vst v20;
	v20 =	vmul.f32 v38, v0;
	v38 =	vmul.f32 v61, v18;
	v61 =	vld [tilespmem:s11+$0xFFFFFEA0]  }
0x64: {  	v29 =	vmul.f32 v41, v1;
	v6 =	vadd.f32 v6, v10;
	v10 =	vmul.f32 v62, v18;
	v62 =	vld [tilespmem:s11+$0xFFFFFE90]  }
0x65: {  	[tilespmem:$0x1FEC0] =	vst v20;
	v20 =	vmul.f32 v39, v0;
	v39 =	vmul.f32 v57, v18;
	v57 =	vld [tilespmem:s11+$0xFFFFFF00]  }
0x66: {  	v15 =	vld [tilespmem:s11+$0x2D0];
	v31 =	vmul.f32 v53, v1;
	v32 =	vmul.f32 v63, v22;
	v10 =	vadd.f32 v10, v59  }
0x67: {  	v53 =	vld [tilespmem:s11+$0xFFFFFEB0];
	v41 =	vmul.f32 v58, v17;
	v5 =	vadd.f32 v38, v5;
	v38 =	vmul.f32 v16, v2  }
0x68: {  	v63 =	vld [tilespmem:s11+$0xFFFFFF30];
	[tilespmem:$0x1FED0] =	vst v20;
	v20 =	vmul.f32 v40, v0;
	v6 =	vadd.f32 v39, v6;
	v16 =	vmul.f32 v61, v17  }
0x69: {  	v10 =	vadd.f32 v41, v10;
	v40 =	vmul.f32 v60, v18;
	v60 =	vmul.f32 v62, v17;
	v62 =	vld [tilespmem:s11+$0xFFFFFF20]  }
0x6a: {  	[tilespmem:$0x1FEE0] =	vst v20;
	v20 =	vmul.f32 v55, v1;
	v55 =	vld [tilespmem:s11+$0xFFFFFF10];
	v6 =	vadd.f32 v16, v6;
	v16 =	vmul.f32 v57, v12  }
0x6b: {  	v49 =	vld [tilespmem:s11+$0x290];
	v15 =	vmul.f32 v15, v2;
	v11 =	vadd.f32 v32, v11  }
0x6c: {  	v41 =	vld [tilespmem:s11+$0xFFFFFF90];
	v10 =	vadd.f32 v16, v10;
	v16 =	vmul.f32 v52, v2  }
0x6d: {  	v14 =	vld [tilespmem:s11+$0x200];
	[tilespmem:$0x1FF20] =	vst v15;
	v53 =	vmul.f32 v53, v17;
	v11 =	vadd.f32 v40, v11  }
0x6e: {  	v15 =	vmul.f32 v63, v12;
	[tilespmem:$0x1FF10] =	vst v16;
	v16 =	vmul.f32 v62, v12;
	v62 =	vld [tilespmem:s11+$0xFFFFFFB0]  }
0x6f: {  	v26 =	vld [tilespmem:s11+$0x250];
	v5 =	vadd.f32 v60, v5;
	v11 =	vadd.f32 v53, v11;
	v60 =	vmul.f32 v55, v12  }
0x70: {  	v40 =	vld [tilespmem:s11+$0xFFFFFF80]  }
0x71: {  	v50 =	vld [tilespmem:s11+$0x2A0];
	v11 =	vadd.f32 v15, v11;
	v15 =	vmul.f32 v41, v13;
	v5 =	vadd.f32 v60, v5  }
0x72: {  	v6 =	vadd.f32 v16, v6;
	v16 =	vld [tilespmem:s11+$0x10]  }
0x73: {  	v61 =	vld [tilespmem:s11+$0xFFFFFFA0];
	v5 =	vadd.f32 v15, v5;
	v15 =	vmul.f32 v62, v13  }
0x74: {  	v25 =	vld [tilespmem:s11+$0x240];
	v52 =	vmul.f32 v14, v3  }
0x75: {  	v14 =	vmul.f32 v40, v13;
	v40 =	vld [tilespmem:s11+$0x20];
	v11 =	vadd.f32 v15, v11;
	v15 =	vmul.f32 v26, v3  }
0x76: {  	v27 =	vld [tilespmem:s11+$0x1A0]  }
0x77: {  	v37 =	vld [tilespmem:s11+$0xA0];
	[tilespmem:$0x1FF40] =	vst v15;
	v15 =	vmul.f32 v16, v9  }
0x78: {  	v51 =	vld [tilespmem:s11+$0x2B0];
	v10 =	vadd.f32 v14, v10;
	v14 =	vmul.f32 v61, v13  }
0x79: {  	v5 =	vadd.f32 v15, v5;
	v15 =	vld [tilespmem:$0x1FF50]  }
0x7a: {  	v19 =	vld [tilespmem:s11+$0x210];
	v6 =	vadd.f32 v14, v6;
	v14 =	vmul.f32 v25, v3;
	v25 =	vmul.f32 v40, v9  }
0x7b: {  	v46 =	vld [tilespmem:s11+$0x220]  }
0x7c: {  	v63 =	vld [tilespmem:s11+$0x0];
	v62 =	vmul.f32 v27, v4;
	v27 =	vmul.f32 v37, v8;
	v6 =	vadd.f32 v25, v6  }
0x7d: {  	v42 =	vld [tilespmem:s11+$0x180]  }
0x7e: {  	v6 =	vadd.f32 v27, v6;
	v27 =	vmul.f32 v15, v7;
	v15 =	vld [tilespmem:$0x1FF60]  }
0x7f: {  	v45 =	vld [tilespmem:s11+$0x230]  }
0x80: {  	v36 =	vld [tilespmem:s11+$0x190]  }
0x81: {  	v28 =	vld [tilespmem:s11+$0x1B0];
	[tilespmem:$0x1FF30] =	vst v14;
	v14 =	vmul.f32 v63, v9  }
0x82: {  	v33 =	vld [tilespmem:s11+$0x1C0]  }
0x83: {  	v10 =	vadd.f32 v14, v10;
	v14 =	vmul.f32 v42, v4;
	v42 =	vmul.f32 v15, v7;
	v15 =	vld [tilespmem:$0x1FF70]  }
0x84: {  	v34 =	vld [tilespmem:s11+$0x1D0]  }
0x85: {  	v35 =	vld [tilespmem:s11+$0x110]  }
0x86: {  	v44 =	vld [tilespmem:s11+$0x80]  }
0x87: {  	v43 =	vld [tilespmem:s11+$0x90]  }
0x88: {  	v59 =	vmul.f32 v15, v7;
	v15 =	vld [tilespmem:$0x1FF80]  }
0x89: {  	v47 =	vld [tilespmem:s11+$0xB0]  }
0x8a: {  	v32 =	vmul.f32 v54, v1;
	v54 =	vmul.f32 v46, v3;
	v46 =	vld [tilespmem:s11+$0xFFFFFFC0]  }
0x8b: {  	v58 =	vld [tilespmem:s11+$0xFFFFFF40]  }
0x8c: {  	v57 =	vld [tilespmem:s11+$0x50]  }
0x8d: {  	v26 =	vmul.f32 v43, v8;
	v43 =	vmul.f32 v15, v7;
	v15 =	vld [tilespmem:$0x1FF90]  }
0x8e: {  	v50 =	vmul.f32 v50, v2;
	v41 =	vld [tilespmem:s11+$0x30]  }
0x8f: {  	v51 =	vmul.f32 v51, v2;
	v55 =	vmul.f32 v45, v3;
	v45 =	vld [tilespmem:s11+$0xC0]  }
0x90: {  	v30 =	vmul.f32 v48, v1;
	[tilespmem:$0x1FEF0] =	vst v20;
	v20 =	vmul.f32 v56, v1;
	v56 =	vld [tilespmem:s11+$0xD0]  }
0x91: {  	v39 =	vmul.f32 v49, v2;
	v53 =	vmul.f32 v19, v3;
	v19 =	vld [tilespmem:s11+$0xFFFFFF50]  }
0x92: {  	v49 =	vmul.f32 v35, v7;
	[tilespmem:$0x1FF00] =	vst v20;
	v20 =	vld [tilespmem:s11+$0xFFFFFE50];
	v15 =	vmul.f32 v15, v7  }
0x93: {  	v58 =	vmul.f32 v58, v12;
	v48 =	vmul.f32 v41, v9;
	v16 =	vld [tilespmem:s11+$0x40];
	v5 =	vadd.f32 v26, v5  }
0x94: {  	v35 =	vimm.f32 $0.0e+00;
	v61 =	vld [tilespmem:s11+$0xFFFFFED0];
	v25 =	vmul.f32 v44, v8;
	[tilespmem:$0x1FFA0] =	vst v15;
	v15 =	vmul.f32 v45, v8  }
0x95: {  	v60 =	vmul.f32 v36, v4;
	v36 =	vmul.f32 v33, v4;
	v5 =	vadd.f32 v49, v5;
	v49 =	vld [tilespmem:s11+$0xFFFFFDC0]  }
0x96: {  	v11 =	vadd.f32 v48, v11;
	v48 =	vld [tilespmem:s11+$0xFFFFFE40];
	v10 =	vadd.f32 v25, v10;
	[tilespmem:$0x1FFB0] =	vst v15;
	v15 =	vmul.f32 v56, v8  }
0x97: {  	v40 =	vmul.f32 v28, v4;
	v28 =	vmul.f32 v47, v8;
	v44 =	vld [tilespmem:s11+$0xFFFFFFD0];
	v6 =	vadd.f32 v42, v6  }
0x98: {  	v37 =	vmul.f32 v34, v4;
	v10 =	vadd.f32 v27, v10;
	[tilespmem:$0x1FFC0] =	vst v15;
	v15 =	vmul.f32 v16, v9;
	v16 =	vld [tilespmem:s11+$0xFFFFFDD0]  }
0x99: {  	v47 =	vld [tilespmem:s11+$0xFFFFFEC0];
	v61 =	vmul.f32 v61, v17;
	v11 =	vadd.f32 v28, v11;
	v62 =	vadd.f32 v62, v6  }
0x9a: {  	v6 =	vmul.f32 v49, v22;
	v45 =	vadd.f32 v14, v10;
	v14 =	vld [tilespmem:s11+$0xFFFFFD40];
	[tilespmem:$0x1FFD0] =	vst v15;
	v15 =	vmul.f32 v57, v9  }
0x9b: {  	v42 =	vimm.f32 $0.0e+00;
	v10 =	vld [tilespmem:s11+$0xFFFFFCC0];
	v56 =	vmul.f32 v46, v13;
	v46 =	vmul.f32 v48, v18  }
0x9c: {  	v57 =	vmul.f32 v44, v13;
	v44 =	vadd.f32 v60, v5;
	[tilespmem:$0x1FFE0] =	vst v15;
	v15 =	vadd.f32 v59, v11;
	v11 =	vld [tilespmem:s11+$0xFFFFFD50]  }
0x9d: {  	v59 =	vmul.f32 v19, v12;
	v19 =	vimm.f32 $0.0e+00;
	v5 =	vmul.f32 v16, v22;
	v16 =	vld [tilespmem:s11+$0xFFFFFC40]  }
0x9e: {  	s14 =	simm.s32 $0x40;
	v60 =	vmul.f32 v47, v17;
	v47 =	vmul.f32 v20, v18;
	[tilespmem:$0x1FFF0] =	vst v19;
	v63 =	vadd.f32 v40, v15;
	v15 =	vld [tilespmem:s11+$0xFFFFFCD0]  }
.LBB2_3:
0x9f: {  	v45 =	vadd.f32 v52, v45  }
0xa0: {  	v20 =	vld [tilespmem:$0x1FE90]  }
0xa1: {  	v45 =	vadd.f32 v38, v45;
	_ =	sdelay $0x1  }
0xa2: {  	v38 =	vadd.f32 v29, v45;
	_ =	sdelay $0x1  }
0xa3: {  	v20 =	vadd.f32 v20, v38  }
0xa4: {  	v44 =	vadd.f32 v53, v44  }
0xa5: {  	[tilespmem:$0x1FDA0] =	vst v20;
	v20 =	vld [tilespmem:$0x1FEA0]  }
0xa6: {  	v44 =	vadd.f32 v39, v44;
	_ =	sdelay $0x1  }
0xa7: {  	v39 =	vadd.f32 v30, v44;
	_ =	sdelay $0x1  }
0xa8: {  	v20 =	vadd.f32 v20, v39  }
0xa9: {  	v62 =	vadd.f32 v54, v62  }
0xaa: {  	[tilespmem:$0x1FDB0] =	vst v20;
	v20 =	vld [tilespmem:$0x1FEB0]  }
0xab: {  	v49 =	vadd.f32 v50, v62;
	_ =	sdelay $0x1  }
0xac: {  	v40 =	vadd.f32 v31, v49;
	_ =	sdelay $0x1  }
0xad: {  	v20 =	vadd.f32 v20, v40  }
0xae: {  	v63 =	vadd.f32 v55, v63  }
0xaf: {  	[tilespmem:$0x1FDC0] =	vst v20;
	v20 =	vld [tilespmem:$0x1FEC0]  }
0xb0: {  	v34 =	vadd.f32 v51, v63;
	_ =	sdelay $0x1  }
0xb1: {  	v41 =	vadd.f32 v32, v34;
	_ =	sdelay $0x1  }
0xb2: {  	v20 =	vadd.f32 v20, v41  }
0xb3: {  	v19 =	vld [tilespmem:s11+$0xFFFFFC50]  }
0xb4: {  	[tilespmem:$0x1FDD0] =	vst v20;
	v20 =	vld [tilespmem:$0x1FE80]  }
0xb5: {  	v52 =	vld [tilespmem:s11+$0xFFFFFC60]  }
0xb6: {  	v33 =	vld [tilespmem:s11+$0xFFFFFC70]  }
0xb7: {  	v48 =	vld [tilespmem:s11+$0xFFFFFCE0];
	v16 =	vmul.f32 v16, v24  }
0xb8: {  	v51 =	vld [tilespmem:s11+$0xFFFFFCF0]  }
0xb9: {  	v14 =	vmul.f32 v14, v21;
	v16 =	vadd.f32 v16, v20;
	v20 =	vld [tilespmem:$0x1FFF0]  }
0xba: {  	v54 =	vld [tilespmem:s11+$0xFFFFFD60];
	v10 =	vmul.f32 v10, v23;
	v19 =	vmul.f32 v19, v24  }
0xbb: {  	v63 =	vld [tilespmem:s11+$0xFFFFFD70];
	v62 =	vmul.f32 v52, v24;
	v24 =	vmul.f32 v33, v24  }
0xbc: {  	v15 =	vmul.f32 v15, v23;
	v30 =	vld [tilespmem:s11+$0xFFFFFDE0];
	v29 =	vmul.f32 v48, v23  }
0xbd: {  	v31 =	vld [tilespmem:s11+$0xFFFFFDF0];
	v24 =	vadd.f32 v24, v42;
	v23 =	vmul.f32 v51, v23;
	v41 =	vadd.f32 v62, v35  }
0xbe: {  	v11 =	vmul.f32 v11, v21;
	v45 =	vld [tilespmem:s11+$0xFFFFFE60];
	v10 =	vadd.f32 v10, v16;
	v19 =	vadd.f32 v19, v20  }
0xbf: {  	v23 =	vadd.f32 v23, v24;
	v24 =	vld [tilespmem:s11+$0xFFFFFEE0];
	v29 =	vadd.f32 v29, v41;
	v16 =	vmul.f32 v54, v21  }
0xc0: {  	v21 =	vmul.f32 v63, v21;
	v10 =	vadd.f32 v14, v10;
	v15 =	vadd.f32 v15, v19;
	v19 =	vld [tilespmem:s11+$0xFFFFFE70]  }
0xc1: {  	v14 =	vmul.f32 v30, v22;
	v16 =	vadd.f32 v16, v29  }
0xc2: {  	v21 =	vadd.f32 v21, v23;
	v22 =	vmul.f32 v31, v22;
	v23 =	vld [tilespmem:s11+$0xFFFFFF60];
	v6 =	vadd.f32 v6, v10  }
0xc3: {  	v10 =	vmul.f32 v45, v18;
	v14 =	vadd.f32 v14, v16;
	v11 =	vadd.f32 v11, v15;
	v15 =	vld [tilespmem:s11+$0xFFFFFEF0]  }
0xc4: {  	v16 =	vadd.f32 v22, v21  }
0xc5: {  	v21 =	vmul.f32 v24, v17;
	v10 =	vadd.f32 v10, v14;
	v18 =	vmul.f32 v19, v18;
	v19 =	vld [tilespmem:s11+$0xFFFFFFE0];
	_ =	sdelay $0x1  }
0xc6: {  	v10 =	vadd.f32 v21, v10;
	v14 =	vadd.f32 v18, v16;
	v16 =	vld [tilespmem:s11+$0x60]  }
0xc7: {  	v5 =	vadd.f32 v5, v11;
	v11 =	vld [tilespmem:s11+$0xFFFFFF70];
	v15 =	vmul.f32 v15, v17;
	v17 =	vmul.f32 v23, v12  }
0xc8: {  	v6 =	vadd.f32 v46, v6  }
0xc9: {  	v22 =	vld [tilespmem:s11+$0xFFFFFFF0];
	v14 =	vadd.f32 v15, v14;
	v10 =	vadd.f32 v17, v10;
	v15 =	vmul.f32 v19, v13  }
0xca: {  	v6 =	vadd.f32 v60, v6;
	v18 =	vld [tilespmem:s11+$0x70]  }
0xcb: {  	v16 =	vmul.f32 v16, v9;
	v10 =	vadd.f32 v15, v10;
	v15 =	vld [tilespmem:$0x1FFD0]  }
0xcc: {  	v6 =	vadd.f32 v58, v6;
	v11 =	vmul.f32 v11, v12;
	v12 =	vld [tilespmem:s11+$0xE0]  }
0xcd: {  	v5 =	vadd.f32 v47, v5;
	v10 =	vadd.f32 v16, v10;
	v16 =	vld [tilespmem:$0x1FFB0]  }
0xce: {  	v6 =	vadd.f32 v56, v6;
	v17 =	vld [tilespmem:s11+$0x170]  }
0xcf: {  	v5 =	vadd.f32 v61, v5;
	v19 =	vld [tilespmem:s11+$0xF0]  }
0xd0: {  	v6 =	vadd.f32 v15, v6;
	v15 =	vld [tilespmem:$0x1FFE0]  }
0xd1: {  	v5 =	vadd.f32 v59, v5;
	v13 =	vmul.f32 v22, v13;
	v11 =	vadd.f32 v11, v14;
	v14 =	vld [tilespmem:s11+$0x160]  }
0xd2: {  	v12 =	vmul.f32 v12, v8;
	v6 =	vadd.f32 v16, v6;
	v16 =	vld [tilespmem:$0x1FFC0]  }
0xd3: {  	v5 =	vadd.f32 v57, v5;
	v11 =	vadd.f32 v13, v11;
	v13 =	vld [tilespmem:s11+$0x1E0]  }
0xd4: {  	v9 =	vmul.f32 v18, v9;
	v10 =	vadd.f32 v12, v10;
	v12 =	vld [tilespmem:$0x1FFA0]  }
0xd5: {  	v5 =	vadd.f32 v15, v5  }
0xd6: {  	v9 =	vadd.f32 v9, v11;
	v8 =	vmul.f32 v19, v8;
	v15 =	vld [tilespmem:s11+$0x1F0]  }
0xd7: {  	v11 =	vld [tilespmem:s11+$0x260];
	v14 =	vmul.f32 v14, v7;
	v5 =	vadd.f32 v16, v5  }
0xd8: {  	v7 =	vmul.f32 v17, v7;
	v8 =	vadd.f32 v8, v9;
	v16 =	vld [tilespmem:s11+$0x270]  }
0xd9: {  	v9 =	vld [tilespmem:s11+$0x2E0];
	v10 =	vadd.f32 v14, v10;
	v5 =	vadd.f32 v12, v5;
	v12 =	vmul.f32 v13, v4  }
0xda: {  	v13 =	vld [tilespmem:s11+$0x2F0]  }
0xdb: {  	v7 =	vadd.f32 v7, v8;
	v4 =	vmul.f32 v15, v4;
	v10 =	vadd.f32 v12, v10;
	v12 =	vld [tilespmem:$0x1FF30]  }
0xdc: {  	s9 =	sshra.s32 s14, $0x2;
	v6 =	vadd.f32 v43, v6  }
0xdd: {  	v23 =	vld [tilespmem:s9+$0x300];
	v11 =	vmul.f32 v11, v3;
	v4 =	vadd.f32 v4, v7;
	v3 =	vmul.f32 v16, v3  }
0xde: {  	v14 =	vld [tilespmem:s11+$0x370];
	v6 =	vadd.f32 v36, v6  }
0xdf: {  	v9 =	vmul.f32 v9, v2;
	v3 =	vadd.f32 v3, v4;
	v2 =	vmul.f32 v13, v2;
	v4 =	vld [tilespmem:$0x1FF10]  }
0xe0: {  	v6 =	vadd.f32 v12, v6;
	v12 =	vld [tilespmem:$0x1FF40]  }
0xe1: {  	v2 =	vadd.f32 v2, v3;
	v3 =	vld [tilespmem:$0x1FEF0]  }
0xe2: {  	v8 =	vld [tilespmem:s11+$0x360]  }
0xe3: {  	v5 =	vadd.f32 v37, v5;
	v7 =	vld [tilespmem:s11+$0x3E0]  }
0xe4: {  	v4 =	vadd.f32 v4, v6;
	v6 =	vld [tilespmem:$0x1FF20]  }
0xe5: {  	v5 =	vadd.f32 v12, v5;
	v12 =	vld [tilespmem:s11+$0x3F0]  }
0xe6: {  	s11 =	sadd.s32 $0x800, s11;
	v3 =	vadd.f32 v3, v4;
	v4 =	vld [tilespmem:$0x1FF00]  }
0xe7: {  	v15 =	vld [tilespmem:s11+$0x380]  }
0xe8: {  	v10 =	vadd.f32 v11, v10;
	v11 =	vld [tilespmem:s11+$0x390]  }
0xe9: {  	v16 =	vld [tilespmem:s11+$0x3A0]  }
0xea: {  	v19 =	vld [tilespmem:s11+$0x3D0]  }
0xeb: {  	v20 =	vld [tilespmem:s11+$0x300]  }
0xec: {  	v25 =	vld [tilespmem:s11+$0x330]  }
0xed: {  	v26 =	vld [tilespmem:s11+$0x340]  }
0xee: {  	v27 =	vld [tilespmem:s11+$0x350]  }
0xef: {  	v28 =	vld [tilespmem:s11+$0x280]  }
0xf0: {  	v33 =	vld [tilespmem:s11+$0x290]  }
0xf1: {  	v34 =	vld [tilespmem:s11+$0x2A0]  }
0xf2: {  	v42 =	vld [tilespmem:s11+$0x2B0]  }
0xf3: {  	v43 =	vld [tilespmem:s11+$0x2C0]  }
0xf4: {  	v44 =	vld [tilespmem:s11+$0x2D0]  }
0xf5: {  	v45 =	vld [tilespmem:s11+$0x200];
	v5 =	vadd.f32 v6, v5;
	v6 =	vmul.f32 v8, v1;
	v1 =	vmul.f32 v14, v1  }
0xf6: {  	v46 =	vld [tilespmem:s11+$0x210]  }
0xf7: {  	v1 =	vadd.f32 v1, v2;
	v2 =	vld [tilespmem:$0x1FED0]  }
0xf8: {  	v47 =	vld [tilespmem:s11+$0x220]  }
0xf9: {  	v55 =	vld [tilespmem:s11+$0x230]  }
0xfa: {  	v56 =	vld [tilespmem:s11+$0x240]  }
0xfb: {  	v57 =	vld [tilespmem:s11+$0x250]  }
0xfc: {  	v58 =	vld [tilespmem:s11+$0x180];
	v2 =	vadd.f32 v2, v3  }
0xfd: {  	v59 =	vld [tilespmem:s11+$0x190]  }
0xfe: {  	[tilespmem:$0x1FE80] =	vst v2;
	v2 =	vld [tilespmem:$0x1FEE0]  }
0xff: {  	v60 =	vld [tilespmem:s11+$0x1A0]  }
0x100: {  	v61 =	vld [tilespmem:s11+$0x1B0]  }
0x101: {  	v29 =	vld [tilespmem:s11+$0x1C0];
	v8 =	vadd.f32 v9, v10;
	v4 =	vadd.f32 v4, v5  }
0x102: {  	v30 =	vld [tilespmem:s11+$0x1D0]  }
0x103: {  	v31 =	vld [tilespmem:s11+$0x100];
	v5 =	vmul.f32 v7, v0;
	v6 =	vadd.f32 v6, v8;
	v2 =	vadd.f32 v2, v4  }
0x104: {  	v32 =	vld [tilespmem:s11+$0x110]  }
0x105: {  	[tilespmem:$0x1FFF0] =	vst v2;
	v2 =	vadd.f32 v5, v6;
	v5 =	vld [tilespmem:s11+$0x310]  }
0x106: {  	v35 =	vld [tilespmem:s11+$0x120];
	v0 =	vmul.f32 v12, v0  }
0x107: {  	v6 =	vld [tilespmem:s11+$0x320]  }
0x108: {  	v36 =	vld [tilespmem:s11+$0x130];
	v0 =	vadd.f32 v0, v1;
	v1 =	vbroadcast v23, $0xE  }
0x109: {  	v37 =	vld [tilespmem:s11+$0x140]  }
0x10a: {  	v62 =	vld [tilespmem:s11+$0x150];
	v5 =	vmul.f32 v5, v1  }
0x10b: {  	v38 =	vld [tilespmem:s11+$0x80]  }
0x10c: {  	v39 =	vld [tilespmem:s11+$0x90];
	v7 =	vbroadcast v23, $0xA;
	[tilespmem:$0x1FDF0] =	vst v5;
	v5 =	vmul.f32 v6, v1  }
0x10d: {  	v10 =	vld [tilespmem:s11+$0x3B0];
	[tilespmem:$0x1FDE0] =	vst v0;
	v0 =	vbroadcast v23, $0xF  }
0x10e: {  	v40 =	vld [tilespmem:s11+$0xA0];
	v49 =	vmul.f32 v37, v7;
	[tilespmem:$0x1FE20] =	vst v5;
	v5 =	vmul.f32 v26, v1  }
0x10f: {  	v48 =	vld [tilespmem:s11+$0xFFFFFC30];
	v63 =	vmul.f32 v25, v1;
	v15 =	vmul.f32 v15, v0;
	[tilespmem:$0x1FE00] =	vst v2  }
0x110: {  	v41 =	vld [tilespmem:s11+$0xFFFFFD30];
	v2 =	vbroadcast v23, $0xD;
	[tilespmem:$0x1FEF0] =	vst v5;
	v5 =	vmul.f32 v27, v1  }
0x111: {  	v14 =	vld [tilespmem:s11+$0x3C0];
	v3 =	vbroadcast v23, $0xC;
	v11 =	vmul.f32 v11, v0;
	[tilespmem:$0x1FE90] =	vst v15  }
0x112: {  	v37 =	vld [tilespmem:s11+$0xFFFFFCA0];
	v10 =	vmul.f32 v10, v0;
	[tilespmem:$0x1FF00] =	vst v5;
	v5 =	vmul.f32 v28, v2  }
0x113: {  	v25 =	vld [tilespmem:s11+$0x10];
	v52 =	vmul.f32 v45, v3;
	v54 =	vmul.f32 v47, v3;
	[tilespmem:$0x1FEA0] =	vst v11  }
0x114: {  	v47 =	vmul.f32 v31, v7;
	v31 =	vld [tilespmem:s11+$0xFFFFFE10];
	[tilespmem:$0x1FE10] =	vst v5;
	v5 =	vmul.f32 v43, v2  }
0x115: {  	v45 =	vmul.f32 v35, v7;
	v35 =	vld [tilespmem:s11+$0xFFFFFD90];
	v15 =	vmul.f32 v16, v0;
	[tilespmem:$0x1FEC0] =	vst v10  }
0x116: {  	v24 =	vbroadcast v23, $0x0;
	v11 =	vld [tilespmem:s11+$0xB0];
	[tilespmem:$0x1FF10] =	vst v5;
	v5 =	vmul.f32 v44, v2  }
0x117: {  	v10 =	vmul.f32 v14, v0;
	v16 =	vld [tilespmem:s11+$0xD0];
	v14 =	vmul.f32 v62, v7;
	[tilespmem:$0x1FEB0] =	vst v15  }
0x118: {  	v62 =	vmul.f32 v48, v24;
	v48 =	vld [tilespmem:$0x1FDA0];
	[tilespmem:$0x1FF20] =	vst v5;
	v5 =	vmul.f32 v56, v3  }
0x119: {  	v15 =	vld [tilespmem:s11+$0xC0];
	[tilespmem:$0x1FED0] =	vst v10;
	v10 =	vmul.f32 v19, v0;
	v19 =	vmul.f32 v32, v7  }
0x11a: {  	v32 =	vld [tilespmem:s11+$0xFFFFFD80];
	v4 =	vbroadcast v23, $0xB;
	[tilespmem:$0x1FF30] =	vst v5;
	v5 =	vmul.f32 v57, v3  }
0x11b: {  	v8 =	vbroadcast v23, $0x9;
	[tilespmem:$0x1FFA0] =	vst v14;
	v51 =	vmul.f32 v42, v2;
	v42 =	vld [tilespmem:s11+$0x40]  }
0x11c: {  	v26 =	vld [tilespmem:s11+$0x20];
	[tilespmem:$0x1FF40] =	vst v5;
	v5 =	vmul.f32 v58, v4  }
0x11d: {  	v14 =	vmul.f32 v39, v8;
	v39 =	vld [tilespmem:s11+$0xFFFFFD10];
	[tilespmem:$0x1FEE0] =	vst v10;
	v10 =	vmul.f32 v20, v1  }
0x11e: {  	v43 =	vld [tilespmem:s11+$0x50];
	[tilespmem:$0x1FE40] =	vst v5;
	v5 =	vmul.f32 v59, v4  }
0x11f: {  	v9 =	vbroadcast v23, $0x8;
	[tilespmem:$0x1FE30] =	vst v10;
	v10 =	vmul.f32 v33, v2;
	v33 =	vld [tilespmem:s11+$0xFFFFFF90]  }
0x120: {  	v15 =	vmul.f32 v15, v8;
	v27 =	vld [tilespmem:s11+$0x30];
	[tilespmem:$0x1FE50] =	vst v5;
	v5 =	vmul.f32 v60, v4  }
0x121: {  	v28 =	vld [tilespmem:s11+$0xFFFFFF80];
	v60 =	vmul.f32 v26, v9;
	v26 =	vmul.f32 v42, v9  }
0x122: {  	v20 =	vld [tilespmem:s11+$0x0];
	[tilespmem:$0x1FFB0] =	vst v15;
	v15 =	vmul.f32 v16, v8  }
0x123: {  	v16 =	vmul.f32 v25, v9;
	v25 =	vld [tilespmem:s11+$0xFFFFFC90];
	[tilespmem:$0x1FFD0] =	vst v26;
	v26 =	vmul.f32 v43, v9  }
0x124: {  	v13 =	vbroadcast v23, $0x7;
	v50 =	vmul.f32 v34, v2;
	v34 =	vld [tilespmem:s11+$0xFFFFFCB0];
	[tilespmem:$0x1FFC0] =	vst v15  }
0x125: {  	v18 =	vbroadcast v23, $0x4;
	v15 =	vmul.f32 v27, v9;
	[tilespmem:$0x1FFE0] =	vst v26;
	v26 =	vld [tilespmem:s11+$0xFFFFFC00]  }
0x126: {  	v27 =	vmul.f32 v28, v13;
	v28 =	vmul.f32 v33, v13;
	v33 =	vld [tilespmem:s11+$0xFFFFFC10]  }
0x127: {  	v21 =	vbroadcast v23, $0x2;
	v22 =	vbroadcast v23, $0x3;
	v56 =	vld [tilespmem:s11+$0xFFFFFF00]  }
0x128: {  	v17 =	vbroadcast v23, $0x5;
	v59 =	vmul.f32 v20, v9;
	v20 =	vld [tilespmem:s11+$0xFFFFFC80]  }
0x129: {  	v12 =	vbroadcast v23, $0x6;
	v57 =	vld [tilespmem:s11+$0xFFFFFF10];
	[tilespmem:$0x1FE60] =	vst v5;
	v5 =	vmul.f32 v61, v4  }
0x12a: {  	v61 =	vmul.f32 v38, v8;
	v38 =	vld [tilespmem:s11+$0xFFFFFD00];
	v26 =	vmul.f32 v26, v24  }
0x12b: {  	v23 =	vbroadcast v23, $0x1;
	v6 =	vmul.f32 v30, v4;
	v30 =	vld [tilespmem:s11+$0xFFFFFE00]  }
0x12c: {  	v53 =	vmul.f32 v46, v3;
	v46 =	vmul.f32 v40, v8;
	v26 =	vadd.f32 v26, v48;
	v48 =	vld [tilespmem:$0x1FDB0]  }
0x12d: {  	v44 =	vmul.f32 v36, v7;
	v36 =	vld [tilespmem:s11+$0xFFFFFD20];
	v20 =	vmul.f32 v20, v23  }
0x12e: {  	v40 =	vmul.f32 v56, v12;
	v56 =	vmul.f32 v57, v12;
	v57 =	vld [tilespmem:s11+$0xFFFFFC20]  }
0x12f: {  	v33 =	vmul.f32 v33, v24;
	v42 =	vld [tilespmem:s11+$0xFFFFFDA0];
	v38 =	vmul.f32 v38, v21;
	v20 =	vadd.f32 v20, v26  }
0x130: {  	v58 =	vld [tilespmem:s11+$0xFFFFFE80]  }
0x131: {  	v32 =	vmul.f32 v32, v22;
	v20 =	vadd.f32 v38, v20;
	v33 =	vadd.f32 v33, v48;
	v48 =	vld [tilespmem:$0x1FDC0]  }
0x132: {  	v39 =	vmul.f32 v39, v21;
	v25 =	vmul.f32 v25, v23;
	v43 =	vld [tilespmem:s11+$0xFFFFFDB0]  }
0x133: {  	v30 =	vmul.f32 v30, v18;
	[tilespmem:$0x1FE70] =	vst v5;
	v5 =	vmul.f32 v29, v4;
	v29 =	vld [tilespmem:s11+$0xFFFFFE90];
	v20 =	vadd.f32 v32, v20  }
0x134: {  	v57 =	vmul.f32 v57, v24;
	v38 =	vmul.f32 v42, v22;
	v42 =	vld [tilespmem:$0x1FDE0];
	v25 =	vadd.f32 v25, v33  }
0x135: {  	v35 =	vmul.f32 v35, v22;
	v33 =	vld [tilespmem:s11+$0xFFFFFE30];
	v20 =	vadd.f32 v30, v20  }
0x136: {  	v58 =	vmul.f32 v58, v17;
	v25 =	vadd.f32 v39, v25;
	v57 =	vadd.f32 v57, v48;
	v48 =	vld [tilespmem:$0x1FDD0]  }
0x137: {  	v37 =	vmul.f32 v37, v23;
	v39 =	vld [tilespmem:s11+$0xFFFFFEB0]  }
0x138: {  	v31 =	vmul.f32 v31, v18;
	v20 =	vadd.f32 v58, v20;
	v25 =	vadd.f32 v35, v25;
	v35 =	vld [tilespmem:s11+$0xFFFFFF30]  }
0x139: {  	v26 =	vmul.f32 v36, v21;
	v36 =	vadd.f32 v37, v57;
	v57 =	vmul.f32 v41, v21;
	v41 =	vld [tilespmem:s11+$0xFFFFFEA0]  }
0x13a: {  	v34 =	vmul.f32 v34, v23;
	v37 =	vld [tilespmem:s11+$0xFFFFFF20];
	v20 =	vadd.f32 v40, v20  }
0x13b: {  	v29 =	vmul.f32 v29, v17;
	v25 =	vadd.f32 v31, v25;
	v62 =	vadd.f32 v62, v48;
	v48 =	vld [tilespmem:s11+$0xFFFFFE20]  }
0x13c: {  	v31 =	vld [tilespmem:s11+$0xFFFFFFB0];
	v26 =	vadd.f32 v26, v36;
	v20 =	vadd.f32 v27, v20  }
0x13d: {  	v27 =	vld [tilespmem:s11+$0xFFFFFE40];
	v25 =	vadd.f32 v29, v25;
	v34 =	vadd.f32 v34, v62  }
0x13e: {  	v33 =	vmul.f32 v33, v18;
	v26 =	vadd.f32 v38, v26;
	v38 =	vld [tilespmem:$0x1FE10]  }
0x13f: {  	v36 =	vmovc v5;
	v5 =	vld [tilespmem:$0x1FE40];
	v62 =	vmul.f32 v43, v22;
	v25 =	vadd.f32 v56, v25;
	v34 =	vadd.f32 v57, v34  }
0x140: {  	v29 =	vmul.f32 v37, v12;
	v37 =	vld [tilespmem:s11+$0xFFFFFFD0];
	v57 =	vmul.f32 v48, v18  }
0x141: {  	v43 =	vmovc v49;
	v30 =	vmul.f32 v41, v17;
	v25 =	vadd.f32 v28, v25;
	v34 =	vadd.f32 v62, v34;
	v62 =	vld [tilespmem:s11+$0xFFFFFFA0]  }
0x142: {  	v49 =	vmul.f32 v39, v17;
	v39 =	vmovc v10;
	v10 =	vmul.f32 v35, v12;
	v35 =	vld [tilespmem:$0x1FE00];
	v26 =	vadd.f32 v57, v26  }
0x143: {  	v16 =	vadd.f32 v16, v25;
	v25 =	vld [tilespmem:s11+$0xFFFFFDC0]  }
0x144: {  	v57 =	vld [tilespmem:s11+$0xFFFFFFC0];
	v48 =	vadd.f32 v33, v34;
	v26 =	vadd.f32 v30, v26  }
0x145: {  	v33 =	vld [tilespmem:s11+$0xFFFFFF40];
	v16 =	vadd.f32 v14, v16  }
0x146: {  	v14 =	vld [tilespmem:s11+$0xFFFFFD40];
	v30 =	vadd.f32 v49, v48;
	v49 =	vmul.f32 v62, v13;
	v26 =	vadd.f32 v29, v26  }
0x147: {  	v48 =	vld [tilespmem:s11+$0xFFFFFF50]  }
0x148: {  	v16 =	vadd.f32 v19, v16;
	v19 =	vld [tilespmem:$0x1FE60];
	v26 =	vadd.f32 v49, v26  }
0x149: {  	v20 =	vadd.f32 v59, v20;
	v62 =	vld [tilespmem:s11+$0xFFFFFEC0]  }
0x14a: {  	v29 =	vadd.f32 v10, v30;
	v30 =	vmul.f32 v31, v13;
	v31 =	vld [tilespmem:s11+$0xFFFFFED0];
	v26 =	vadd.f32 v60, v26  }
0x14b: {  	v20 =	vadd.f32 v61, v20;
	v10 =	vld [tilespmem:s11+$0xFFFFFCC0]  }
0x14c: {  	v28 =	vadd.f32 v30, v29;
	v30 =	vld [tilespmem:$0x1FDF0];
	v26 =	vadd.f32 v46, v26  }
0x14d: {  	v20 =	vadd.f32 v47, v20;
	v29 =	vld [tilespmem:s11+$0xFFFFFE50]  }
0x14e: {  	v15 =	vadd.f32 v15, v28;
	v28 =	vld [tilespmem:s11+$0xFFFFFDD0];
	v26 =	vadd.f32 v45, v26  }
0x14f: {  	v11 =	vmul.f32 v11, v8;
	v45 =	vadd.f32 v5, v20;
	v5 =	vld [tilespmem:$0x1FE50]  }
0x150: {  	p0 =	sne.s32 s14, $0x4C0;
	v55 =	vmul.f32 v55, v3;
	v60 =	vmul.f32 v62, v17;
	v62 =	vadd.f32 v19, v26;
	v19 =	vld [tilespmem:$0x1FE70]  }
.Ltmp0:
0x151: {  	v56 =	vmul.f32 v57, v13;
	v61 =	vmul.f32 v31, v17;
	v31 =	vld [tilespmem:$0x1FE20];
	v15 =	vadd.f32 v11, v15;
	(pc) =	sbr.rel @p0 .LBB2_3-.Ltmp0, $4  }
0x152: {  	v57 =	vmul.f32 v37, v13;
	v37 =	vmov v6;
	v6 =	vmul.f32 v25, v22;
	v11 =	vld [tilespmem:s11+$0xFFFFFD50]  }
0x153: {  	v46 =	vmul.f32 v27, v18;
	v47 =	vmul.f32 v29, v18;
	v29 =	vld [tilespmem:$0x1FE30];
	v27 =	vadd.f32 v44, v15  }
0x154: {  	v58 =	vmul.f32 v33, v12;
	v59 =	vmul.f32 v48, v12;
	v15 =	vld [tilespmem:s11+$0xFFFFFCD0]  }
0x155: {  	s14 =	sadd.s32 $0x40, s14;
	v32 =	vmovc v63;
	v44 =	vadd.f32 v5, v16;
	v16 =	vld [tilespmem:s11+$0xFFFFFC40];
	v5 =	vmul.f32 v28, v22;
	v63 =	vadd.f32 v19, v27  }
0x156: {  	v19 =	vadd.f32 v52, v45;
	v27 =	vld [tilespmem:s11+$0xFFFFFC50]  }
0x157: {  	v28 =	vld [tilespmem:s11+$0xFFFFFC60];
	v20 =	vadd.f32 v53, v44  }
0x158: {  	v25 =	vadd.f32 v54, v62;
	v62 =	vld [tilespmem:$0x1FFF0];
	v19 =	vadd.f32 v38, v19  }
0x159: {  	v26 =	vadd.f32 v55, v63;
	v55 =	vld [tilespmem:$0x1FE80];
	v20 =	vadd.f32 v39, v20  }
0x15a: {  	v25 =	vadd.f32 v50, v25;
	v19 =	vadd.f32 v29, v19;
	v29 =	vld [tilespmem:s11+$0xFFFFFC70]  }
0x15b: {  	v20 =	vadd.f32 v30, v20;
	v30 =	vld [tilespmem:s11+$0xFFFFFCE0]  }
0x15c: {  	v14 =	vmul.f32 v14, v21;
	v10 =	vmul.f32 v10, v23;
	v25 =	vadd.f32 v31, v25;
	v31 =	vld [tilespmem:s11+$0xFFFFFCF0]  }
0x15d: {  	v52 =	vld [tilespmem:s11+$0xFFFFFD60];
	v11 =	vmul.f32 v11, v21;
	v16 =	vmul.f32 v16, v24  }
0x15e: {  	v53 =	vld [tilespmem:s11+$0xFFFFFD70];
	v27 =	vmul.f32 v27, v24;
	v28 =	vmul.f32 v28, v24  }
0x15f: {  	v15 =	vmul.f32 v15, v23;
	v16 =	vadd.f32 v16, v55;
	v24 =	vmul.f32 v29, v24;
	v29 =	vld [tilespmem:s11+$0xFFFFFDE0]  }
0x160: {  	v63 =	vld [tilespmem:s11+$0xFFFFFDF0];
	v27 =	vadd.f32 v27, v62;
	v28 =	vadd.f32 v28, v35;
	v30 =	vmul.f32 v30, v23  }
0x161: {  	v10 =	vadd.f32 v10, v16;
	v23 =	vmul.f32 v31, v23;
	v31 =	vld [tilespmem:s11+$0xFFFFFE60];
	v24 =	vadd.f32 v24, v42  }
0x162: {  	v16 =	vmul.f32 v52, v21;
	v15 =	vadd.f32 v15, v27;
	v27 =	vld [tilespmem:s11+$0xFFFFFE70];
	v28 =	vadd.f32 v30, v28  }
0x163: {  	v21 =	vmul.f32 v53, v21;
	v10 =	vadd.f32 v14, v10;
	v23 =	vadd.f32 v23, v24;
	v24 =	vld [tilespmem:s11+$0xFFFFFEE0]  }
0x164: {  	v11 =	vadd.f32 v11, v15;
	v15 =	vld [tilespmem:s11+$0xFFFFFEF0];
	v14 =	vmul.f32 v29, v22;
	v16 =	vadd.f32 v16, v28  }
0x165: {  	v22 =	vmul.f32 v63, v22;
	v21 =	vadd.f32 v21, v23;
	v23 =	vld [tilespmem:s11+$0xFFFFFF60]  }
0x166: {  	v6 =	vadd.f32 v6, v10;
	v10 =	vmul.f32 v31, v18;
	v14 =	vadd.f32 v14, v16  }
0x167: {  	v18 =	vmul.f32 v27, v18;
	v16 =	vadd.f32 v22, v21;
	v21 =	vld [tilespmem:s11+$0xFFFFFFE0]  }
0x168: {  	v33 =	vld [tilespmem:$0x1FEA0];
	v22 =	vmul.f32 v24, v17;
	v10 =	vadd.f32 v10, v14  }
0x169: {  	v5 =	vadd.f32 v5, v11;
	v14 =	vadd.f32 v18, v16;
	v16 =	vld [tilespmem:s11+$0x60]  }
0x16a: {  	v11 =	vld [tilespmem:s11+$0xFFFFFF70];
	v15 =	vmul.f32 v15, v17;
	v17 =	vmul.f32 v23, v12;
	v10 =	vadd.f32 v22, v10  }
0x16b: {  	v34 =	vld [tilespmem:$0x1FEB0];
	v6 =	vadd.f32 v46, v6  }
0x16c: {  	v24 =	vld [tilespmem:s11+$0xFFFFFFF0];
	v14 =	vadd.f32 v15, v14;
	v15 =	vmul.f32 v21, v13;
	v10 =	vadd.f32 v17, v10  }
0x16d: {  	v6 =	vadd.f32 v60, v6;
	v18 =	vld [tilespmem:s11+$0x70]  }
0x16e: {  	v16 =	vmul.f32 v16, v9;
	v10 =	vadd.f32 v15, v10;
	v15 =	vld [tilespmem:$0x1FFD0]  }
0x16f: {  	v11 =	vmul.f32 v11, v12;
	v6 =	vadd.f32 v58, v6;
	v12 =	vld [tilespmem:s11+$0xE0]  }
0x170: {  	v5 =	vadd.f32 v47, v5;
	v10 =	vadd.f32 v16, v10;
	v16 =	vld [tilespmem:$0x1FFB0]  }
0x171: {  	v6 =	vadd.f32 v56, v6;
	v21 =	vld [tilespmem:s11+$0xF0]  }
0x172: {  	v5 =	vadd.f32 v61, v5;
	v17 =	vld [tilespmem:s11+$0x170]  }
0x173: {  	v6 =	vadd.f32 v15, v6;
	v15 =	vld [tilespmem:$0x1FFE0]  }
0x174: {  	v5 =	vadd.f32 v59, v5;
	v11 =	vadd.f32 v11, v14;
	v13 =	vmul.f32 v24, v13;
	v14 =	vld [tilespmem:s11+$0x160]  }
0x175: {  	v12 =	vmul.f32 v12, v8;
	v6 =	vadd.f32 v16, v6;
	v16 =	vld [tilespmem:$0x1FFC0]  }
0x176: {  	v5 =	vadd.f32 v57, v5;
	v11 =	vadd.f32 v13, v11;
	v13 =	vld [tilespmem:s11+$0x1E0]  }
0x177: {  	v9 =	vmul.f32 v18, v9;
	v10 =	vadd.f32 v12, v10;
	v12 =	vld [tilespmem:$0x1FFA0]  }
0x178: {  	v5 =	vadd.f32 v15, v5;
	v15 =	vld [tilespmem:s11+$0x1F0]  }
0x179: {  	v9 =	vadd.f32 v9, v11;
	v8 =	vmul.f32 v21, v8;
	v11 =	vld [tilespmem:s11+$0x260]  }
0x17a: {  	v5 =	vadd.f32 v16, v5;
	v16 =	vld [tilespmem:s11+$0x270]  }
0x17b: {  	v14 =	vmul.f32 v14, v7;
	v7 =	vmul.f32 v17, v7;
	v8 =	vadd.f32 v8, v9;
	v9 =	vld [tilespmem:s11+$0x2E0]  }
0x17c: {  	v5 =	vadd.f32 v12, v5;
	v12 =	vmul.f32 v13, v4;
	v13 =	vld [tilespmem:s11+$0x2F0]  }
0x17d: {  	v10 =	vadd.f32 v14, v10;
	v14 =	vld [tilespmem:s11+$0x370];
	v7 =	vadd.f32 v7, v8;
	v4 =	vmul.f32 v15, v4  }
0x17e: {  	v8 =	vld [tilespmem:s11+$0x360];
	v11 =	vmul.f32 v11, v3  }
0x17f: {  	v10 =	vadd.f32 v12, v10;
	v12 =	vld [tilespmem:$0x1FF30];
	v4 =	vadd.f32 v4, v7;
	v3 =	vmul.f32 v16, v3  }
0x180: {  	v6 =	vadd.f32 v43, v6;
	v9 =	vmul.f32 v9, v2;
	v7 =	vld [tilespmem:s11+$0x3E0]  }
0x181: {  	v10 =	vadd.f32 v11, v10;
	v11 =	vld [tilespmem:$0x1FF10];
	v3 =	vadd.f32 v3, v4;
	v2 =	vmul.f32 v13, v2  }
0x182: {  	v6 =	vadd.f32 v36, v6;
	v4 =	vld [tilespmem:s11+$0x3F0]  }
0x183: {  	v26 =	vadd.f32 v51, v26;
	v2 =	vadd.f32 v2, v3;
	v3 =	vld [tilespmem:$0x1FEF0]  }
0x184: {  	v6 =	vadd.f32 v12, v6;
	v12 =	vld [tilespmem:$0x1FF40]  }
0x185: {  	v51 =	vld [tilespmem:$0x1FE90];
	v26 =	vadd.f32 v32, v26;
	v8 =	vmul.f32 v8, v1;
	v1 =	vmul.f32 v14, v1  }
0x186: {  	v20 =	vadd.f32 v33, v20;
	v6 =	vadd.f32 v11, v6;
	v11 =	vld [tilespmem:$0x1FF20]  }
0x187: {  	v5 =	vadd.f32 v37, v5;
	v1 =	vadd.f32 v1, v2;
	v2 =	vld [tilespmem:$0x1FED0]  }
0x188: {  	v9 =	vadd.f32 v9, v10;
	v3 =	vadd.f32 v3, v6;
	v6 =	vld [tilespmem:$0x1FF00]  }
0x189: {  	v54 =	vld [tilespmem:$0x1FEC0];
	v7 =	vmul.f32 v7, v0;
	v0 =	vmul.f32 v4, v0;
	v5 =	vadd.f32 v12, v5  }
0x18a: {  	v25 =	vadd.f32 v34, v25;
	v8 =	vadd.f32 v8, v9;
	v4 =	vld [tilespmem:$0x1FEE0]  }
0x18b: {  	s11 =	sshll.u32 s10, $0x8;
	v9 =	vmul.f32 $5.000000070e-02, v20;
	v0 =	vadd.f32 v0, v1;
	v5 =	vadd.f32 v11, v5  }
0x18c: {  	s14 =	sshll.u32 s10, $0x1;
	v19 =	vadd.f32 v51, v19;
	s9 =	sand.u32 $0x700, s11;
	v2 =	vadd.f32 v2, v3;
	v3 =	vmul.f32 $5.000000070e-02, v25  }
0x18d: {  	s17 =	sadd.s32 s14, s12;
	[tilespmem:s9+$0x14610] =	vst v9;
	v0 =	vmul.f32 $5.000000070e-02, v0;
	v5 =	vadd.f32 v6, v5  }
0x18e: {  	s17 =	smin.u32 s17, s7;
	v26 =	vadd.f32 v54, v26;
	[tilespmem:s9+$0x14620] =	vst v3;
	v6 =	vmul.f32 $5.000000070e-02, v19  }
0x18f: {  	s28 =	sshrl.u32 s17, $0x3;
	v2 =	vmul.f32 $5.000000070e-02, v2;
	[tilespmem:s9+$0x14670] =	vst v0;
	v4 =	vadd.f32 v4, v5  }
0x190: {  	s17 =	sshll.u32 s17, $0x7;
	s28 =	smul.u32 $0xC00, s28;
	[tilespmem:s9+$0x14600] =	vst v6;
	v5 =	vmul.f32 $5.000000070e-02, v26;
	v6 =	vadd.f32 v7, v8  }
0x191: {  	s17 =	sand.u32 $0x380, s17;
	[tilespmem:s9+$0x14640] =	vst v2;
	v1 =	vmul.f32 $5.000000070e-02, v4  }
0x192: {  	s17 =	sor.u32 s17, s28;
	[tilespmem:s9+$0x14630] =	vst v5;
	v2 =	vmul.f32 $5.000000070e-02, v6  }
0x193: {  	s17 =	sshrl.u32 s17, $0x3;
	[tilespmem:s9+$0x14650] =	vst v1  }
0x194: {  	s28 =	simm.s32 $0x0;
	[tilespmem:s9+$0x14660] =	vst v2;
	s9 =	sadd.s32 s4, s17  }
0x195: {  	[tilespmem:s28], [sflag:$0x1] =	stream.strided.gather [hbm4b:s9+s15], $0x180, s16, s15, $0x38;
	[tilespmem:$0x14E00] =	vst v63  }
0x196: {  	s17 =	sadd.s32 s5, s17  }
0x197: {  	[tilespmem:s18], [sflag:$0x1] =	stream.strided.gather [hbm4b:s17+s15], $0x180, s16, s15, $0x38;
	[tilespmem:$0x14E00] =	vst v63  }
0x198: {  	_ =	swait.ge [sflag:s3], $0x180  }
0x199: {  	[sflag:s3] =	ssyncset.done $0x0  }
0x19a: {  	[sflag:s3] =	ssyncadd.s32 $0xFFFFFE80  }
0x19b: {  	_ =	swait.ge [sflag:s3], $0x180  }
0x19c: {  	[sflag:s3] =	ssyncset.done $0x0  }
0x19d: {  	[sflag:s3] =	ssyncadd.s32 $0xFFFFFE80  }
0x19e: {  	[tilespmem:s19], [sflag:$0x3] =	stream.indirect.gather [hbm4b:s2+s15], $0x80, s28, s15, $0xb8;
	[tilespmem:$0x14E00] =	vst v63  }
0x19f: {  	_ = 	snop  }
0x1a0: {  	[tilespmem:s20], [sflag:$0x3] =	stream.indirect.gather [hbm4b:s2+s15], $0x80, s15, s15, $0xb8;
	[tilespmem:$0x14E00] =	vst v63  }
0x1a1: {  	_ = 	snop  }
0x1a2: {  	[tilespmem:s23], [sflag:$0x3] =	stream.indirect.gather [hbm4b:s2+s21], $0x80, s22, s21, $0xb8;
	[tilespmem:$0x14E00] =	vst v63  }
0x1a3: {  	_ =	swait.ge [sflag:s8], $0x4000  }
0x1a4: {  	[sflag:s8] =	ssyncset.done $0x0  }
0x1a5: {  	[sflag:s8] =	ssyncadd.s32 $0xFFFFC000  }
0x1a6: {  	_ =	swait.ge [sflag:s8], $0x4000  }
0x1a7: {  	[sflag:s8] =	ssyncset.done $0x0  }
0x1a8: {  	[sflag:s8] =	ssyncadd.s32 $0xFFFFC000  }
0x1a9: {  	_ =	swait.ge [sflag:s8], $0x2000  }
0x1aa: {  	[sflag:s8] =	ssyncset.done $0x0  }
0x1ab: {  	s17 =	simm.s32 $0xAA00;
	[sflag:s8] =	ssyncadd.s32 $0xFFFFE000  }
0x1ac: {  	v29 =	vld [tilespmem:s17+$0x380]  }
0x1ad: {  	v30 =	vld [tilespmem:s17+$0x390]  }
0x1ae: {  	v31 =	vld [tilespmem:s17+$0x3A0]  }
0x1af: {  	v32 =	vld [tilespmem:s17+$0x3B0]  }
0x1b0: {  	v37 =	vld [tilespmem:s17+$0x3C0]  }
0x1b1: {  	v39 =	vld [tilespmem:s17+$0x3D0]  }
0x1b2: {  	v40 =	vld [tilespmem:s17+$0x300]  }
0x1b3: {  	v41 =	vld [tilespmem:s17+$0x310]  }
0x1b4: {  	v48 =	vld [tilespmem:s17+$0x320]  }
0x1b5: {  	v53 =	vld [tilespmem:s17+$0x330]  }
0x1b6: {  	v54 =	vld [tilespmem:s17+$0x340]  }
0x1b7: {  	v55 =	vld [tilespmem:s17+$0x350]  }
0x1b8: {  	v16 =	vld [tilespmem:s17+$0x280]  }
0x1b9: {  	v49 =	vld [tilespmem:s17+$0x290]  }
0x1ba: {  	v50 =	vld [tilespmem:s17+$0x2A0]  }
0x1bb: {  	v51 =	vld [tilespmem:s17+$0x2B0]  }
0x1bc: {  	v52 =	vld [tilespmem:s17+$0x2C0]  }
0x1bd: {  	v15 =	vld [tilespmem:s17+$0x2D0]  }
0x1be: {  	v14 =	vld [tilespmem:s17+$0x200]  }
0x1bf: {  	v11 =	vld [tilespmem:s17+$0x210]  }
0x1c0: {  	v46 =	vld [tilespmem:s17+$0x220]  }
0x1c1: {  	v45 =	vld [tilespmem:s17+$0x230]  }
0x1c2: {  	v19 =	vld [tilespmem:s17+$0x240]  }
0x1c3: {  	v43 =	vld [tilespmem:s17+$0x250]  }
0x1c4: {  	v42 =	vld [tilespmem:s17+$0x180]  }
0x1c5: {  	s28 =	simm.s32 $0x0;
	v36 =	vld [tilespmem:s17+$0x190]  }
0x1c6: {  	v22 =	vld [tilespmem:s28+$0x480]  }
0x1c7: {  	v25 =	vld [tilespmem:s17+$0x1A0]  }
0x1c8: {  	v27 =	vld [tilespmem:s17+$0x1B0]  }
0x1c9: {  	v28 =	vld [tilespmem:s17+$0x1C0]  }
0x1ca: {  	v33 =	vld [tilespmem:s17+$0x1D0]  }
0x1cb: {  	v0 =	vld [tilespmem:s17+$0x120]  }
0x1cc: {  	v34 =	vld [tilespmem:s17+$0x100]  }
0x1cd: {  	v13 =	vld [tilespmem:s17+$0xFFFFFD00]  }
0x1ce: {  	v17 =	vld [tilespmem:s17+$0xFFFFFC80]  }
0x1cf: {  	v12 =	vld [tilespmem:s17+$0xFFFFFC00]  }
0x1d0: {  	[tilespmem:$0x1FD20] =	vst v0;
	v0 =	vld [tilespmem:s17+$0x130]  }
0x1d1: {  	v18 =	vld [tilespmem:s17+$0xFFFFFC10]  }
0x1d2: {  	v56 =	vld [tilespmem:s17+$0xFFFFFC90]  }
0x1d3: {  	v57 =	vld [tilespmem:s17+$0xFFFFFC20];
	v1 =	vbroadcast v22, $0xE;
	v3 =	vbroadcast v22, $0xC  }
0x1d4: {  	v58 =	vld [tilespmem:s17+$0xFFFFFC30];
	v2 =	vbroadcast v22, $0xD;
	v7 =	vbroadcast v22, $0xA  }
0x1d5: {  	v4 =	vbroadcast v22, $0xB;
	v24 =	vbroadcast v22, $0x0;
	[tilespmem:$0x1FD30] =	vst v0;
	v0 =	vld [tilespmem:s17+$0x140]  }
0x1d6: {  	v59 =	vld [tilespmem:s17+$0xFFFFFCA0];
	v9 =	vbroadcast v22, $0x8;
	v8 =	vbroadcast v22, $0x9  }
0x1d7: {  	v6 =	vimm.f32 $0.0e+00;
	v61 =	vld [tilespmem:s17+$0xFFFFFCB0];
	v23 =	vbroadcast v22, $0x1;
	v60 =	vmul.f32 v12, v24  }
0x1d8: {  	v5 =	vimm.f32 $0.0e+00;
	v10 =	vld [tilespmem:s17+$0xFFFFFD20];
	v21 =	vbroadcast v22, $0x2;
	v18 =	vmul.f32 v18, v24  }
0x1d9: {  	v35 =	vld [tilespmem:s17+$0x110];
	v12 =	vbroadcast v22, $0x6;
	v17 =	vmul.f32 v17, v23;
	v60 =	vadd.f32 v60, v6  }
0x1da: {  	v56 =	vmul.f32 v56, v23;
	v57 =	vmul.f32 v57, v24;
	v18 =	vadd.f32 v18, v6;
	[tilespmem:$0x1FD40] =	vst v0;
	v0 =	vld [tilespmem:s17+$0x150]  }
0x1db: {  	v62 =	vld [tilespmem:s17+$0xFFFFFD10];
	v63 =	vmul.f32 v13, v21;
	v13 =	vmul.f32 v58, v24;
	v60 =	vadd.f32 v17, v60  }
0x1dc: {  	v44 =	vld [tilespmem:s17+$0x80];
	v56 =	vadd.f32 v56, v18;
	v17 =	vmul.f32 v59, v23;
	v18 =	vadd.f32 v57, v6  }
0x1dd: {  	v58 =	vld [tilespmem:s17+$0xFFFFFD30];
	v10 =	vmul.f32 v10, v21;
	v57 =	vadd.f32 v13, v6;
	v59 =	vmul.f32 v61, v23  }
0x1de: {  	[tilespmem:$0x1FC60] =	vst v5;
	v13 =	vbroadcast v22, $0x7;
	v61 =	vld [tilespmem:s17+$0xFFFFFD80];
	v5 =	vadd.f32 v17, v18;
	v18 =	vbroadcast v22, $0x4  }
0x1df: {  	v6 =	vld [tilespmem:s17+$0xFFFFFD90];
	v17 =	vbroadcast v22, $0x5;
	[tilespmem:$0x1FD60] =	vst v0;
	v0 =	vbroadcast v22, $0xF  }
0x1e0: {  	v57 =	vadd.f32 v59, v57;
	v59 =	vmul.f32 v62, v21;
	v62 =	vld [tilespmem:s17+$0xFFFFFDA0];
	v60 =	vadd.f32 v63, v60  }
0x1e1: {  	v63 =	vld [tilespmem:s17+$0xFFFFFDB0];
	v5 =	vadd.f32 v10, v5;
	v22 =	vbroadcast v22, $0x3;
	v10 =	vmul.f32 v31, v0  }
0x1e2: {  	v58 =	vmul.f32 v58, v21;
	v56 =	vadd.f32 v59, v56;
	v59 =	vld [tilespmem:s17+$0xFFFFFE00]  }
0x1e3: {  	v20 =	vmul.f32 v30, v0;
	[tilespmem:$0x1FC80] =	vst v10;
	v10 =	vmul.f32 v61, v22;
	v61 =	vld [tilespmem:s17+$0xFFFFFE10]  }
0x1e4: {  	v57 =	vadd.f32 v58, v57;
	v58 =	vld [tilespmem:s17+$0xFFFFFE20];
	v6 =	vmul.f32 v6, v22  }
0x1e5: {  	[tilespmem:$0x1FC70] =	vst v20;
	v20 =	vmul.f32 v32, v0;
	v10 =	vadd.f32 v10, v60;
	v60 =	vld [tilespmem:s17+$0xFFFFFE30]  }
0x1e6: {  	v63 =	vmul.f32 v63, v22;
	v32 =	vmul.f32 v62, v22;
	v6 =	vadd.f32 v6, v56;
	v56 =	vld [tilespmem:s17+$0xFFFFFE80]  }
0x1e7: {  	[tilespmem:$0x1FC90] =	vst v20;
	v20 =	vmul.f32 v37, v0;
	v37 =	vmul.f32 v59, v18;
	v59 =	vld [tilespmem:s17+$0xFFFFFE90]  }
0x1e8: {  	v31 =	vmul.f32 v41, v1;
	v5 =	vadd.f32 v32, v5;
	v41 =	vmul.f32 v61, v18;
	v61 =	vld [tilespmem:s17+$0xFFFFFEA0]  }
0x1e9: {  	[tilespmem:$0x1FCA0] =	vst v20;
	v20 =	vmul.f32 v39, v0;
	v10 =	vadd.f32 v37, v10;
	v37 =	vmul.f32 v58, v18;
	v58 =	vld [tilespmem:s17+$0xFFFFFEB0]  }
0x1ea: {  	v30 =	vmul.f32 v40, v1;
	v57 =	vadd.f32 v63, v57;
	v39 =	vmul.f32 v60, v18;
	v60 =	vld [tilespmem:s17+$0xFFFFFF00]  }
0x1eb: {  	v26 =	vld [tilespmem:s17+$0x90];
	v40 =	vmul.f32 v56, v17;
	[tilespmem:$0x1FCB0] =	vst v20;
	v5 =	vadd.f32 v37, v5;
	v20 =	vmul.f32 v54, v1  }
0x1ec: {  	v63 =	vld [tilespmem:s17+$0xFFFFFF20];
	v37 =	vmul.f32 v16, v2;
	v6 =	vadd.f32 v41, v6;
	v41 =	vmul.f32 v53, v1  }
0x1ed: {  	v54 =	vld [tilespmem:s17+$0xFFFFFF10];
	v62 =	vmul.f32 v59, v17;
	v16 =	vmul.f32 v61, v17  }
0x1ee: {  	v53 =	vadd.f32 v39, v57;
	v39 =	vmul.f32 v49, v2;
	v49 =	vmul.f32 v58, v17;
	v58 =	vld [tilespmem:s17+$0xFFFFFF80]  }
0x1ef: {  	v10 =	vadd.f32 v40, v10;
	v57 =	vld [tilespmem:s17+$0xFFFFFF30];
	v5 =	vadd.f32 v16, v5;
	v16 =	vmul.f32 v60, v12  }
0x1f0: {  	v15 =	vmul.f32 v15, v2;
	v6 =	vadd.f32 v62, v6;
	v62 =	vld [tilespmem:s17+$0xFFFFFFA0]  }
0x1f1: {  	v32 =	vmul.f32 v48, v1;
	v61 =	vld [tilespmem:s17+$0xFFFFFF90];
	v10 =	vadd.f32 v16, v10;
	v16 =	vmul.f32 v52, v2  }
0x1f2: {  	v38 =	vld [tilespmem:s17+$0xA0];
	v54 =	vmul.f32 v54, v12;
	v52 =	vmul.f32 v14, v3  }
0x1f3: {  	v14 =	vmul.f32 v58, v13;
	[tilespmem:$0x1FCE0] =	vst v16;
	v16 =	vmul.f32 v63, v12;
	v63 =	vld [tilespmem:s17+$0xFFFFFFB0]  }
0x1f4: {  	v47 =	vld [tilespmem:s17+$0xB0];
	[tilespmem:$0x1FCF0] =	vst v15;
	v53 =	vadd.f32 v49, v53;
	v6 =	vadd.f32 v54, v6;
	v15 =	vmul.f32 v57, v12  }
0x1f5: {  	v48 =	vld [tilespmem:s17+$0x0];
	v10 =	vadd.f32 v14, v10;
	v14 =	vmul.f32 v62, v13;
	v5 =	vadd.f32 v16, v5  }
0x1f6: {  	v15 =	vadd.f32 v15, v53;
	v53 =	vmul.f32 v11, v3;
	v11 =	vmul.f32 v61, v13;
	v16 =	vld [tilespmem:s17+$0x10]  }
0x1f7: {  	v5 =	vadd.f32 v14, v5;
	v14 =	vmul.f32 v19, v3;
	v19 =	vld [tilespmem:$0x1FD30]  }
0x1f8: {  	v56 =	vld [tilespmem:s17+$0xD0];
	v6 =	vadd.f32 v11, v6;
	v11 =	vmul.f32 v63, v13  }
0x1f9: {  	[tilespmem:$0x1FCC0] =	vst v20;
	v20 =	vmul.f32 v55, v1;
	v54 =	vmul.f32 v46, v3;
	v46 =	vld [tilespmem:s17+$0x30]  }
0x1fa: {  	v58 =	vld [tilespmem:s17+$0x20];
	v11 =	vadd.f32 v11, v15;
	v15 =	vmul.f32 v43, v3  }
0x1fb: {  	[tilespmem:$0x1FCD0] =	vst v20;
	v20 =	vld [tilespmem:s17+$0xFFFFFE40]  }
0x1fc: {  	[tilespmem:$0x1FD10] =	vst v15;
	v15 =	vmul.f32 v16, v9;
	v59 =	vmul.f32 v19, v7;
	v19 =	vld [tilespmem:$0x1FD40]  }
0x1fd: {  	v29 =	vmul.f32 v29, v0;
	v40 =	vmul.f32 v50, v2;
	v57 =	vld [tilespmem:s17+$0x50]  }
0x1fe: {  	v61 =	vld [tilespmem:s17+$0xC0];
	v62 =	vmul.f32 v25, v4;
	v6 =	vadd.f32 v15, v6;
	v15 =	vmul.f32 v46, v9  }
0x1ff: {  	v25 =	vmul.f32 v44, v8;
	v44 =	vld [tilespmem:s17+$0xFFFFFF50];
	v49 =	vmul.f32 v58, v9  }
0x200: {  	v50 =	vmul.f32 v51, v2;
	v58 =	vld [tilespmem:s17+$0xFFFFFF40];
	v11 =	vadd.f32 v15, v11;
	v15 =	vmul.f32 v26, v8  }
0x201: {  	v51 =	vmul.f32 v35, v7;
	v5 =	vadd.f32 v49, v5;
	v49 =	vld [tilespmem:s17+$0xFFFFFE50];
	v19 =	vmul.f32 v19, v7  }
0x202: {  	v55 =	vmul.f32 v45, v3;
	[tilespmem:$0x1FD00] =	vst v14;
	v43 =	vld [tilespmem:s17+$0x40];
	v6 =	vadd.f32 v15, v6;
	v15 =	vmul.f32 v47, v8  }
0x203: {  	v35 =	vimm.f32 $0.0e+00;
	v60 =	vmul.f32 v36, v4;
	v14 =	vmul.f32 v48, v9;
	[tilespmem:$0x1FD50] =	vst v19;
	v19 =	vld [tilespmem:$0x1FD60]  }
0x204: {  	v63 =	vmul.f32 v27, v4;
	v27 =	vmul.f32 v38, v8;
	v11 =	vadd.f32 v15, v11;
	v15 =	vld [tilespmem:$0x1FD20]  }
0x205: {  	v36 =	vmul.f32 v28, v4;
	v38 =	vmul.f32 v33, v4;
	v10 =	vadd.f32 v14, v10;
	v46 =	vld [tilespmem:s17+$0xFFFFFFC0]  }
0x206: {  	v48 =	vmul.f32 v42, v4;
	v5 =	vadd.f32 v27, v5;
	v27 =	vmul.f32 v34, v7;
	v16 =	vld [tilespmem:s17+$0xFFFFFED0]  }
0x207: {  	v34 =	vmul.f32 v56, v8;
	v58 =	vmul.f32 v58, v12;
	v10 =	vadd.f32 v25, v10;
	v47 =	vld [tilespmem:s17+$0xFFFFFEC0]  }
0x208: {  	v33 =	vimm.f32 $0.0e+00;
	v14 =	vld [tilespmem:s17+$0xFFFFFFD0];
	v42 =	vmul.f32 v19, v7;
	v19 =	vmul.f32 v61, v8  }
0x209: {  	v10 =	vadd.f32 v27, v10;
	v6 =	vadd.f32 v51, v6;
	v51 =	vld [tilespmem:s17+$0xFFFFFDD0];
	v15 =	vmul.f32 v15, v7  }
0x20a: {  	v56 =	vmul.f32 v46, v13;
	v46 =	vmul.f32 v20, v18;
	v11 =	vadd.f32 v59, v11;
	[tilespmem:$0x1FD70] =	vst v19;
	v19 =	vld [tilespmem:s17+$0xFFFFFDC0]  }
0x20b: {  	v45 =	vld [tilespmem:s17+$0xFFFFFCD0];
	v59 =	vmul.f32 v44, v12;
	v5 =	vadd.f32 v15, v5;
	v15 =	vmul.f32 v43, v9  }
0x20c: {  	v44 =	vadd.f32 v60, v6;
	v60 =	vmul.f32 v47, v17;
	v61 =	vmul.f32 v16, v17;
	v16 =	vld [tilespmem:s17+$0xFFFFFD50]  }
0x20d: {  	v47 =	vmul.f32 v49, v18;
	v63 =	vadd.f32 v63, v11;
	v11 =	vld [tilespmem:s17+$0xFFFFFC40];
	[tilespmem:$0x1FD80] =	vst v15;
	v15 =	vmul.f32 v57, v9  }
0x20e: {  	v57 =	vmul.f32 v14, v13;
	v14 =	vadd.f32 v48, v10;
	v62 =	vadd.f32 v62, v5;
	v10 =	vld [tilespmem:s17+$0xFFFFFCC0]  }
0x20f: {  	s9 =	simm.s32 $0x40;
	v43 =	vimm.f32 $0.0e+00;
	v5 =	vmul.f32 v51, v22;
	[tilespmem:$0x1FD90] =	vst v15;
	v15 =	vld [tilespmem:s17+$0xFFFFFD40];
	v6 =	vmul.f32 v19, v22  }
.LBB2_5:
0x210: {  	v62 =	vadd.f32 v54, v62  }
0x211: {  	v20 =	vld [tilespmem:$0x1FC80]  }
0x212: {  	v49 =	vadd.f32 v40, v62;
	_ =	sdelay $0x1  }
0x213: {  	v40 =	vadd.f32 v32, v49  }
0x214: {  	v14 =	vadd.f32 v52, v14  }
0x215: {  	v20 =	vadd.f32 v20, v40  }
0x216: {  	v63 =	vadd.f32 v55, v63;
	v14 =	vadd.f32 v37, v14  }
0x217: {  	[tilespmem:$0x1FB70] =	vst v20;
	v20 =	vld [tilespmem:$0x1FC90]  }
0x218: {  	v50 =	vadd.f32 v50, v63;
	v14 =	vadd.f32 v30, v14;
	_ =	sdelay $0x1  }
0x219: {  	v19 =	vld [tilespmem:s17+$0xFFFFFC50];
	v41 =	vadd.f32 v41, v50;
	v14 =	vadd.f32 v29, v14  }
0x21a: {  	v52 =	vld [tilespmem:s17+$0xFFFFFC60];
	v44 =	vadd.f32 v53, v44  }
0x21b: {  	[tilespmem:$0x1FB50] =	vst v14;
	v14 =	vld [tilespmem:$0x1FC70];
	v20 =	vadd.f32 v20, v41  }
0x21c: {  	v55 =	vld [tilespmem:s17+$0xFFFFFC70];
	v44 =	vadd.f32 v39, v44  }
0x21d: {  	[tilespmem:$0x1FB80] =	vst v20;
	v20 =	vld [tilespmem:$0x1FC60]  }
0x21e: {  	v48 =	vld [tilespmem:s17+$0xFFFFFCE0];
	v53 =	vadd.f32 v31, v44  }
0x21f: {  	v51 =	vld [tilespmem:s17+$0xFFFFFCF0];
	v15 =	vmul.f32 v15, v21;
	v16 =	vmul.f32 v16, v21  }
0x220: {  	v54 =	vld [tilespmem:s17+$0xFFFFFD60];
	v10 =	vmul.f32 v10, v23;
	v11 =	vmul.f32 v11, v24;
	v14 =	vadd.f32 v14, v53  }
0x221: {  	v63 =	vld [tilespmem:s17+$0xFFFFFD70];
	v19 =	vmul.f32 v19, v24;
	v62 =	vmul.f32 v52, v24  }
0x222: {  	v45 =	vmul.f32 v45, v23;
	[tilespmem:$0x1FB60] =	vst v14;
	v14 =	vmul.f32 v55, v24;
	v24 =	vld [tilespmem:s17+$0xFFFFFDE0];
	v11 =	vadd.f32 v11, v20  }
0x223: {  	v30 =	vld [tilespmem:s17+$0xFFFFFDF0];
	v19 =	vadd.f32 v19, v43;
	v31 =	vadd.f32 v62, v33;
	v29 =	vmul.f32 v48, v23  }
0x224: {  	v23 =	vmul.f32 v51, v23;
	v48 =	vld [tilespmem:s17+$0xFFFFFE60];
	v14 =	vadd.f32 v14, v35;
	v10 =	vadd.f32 v10, v11  }
0x225: {  	v50 =	vld [tilespmem:s17+$0xFFFFFE70];
	v29 =	vadd.f32 v29, v31;
	v11 =	vadd.f32 v45, v19;
	v19 =	vmul.f32 v54, v21  }
0x226: {  	v14 =	vadd.f32 v23, v14;
	v23 =	vld [tilespmem:s17+$0xFFFFFEE0];
	v21 =	vmul.f32 v63, v21;
	v10 =	vadd.f32 v15, v10  }
0x227: {  	v11 =	vadd.f32 v16, v11;
	v15 =	vmul.f32 v24, v22;
	v16 =	vld [tilespmem:s17+$0xFFFFFEF0];
	v19 =	vadd.f32 v19, v29  }
0x228: {  	v14 =	vadd.f32 v21, v14;
	v21 =	vmul.f32 v30, v22;
	v22 =	vld [tilespmem:s17+$0xFFFFFF60];
	v6 =	vadd.f32 v6, v10  }
0x229: {  	v5 =	vadd.f32 v5, v11;
	v10 =	vmul.f32 v48, v18;
	v11 =	vld [tilespmem:s17+$0xFFFFFF70];
	v15 =	vadd.f32 v15, v19  }
0x22a: {  	v14 =	vadd.f32 v21, v14;
	v19 =	vld [tilespmem:s17+$0xFFFFFFE0]  }
0x22b: {  	v18 =	vmul.f32 v50, v18;
	v21 =	vmul.f32 v23, v17;
	v10 =	vadd.f32 v10, v15  }
0x22c: {  	v15 =	vmul.f32 v16, v17;
	v16 =	vld [tilespmem:s17+$0x60]  }
0x22d: {  	v23 =	vld [tilespmem:s17+$0xFFFFFFF0];
	v14 =	vadd.f32 v18, v14;
	v17 =	vmul.f32 v22, v12;
	v10 =	vadd.f32 v21, v10  }
0x22e: {  	v6 =	vadd.f32 v46, v6;
	v11 =	vmul.f32 v11, v12;
	v12 =	vld [tilespmem:s17+$0xE0]  }
0x22f: {  	v14 =	vadd.f32 v15, v14;
	v15 =	vmul.f32 v19, v13;
	v10 =	vadd.f32 v17, v10  }
0x230: {  	v18 =	vld [tilespmem:s17+$0x70];
	v6 =	vadd.f32 v60, v6  }
0x231: {  	v16 =	vmul.f32 v16, v9;
	v10 =	vadd.f32 v15, v10;
	v15 =	vld [tilespmem:$0x1FD80]  }
0x232: {  	v13 =	vmul.f32 v23, v13;
	v6 =	vadd.f32 v58, v6;
	v11 =	vadd.f32 v11, v14;
	v14 =	vld [tilespmem:s17+$0x160]  }
0x233: {  	v5 =	vadd.f32 v47, v5;
	v12 =	vmul.f32 v12, v8;
	v10 =	vadd.f32 v16, v10;
	v16 =	vld [tilespmem:$0x1FD70]  }
0x234: {  	v6 =	vadd.f32 v56, v6;
	v11 =	vadd.f32 v13, v11;
	v13 =	vld [tilespmem:s17+$0x1E0]  }
0x235: {  	v5 =	vadd.f32 v61, v5;
	v10 =	vadd.f32 v12, v10;
	v12 =	vld [tilespmem:$0x1FD50]  }
0x236: {  	v6 =	vadd.f32 v15, v6;
	v15 =	vld [tilespmem:$0x1FD90]  }
0x237: {  	v5 =	vadd.f32 v59, v5  }
0x238: {  	s28 =	sshra.s32 s9, $0x2;
	v19 =	vld [tilespmem:s17+$0xF0];
	v14 =	vmul.f32 v14, v7;
	v6 =	vadd.f32 v16, v6  }
0x239: {  	v23 =	vld [tilespmem:s28+$0x480];
	v5 =	vadd.f32 v57, v5  }
0x23a: {  	v17 =	vld [tilespmem:s17+$0x170];
	v10 =	vadd.f32 v14, v10;
	v6 =	vadd.f32 v12, v6;
	v12 =	vmul.f32 v13, v4  }
0x23b: {  	v9 =	vmul.f32 v18, v9;
	v5 =	vadd.f32 v15, v5;
	v15 =	vld [tilespmem:s17+$0x1F0]  }
0x23c: {  	v10 =	vadd.f32 v12, v10;
	v12 =	vld [tilespmem:$0x1FD00]  }
0x23d: {  	v8 =	vmul.f32 v19, v8;
	v9 =	vadd.f32 v9, v11;
	v11 =	vld [tilespmem:s17+$0x260]  }
0x23e: {  	v16 =	vld [tilespmem:s17+$0x270]  }
0x23f: {  	v7 =	vmul.f32 v17, v7;
	v8 =	vadd.f32 v8, v9;
	v9 =	vld [tilespmem:s17+$0x2E0];
	v6 =	vadd.f32 v36, v6  }
0x240: {  	v13 =	vld [tilespmem:s17+$0x2F0];
	v5 =	vadd.f32 v34, v5  }
0x241: {  	v7 =	vadd.f32 v7, v8;
	v4 =	vmul.f32 v15, v4;
	v6 =	vadd.f32 v12, v6;
	v12 =	vld [tilespmem:$0x1FD10]  }
0x242: {  	v14 =	vld [tilespmem:s17+$0x370];
	v5 =	vadd.f32 v42, v5  }
0x243: {  	v8 =	vld [tilespmem:s17+$0x360];
	v11 =	vmul.f32 v11, v3;
	v3 =	vmul.f32 v16, v3;
	v4 =	vadd.f32 v4, v7  }
0x244: {  	v5 =	vadd.f32 v38, v5;
	v7 =	vld [tilespmem:s17+$0x3E0]  }
0x245: {  	v9 =	vmul.f32 v9, v2;
	v2 =	vmul.f32 v13, v2;
	v3 =	vadd.f32 v3, v4;
	v4 =	vld [tilespmem:$0x1FCE0]  }
0x246: {  	v5 =	vadd.f32 v12, v5;
	v12 =	vld [tilespmem:s17+$0x3F0]  }
0x247: {  	s17 =	sadd.s32 $0x800, s17;
	v2 =	vadd.f32 v2, v3;
	v3 =	vld [tilespmem:$0x1FCC0]  }
0x248: {  	v15 =	vld [tilespmem:s17+$0x380]  }
0x249: {  	v10 =	vadd.f32 v11, v10;
	v11 =	vld [tilespmem:s17+$0x390]  }
0x24a: {  	v16 =	vld [tilespmem:s17+$0x3A0]  }
0x24b: {  	v19 =	vld [tilespmem:s17+$0x3D0]  }
0x24c: {  	v20 =	vld [tilespmem:s17+$0x300]  }
0x24d: {  	v25 =	vld [tilespmem:s17+$0x330]  }
0x24e: {  	v26 =	vld [tilespmem:s17+$0x340]  }
0x24f: {  	v27 =	vld [tilespmem:s17+$0x350]  }
0x250: {  	v28 =	vld [tilespmem:s17+$0x280]  }
0x251: {  	v51 =	vld [tilespmem:s17+$0x290]  }
0x252: {  	v4 =	vadd.f32 v4, v6;
	v6 =	vld [tilespmem:$0x1FCF0]  }
0x253: {  	v34 =	vld [tilespmem:s17+$0x2A0]  }
0x254: {  	v42 =	vld [tilespmem:s17+$0x2B0]  }
0x255: {  	v43 =	vld [tilespmem:s17+$0x2C0]  }
0x256: {  	v44 =	vld [tilespmem:s17+$0x2D0]  }
0x257: {  	v45 =	vld [tilespmem:s17+$0x200];
	v5 =	vadd.f32 v6, v5;
	v6 =	vmul.f32 v8, v1;
	v1 =	vmul.f32 v14, v1  }
0x258: {  	v46 =	vld [tilespmem:s17+$0x210]  }
0x259: {  	v1 =	vadd.f32 v1, v2;
	v2 =	vld [tilespmem:$0x1FCA0]  }
0x25a: {  	v47 =	vld [tilespmem:s17+$0x220]  }
0x25b: {  	v55 =	vld [tilespmem:s17+$0x230]  }
0x25c: {  	v56 =	vld [tilespmem:s17+$0x240];
	v3 =	vadd.f32 v3, v4  }
0x25d: {  	v57 =	vld [tilespmem:s17+$0x250]  }
0x25e: {  	v4 =	vld [tilespmem:$0x1FCD0];
	v2 =	vadd.f32 v2, v3  }
0x25f: {  	v58 =	vld [tilespmem:s17+$0x180]  }
0x260: {  	[tilespmem:$0x1FC60] =	vst v2;
	v2 =	vld [tilespmem:$0x1FCB0]  }
0x261: {  	v59 =	vld [tilespmem:s17+$0x190]  }
0x262: {  	v60 =	vld [tilespmem:s17+$0x1A0]  }
0x263: {  	v61 =	vld [tilespmem:s17+$0x1B0];
	v8 =	vadd.f32 v9, v10;
	v4 =	vadd.f32 v4, v5  }
0x264: {  	v29 =	vld [tilespmem:s17+$0x1C0]  }
0x265: {  	v30 =	vld [tilespmem:s17+$0x1D0];
	v5 =	vmul.f32 v7, v0;
	v6 =	vadd.f32 v6, v8;
	v2 =	vadd.f32 v2, v4  }
0x266: {  	v31 =	vld [tilespmem:s17+$0x100]  }
0x267: {  	[tilespmem:$0x1FB90] =	vst v2;
	v2 =	vadd.f32 v5, v6;
	v5 =	vld [tilespmem:s17+$0x310]  }
0x268: {  	v32 =	vld [tilespmem:s17+$0x110];
	v0 =	vmul.f32 v12, v0  }
0x269: {  	v6 =	vld [tilespmem:s17+$0x320]  }
0x26a: {  	v35 =	vld [tilespmem:s17+$0x120];
	v0 =	vadd.f32 v0, v1;
	v1 =	vbroadcast v23, $0xE  }
0x26b: {  	v36 =	vld [tilespmem:s17+$0x130]  }
0x26c: {  	v62 =	vld [tilespmem:s17+$0x140];
	v5 =	vmul.f32 v5, v1  }
0x26d: {  	v37 =	vld [tilespmem:s17+$0x150]  }
0x26e: {  	v38 =	vld [tilespmem:s17+$0x80];
	[tilespmem:$0x1FBF0] =	vst v5;
	v5 =	vmul.f32 v6, v1  }
0x26f: {  	v39 =	vld [tilespmem:s17+$0x90];
	[tilespmem:$0x1FBB0] =	vst v0  }
0x270: {  	v40 =	vld [tilespmem:s17+$0xA0];
	[tilespmem:$0x1FBA0] =	vst v5;
	v5 =	vmul.f32 v26, v1  }
0x271: {  	v10 =	vld [tilespmem:s17+$0x3B0];
	v7 =	vbroadcast v23, $0xA;
	v0 =	vbroadcast v23, $0xF;
	[tilespmem:$0x1FBC0] =	vst v2  }
0x272: {  	v33 =	vld [tilespmem:s17+$0xFFFFFF80];
	v2 =	vbroadcast v23, $0xD;
	[tilespmem:$0x1FCC0] =	vst v5;
	v5 =	vmul.f32 v27, v1  }
0x273: {  	v48 =	vld [tilespmem:s17+$0xFFFFFC30];
	v63 =	vmul.f32 v36, v7;
	v15 =	vmul.f32 v15, v0  }
0x274: {  	v41 =	vld [tilespmem:s17+$0xFFFFFD30];
	v49 =	vmul.f32 v37, v7;
	[tilespmem:$0x1FCD0] =	vst v5;
	v5 =	vmul.f32 v28, v2  }
0x275: {  	v14 =	vld [tilespmem:s17+$0x3C0];
	v3 =	vbroadcast v23, $0xC;
	v11 =	vmul.f32 v11, v0;
	[tilespmem:$0x1FC00] =	vst v15  }
0x276: {  	v37 =	vld [tilespmem:s17+$0xFFFFFD00];
	v10 =	vmul.f32 v10, v0;
	[tilespmem:$0x1FBE0] =	vst v5;
	v5 =	vmul.f32 v42, v2  }
0x277: {  	v36 =	vld [tilespmem:s17+$0xFFFFFD20];
	v52 =	vmul.f32 v45, v3;
	v54 =	vmul.f32 v47, v3;
	[tilespmem:$0x1FC70] =	vst v11  }
0x278: {  	v47 =	vmul.f32 v31, v7;
	v31 =	vld [tilespmem:s17+$0xFFFFFE10];
	[tilespmem:$0x1FBD0] =	vst v5;
	v5 =	vmul.f32 v43, v2  }
0x279: {  	v45 =	vmul.f32 v35, v7;
	v35 =	vld [tilespmem:s17+$0xFFFFFD90];
	v15 =	vmul.f32 v16, v0;
	[tilespmem:$0x1FC90] =	vst v10  }
0x27a: {  	v11 =	vld [tilespmem:s17+$0xB0];
	[tilespmem:$0x1FCE0] =	vst v5;
	v5 =	vmul.f32 v44, v2  }
0x27b: {  	v10 =	vmul.f32 v14, v0;
	v16 =	vld [tilespmem:s17+$0xD0];
	[tilespmem:$0x1FC80] =	vst v15  }
0x27c: {  	v14 =	vmul.f32 v62, v7;
	v62 =	vld [tilespmem:s17+$0xFFFFFCA0];
	[tilespmem:$0x1FCF0] =	vst v5;
	v5 =	vmul.f32 v56, v3  }
0x27d: {  	v15 =	vld [tilespmem:s17+$0xC0];
	[tilespmem:$0x1FCA0] =	vst v10;
	v10 =	vmul.f32 v19, v0;
	v19 =	vmul.f32 v25, v1  }
0x27e: {  	v25 =	vld [tilespmem:s17+$0x10];
	v4 =	vbroadcast v23, $0xB;
	[tilespmem:$0x1FD00] =	vst v5;
	v5 =	vmul.f32 v57, v3  }
0x27f: {  	v8 =	vbroadcast v23, $0x9;
	v26 =	vld [tilespmem:s17+$0x20]  }
0x280: {  	v18 =	vbroadcast v23, $0x4;
	v42 =	vld [tilespmem:s17+$0x40];
	[tilespmem:$0x1FD10] =	vst v5;
	v5 =	vmul.f32 v58, v4  }
0x281: {  	v24 =	vbroadcast v23, $0x0;
	[tilespmem:$0x1FD50] =	vst v14;
	v14 =	vmul.f32 v39, v8;
	v39 =	vld [tilespmem:s17+$0xFFFFFD10]  }
0x282: {  	v9 =	vbroadcast v23, $0x8;
	v28 =	vld [tilespmem:s17+$0x50];
	[tilespmem:$0x1FC10] =	vst v5;
	v5 =	vmul.f32 v59, v4  }
0x283: {  	[tilespmem:$0x1FCB0] =	vst v10;
	v10 =	vmul.f32 v20, v1;
	v20 =	vld [tilespmem:s17+$0x0];
	v50 =	vmul.f32 v16, v8  }
0x284: {  	v16 =	vmul.f32 v25, v9;
	v25 =	vld [tilespmem:s17+$0xFFFFFC90];
	[tilespmem:$0x1FC20] =	vst v5;
	v5 =	vmul.f32 v60, v4  }
0x285: {  	v57 =	vld [tilespmem:s17+$0xFFFFFF10];
	v60 =	vmul.f32 v26, v9;
	v26 =	vmul.f32 v42, v9  }
0x286: {  	v17 =	vbroadcast v23, $0x5;
	v13 =	vbroadcast v23, $0x7;
	[tilespmem:$0x1FC30] =	vst v10;
	v58 =	vld [tilespmem:s17+$0xFFFFFE80]  }
0x287: {  	v10 =	vmul.f32 v34, v2;
	v34 =	vld [tilespmem:s17+$0xFFFFFF90];
	[tilespmem:$0x1FD80] =	vst v26;
	v26 =	vmul.f32 v28, v9  }
0x288: {  	v12 =	vbroadcast v23, $0x6;
	v53 =	vmul.f32 v46, v3;
	v27 =	vld [tilespmem:s17+$0x30]  }
0x289: {  	v46 =	vmul.f32 v40, v8;
	v15 =	vmul.f32 v15, v8;
	[tilespmem:$0x1FD90] =	vst v26;
	v26 =	vld [tilespmem:s17+$0xFFFFFC00]  }
0x28a: {  	v6 =	vmul.f32 v30, v4;
	v30 =	vld [tilespmem:s17+$0xFFFFFE00];
	v40 =	vmul.f32 v57, v12  }
0x28b: {  	v57 =	vmul.f32 v58, v17;
	v58 =	vmul.f32 v48, v24;
	v48 =	vld [tilespmem:$0x1FB50]  }
0x28c: {  	v21 =	vbroadcast v23, $0x2;
	v59 =	vmul.f32 v20, v9;
	v20 =	vld [tilespmem:s17+$0xFFFFFC80]  }
0x28d: {  	[tilespmem:$0x1FD70] =	vst v15;
	v15 =	vmul.f32 v27, v9;
	v27 =	vmul.f32 v33, v13;
	v33 =	vld [tilespmem:s17+$0xFFFFFC10]  }
0x28e: {  	v22 =	vbroadcast v23, $0x3;
	v56 =	vld [tilespmem:s17+$0xFFFFFF00];
	v26 =	vmul.f32 v26, v24  }
0x28f: {  	v23 =	vbroadcast v23, $0x1;
	v44 =	vmul.f32 v32, v7;
	v32 =	vld [tilespmem:s17+$0xFFFFFD80]  }
0x290: {  	v26 =	vadd.f32 v26, v48;
	v48 =	vld [tilespmem:$0x1FB60]  }
0x291: {  	v37 =	vmul.f32 v37, v21;
	v43 =	vld [tilespmem:s17+$0xFFFFFDB0];
	v20 =	vmul.f32 v20, v23  }
0x292: {  	v25 =	vmul.f32 v25, v23;
	v33 =	vmul.f32 v33, v24;
	v42 =	vld [tilespmem:s17+$0xFFFFFDA0]  }
0x293: {  	v28 =	vmul.f32 v34, v13;
	v34 =	vmul.f32 v56, v12;
	v56 =	vld [tilespmem:s17+$0xFFFFFC20];
	v20 =	vadd.f32 v20, v26  }
0x294: {  	[tilespmem:$0x1FC40] =	vst v5;
	v5 =	vmul.f32 v61, v4;
	v61 =	vmul.f32 v38, v8;
	v38 =	vld [tilespmem:s17+$0xFFFFFCB0]  }
0x295: {  	v32 =	vmul.f32 v32, v22;
	v20 =	vadd.f32 v37, v20;
	v33 =	vadd.f32 v33, v48;
	v48 =	vld [tilespmem:$0x1FB70]  }
0x296: {  	v39 =	vmul.f32 v39, v21;
	[tilespmem:$0x1FC50] =	vst v5;
	v5 =	vmul.f32 v29, v4;
	v29 =	vld [tilespmem:s17+$0xFFFFFE90]  }
0x297: {  	v30 =	vmul.f32 v30, v18;
	v20 =	vadd.f32 v32, v20;
	v32 =	vld [tilespmem:$0x1FBA0];
	v25 =	vadd.f32 v25, v33  }
0x298: {  	v56 =	vmul.f32 v56, v24;
	v33 =	vld [tilespmem:s17+$0xFFFFFE30]  }
0x299: {  	v35 =	vmul.f32 v35, v22;
	v20 =	vadd.f32 v30, v20;
	v25 =	vadd.f32 v39, v25;
	v39 =	vld [tilespmem:s17+$0xFFFFFEB0]  }
0x29a: {  	v62 =	vmul.f32 v62, v23;
	v56 =	vadd.f32 v56, v48;
	v48 =	vld [tilespmem:$0x1FB80]  }
0x29b: {  	v20 =	vadd.f32 v57, v20;
	v25 =	vadd.f32 v35, v25;
	v35 =	vld [tilespmem:$0x1FBB0]  }
0x29c: {  	v31 =	vmul.f32 v31, v18;
	v62 =	vadd.f32 v62, v56;
	v56 =	vld [tilespmem:s17+$0xFFFFFEA0]  }
0x29d: {  	v26 =	vmul.f32 v36, v21;
	v20 =	vadd.f32 v34, v20;
	v34 =	vmov v50;
	v50 =	vld [tilespmem:$0x1FBD0]  }
0x29e: {  	v25 =	vadd.f32 v31, v25;
	v31 =	vld [tilespmem:s17+$0xFFFFFFB0]  }
0x29f: {  	v26 =	vadd.f32 v26, v62;
	v62 =	vmul.f32 v43, v22;
	v43 =	vld [tilespmem:$0x1FB90]  }
0x2a0: {  	v37 =	vmul.f32 v42, v22;
	v20 =	vadd.f32 v27, v20;
	v27 =	vld [tilespmem:s17+$0xFFFFFE40]  }
0x2a1: {  	v38 =	vmul.f32 v38, v23;
	v29 =	vmul.f32 v29, v17;
	v58 =	vadd.f32 v58, v48;
	v48 =	vld [tilespmem:s17+$0xFFFFFE20]  }
0x2a2: {  	v26 =	vadd.f32 v37, v26;
	v37 =	vld [tilespmem:$0x1FBE0]  }
0x2a3: {  	v41 =	vmul.f32 v41, v21;
	v25 =	vadd.f32 v29, v25;
	v38 =	vadd.f32 v38, v58;
	v58 =	vld [tilespmem:s17+$0xFFFFFF30]  }
0x2a4: {  	v30 =	vmul.f32 v56, v17;
	v56 =	vld [tilespmem:s17+$0xFFFFFFC0]  }
0x2a5: {  	v25 =	vadd.f32 v40, v25;
	v36 =	vadd.f32 v41, v38;
	v41 =	vld [tilespmem:s17+$0xFFFFFF20]  }
0x2a6: {  	v42 =	vmov v49;
	v40 =	vmov v10;
	v10 =	vld [tilespmem:s17+$0xFFFFFCC0];
	v49 =	vmul.f32 v48, v18  }
0x2a7: {  	v25 =	vadd.f32 v28, v25;
	v36 =	vadd.f32 v62, v36;
	v62 =	vld [tilespmem:s17+$0xFFFFFFA0]  }
0x2a8: {  	v33 =	vmul.f32 v33, v18;
	v38 =	vld [tilespmem:s17+$0xFFFFFFD0];
	v26 =	vadd.f32 v49, v26  }
0x2a9: {  	v51 =	vmul.f32 v51, v2;
	v16 =	vadd.f32 v16, v25;
	v25 =	vld [tilespmem:s17+$0xFFFFFDC0]  }
0x2aa: {  	v48 =	vadd.f32 v33, v36;
	v33 =	vld [tilespmem:$0x1FBC0];
	v29 =	vmul.f32 v41, v12;
	v26 =	vadd.f32 v30, v26  }
0x2ab: {  	v49 =	vmul.f32 v39, v17;
	v14 =	vadd.f32 v14, v16;
	v16 =	vld [tilespmem:s17+$0xFFFFFD50]  }
0x2ac: {  	v39 =	vmovc v51;
	v41 =	vmov v19;
	v19 =	vld [tilespmem:$0x1FC40];
	v51 =	vmul.f32 v62, v13;
	v26 =	vadd.f32 v29, v26  }
0x2ad: {  	v30 =	vadd.f32 v49, v48;
	v48 =	vld [tilespmem:s17+$0xFFFFFF40]  }
0x2ae: {  	v58 =	vmul.f32 v58, v12;
	v49 =	vld [tilespmem:s17+$0xFFFFFF50];
	v26 =	vadd.f32 v51, v26  }
0x2af: {  	v20 =	vadd.f32 v59, v20;
	v36 =	vmov v5;
	v5 =	vld [tilespmem:$0x1FC10]  }
0x2b0: {  	v62 =	vld [tilespmem:s17+$0xFFFFFEC0];
	v29 =	vadd.f32 v58, v30;
	v30 =	vmul.f32 v31, v13;
	v26 =	vadd.f32 v60, v26  }
0x2b1: {  	v20 =	vadd.f32 v61, v20;
	v31 =	vld [tilespmem:s17+$0xFFFFFED0]  }
0x2b2: {  	v28 =	vadd.f32 v30, v29;
	v29 =	vld [tilespmem:s17+$0xFFFFFE50];
	v26 =	vadd.f32 v46, v26  }
0x2b3: {  	v20 =	vadd.f32 v47, v20;
	v30 =	vld [tilespmem:s17+$0xFFFFFDD0]  }
0x2b4: {  	v11 =	vmul.f32 v11, v8;
	v28 =	vadd.f32 v15, v28;
	v15 =	vld [tilespmem:s17+$0xFFFFFD40];
	v26 =	vadd.f32 v45, v26  }
0x2b5: {  	v46 =	vmul.f32 v27, v18;
	v27 =	vadd.f32 v44, v14;
	v14 =	vadd.f32 v5, v20;
	v5 =	vld [tilespmem:$0x1FC20]  }
0x2b6: {  	p0 =	sne.s32 s9, $0x4C0;
	v60 =	vmul.f32 v62, v17;
	v62 =	vadd.f32 v19, v26;
	v19 =	vld [tilespmem:$0x1FC50]  }
.Ltmp1:
0x2b7: {  	v55 =	vmul.f32 v55, v3;
	v61 =	vmul.f32 v31, v17;
	v31 =	vld [tilespmem:$0x1FBF0];
	v11 =	vadd.f32 v11, v28;
	(pc) =	sbr.rel @p0 .LBB2_5-.Ltmp1, $4  }
0x2b8: {  	v56 =	vmul.f32 v56, v13;
	v47 =	vmul.f32 v29, v18;
	v29 =	vld [tilespmem:$0x1FC00]  }
0x2b9: {  	v57 =	vmul.f32 v38, v13;
	v38 =	vmovc v6;
	v6 =	vmul.f32 v25, v22;
	v45 =	vld [tilespmem:s17+$0xFFFFFCD0];
	v28 =	vadd.f32 v63, v11  }
0x2ba: {  	v58 =	vmul.f32 v48, v12;
	v59 =	vmul.f32 v49, v12;
	v11 =	vld [tilespmem:s17+$0xFFFFFC40]  }
0x2bb: {  	s9 =	sadd.s32 $0x40, s9;
	v44 =	vadd.f32 v5, v27;
	v5 =	vmul.f32 v30, v22;
	v30 =	vld [tilespmem:$0x1FC30];
	v63 =	vadd.f32 v19, v28  }
0x2bc: {  	v26 =	vld [tilespmem:s17+$0xFFFFFC50]  }
0x2bd: {  	v27 =	vld [tilespmem:s17+$0xFFFFFC60]  }
0x2be: {  	v28 =	vld [tilespmem:s17+$0xFFFFFC70]  }
0x2bf: {  	v20 =	vadd.f32 v54, v62;
	v62 =	vld [tilespmem:s17+$0xFFFFFCE0]  }
0x2c0: {  	v49 =	vld [tilespmem:$0x1FC60]  }
0x2c1: {  	v14 =	vadd.f32 v52, v14;
	v52 =	vld [tilespmem:s17+$0xFFFFFDE0]  }
0x2c2: {  	v54 =	vld [tilespmem:s17+$0xFFFFFDF0]  }
0x2c3: {  	v19 =	vadd.f32 v53, v44;
	v25 =	vadd.f32 v55, v63;
	v63 =	vld [tilespmem:s17+$0xFFFFFCF0]  }
0x2c4: {  	v20 =	vadd.f32 v40, v20;
	v40 =	vld [tilespmem:$0x1FC90]  }
0x2c5: {  	v19 =	vadd.f32 v39, v19;
	v39 =	vld [tilespmem:$0x1FC80]  }
0x2c6: {  	v25 =	vadd.f32 v50, v25;
	v50 =	vld [tilespmem:s17+$0xFFFFFD70]  }
0x2c7: {  	v14 =	vadd.f32 v37, v14;
	v20 =	vadd.f32 v32, v20;
	v32 =	vld [tilespmem:s17+$0x270]  }
0x2c8: {  	v25 =	vadd.f32 v41, v25;
	v41 =	vld [tilespmem:s17+$0xFFFFFD60]  }
0x2c9: {  	v14 =	vadd.f32 v30, v14;
	v30 =	vmul.f32 v62, v23;
	v62 =	vld [tilespmem:s17+$0xFFFFFE60]  }
0x2ca: {  	v44 =	vmul.f32 v27, v24;
	v27 =	vld [tilespmem:$0x1FD70]  }
0x2cb: {  	v48 =	vmul.f32 v28, v24;
	v28 =	vld [tilespmem:s17+$0x260]  }
0x2cc: {  	v19 =	vadd.f32 v31, v19;
	v31 =	vadd.f32 v29, v14;
	v29 =	vld [tilespmem:$0x1FC70]  }
0x2cd: {  	v26 =	vmul.f32 v26, v24;
	v53 =	vmul.f32 v63, v23;
	v63 =	vld [tilespmem:s17+$0xFFFFFE70]  }
0x2ce: {  	v37 =	vmul.f32 v11, v24;
	v24 =	vadd.f32 v48, v35;
	v35 =	vld [tilespmem:s17+$0xFFFFFEE0]  }
0x2cf: {  	v51 =	vmul.f32 v45, v23;
	v26 =	vadd.f32 v26, v43;
	v48 =	vld [tilespmem:s17+$0xFFFFFFE0]  }
0x2d0: {  	v11 =	vadd.f32 v39, v20;
	v39 =	vld [tilespmem:s17+$0xFFFFFEF0]  }
0x2d1: {  	v10 =	vmul.f32 v10, v23;
	v55 =	vadd.f32 v51, v26;
	v51 =	vld [tilespmem:s17+$0x60]  }
0x2d2: {  	v16 =	vmul.f32 v16, v21;
	v20 =	vmul.f32 v41, v21;
	v41 =	vld [tilespmem:s17+$0xFFFFFF60];
	v14 =	vadd.f32 v29, v19  }
0x2d3: {  	v43 =	vmul.f32 v62, v18;
	v62 =	vld [tilespmem:s17+$0x170];
	v29 =	vadd.f32 v40, v25;
	v19 =	vadd.f32 v37, v49  }
0x2d4: {  	v25 =	vadd.f32 v44, v33;
	v16 =	vadd.f32 v16, v55;
	v44 =	vld [tilespmem:s17+$0xFFFFFF70]  }
0x2d5: {  	v15 =	vmul.f32 v15, v21;
	v23 =	vadd.f32 v53, v24;
	v49 =	vld [tilespmem:s17+$0xFFFFFFF0];
	v10 =	vadd.f32 v10, v19  }
0x2d6: {  	v37 =	vmul.f32 v52, v22;
	v52 =	vld [tilespmem:s17+$0x70];
	v25 =	vadd.f32 v30, v25;
	v5 =	vadd.f32 v5, v16  }
0x2d7: {  	v40 =	vmul.f32 v54, v22;
	v54 =	vld [tilespmem:s17+$0xE0];
	v30 =	vmul.f32 v50, v21;
	v10 =	vadd.f32 v15, v10  }
0x2d8: {  	v45 =	vmul.f32 v63, v18;
	v22 =	vld [tilespmem:s17+$0x1E0];
	v20 =	vadd.f32 v20, v25;
	v5 =	vadd.f32 v47, v5  }
0x2d9: {  	v55 =	vmul.f32 v48, v13;
	v48 =	vld [tilespmem:s17+$0x3E0];
	v21 =	vadd.f32 v30, v23;
	v6 =	vadd.f32 v6, v10  }
0x2da: {  	v50 =	vmul.f32 v39, v17;
	v23 =	vld [tilespmem:$0x1FD90];
	v19 =	vadd.f32 v37, v20;
	v5 =	vadd.f32 v61, v5  }
0x2db: {  	v15 =	vmul.f32 v35, v17;
	v25 =	vld [tilespmem:s17+$0x1F0];
	v21 =	vadd.f32 v40, v21;
	v6 =	vadd.f32 v46, v6  }
0x2dc: {  	v33 =	vmul.f32 v62, v7;
	v35 =	vld [tilespmem:s17+$0x2E0];
	v16 =	vadd.f32 v43, v19;
	v5 =	vadd.f32 v59, v5  }
0x2dd: {  	v53 =	vmul.f32 v44, v12;
	v37 =	vld [tilespmem:s17+$0x2F0];
	v18 =	vadd.f32 v45, v21;
	v6 =	vadd.f32 v60, v6  }
0x2de: {  	v10 =	vmul.f32 v41, v12;
	v21 =	vld [tilespmem:$0x1FD80];
	v15 =	vadd.f32 v15, v16;
	v5 =	vadd.f32 v57, v5  }
0x2df: {  	v63 =	vmul.f32 v52, v9;
	v40 =	vld [tilespmem:s17+$0x360];
	v17 =	vadd.f32 v50, v18;
	v6 =	vadd.f32 v58, v6  }
0x2e0: {  	v24 =	vmul.f32 v54, v8;
	v10 =	vadd.f32 v10, v15;
	v58 =	vld [tilespmem:s17+$0xF0];
	v5 =	vadd.f32 v23, v5  }
0x2e1: {  	v59 =	vmul.f32 v49, v13;
	v60 =	vld [tilespmem:s17+$0x160];
	v12 =	vadd.f32 v53, v17;
	v6 =	vadd.f32 v56, v6  }
0x2e2: {  	v61 =	vmul.f32 v51, v9;
	v10 =	vadd.f32 v55, v10;
	v5 =	vadd.f32 v34, v5;
	v34 =	vld [tilespmem:$0x1FD50]  }
0x2e3: {  	v41 =	vld [tilespmem:s17+$0x370];
	v13 =	vmul.f32 v22, v4;
	v12 =	vadd.f32 v59, v12;
	v6 =	vadd.f32 v21, v6  }
0x2e4: {  	v47 =	vld [tilespmem:$0x1FCE0];
	v39 =	vmul.f32 v25, v4;
	v46 =	vmul.f32 v37, v2;
	v10 =	vadd.f32 v61, v10  }
0x2e5: {  	v44 =	vld [tilespmem:$0x1FD10];
	v9 =	vadd.f32 v63, v12;
	v26 =	vmul.f32 v58, v8;
	v6 =	vadd.f32 v27, v6  }
0x2e6: {  	v43 =	vld [tilespmem:$0x1FD00];
	v30 =	vmul.f32 v60, v7;
	v5 =	vadd.f32 v42, v5;
	v10 =	vadd.f32 v24, v10  }
0x2e7: {  	v49 =	vld [tilespmem:$0x1FCF0];
	v51 =	vmul.f32 v40, v1;
	v8 =	vadd.f32 v26, v9;
	v6 =	vadd.f32 v34, v6  }
0x2e8: {  	v54 =	vld [tilespmem:$0x1FCD0];
	v52 =	vmul.f32 v41, v1;
	v5 =	vadd.f32 v38, v5;
	v10 =	vadd.f32 v30, v10  }
0x2e9: {  	v50 =	vld [tilespmem:s17+$0x3F0];
	v55 =	vmul.f32 $5.000000070e-02, v31;
	v7 =	vadd.f32 v33, v8;
	v6 =	vadd.f32 v36, v6  }
0x2ea: {  	v53 =	vld [tilespmem:$0x1FCC0];
	v12 =	vmul.f32 v28, v3;
	v5 =	vadd.f32 v44, v5;
	v10 =	vadd.f32 v13, v10  }
0x2eb: {  	v60 =	vld [tilespmem:$0x1FCB0];
	v42 =	vmul.f32 v32, v3;
	v4 =	vadd.f32 v39, v7;
	v6 =	vadd.f32 v43, v6  }
0x2ec: {  	v57 =	vld [tilespmem:$0x1FCA0];
	v9 =	vmul.f32 v35, v2;
	v5 =	vadd.f32 v49, v5;
	v45 =	vadd.f32 v12, v10  }
0x2ed: {  	s9 =	sor.u32 $0x1, s14;
	v56 =	vmul.f32 $5.000000070e-02, v14;
	v3 =	vadd.f32 v42, v4;
	v4 =	vadd.f32 v47, v6  }
0x2ee: {  	s14 =	sshll.u32 s9, $0x7;
	v59 =	vmul.f32 v50, v0;
	v5 =	vadd.f32 v54, v5;
	v7 =	vadd.f32 v9, v45  }
0x2ef: {  	s14 =	sand.u32 $0x780, s14;
	v61 =	vmul.f32 $5.000000070e-02, v29;
	v2 =	vadd.f32 v46, v3;
	v4 =	vadd.f32 v53, v4  }
0x2f0: {  	[tilespmem:s14+$0x14600] =	vst v55;
	v6 =	vmul.f32 v48, v0;
	v5 =	vadd.f32 v60, v5;
	v3 =	vadd.f32 v51, v7  }
0x2f1: {  	[tilespmem:s14+$0x14610] =	vst v56;
	v58 =	vmul.f32 $5.000000070e-02, v11;
	v1 =	vadd.f32 v52, v2;
	v4 =	vadd.f32 v57, v4  }
0x2f2: {  	s28 =	sand.u32 $0x7, s10;
	[tilespmem:s14+$0x14630] =	vst v61;
	v62 =	vmul.f32 $5.000000070e-02, v5;
	v3 =	vadd.f32 v6, v3  }
0x2f3: {  	p0 =	sne.s32 s28, $0x7;
	[tilespmem:s14+$0x14620] =	vst v58;
	v0 =	vadd.f32 v59, v1;
	v4 =	vmul.f32 $5.000000070e-02, v4  }
0x2f4: {  	s11 =	sand.u32 @!p0 $0xF800, s11;
	[tilespmem:s14+$0x14650] =	vst v62;
	v63 =	vmul.f32 $5.000000070e-02, v3  }
0x2f5: {  	s9 =	sadd.s32 s9, s12;
	s11 =	sadd.s32 @!p0 s13, s11;
	v0 =	vmul.f32 $5.000000070e-02, v0;
	[tilespmem:s14+$0x14640] =	vst v4  }
0x2f6: {  	s9 =	smin.u32 s9, s7;
	s11 =	sshrl.u32 @!p0 s11, $0x3;
	[tilespmem:s14+$0x14660] =	vst v63  }
0x2f7: {  	s11 =	sadd.s32 @!p0 s6, s11;
	s17 =	simm.s32 @!p0 $0x14600;
	[tilespmem:s14+$0x14670] =	vst v0;
	s14 =	simm.s32 @!p0 $0x0  }
0x2f8: {  	[hbm4b:s11+s14] =	stream.linear.scatter @!p0 [tilespmem:s17], [sflag:$0x5], $0x800, $0x38;
	[tilespmem:$0x14E00] =	vst v63  }
0x2f9: {  	s17 =	sshrl.u32 s9, $0x3;
	s14 =	simm.s32 @!p0 $0x5  }
0x2fa: {  	s9 =	sshll.u32 s9, $0x7;
	s11 =	smul.u32 $0xC00, s17;
	_ =	swait.ge @!p0 [sflag:s14], $0x800  }
0x2fb: {  	s10 =	sadd.s32 $0x1, s10;
	s9 =	sand.u32 $0x380, s9;
	[sflag:s14] =	ssyncset.done @!p0 $0x0  }
0x2fc: {  	s9 =	sor.u32 s9, s11;
	[sflag:s14] =	ssyncadd.s32 @!p0 $0xFFFFF800;
	p0 =	sne.s32 s10, $0xC0  }
.Ltmp2:
0x2fd: {  	s9 =	sshrl.u32 s9, $0x3;
	(pc) =	sbr.rel @p0 .LBB2_2-.Ltmp2, $4  }
0x2fe: {  	s28 =	sadd.s32 s4, s9  }
0x2ff: {  	[tilespmem:s24], [sflag:$0x2] =	stream.strided.gather [hbm4b:s28+s15], $0x180, s16, s15, $0x38;
	[tilespmem:$0x14E00] =	vst v63  }
0x300: {  	s9 =	sadd.s32 s5, s9  }
0x301: {  	[tilespmem:s25], [sflag:$0x2] =	stream.strided.gather [hbm4b:s9+s15], $0x180, s16, s15, $0x38;
	[tilespmem:$0x14E00] =	vst v63  }
0x302: {  	_ =	swait.ge [sflag:s26], $0x180  }
0x303: {  	[sflag:s26] =	ssyncset.done $0x0  }
0x304: {  	[sflag:s26] =	ssyncadd.s32 $0xFFFFFE80  }
0x305: {  	_ =	swait.ge [sflag:s26], $0x180  }
0x306: {  	[sflag:s26] =	ssyncset.done $0x0  }
0x307: {  	[sflag:s26] =	ssyncadd.s32 $0xFFFFFE80  }
0x308: {  	_ =	swait.ge [sflag:s0], $0x4000  }
0x309: {  	[sflag:s0] =	ssyncset.done $0x0  }
0x30a: {  	[sflag:s0] =	ssyncadd.s32 $0xFFFFC000  }
0x30b: {  	_ =	swait.ge [sflag:s0], $0x4000  }
0x30c: {  	[sflag:s0] =	ssyncset.done $0x0  }
0x30d: {  	[sflag:s0] =	ssyncadd.s32 $0xFFFFC000  }
0x30e: {  	_ =	swait.ge [sflag:s0], $0x2000  }
0x30f: {  	s10 =	rddreg [dreg:$0x8]  }
0x310: {  	s9 =	rddreg [dreg:$0x7];
	s10 =	sadd.s32 $0x1, s10  }
0x311: {  	p0 =	sne.s32 s10, s9  }
.Ltmp3:
0x312: {  	_ = 	snop;
	(pc) =	sbr.rel @p0 .LBB2_1-.Ltmp3, $3  }
0x313: {  	_ =	sdelay $0x1  }
0x314: {  	[sflag:s0] =	ssyncset.done $0x0  }
0x315: {  	[sflag:s0] =	ssyncadd.s32 $0xFFFFE000  }
0x316: {  	_ =	sfence.sel $0x180000  }
0x317: {  	[bflag:$0x0] =	sbarrier.arrive $0xFFFF  }
0x318: {  	_ =	strace $0x90000047  }
0x319: {  	s0 =	stileid.u32;
	[bflag:$0x2] =	sbarrier.arrive $0xFFFF  }
0x31a: {  	p0 =	sne.s32 s0, $0x0;
	s0 =	rddreg [dreg:$0x2]  }
0x31b: {  	s0 =	sadd.s32 @!p0 $0x100000, s0  }
0x31c: {  	[sflag:s0] =	ssyncadd.tile.s32 @!p0 $0x1;
	_ =	shalt  }
.Lfunc_end2:
_tile_overlayer_lowered:
.L_overlay_start_2:
0x31d: {  	(tag) =	ssettag $0x2  }
0x31e: {  	s0 =	rddreg [dreg:$0x0];
	s2 =	stileid.u32  }
0x31f: {  	s1 =	rddreg [dreg:$0x1];
	p0 =	sne.s32 s2, $0x0  }
0x320: {  	s3 =	rddreg [dreg:$0x2];
	[bflag:$0x3] =	sbarrier.arrive $0xFFFF;
	s2 =	simm.s32 @!p0 $0x1C05  }
0x321: {  	[timem:s3], [sflag:s2] =	dma.local @!p0 [hbm:s0], s1  }
0x322: {  	s0 =	simm.s32 @!p0 $0x5  }
0x323: {  	_ =	swait.ge @!p0 [sflag:s0], s1  }
0x324: {  	s1 =	ssub.s32 @!p0 $0x0, s1;
	[sflag:s0] =	ssyncset.done @!p0 $0x0  }
0x325: {  	[sflag:s0] =	ssyncadd.s32 @!p0 s1  }
0x326: {  	[bflag:$0x3] =	sbarrier.arrive $0xFFFF  }
0x327: {  	_ =	shalt  }

</sc_bundles>
